<compile_context>
chip_gen: v7x
topology: tpu7x:2x2x1
jax: 0.10.2.dev20260603
libtpu: 0.0.44.dev20260713+nightly
codegen_flags: <defaults>
</compile_context>

<pallas_src>
import functools

import jax
import jax.numpy as jnp
from jax.experimental import pallas as pl
from jax.experimental.pallas import tpu as pltpu
from jax.experimental.pallas import tpu_sc as plsc

_K = 8


def _routing_body(NB, BS, NBB, BSB, E, pt_ref, lt_ref, w2_ref, ones_ref,
                  slt_ref, probs_t_ref, dest_ref, counts_ref,
                  carry_ref, idx_scr, rank_scr, base_scr):
    b = pl.program_id(0)

    @pl.when(b == 0)
    def _init():
        carry_ref[...] = jnp.zeros_like(carry_ref)

    @pl.when(b < NB)
    def _routing_pass():
        x = pt_ref[...]
        eiota = jax.lax.broadcasted_iota(jnp.int32, (E, BS), 0)
        hot = jnp.zeros((E, BS), jnp.float32)
        sels = []
        for k in range(_K):
            m = jnp.max(x, axis=0, keepdims=True)
            eqw = jnp.where(x == m, w2_ref[...], 0.0)
            s = jnp.dot(ones_ref[...], eqw,
                        preferred_element_type=jnp.float32)
            first = 127 - jax.lax.shift_right_logical(
                jax.lax.bitcast_convert_type(s, jnp.int32), 23)
            sel = eiota == first
            probs_t_ref[k, :] = m[0, :]
            idx_scr[k, pl.ds(b * BS, BS)] = first[0, :]
            x = jnp.where(sel, jnp.float32(-1.0), x)
            hot = hot + sel.astype(jnp.float32)
            sels.append(sel)

        incl = jnp.dot(hot, lt_ref[...], preferred_element_type=jnp.float32)
        rank = incl - hot + carry_ref[...]
        for k in range(_K):
            rk = jnp.dot(ones_ref[...], jnp.where(sels[k], rank, 0.0),
                         preferred_element_type=jnp.float32,
                         precision=jax.lax.Precision.HIGHEST)
            rank_scr[k, pl.ds(b * BS, BS)] = rk[0, :].astype(jnp.int32)

        total = carry_ref[...] + incl[:, BS - 1:BS]
        carry_ref[...] = total

        @pl.when(b == NB - 1)
        def _fin():
            counts_ref[...] = total.astype(jnp.int32)
            base_scr[...] = jnp.dot(slt_ref[...], total,
                                    preferred_element_type=jnp.float32,
                                    precision=jax.lax.Precision.HIGHEST
                                    ).astype(jnp.int32)

    @pl.when(b >= NB)
    def _dest_pass():
        off = (b - NB) * BSB
        ei = idx_scr[:, pl.ds(off, BSB)]
        rk = rank_scr[:, pl.ds(off, BSB)]
        acc = jnp.zeros_like(ei)
        for e in range(E):
            acc = jnp.where(ei == e, base_scr[e, 0], acc)
        dest_ref[...] = rk + acc


def _routing_call(pt, lt, w2, ones_row, slt):
    E, T = pt.shape
    BS = 1024
    NB = T // BS
    BSB = 2048
    NBB = T // BSB
    body = functools.partial(_routing_body, NB, BS, NBB, BSB, E)
    return pl.pallas_call(
        body,
        grid=(NB + NBB,),
        in_specs=[
            pl.BlockSpec((E, BS), lambda b: (0, jnp.minimum(b, NB - 1))),
            pl.BlockSpec((BS, BS), lambda b: (0, 0)),
            pl.BlockSpec((E, 1), lambda b: (0, 0)),
            pl.BlockSpec((1, E), lambda b: (0, 0)),
            pl.BlockSpec((E, E), lambda b: (0, 0)),
        ],
        out_specs=[
            pl.BlockSpec((_K, BS), lambda b: (0, jnp.minimum(b, NB - 1))),
            pl.BlockSpec((_K, BSB), lambda b: (0, jnp.maximum(b - NB, 0))),
            pl.BlockSpec((E, 1), lambda b: (0, 0)),
        ],
        out_shape=[
            jax.ShapeDtypeStruct((_K, T), jnp.float32),
            jax.ShapeDtypeStruct((_K, T), jnp.int32),
            jax.ShapeDtypeStruct((E, 1), jnp.int32),
        ],
        scratch_shapes=[
            pltpu.VMEM((E, 1), jnp.float32),
            pltpu.VMEM((_K, T), jnp.int32),
            pltpu.VMEM((_K, T), jnp.int32),
            pltpu.VMEM((E, 1), jnp.int32),
        ],
    )(pt, lt, w2, ones_row, slt)


def _make_permute(T, H, NT):
    NW = 32
    TPW = T // NW
    NCH = TPW // NT
    NP = NCH // 2
    mesh = plsc.VectorSubcoreMesh(core_axis_name="c", subcore_axis_name="s",
                                  num_cores=2, num_subcores=16)
    scratch = (
        [pltpu.VMEM((NT, H), jnp.float32),
         pltpu.VMEM((NT, H), jnp.float32),
         pltpu.VMEM((_K * TPW,), jnp.int32),
         pltpu.VMEM((_K * TPW,), jnp.float32),
         pltpu.VMEM((TPW,), jnp.int32)]
        + [pltpu.VMEM((NT,), jnp.int32) for _ in range(2 * _K)]
        + [pltpu.SemaphoreType.DMA] * 5
    )

    @functools.partial(
        pl.kernel,
        out_type=(
            jax.ShapeDtypeStruct((T * _K, H), jnp.float32),
            jax.ShapeDtypeStruct((T * _K,), jnp.float32),
            jax.ShapeDtypeStruct((T * _K,), jnp.int32),
        ),
        mesh=mesh,
        scratch_types=scratch,
    )
    def permute(hidden, dest_f, probs_f, tokids,
                out_rows, out_probs, out_ids,
                rows_a, rows_b, dw, pw, tw, *rest):
        didx_a = rest[:_K]
        didx_b = rest[_K:2 * _K]
        sem_pre, sem_la, sem_lb, sem_sa, sem_sb = rest[2 * _K:]
        wid = jax.lax.axis_index("c") * 16 + jax.lax.axis_index("s")
        w0 = wid * TPW

        pre = [pltpu.async_copy(tokids.at[pl.ds(w0, TPW)], tw, sem_pre)]
        for k in range(_K):
            pre.append(pltpu.async_copy(
                dest_f.at[pl.ds(k * T + w0, TPW)],
                dw.at[pl.ds(k * TPW, TPW)], sem_pre))
            pre.append(pltpu.async_copy(
                probs_f.at[pl.ds(k * T + w0, TPW)],
                pw.at[pl.ds(k * TPW, TPW)], sem_pre))
        def load_rows(c, buf, sem):
            return pltpu.async_copy(hidden.at[pl.ds(w0 + c * NT, NT)], buf, sem)

        load_rows(0, rows_a, sem_la)
        for cp in pre:
            cp.wait()

        def fill_didx(c, didx):
            for k in range(_K):
                for j in range(NT // 16):
                    s = pl.ds(j * 16, 16)
                    didx[k][s] = dw[pl.ds(k * TPW + c * NT + j * 16, 16)]

        def fire_scatters(c, buf, didx, sem):
            cps = []
            for k in range(_K):
                cps.append(pltpu.async_copy(buf, out_rows.at[didx[k]], sem))
                cps.append(pltpu.async_copy(
                    pw.at[pl.ds(k * TPW + c * NT, NT)],
                    out_probs.at[didx[k]], sem))
                cps.append(pltpu.async_copy(
                    tw.at[pl.ds(c * NT, NT)], out_ids.at[didx[k]], sem))
            return cps

        def wait_scatters(buf, didx, sem):
            for k in range(_K):
                pltpu.make_async_copy(buf, out_rows.at[didx[k]], sem).wait()
                pltpu.make_async_copy(
                    pw.at[pl.ds(0, NT)], out_probs.at[didx[k]], sem).wait()
                pltpu.make_async_copy(
                    tw.at[pl.ds(0, NT)], out_ids.at[didx[k]], sem).wait()

        def pair(g, carry):
            c0 = 2 * g
            c1 = c0 + 1
            fill_didx(c0, didx_a)
            pltpu.make_async_copy(
                hidden.at[pl.ds(0, NT)], rows_a, sem_la).wait()

            @pl.when(g > 0)
            def _():
                wait_scatters(rows_b, didx_b, sem_sb)

            sts0 = fire_scatters(c0, rows_a, didx_a, sem_sa)
            load_rows(c1, rows_b, sem_lb)
            fill_didx(c1, didx_b)
            pltpu.make_async_copy(
                hidden.at[pl.ds(0, NT)], rows_b, sem_lb).wait()
            for cp in sts0:
                cp.wait()
            fire_scatters(c1, rows_b, didx_b, sem_sb)

            @pl.when(g < NP - 1)
            def _():
                load_rows(c0 + 2, rows_a, sem_la)

            return carry

        jax.lax.fori_loop(0, NP, pair, 0)
        wait_scatters(rows_b, didx_b, sem_sb)

    return permute


def kernel(hidden_states, token_probs):
    T, H = hidden_states.shape
    E = token_probs.shape[1]
    pt = token_probs.T

    BS = 1024
    r = jnp.arange(BS, dtype=jnp.int32)
    lt = (r[:, None] <= r[None, :]).astype(jnp.float32)
    e = jnp.arange(E, dtype=jnp.int32)
    w2 = jax.lax.bitcast_convert_type(
        (127 - e) << 23, jnp.float32)[:, None]
    ones_row = jnp.ones((1, E), jnp.float32)
    slt = (e[:, None] > e[None, :]).astype(jnp.float32)

    probs_t, dest_t, counts = _routing_call(pt, lt, w2, ones_row, slt)
    tokids = jnp.arange(T, dtype=jnp.int32)
    permute = _make_permute(T, H, NT=32)
    out_rows, out_probs, out_ids = permute(
        hidden_states, dest_t.reshape(-1), probs_t.reshape(-1), tokids)
    return out_rows, out_probs, out_ids, counts.reshape(-1)

# --- scband reference (transcript-rebuilt; emitter-appended) ---
"""Pipeline reference for scband-turbo-deep-eptoken-dispatcher-73169062854666 (READ-ONLY COPY).

The authoritative reference and input builder live on the scoring server;
editing this copy changes nothing except your own understanding.
"""

import jax, jax.numpy as jnp
import numpy as np

TOP_K = 8
NUM_EXPERTS = 64
NUM_TOKENS = 16384
HIDDEN = 1024


def setup_inputs(seed: int = 0) -> dict:
    key = jax.random.key(seed)
    k1, k2 = jax.random.split(key)
    hidden_states = jax.random.normal(k1, (NUM_TOKENS, HIDDEN), dtype=jnp.float32)
    token_probs = jax.random.uniform(k2, (NUM_TOKENS, NUM_EXPERTS), dtype=jnp.float32)
    return {"hidden_states": hidden_states, "token_probs": token_probs}


def reference(hidden_states, token_probs):
    # Single-rank emulation of TurboDeepEPTokenDispatcher.forward with
    # permute_fusion=False and world_size=1 (dispatch is identity; the
    # math that remains is: top-k routing, multihot routing map, and the
    # expert-order token permutation done by TurboTokenPermuter).
    num_tokens = hidden_states.shape[0]
    num_experts = token_probs.shape[1]
    # token_probs arrives unsorted (shape [T, E] != [T, top_k]) -> topk inside
    probs, topk_indices = jax.lax.top_k(token_probs, TOP_K)  # [T, K]
    probs = probs.astype(jnp.float32)
    # TurboTokenPermuter non-fused path: masked_select over the transposed
    # routing map iterates expert-major, token index ascending within each
    # expert. Reproduce with a stable sort on (expert_id, token_id).
    token_ids = jnp.repeat(jnp.arange(num_tokens, dtype=jnp.int32), TOP_K)  # [T*K]
    expert_ids = topk_indices.reshape(-1).astype(jnp.int32)                 # [T*K]
    flat_probs = probs.reshape(-1)                                          # [T*K]
    sort_key = expert_ids * num_tokens + token_ids
    order = jnp.argsort(sort_key)
    sorted_token_ids = token_ids[order]                 # row_id_map equivalent
    permuted_tokens = jnp.take(hidden_states, sorted_token_ids, axis=0)
    permuted_probs = flat_probs[order]
    num_tokens_per_expert = jnp.bincount(expert_ids, length=num_experts)
    return permuted_tokens, permuted_probs, sorted_token_ids, num_tokens_per_expert

if __name__ == "__main__":
    import jax
    _d = setup_inputs()
    print(jax.jit(kernel)(*tuple(_d.values())))

</pallas_src>

<mosaic_0001>
#map = affine_map<(d0, d1) -> (0, 0)>
#map1 = affine_map<(d0, d1) -> (0)>
module attributes {stable_mosaic.version = 14 : i64} {
  func.func @permute(%arg0: i32, %arg1: i32, %arg2: memref<16384x1024xf32, #tpu.memory_space<hbm>>, %arg3: memref<131072xi32, #tpu.memory_space<hbm>>, %arg4: memref<131072xf32, #tpu.memory_space<hbm>>, %arg5: memref<16384xi32, #tpu.memory_space<hbm>>, %arg6: memref<131072x1024xf32, #tpu.memory_space<hbm>>, %arg7: memref<131072xf32, #tpu.memory_space<hbm>>, %arg8: memref<131072xi32, #tpu.memory_space<hbm>>, %arg9: memref<32x1024xf32, #tpu.memory_space<vmem>>, %arg10: memref<32x1024xf32, #tpu.memory_space<vmem>>, %arg11: memref<4096xi32, #tpu.memory_space<vmem>>, %arg12: memref<4096xf32, #tpu.memory_space<vmem>>, %arg13: memref<512xi32, #tpu.memory_space<vmem>>, %arg14: memref<32xi32, #tpu.memory_space<vmem>>, %arg15: memref<32xi32, #tpu.memory_space<vmem>>, %arg16: memref<32xi32, #tpu.memory_space<vmem>>, %arg17: memref<32xi32, #tpu.memory_space<vmem>>, %arg18: memref<32xi32, #tpu.memory_space<vmem>>, %arg19: memref<32xi32, #tpu.memory_space<vmem>>, %arg20: memref<32xi32, #tpu.memory_space<vmem>>, %arg21: memref<32xi32, #tpu.memory_space<vmem>>, %arg22: memref<32xi32, #tpu.memory_space<vmem>>, %arg23: memref<32xi32, #tpu.memory_space<vmem>>, %arg24: memref<32xi32, #tpu.memory_space<vmem>>, %arg25: memref<32xi32, #tpu.memory_space<vmem>>, %arg26: memref<32xi32, #tpu.memory_space<vmem>>, %arg27: memref<32xi32, #tpu.memory_space<vmem>>, %arg28: memref<32xi32, #tpu.memory_space<vmem>>, %arg29: memref<32xi32, #tpu.memory_space<vmem>>, %arg30: memref<!tpu.dma_semaphore, #tpu.memory_space<semaphore_mem>>, %arg31: memref<!tpu.dma_semaphore, #tpu.memory_space<semaphore_mem>>, %arg32: memref<!tpu.dma_semaphore, #tpu.memory_space<semaphore_mem>>, %arg33: memref<!tpu.dma_semaphore, #tpu.memory_space<semaphore_mem>>, %arg34: memref<!tpu.dma_semaphore, #tpu.memory_space<semaphore_mem>>) attributes {dimension_semantics = [#tpu.dimension_semantics<core_parallel>, #tpu.dimension_semantics<subcore_parallel>], iteration_bounds = array<i64: 2, 16>, scalar_prefetch = 0 : i64, scratch_operands = 26 : i64, tpu.core_type = #tpu.core_type<sc_vector_subcore>, window_params = [{transform_indices = #map}, {transform_indices = #map1}, {transform_indices = #map1}, {transform_indices = #map1}, {transform_indices = #map}, {transform_indices = #map1}, {transform_indices = #map1}]} {
    %mul3A = arith.constant 16 : i32
    %mul3A_0 = arith.muli %arg0, %mul3A : i32
    %add3A = arith.addi %mul3A_0, %arg1 : i32
    %mul3A_1 = arith.constant 512 : i32
    %mul3A_2 = arith.muli %add3A, %mul3A_1 : i32
    %dma_start3A = tpu.memref_slice %arg5[%mul3A_2] : memref<16384xi32, #tpu.memory_space<hbm>> -> memref<512xi32, #tpu.memory_space<hbm>>
    %dma_start3A_3 = tpu.memref_slice %arg5[%mul3A_2] : memref<16384xi32, #tpu.memory_space<hbm>> -> memref<512xi32, #tpu.memory_space<hbm>>
    tpu.enqueue_dma source(%dma_start3A_3 : memref<512xi32, #tpu.memory_space<hbm>>) target(%arg13 : memref<512xi32, #tpu.memory_space<vmem>>) target_semaphore(%arg30 : memref<!tpu.dma_semaphore, #tpu.memory_space<semaphore_mem>>)
    %add3A_4 = arith.constant 0 : i32
    %add3A_5 = arith.addi %add3A_4, %mul3A_2 : i32
    %dma_start3A_6 = arith.constant 0 : i32
    %dma_start3A_7 = tpu.memref_slice %arg11[%dma_start3A_6] : memref<4096xi32, #tpu.memory_space<vmem>> -> memref<512xi32, #tpu.memory_space<vmem>>
    %dma_start3A_8 = tpu.memref_slice %arg3[%add3A_5] : memref<131072xi32, #tpu.memory_space<hbm>> -> memref<512xi32, #tpu.memory_space<hbm>>
    %dma_start3A_9 = arith.constant 0 : i32
    %dma_start3A_10 = tpu.memref_slice %arg11[%dma_start3A_9] : memref<4096xi32, #tpu.memory_space<vmem>> -> memref<512xi32, #tpu.memory_space<vmem>>
    %dma_start3A_11 = tpu.memref_slice %arg3[%add3A_5] : memref<131072xi32, #tpu.memory_space<hbm>> -> memref<512xi32, #tpu.memory_space<hbm>>
    tpu.enqueue_dma source(%dma_start3A_11 : memref<512xi32, #tpu.memory_space<hbm>>) target(%dma_start3A_10 : memref<512xi32, #tpu.memory_space<vmem>>) target_semaphore(%arg30 : memref<!tpu.dma_semaphore, #tpu.memory_space<semaphore_mem>>)
    %add3A_12 = arith.constant 0 : i32
    %add3A_13 = arith.addi %add3A_12, %mul3A_2 : i32
    %dma_start3A_14 = arith.constant 0 : i32
    %dma_start3A_15 = tpu.memref_slice %arg12[%dma_start3A_14] : memref<4096xf32, #tpu.memory_space<vmem>> -> memref<512xf32, #tpu.memory_space<vmem>>
    %dma_start3A_16 = tpu.memref_slice %arg4[%add3A_13] : memref<131072xf32, #tpu.memory_space<hbm>> -> memref<512xf32, #tpu.memory_space<hbm>>
    %dma_start3A_17 = arith.constant 0 : i32
    %dma_start3A_18 = tpu.memref_slice %arg12[%dma_start3A_17] : memref<4096xf32, #tpu.memory_space<vmem>> -> memref<512xf32, #tpu.memory_space<vmem>>
    %dma_start3A_19 = tpu.memref_slice %arg4[%add3A_13] : memref<131072xf32, #tpu.memory_space<hbm>> -> memref<512xf32, #tpu.memory_space<hbm>>
    tpu.enqueue_dma source(%dma_start3A_19 : memref<512xf32, #tpu.memory_space<hbm>>) target(%dma_start3A_18 : memref<512xf32, #tpu.memory_space<vmem>>) target_semaphore(%arg30 : memref<!tpu.dma_semaphore, #tpu.memory_space<semaphore_mem>>)
    %add3A_20 = arith.constant 16384 : i32
    %add3A_21 = arith.addi %add3A_20, %mul3A_2 : i32
    %dma_start3A_22 = arith.constant 512 : i32
    %dma_start3A_23 = tpu.memref_slice %arg11[%dma_start3A_22] : memref<4096xi32, #tpu.memory_space<vmem>> -> memref<512xi32, #tpu.memory_space<vmem>>
    %dma_start3A_24 = tpu.memref_slice %arg3[%add3A_21] : memref<131072xi32, #tpu.memory_space<hbm>> -> memref<512xi32, #tpu.memory_space<hbm>>
    %dma_start3A_25 = arith.constant 512 : i32
    %dma_start3A_26 = tpu.memref_slice %arg11[%dma_start3A_25] : memref<4096xi32, #tpu.memory_space<vmem>> -> memref<512xi32, #tpu.memory_space<vmem>>
    %dma_start3A_27 = tpu.memref_slice %arg3[%add3A_21] : memref<131072xi32, #tpu.memory_space<hbm>> -> memref<512xi32, #tpu.memory_space<hbm>>
    tpu.enqueue_dma source(%dma_start3A_27 : memref<512xi32, #tpu.memory_space<hbm>>) target(%dma_start3A_26 : memref<512xi32, #tpu.memory_space<vmem>>) target_semaphore(%arg30 : memref<!tpu.dma_semaphore, #tpu.memory_space<semaphore_mem>>)
    %add3A_28 = arith.constant 16384 : i32
    %add3A_29 = arith.addi %add3A_28, %mul3A_2 : i32
    %dma_start3A_30 = arith.constant 512 : i32
    %dma_start3A_31 = tpu.memref_slice %arg12[%dma_start3A_30] : memref<4096xf32, #tpu.memory_space<vmem>> -> memref<512xf32, #tpu.memory_space<vmem>>
    %dma_start3A_32 = tpu.memref_slice %arg4[%add3A_29] : memref<131072xf32, #tpu.memory_space<hbm>> -> memref<512xf32, #tpu.memory_space<hbm>>
    %dma_start3A_33 = arith.constant 512 : i32
    %dma_start3A_34 = tpu.memref_slice %arg12[%dma_start3A_33] : memref<4096xf32, #tpu.memory_space<vmem>> -> memref<512xf32, #tpu.memory_space<vmem>>
    %dma_start3A_35 = tpu.memref_slice %arg4[%add3A_29] : memref<131072xf32, #tpu.memory_space<hbm>> -> memref<512xf32, #tpu.memory_space<hbm>>
    tpu.enqueue_dma source(%dma_start3A_35 : memref<512xf32, #tpu.memory_space<hbm>>) target(%dma_start3A_34 : memref<512xf32, #tpu.memory_space<vmem>>) target_semaphore(%arg30 : memref<!tpu.dma_semaphore, #tpu.memory_space<semaphore_mem>>)
    %add3A_36 = arith.constant 32768 : i32
    %add3A_37 = arith.addi %add3A_36, %mul3A_2 : i32
    %dma_start3A_38 = arith.constant 1024 : i32
    %dma_start3A_39 = tpu.memref_slice %arg11[%dma_start3A_38] : memref<4096xi32, #tpu.memory_space<vmem>> -> memref<512xi32, #tpu.memory_space<vmem>>
    %dma_start3A_40 = tpu.memref_slice %arg3[%add3A_37] : memref<131072xi32, #tpu.memory_space<hbm>> -> memref<512xi32, #tpu.memory_space<hbm>>
    %dma_start3A_41 = arith.constant 1024 : i32
    %dma_start3A_42 = tpu.memref_slice %arg11[%dma_start3A_41] : memref<4096xi32, #tpu.memory_space<vmem>> -> memref<512xi32, #tpu.memory_space<vmem>>
    %dma_start3A_43 = tpu.memref_slice %arg3[%add3A_37] : memref<131072xi32, #tpu.memory_space<hbm>> -> memref<512xi32, #tpu.memory_space<hbm>>
    tpu.enqueue_dma source(%dma_start3A_43 : memref<512xi32, #tpu.memory_space<hbm>>) target(%dma_start3A_42 : memref<512xi32, #tpu.memory_space<vmem>>) target_semaphore(%arg30 : memref<!tpu.dma_semaphore, #tpu.memory_space<semaphore_mem>>)
    %add3A_44 = arith.constant 32768 : i32
    %add3A_45 = arith.addi %add3A_44, %mul3A_2 : i32
    %dma_start3A_46 = arith.constant 1024 : i32
    %dma_start3A_47 = tpu.memref_slice %arg12[%dma_start3A_46] : memref<4096xf32, #tpu.memory_space<vmem>> -> memref<512xf32, #tpu.memory_space<vmem>>
    %dma_start3A_48 = tpu.memref_slice %arg4[%add3A_45] : memref<131072xf32, #tpu.memory_space<hbm>> -> memref<512xf32, #tpu.memory_space<hbm>>
    %dma_start3A_49 = arith.constant 1024 : i32
    %dma_start3A_50 = tpu.memref_slice %arg12[%dma_start3A_49] : memref<4096xf32, #tpu.memory_space<vmem>> -> memref<512xf32, #tpu.memory_space<vmem>>
    %dma_start3A_51 = tpu.memref_slice %arg4[%add3A_45] : memref<131072xf32, #tpu.memory_space<hbm>> -> memref<512xf32, #tpu.memory_space<hbm>>
    tpu.enqueue_dma source(%dma_start3A_51 : memref<512xf32, #tpu.memory_space<hbm>>) target(%dma_start3A_50 : memref<512xf32, #tpu.memory_space<vmem>>) target_semaphore(%arg30 : memref<!tpu.dma_semaphore, #tpu.memory_space<semaphore_mem>>)
    %add3A_52 = arith.constant 49152 : i32
    %add3A_53 = arith.addi %add3A_52, %mul3A_2 : i32
    %dma_start3A_54 = arith.constant 1536 : i32
    %dma_start3A_55 = tpu.memref_slice %arg11[%dma_start3A_54] : memref<4096xi32, #tpu.memory_space<vmem>> -> memref<512xi32, #tpu.memory_space<vmem>>
    %dma_start3A_56 = tpu.memref_slice %arg3[%add3A_53] : memref<131072xi32, #tpu.memory_space<hbm>> -> memref<512xi32, #tpu.memory_space<hbm>>
    %dma_start3A_57 = arith.constant 1536 : i32
    %dma_start3A_58 = tpu.memref_slice %arg11[%dma_start3A_57] : memref<4096xi32, #tpu.memory_space<vmem>> -> memref<512xi32, #tpu.memory_space<vmem>>
    %dma_start3A_59 = tpu.memref_slice %arg3[%add3A_53] : memref<131072xi32, #tpu.memory_space<hbm>> -> memref<512xi32, #tpu.memory_space<hbm>>
    tpu.enqueue_dma source(%dma_start3A_59 : memref<512xi32, #tpu.memory_space<hbm>>) target(%dma_start3A_58 : memref<512xi32, #tpu.memory_space<vmem>>) target_semaphore(%arg30 : memref<!tpu.dma_semaphore, #tpu.memory_space<semaphore_mem>>)
    %add3A_60 = arith.constant 49152 : i32
    %add3A_61 = arith.addi %add3A_60, %mul3A_2 : i32
    %dma_start3A_62 = arith.constant 1536 : i32
    %dma_start3A_63 = tpu.memref_slice %arg12[%dma_start3A_62] : memref<4096xf32, #tpu.memory_space<vmem>> -> memref<512xf32, #tpu.memory_space<vmem>>
    %dma_start3A_64 = tpu.memref_slice %arg4[%add3A_61] : memref<131072xf32, #tpu.memory_space<hbm>> -> memref<512xf32, #tpu.memory_space<hbm>>
    %dma_start3A_65 = arith.constant 1536 : i32
    %dma_start3A_66 = tpu.memref_slice %arg12[%dma_start3A_65] : memref<4096xf32, #tpu.memory_space<vmem>> -> memref<512xf32, #tpu.memory_space<vmem>>
    %dma_start3A_67 = tpu.memref_slice %arg4[%add3A_61] : memref<131072xf32, #tpu.memory_space<hbm>> -> memref<512xf32, #tpu.memory_space<hbm>>
    tpu.enqueue_dma source(%dma_start3A_67 : memref<512xf32, #tpu.memory_space<hbm>>) target(%dma_start3A_66 : memref<512xf32, #tpu.memory_space<vmem>>) target_semaphore(%arg30 : memref<!tpu.dma_semaphore, #tpu.memory_space<semaphore_mem>>)
    %add3A_68 = arith.constant 65536 : i32
    %add3A_69 = arith.addi %add3A_68, %mul3A_2 : i32
    %dma_start3A_70 = arith.constant 2048 : i32
    %dma_start3A_71 = tpu.memref_slice %arg11[%dma_start3A_70] : memref<4096xi32, #tpu.memory_space<vmem>> -> memref<512xi32, #tpu.memory_space<vmem>>
    %dma_start3A_72 = tpu.memref_slice %arg3[%add3A_69] : memref<131072xi32, #tpu.memory_space<hbm>> -> memref<512xi32, #tpu.memory_space<hbm>>
    %dma_start3A_73 = arith.constant 2048 : i32
    %dma_start3A_74 = tpu.memref_slice %arg11[%dma_start3A_73] : memref<4096xi32, #tpu.memory_space<vmem>> -> memref<512xi32, #tpu.memory_space<vmem>>
    %dma_start3A_75 = tpu.memref_slice %arg3[%add3A_69] : memref<131072xi32, #tpu.memory_space<hbm>> -> memref<512xi32, #tpu.memory_space<hbm>>
    tpu.enqueue_dma source(%dma_start3A_75 : memref<512xi32, #tpu.memory_space<hbm>>) target(%dma_start3A_74 : memref<512xi32, #tpu.memory_space<vmem>>) target_semaphore(%arg30 : memref<!tpu.dma_semaphore, #tpu.memory_space<semaphore_mem>>)
    %add3A_76 = arith.constant 65536 : i32
    %add3A_77 = arith.addi %add3A_76, %mul3A_2 : i32
    %dma_start3A_78 = arith.constant 2048 : i32
    %dma_start3A_79 = tpu.memref_slice %arg12[%dma_start3A_78] : memref<4096xf32, #tpu.memory_space<vmem>> -> memref<512xf32, #tpu.memory_space<vmem>>
    %dma_start3A_80 = tpu.memref_slice %arg4[%add3A_77] : memref<131072xf32, #tpu.memory_space<hbm>> -> memref<512xf32, #tpu.memory_space<hbm>>
    %dma_start3A_81 = arith.constant 2048 : i32
    %dma_start3A_82 = tpu.memref_slice %arg12[%dma_start3A_81] : memref<4096xf32, #tpu.memory_space<vmem>> -> memref<512xf32, #tpu.memory_space<vmem>>
    %dma_start3A_83 = tpu.memref_slice %arg4[%add3A_77] : memref<131072xf32, #tpu.memory_space<hbm>> -> memref<512xf32, #tpu.memory_space<hbm>>
    tpu.enqueue_dma source(%dma_start3A_83 : memref<512xf32, #tpu.memory_space<hbm>>) target(%dma_start3A_82 : memref<512xf32, #tpu.memory_space<vmem>>) target_semaphore(%arg30 : memref<!tpu.dma_semaphore, #tpu.memory_space<semaphore_mem>>)
    %add3A_84 = arith.constant 81920 : i32
    %add3A_85 = arith.addi %add3A_84, %mul3A_2 : i32
    %dma_start3A_86 = arith.constant 2560 : i32
    %dma_start3A_87 = tpu.memref_slice %arg11[%dma_start3A_86] : memref<4096xi32, #tpu.memory_space<vmem>> -> memref<512xi32, #tpu.memory_space<vmem>>
    %dma_start3A_88 = tpu.memref_slice %arg3[%add3A_85] : memref<131072xi32, #tpu.memory_space<hbm>> -> memref<512xi32, #tpu.memory_space<hbm>>
    %dma_start3A_89 = arith.constant 2560 : i32
    %dma_start3A_90 = tpu.memref_slice %arg11[%dma_start3A_89] : memref<4096xi32, #tpu.memory_space<vmem>> -> memref<512xi32, #tpu.memory_space<vmem>>
    %dma_start3A_91 = tpu.memref_slice %arg3[%add3A_85] : memref<131072xi32, #tpu.memory_space<hbm>> -> memref<512xi32, #tpu.memory_space<hbm>>
    tpu.enqueue_dma source(%dma_start3A_91 : memref<512xi32, #tpu.memory_space<hbm>>) target(%dma_start3A_90 : memref<512xi32, #tpu.memory_space<vmem>>) target_semaphore(%arg30 : memref<!tpu.dma_semaphore, #tpu.memory_space<semaphore_mem>>)
    %add3A_92 = arith.constant 81920 : i32
    %add3A_93 = arith.addi %add3A_92, %mul3A_2 : i32
    %dma_start3A_94 = arith.constant 2560 : i32
    %dma_start3A_95 = tpu.memref_slice %arg12[%dma_start3A_94] : memref<4096xf32, #tpu.memory_space<vmem>> -> memref<512xf32, #tpu.memory_space<vmem>>
    %dma_start3A_96 = tpu.memref_slice %arg4[%add3A_93] : memref<131072xf32, #tpu.memory_space<hbm>> -> memref<512xf32, #tpu.memory_space<hbm>>
    %dma_start3A_97 = arith.constant 2560 : i32
    %dma_start3A_98 = tpu.memref_slice %arg12[%dma_start3A_97] : memref<4096xf32, #tpu.memory_space<vmem>> -> memref<512xf32, #tpu.memory_space<vmem>>
    %dma_start3A_99 = tpu.memref_slice %arg4[%add3A_93] : memref<131072xf32, #tpu.memory_space<hbm>> -> memref<512xf32, #tpu.memory_space<hbm>>
    tpu.enqueue_dma source(%dma_start3A_99 : memref<512xf32, #tpu.memory_space<hbm>>) target(%dma_start3A_98 : memref<512xf32, #tpu.memory_space<vmem>>) target_semaphore(%arg30 : memref<!tpu.dma_semaphore, #tpu.memory_space<semaphore_mem>>)
    %add3A_100 = arith.constant 98304 : i32
    %add3A_101 = arith.addi %add3A_100, %mul3A_2 : i32
    %dma_start3A_102 = arith.constant 3072 : i32
    %dma_start3A_103 = tpu.memref_slice %arg11[%dma_start3A_102] : memref<4096xi32, #tpu.memory_space<vmem>> -> memref<512xi32, #tpu.memory_space<vmem>>
    %dma_start3A_104 = tpu.memref_slice %arg3[%add3A_101] : memref<131072xi32, #tpu.memory_space<hbm>> -> memref<512xi32, #tpu.memory_space<hbm>>
    %dma_start3A_105 = arith.constant 3072 : i32
    %dma_start3A_106 = tpu.memref_slice %arg11[%dma_start3A_105] : memref<4096xi32, #tpu.memory_space<vmem>> -> memref<512xi32, #tpu.memory_space<vmem>>
    %dma_start3A_107 = tpu.memref_slice %arg3[%add3A_101] : memref<131072xi32, #tpu.memory_space<hbm>> -> memref<512xi32, #tpu.memory_space<hbm>>
    tpu.enqueue_dma source(%dma_start3A_107 : memref<512xi32, #tpu.memory_space<hbm>>) target(%dma_start3A_106 : memref<512xi32, #tpu.memory_space<vmem>>) target_semaphore(%arg30 : memref<!tpu.dma_semaphore, #tpu.memory_space<semaphore_mem>>)
    %add3A_108 = arith.constant 98304 : i32
    %add3A_109 = arith.addi %add3A_108, %mul3A_2 : i32
    %dma_start3A_110 = arith.constant 3072 : i32
    %dma_start3A_111 = tpu.memref_slice %arg12[%dma_start3A_110] : memref<4096xf32, #tpu.memory_space<vmem>> -> memref<512xf32, #tpu.memory_space<vmem>>
    %dma_start3A_112 = tpu.memref_slice %arg4[%add3A_109] : memref<131072xf32, #tpu.memory_space<hbm>> -> memref<512xf32, #tpu.memory_space<hbm>>
    %dma_start3A_113 = arith.constant 3072 : i32
    %dma_start3A_114 = tpu.memref_slice %arg12[%dma_start3A_113] : memref<4096xf32, #tpu.memory_space<vmem>> -> memref<512xf32, #tpu.memory_space<vmem>>
    %dma_start3A_115 = tpu.memref_slice %arg4[%add3A_109] : memref<131072xf32, #tpu.memory_space<hbm>> -> memref<512xf32, #tpu.memory_space<hbm>>
    tpu.enqueue_dma source(%dma_start3A_115 : memref<512xf32, #tpu.memory_space<hbm>>) target(%dma_start3A_114 : memref<512xf32, #tpu.memory_space<vmem>>) target_semaphore(%arg30 : memref<!tpu.dma_semaphore, #tpu.memory_space<semaphore_mem>>)
    %add3A_116 = arith.constant 114688 : i32
    %add3A_117 = arith.addi %add3A_116, %mul3A_2 : i32
    %dma_start3A_118 = arith.constant 3584 : i32
    %dma_start3A_119 = tpu.memref_slice %arg11[%dma_start3A_118] : memref<4096xi32, #tpu.memory_space<vmem>> -> memref<512xi32, #tpu.memory_space<vmem>>
    %dma_start3A_120 = tpu.memref_slice %arg3[%add3A_117] : memref<131072xi32, #tpu.memory_space<hbm>> -> memref<512xi32, #tpu.memory_space<hbm>>
    %dma_start3A_121 = arith.constant 3584 : i32
    %dma_start3A_122 = tpu.memref_slice %arg11[%dma_start3A_121] : memref<4096xi32, #tpu.memory_space<vmem>> -> memref<512xi32, #tpu.memory_space<vmem>>
    %dma_start3A_123 = tpu.memref_slice %arg3[%add3A_117] : memref<131072xi32, #tpu.memory_space<hbm>> -> memref<512xi32, #tpu.memory_space<hbm>>
    tpu.enqueue_dma source(%dma_start3A_123 : memref<512xi32, #tpu.memory_space<hbm>>) target(%dma_start3A_122 : memref<512xi32, #tpu.memory_space<vmem>>) target_semaphore(%arg30 : memref<!tpu.dma_semaphore, #tpu.memory_space<semaphore_mem>>)
    %add3A_124 = arith.constant 114688 : i32
    %add3A_125 = arith.addi %add3A_124, %mul3A_2 : i32
    %dma_start3A_126 = arith.constant 3584 : i32
    %dma_start3A_127 = tpu.memref_slice %arg12[%dma_start3A_126] : memref<4096xf32, #tpu.memory_space<vmem>> -> memref<512xf32, #tpu.memory_space<vmem>>
    %dma_start3A_128 = tpu.memref_slice %arg4[%add3A_125] : memref<131072xf32, #tpu.memory_space<hbm>> -> memref<512xf32, #tpu.memory_space<hbm>>
    %dma_start3A_129 = arith.constant 3584 : i32
    %dma_start3A_130 = tpu.memref_slice %arg12[%dma_start3A_129] : memref<4096xf32, #tpu.memory_space<vmem>> -> memref<512xf32, #tpu.memory_space<vmem>>
    %dma_start3A_131 = tpu.memref_slice %arg4[%add3A_125] : memref<131072xf32, #tpu.memory_space<hbm>> -> memref<512xf32, #tpu.memory_space<hbm>>
    tpu.enqueue_dma source(%dma_start3A_131 : memref<512xf32, #tpu.memory_space<hbm>>) target(%dma_start3A_130 : memref<512xf32, #tpu.memory_space<vmem>>) target_semaphore(%arg30 : memref<!tpu.dma_semaphore, #tpu.memory_space<semaphore_mem>>)
    %add3A_132 = arith.constant 0 : i32
    %add3A_133 = arith.addi %mul3A_2, %add3A_132 : i32
    %dma_start3A_134 = arith.constant 0 : i32
    %dma_start3A_135 = tpu.memref_slice %arg2[%add3A_133, %dma_start3A_134] : memref<16384x1024xf32, #tpu.memory_space<hbm>> -> memref<32x1024xf32, #tpu.memory_space<hbm>>
    %dma_start3A_136 = arith.constant 0 : i32
    %dma_start3A_137 = tpu.memref_slice %arg2[%add3A_133, %dma_start3A_136] : memref<16384x1024xf32, #tpu.memory_space<hbm>> -> memref<32x1024xf32, #tpu.memory_space<hbm>>
    tpu.enqueue_dma source(%dma_start3A_137 : memref<32x1024xf32, #tpu.memory_space<hbm>>) target(%arg9 : memref<32x1024xf32, #tpu.memory_space<vmem>>) target_semaphore(%arg31 : memref<!tpu.dma_semaphore, #tpu.memory_space<semaphore_mem>>)
    %dma_wait3A = tpu.memref_slice %arg5[%mul3A_2] : memref<16384xi32, #tpu.memory_space<hbm>> -> memref<512xi32, #tpu.memory_space<hbm>>
    %dma_wait3A_138 = tpu.memref_slice %arg5[%mul3A_2] : memref<16384xi32, #tpu.memory_space<hbm>> -> memref<512xi32, #tpu.memory_space<hbm>>
    tpu.wait_dma2 semaphore(%arg30 : memref<!tpu.dma_semaphore, #tpu.memory_space<semaphore_mem>>) src(%dma_wait3A_138 : memref<512xi32, #tpu.memory_space<hbm>>) dst(%arg13 : memref<512xi32, #tpu.memory_space<vmem>>)
    %dma_wait3A_139 = arith.constant 0 : i32
    %dma_wait3A_140 = tpu.memref_slice %arg11[%dma_wait3A_139] : memref<4096xi32, #tpu.memory_space<vmem>> -> memref<512xi32, #tpu.memory_space<vmem>>
    %dma_wait3A_141 = tpu.memref_slice %arg3[%add3A_5] : memref<131072xi32, #tpu.memory_space<hbm>> -> memref<512xi32, #tpu.memory_space<hbm>>
    %dma_wait3A_142 = arith.constant 0 : i32
    %dma_wait3A_143 = tpu.memref_slice %arg11[%dma_wait3A_142] : memref<4096xi32, #tpu.memory_space<vmem>> -> memref<512xi32, #tpu.memory_space<vmem>>
    %dma_wait3A_144 = tpu.memref_slice %arg3[%add3A_5] : memref<131072xi32, #tpu.memory_space<hbm>> -> memref<512xi32, #tpu.memory_space<hbm>>
    tpu.wait_dma2 semaphore(%arg30 : memref<!tpu.dma_semaphore, #tpu.memory_space<semaphore_mem>>) src(%dma_wait3A_144 : memref<512xi32, #tpu.memory_space<hbm>>) dst(%dma_wait3A_143 : memref<512xi32, #tpu.memory_space<vmem>>)
    %dma_wait3A_145 = arith.constant 0 : i32
    %dma_wait3A_146 = tpu.memref_slice %arg12[%dma_wait3A_145] : memref<4096xf32, #tpu.memory_space<vmem>> -> memref<512xf32, #tpu.memory_space<vmem>>
    %dma_wait3A_147 = tpu.memref_slice %arg4[%add3A_13] : memref<131072xf32, #tpu.memory_space<hbm>> -> memref<512xf32, #tpu.memory_space<hbm>>
    %dma_wait3A_148 = arith.constant 0 : i32
    %dma_wait3A_149 = tpu.memref_slice %arg12[%dma_wait3A_148] : memref<4096xf32, #tpu.memory_space<vmem>> -> memref<512xf32, #tpu.memory_space<vmem>>
    %dma_wait3A_150 = tpu.memref_slice %arg4[%add3A_13] : memref<131072xf32, #tpu.memory_space<hbm>> -> memref<512xf32, #tpu.memory_space<hbm>>
    tpu.wait_dma2 semaphore(%arg30 : memref<!tpu.dma_semaphore, #tpu.memory_space<semaphore_mem>>) src(%dma_wait3A_150 : memref<512xf32, #tpu.memory_space<hbm>>) dst(%dma_wait3A_149 : memref<512xf32, #tpu.memory_space<vmem>>)
    %dma_wait3A_151 = arith.constant 512 : i32
    %dma_wait3A_152 = tpu.memref_slice %arg11[%dma_wait3A_151] : memref<4096xi32, #tpu.memory_space<vmem>> -> memref<512xi32, #tpu.memory_space<vmem>>
    %dma_wait3A_153 = tpu.memref_slice %arg3[%add3A_21] : memref<131072xi32, #tpu.memory_space<hbm>> -> memref<512xi32, #tpu.memory_space<hbm>>
    %dma_wait3A_154 = arith.constant 512 : i32
    %dma_wait3A_155 = tpu.memref_slice %arg11[%dma_wait3A_154] : memref<4096xi32, #tpu.memory_space<vmem>> -> memref<512xi32, #tpu.memory_space<vmem>>
    %dma_wait3A_156 = tpu.memref_slice %arg3[%add3A_21] : memref<131072xi32, #tpu.memory_space<hbm>> -> memref<512xi32, #tpu.memory_space<hbm>>
    tpu.wait_dma2 semaphore(%arg30 : memref<!tpu.dma_semaphore, #tpu.memory_space<semaphore_mem>>) src(%dma_wait3A_156 : memref<512xi32, #tpu.memory_space<hbm>>) dst(%dma_wait3A_155 : memref<512xi32, #tpu.memory_space<vmem>>)
    %dma_wait3A_157 = arith.constant 512 : i32
    %dma_wait3A_158 = tpu.memref_slice %arg12[%dma_wait3A_157] : memref<4096xf32, #tpu.memory_space<vmem>> -> memref<512xf32, #tpu.memory_space<vmem>>
    %dma_wait3A_159 = tpu.memref_slice %arg4[%add3A_29] : memref<131072xf32, #tpu.memory_space<hbm>> -> memref<512xf32, #tpu.memory_space<hbm>>
    %dma_wait3A_160 = arith.constant 512 : i32
    %dma_wait3A_161 = tpu.memref_slice %arg12[%dma_wait3A_160] : memref<4096xf32, #tpu.memory_space<vmem>> -> memref<512xf32, #tpu.memory_space<vmem>>
    %dma_wait3A_162 = tpu.memref_slice %arg4[%add3A_29] : memref<131072xf32, #tpu.memory_space<hbm>> -> memref<512xf32, #tpu.memory_space<hbm>>
    tpu.wait_dma2 semaphore(%arg30 : memref<!tpu.dma_semaphore, #tpu.memory_space<semaphore_mem>>) src(%dma_wait3A_162 : memref<512xf32, #tpu.memory_space<hbm>>) dst(%dma_wait3A_161 : memref<512xf32, #tpu.memory_space<vmem>>)
    %dma_wait3A_163 = arith.constant 1024 : i32
    %dma_wait3A_164 = tpu.memref_slice %arg11[%dma_wait3A_163] : memref<4096xi32, #tpu.memory_space<vmem>> -> memref<512xi32, #tpu.memory_space<vmem>>
    %dma_wait3A_165 = tpu.memref_slice %arg3[%add3A_37] : memref<131072xi32, #tpu.memory_space<hbm>> -> memref<512xi32, #tpu.memory_space<hbm>>
    %dma_wait3A_166 = arith.constant 1024 : i32
    %dma_wait3A_167 = tpu.memref_slice %arg11[%dma_wait3A_166] : memref<4096xi32, #tpu.memory_space<vmem>> -> memref<512xi32, #tpu.memory_space<vmem>>
    %dma_wait3A_168 = tpu.memref_slice %arg3[%add3A_37] : memref<131072xi32, #tpu.memory_space<hbm>> -> memref<512xi32, #tpu.memory_space<hbm>>
    tpu.wait_dma2 semaphore(%arg30 : memref<!tpu.dma_semaphore, #tpu.memory_space<semaphore_mem>>) src(%dma_wait3A_168 : memref<512xi32, #tpu.memory_space<hbm>>) dst(%dma_wait3A_167 : memref<512xi32, #tpu.memory_space<vmem>>)
    %dma_wait3A_169 = arith.constant 1024 : i32
    %dma_wait3A_170 = tpu.memref_slice %arg12[%dma_wait3A_169] : memref<4096xf32, #tpu.memory_space<vmem>> -> memref<512xf32, #tpu.memory_space<vmem>>
    %dma_wait3A_171 = tpu.memref_slice %arg4[%add3A_45] : memref<131072xf32, #tpu.memory_space<hbm>> -> memref<512xf32, #tpu.memory_space<hbm>>
    %dma_wait3A_172 = arith.constant 1024 : i32
    %dma_wait3A_173 = tpu.memref_slice %arg12[%dma_wait3A_172] : memref<4096xf32, #tpu.memory_space<vmem>> -> memref<512xf32, #tpu.memory_space<vmem>>
    %dma_wait3A_174 = tpu.memref_slice %arg4[%add3A_45] : memref<131072xf32, #tpu.memory_space<hbm>> -> memref<512xf32, #tpu.memory_space<hbm>>
    tpu.wait_dma2 semaphore(%arg30 : memref<!tpu.dma_semaphore, #tpu.memory_space<semaphore_mem>>) src(%dma_wait3A_174 : memref<512xf32, #tpu.memory_space<hbm>>) dst(%dma_wait3A_173 : memref<512xf32, #tpu.memory_space<vmem>>)
    %dma_wait3A_175 = arith.constant 1536 : i32
    %dma_wait3A_176 = tpu.memref_slice %arg11[%dma_wait3A_175] : memref<4096xi32, #tpu.memory_space<vmem>> -> memref<512xi32, #tpu.memory_space<vmem>>
    %dma_wait3A_177 = tpu.memref_slice %arg3[%add3A_53] : memref<131072xi32, #tpu.memory_space<hbm>> -> memref<512xi32, #tpu.memory_space<hbm>>
    %dma_wait3A_178 = arith.constant 1536 : i32
    %dma_wait3A_179 = tpu.memref_slice %arg11[%dma_wait3A_178] : memref<4096xi32, #tpu.memory_space<vmem>> -> memref<512xi32, #tpu.memory_space<vmem>>
    %dma_wait3A_180 = tpu.memref_slice %arg3[%add3A_53] : memref<131072xi32, #tpu.memory_space<hbm>> -> memref<512xi32, #tpu.memory_space<hbm>>
    tpu.wait_dma2 semaphore(%arg30 : memref<!tpu.dma_semaphore, #tpu.memory_space<semaphore_mem>>) src(%dma_wait3A_180 : memref<512xi32, #tpu.memory_space<hbm>>) dst(%dma_wait3A_179 : memref<512xi32, #tpu.memory_space<vmem>>)
    %dma_wait3A_181 = arith.constant 1536 : i32
    %dma_wait3A_182 = tpu.memref_slice %arg12[%dma_wait3A_181] : memref<4096xf32, #tpu.memory_space<vmem>> -> memref<512xf32, #tpu.memory_space<vmem>>
    %dma_wait3A_183 = tpu.memref_slice %arg4[%add3A_61] : memref<131072xf32, #tpu.memory_space<hbm>> -> memref<512xf32, #tpu.memory_space<hbm>>
    %dma_wait3A_184 = arith.constant 1536 : i32
    %dma_wait3A_185 = tpu.memref_slice %arg12[%dma_wait3A_184] : memref<4096xf32, #tpu.memory_space<vmem>> -> memref<512xf32, #tpu.memory_space<vmem>>
    %dma_wait3A_186 = tpu.memref_slice %arg4[%add3A_61] : memref<131072xf32, #tpu.memory_space<hbm>> -> memref<512xf32, #tpu.memory_space<hbm>>
    tpu.wait_dma2 semaphore(%arg30 : memref<!tpu.dma_semaphore, #tpu.memory_space<semaphore_mem>>) src(%dma_wait3A_186 : memref<512xf32, #tpu.memory_space<hbm>>) dst(%dma_wait3A_185 : memref<512xf32, #tpu.memory_space<vmem>>)
    %dma_wait3A_187 = arith.constant 2048 : i32
    %dma_wait3A_188 = tpu.memref_slice %arg11[%dma_wait3A_187] : memref<4096xi32, #tpu.memory_space<vmem>> -> memref<512xi32, #tpu.memory_space<vmem>>
    %dma_wait3A_189 = tpu.memref_slice %arg3[%add3A_69] : memref<131072xi32, #tpu.memory_space<hbm>> -> memref<512xi32, #tpu.memory_space<hbm>>
    %dma_wait3A_190 = arith.constant 2048 : i32
    %dma_wait3A_191 = tpu.memref_slice %arg11[%dma_wait3A_190] : memref<4096xi32, #tpu.memory_space<vmem>> -> memref<512xi32, #tpu.memory_space<vmem>>
    %dma_wait3A_192 = tpu.memref_slice %arg3[%add3A_69] : memref<131072xi32, #tpu.memory_space<hbm>> -> memref<512xi32, #tpu.memory_space<hbm>>
    tpu.wait_dma2 semaphore(%arg30 : memref<!tpu.dma_semaphore, #tpu.memory_space<semaphore_mem>>) src(%dma_wait3A_192 : memref<512xi32, #tpu.memory_space<hbm>>) dst(%dma_wait3A_191 : memref<512xi32, #tpu.memory_space<vmem>>)
    %dma_wait3A_193 = arith.constant 2048 : i32
    %dma_wait3A_194 = tpu.memref_slice %arg12[%dma_wait3A_193] : memref<4096xf32, #tpu.memory_space<vmem>> -> memref<512xf32, #tpu.memory_space<vmem>>
    %dma_wait3A_195 = tpu.memref_slice %arg4[%add3A_77] : memref<131072xf32, #tpu.memory_space<hbm>> -> memref<512xf32, #tpu.memory_space<hbm>>
    %dma_wait3A_196 = arith.constant 2048 : i32
    %dma_wait3A_197 = tpu.memref_slice %arg12[%dma_wait3A_196] : memref<4096xf32, #tpu.memory_space<vmem>> -> memref<512xf32, #tpu.memory_space<vmem>>
    %dma_wait3A_198 = tpu.memref_slice %arg4[%add3A_77] : memref<131072xf32, #tpu.memory_space<hbm>> -> memref<512xf32, #tpu.memory_space<hbm>>
    tpu.wait_dma2 semaphore(%arg30 : memref<!tpu.dma_semaphore, #tpu.memory_space<semaphore_mem>>) src(%dma_wait3A_198 : memref<512xf32, #tpu.memory_space<hbm>>) dst(%dma_wait3A_197 : memref<512xf32, #tpu.memory_space<vmem>>)
    %dma_wait3A_199 = arith.constant 2560 : i32
    %dma_wait3A_200 = tpu.memref_slice %arg11[%dma_wait3A_199] : memref<4096xi32, #tpu.memory_space<vmem>> -> memref<512xi32, #tpu.memory_space<vmem>>
    %dma_wait3A_201 = tpu.memref_slice %arg3[%add3A_85] : memref<131072xi32, #tpu.memory_space<hbm>> -> memref<512xi32, #tpu.memory_space<hbm>>
    %dma_wait3A_202 = arith.constant 2560 : i32
    %dma_wait3A_203 = tpu.memref_slice %arg11[%dma_wait3A_202] : memref<4096xi32, #tpu.memory_space<vmem>> -> memref<512xi32, #tpu.memory_space<vmem>>
    %dma_wait3A_204 = tpu.memref_slice %arg3[%add3A_85] : memref<131072xi32, #tpu.memory_space<hbm>> -> memref<512xi32, #tpu.memory_space<hbm>>
    tpu.wait_dma2 semaphore(%arg30 : memref<!tpu.dma_semaphore, #tpu.memory_space<semaphore_mem>>) src(%dma_wait3A_204 : memref<512xi32, #tpu.memory_space<hbm>>) dst(%dma_wait3A_203 : memref<512xi32, #tpu.memory_space<vmem>>)
    %dma_wait3A_205 = arith.constant 2560 : i32
    %dma_wait3A_206 = tpu.memref_slice %arg12[%dma_wait3A_205] : memref<4096xf32, #tpu.memory_space<vmem>> -> memref<512xf32, #tpu.memory_space<vmem>>
    %dma_wait3A_207 = tpu.memref_slice %arg4[%add3A_93] : memref<131072xf32, #tpu.memory_space<hbm>> -> memref<512xf32, #tpu.memory_space<hbm>>
    %dma_wait3A_208 = arith.constant 2560 : i32
    %dma_wait3A_209 = tpu.memref_slice %arg12[%dma_wait3A_208] : memref<4096xf32, #tpu.memory_space<vmem>> -> memref<512xf32, #tpu.memory_space<vmem>>
    %dma_wait3A_210 = tpu.memref_slice %arg4[%add3A_93] : memref<131072xf32, #tpu.memory_space<hbm>> -> memref<512xf32, #tpu.memory_space<hbm>>
    tpu.wait_dma2 semaphore(%arg30 : memref<!tpu.dma_semaphore, #tpu.memory_space<semaphore_mem>>) src(%dma_wait3A_210 : memref<512xf32, #tpu.memory_space<hbm>>) dst(%dma_wait3A_209 : memref<512xf32, #tpu.memory_space<vmem>>)
    %dma_wait3A_211 = arith.constant 3072 : i32
    %dma_wait3A_212 = tpu.memref_slice %arg11[%dma_wait3A_211] : memref<4096xi32, #tpu.memory_space<vmem>> -> memref<512xi32, #tpu.memory_space<vmem>>
    %dma_wait3A_213 = tpu.memref_slice %arg3[%add3A_101] : memref<131072xi32, #tpu.memory_space<hbm>> -> memref<512xi32, #tpu.memory_space<hbm>>
    %dma_wait3A_214 = arith.constant 3072 : i32
    %dma_wait3A_215 = tpu.memref_slice %arg11[%dma_wait3A_214] : memref<4096xi32, #tpu.memory_space<vmem>> -> memref<512xi32, #tpu.memory_space<vmem>>
    %dma_wait3A_216 = tpu.memref_slice %arg3[%add3A_101] : memref<131072xi32, #tpu.memory_space<hbm>> -> memref<512xi32, #tpu.memory_space<hbm>>
    tpu.wait_dma2 semaphore(%arg30 : memref<!tpu.dma_semaphore, #tpu.memory_space<semaphore_mem>>) src(%dma_wait3A_216 : memref<512xi32, #tpu.memory_space<hbm>>) dst(%dma_wait3A_215 : memref<512xi32, #tpu.memory_space<vmem>>)
    %dma_wait3A_217 = arith.constant 3072 : i32
    %dma_wait3A_218 = tpu.memref_slice %arg12[%dma_wait3A_217] : memref<4096xf32, #tpu.memory_space<vmem>> -> memref<512xf32, #tpu.memory_space<vmem>>
    %dma_wait3A_219 = tpu.memref_slice %arg4[%add3A_109] : memref<131072xf32, #tpu.memory_space<hbm>> -> memref<512xf32, #tpu.memory_space<hbm>>
    %dma_wait3A_220 = arith.constant 3072 : i32
    %dma_wait3A_221 = tpu.memref_slice %arg12[%dma_wait3A_220] : memref<4096xf32, #tpu.memory_space<vmem>> -> memref<512xf32, #tpu.memory_space<vmem>>
    %dma_wait3A_222 = tpu.memref_slice %arg4[%add3A_109] : memref<131072xf32, #tpu.memory_space<hbm>> -> memref<512xf32, #tpu.memory_space<hbm>>
    tpu.wait_dma2 semaphore(%arg30 : memref<!tpu.dma_semaphore, #tpu.memory_space<semaphore_mem>>) src(%dma_wait3A_222 : memref<512xf32, #tpu.memory_space<hbm>>) dst(%dma_wait3A_221 : memref<512xf32, #tpu.memory_space<vmem>>)
    %dma_wait3A_223 = arith.constant 3584 : i32
    %dma_wait3A_224 = tpu.memref_slice %arg11[%dma_wait3A_223] : memref<4096xi32, #tpu.memory_space<vmem>> -> memref<512xi32, #tpu.memory_space<vmem>>
    %dma_wait3A_225 = tpu.memref_slice %arg3[%add3A_117] : memref<131072xi32, #tpu.memory_space<hbm>> -> memref<512xi32, #tpu.memory_space<hbm>>
    %dma_wait3A_226 = arith.constant 3584 : i32
    %dma_wait3A_227 = tpu.memref_slice %arg11[%dma_wait3A_226] : memref<4096xi32, #tpu.memory_space<vmem>> -> memref<512xi32, #tpu.memory_space<vmem>>
    %dma_wait3A_228 = tpu.memref_slice %arg3[%add3A_117] : memref<131072xi32, #tpu.memory_space<hbm>> -> memref<512xi32, #tpu.memory_space<hbm>>
    tpu.wait_dma2 semaphore(%arg30 : memref<!tpu.dma_semaphore, #tpu.memory_space<semaphore_mem>>) src(%dma_wait3A_228 : memref<512xi32, #tpu.memory_space<hbm>>) dst(%dma_wait3A_227 : memref<512xi32, #tpu.memory_space<vmem>>)
    %dma_wait3A_229 = arith.constant 3584 : i32
    %dma_wait3A_230 = tpu.memref_slice %arg12[%dma_wait3A_229] : memref<4096xf32, #tpu.memory_space<vmem>> -> memref<512xf32, #tpu.memory_space<vmem>>
    %dma_wait3A_231 = tpu.memref_slice %arg4[%add3A_125] : memref<131072xf32, #tpu.memory_space<hbm>> -> memref<512xf32, #tpu.memory_space<hbm>>
    %dma_wait3A_232 = arith.constant 3584 : i32
    %dma_wait3A_233 = tpu.memref_slice %arg12[%dma_wait3A_232] : memref<4096xf32, #tpu.memory_space<vmem>> -> memref<512xf32, #tpu.memory_space<vmem>>
    %dma_wait3A_234 = tpu.memref_slice %arg4[%add3A_125] : memref<131072xf32, #tpu.memory_space<hbm>> -> memref<512xf32, #tpu.memory_space<hbm>>
    tpu.wait_dma2 semaphore(%arg30 : memref<!tpu.dma_semaphore, #tpu.memory_space<semaphore_mem>>) src(%dma_wait3A_234 : memref<512xf32, #tpu.memory_space<hbm>>) dst(%dma_wait3A_233 : memref<512xf32, #tpu.memory_space<vmem>>)
    %scan3A = arith.constant 0 : i32
    %scan3A_235 = arith.constant 0 : i32
    %scan3A_236 = arith.constant 8 : i32
    %scan3A_237 = arith.addi %scan3A_235, %scan3A_236 : i32
    %scan3A_238 = arith.constant 1 : i32
    scf.for %scan3A_328 = %scan3A_235 to %scan3A_237 step %scan3A_238  : i32 {
      %mul3A_329 = arith.constant 2 : i32
      %mul3A_330 = arith.muli %mul3A_329, %scan3A_328 : i32
      %add3A_331 = arith.constant 1 : i32
      %add3A_332 = arith.addi %mul3A_330, %add3A_331 : i32
      %mul3A_333 = arith.constant 32 : i32
      %mul3A_334 = arith.muli %mul3A_330, %mul3A_333 : i32
      %add3A_335 = arith.constant 0 : i32
      %add3A_336 = arith.addi %add3A_335, %mul3A_334 : i32
      %add3A_337 = arith.constant 0 : i32
      %add3A_338 = arith.addi %add3A_336, %add3A_337 : i32
      %get3A = arith.index_cast %add3A_338 : i32 to index
      %get3A_339 = tpu.vector_load %arg11[%get3A] {strides = array<i32>} : memref<4096xi32, #tpu.memory_space<vmem>>, vector<16xi32>,
      %get3A_340 = vector.shape_cast %get3A_339 : vector<16xi32> to vector<16xi32>
      %swap3A = arith.constant 0 : index
      %swap3A_341 = tpu.vector_load %arg14[%swap3A] {strides = array<i32>} : memref<32xi32, #tpu.memory_space<vmem>>, vector<16xi32>,
      %swap3A_342 = vector.shape_cast %swap3A_341 : vector<16xi32> to vector<16xi32>
      %swap3A_343 = vector.shape_cast %get3A_340 : vector<16xi32> to vector<16xi32>
      tpu.vector_store %arg14[%swap3A], %swap3A_343 {strides = array<i32>} : memref<32xi32, #tpu.memory_space<vmem>>, vector<16xi32>,
      %mul3A_344 = arith.constant 32 : i32
      %mul3A_345 = arith.muli %mul3A_330, %mul3A_344 : i32
      %add3A_346 = arith.constant 0 : i32
      %add3A_347 = arith.addi %add3A_346, %mul3A_345 : i32
      %add3A_348 = arith.constant 16 : i32
      %add3A_349 = arith.addi %add3A_347, %add3A_348 : i32
      %get3A_350 = arith.index_cast %add3A_349 : i32 to index
      %get3A_351 = tpu.vector_load %arg11[%get3A_350] {strides = array<i32>} : memref<4096xi32, #tpu.memory_space<vmem>>, vector<16xi32>,
      %get3A_352 = vector.shape_cast %get3A_351 : vector<16xi32> to vector<16xi32>
      %swap3A_353 = arith.constant 16 : index
      %swap3A_354 = tpu.vector_load %arg14[%swap3A_353] {strides = array<i32>} : memref<32xi32, #tpu.memory_space<vmem>>, vector<16xi32>,
      %swap3A_355 = vector.shape_cast %swap3A_354 : vector<16xi32> to vector<16xi32>
      %swap3A_356 = vector.shape_cast %get3A_352 : vector<16xi32> to vector<16xi32>
      tpu.vector_store %arg14[%swap3A_353], %swap3A_356 {strides = array<i32>} : memref<32xi32, #tpu.memory_space<vmem>>, vector<16xi32>,
      %mul3A_357 = arith.constant 32 : i32
      %mul3A_358 = arith.muli %mul3A_330, %mul3A_357 : i32
      %add3A_359 = arith.constant 512 : i32
      %add3A_360 = arith.addi %add3A_359, %mul3A_358 : i32
      %add3A_361 = arith.constant 0 : i32
      %add3A_362 = arith.addi %add3A_360, %add3A_361 : i32
      %get3A_363 = arith.index_cast %add3A_362 : i32 to index
      %get3A_364 = tpu.vector_load %arg11[%get3A_363] {strides = array<i32>} : memref<4096xi32, #tpu.memory_space<vmem>>, vector<16xi32>,
      %get3A_365 = vector.shape_cast %get3A_364 : vector<16xi32> to vector<16xi32>
      %swap3A_366 = arith.constant 0 : index
      %swap3A_367 = tpu.vector_load %arg15[%swap3A_366] {strides = array<i32>} : memref<32xi32, #tpu.memory_space<vmem>>, vector<16xi32>,
      %swap3A_368 = vector.shape_cast %swap3A_367 : vector<16xi32> to vector<16xi32>
      %swap3A_369 = vector.shape_cast %get3A_365 : vector<16xi32> to vector<16xi32>
      tpu.vector_store %arg15[%swap3A_366], %swap3A_369 {strides = array<i32>} : memref<32xi32, #tpu.memory_space<vmem>>, vector<16xi32>,
      %mul3A_370 = arith.constant 32 : i32
      %mul3A_371 = arith.muli %mul3A_330, %mul3A_370 : i32
      %add3A_372 = arith.constant 512 : i32
      %add3A_373 = arith.addi %add3A_372, %mul3A_371 : i32
      %add3A_374 = arith.constant 16 : i32
      %add3A_375 = arith.addi %add3A_373, %add3A_374 : i32
      %get3A_376 = arith.index_cast %add3A_375 : i32 to index
      %get3A_377 = tpu.vector_load %arg11[%get3A_376] {strides = array<i32>} : memref<4096xi32, #tpu.memory_space<vmem>>, vector<16xi32>,
      %get3A_378 = vector.shape_cast %get3A_377 : vector<16xi32> to vector<16xi32>
      %swap3A_379 = arith.constant 16 : index
      %swap3A_380 = tpu.vector_load %arg15[%swap3A_379] {strides = array<i32>} : memref<32xi32, #tpu.memory_space<vmem>>, vector<16xi32>,
      %swap3A_381 = vector.shape_cast %swap3A_380 : vector<16xi32> to vector<16xi32>
      %swap3A_382 = vector.shape_cast %get3A_378 : vector<16xi32> to vector<16xi32>
      tpu.vector_store %arg15[%swap3A_379], %swap3A_382 {strides = array<i32>} : memref<32xi32, #tpu.memory_space<vmem>>, vector<16xi32>,
      %mul3A_383 = arith.constant 32 : i32
      %mul3A_384 = arith.muli %mul3A_330, %mul3A_383 : i32
      %add3A_385 = arith.constant 1024 : i32
      %add3A_386 = arith.addi %add3A_385, %mul3A_384 : i32
      %add3A_387 = arith.constant 0 : i32
      %add3A_388 = arith.addi %add3A_386, %add3A_387 : i32
      %get3A_389 = arith.index_cast %add3A_388 : i32 to index
      %get3A_390 = tpu.vector_load %arg11[%get3A_389] {strides = array<i32>} : memref<4096xi32, #tpu.memory_space<vmem>>, vector<16xi32>,
      %get3A_391 = vector.shape_cast %get3A_390 : vector<16xi32> to vector<16xi32>
      %swap3A_392 = arith.constant 0 : index
      %swap3A_393 = tpu.vector_load %arg16[%swap3A_392] {strides = array<i32>} : memref<32xi32, #tpu.memory_space<vmem>>, vector<16xi32>,
      %swap3A_394 = vector.shape_cast %swap3A_393 : vector<16xi32> to vector<16xi32>
      %swap3A_395 = vector.shape_cast %get3A_391 : vector<16xi32> to vector<16xi32>
      tpu.vector_store %arg16[%swap3A_392], %swap3A_395 {strides = array<i32>} : memref<32xi32, #tpu.memory_space<vmem>>, vector<16xi32>,
      %mul3A_396 = arith.constant 32 : i32
      %mul3A_397 = arith.muli %mul3A_330, %mul3A_396 : i32
      %add3A_398 = arith.constant 1024 : i32
      %add3A_399 = arith.addi %add3A_398, %mul3A_397 : i32
      %add3A_400 = arith.constant 16 : i32
      %add3A_401 = arith.addi %add3A_399, %add3A_400 : i32
      %get3A_402 = arith.index_cast %add3A_401 : i32 to index
      %get3A_403 = tpu.vector_load %arg11[%get3A_402] {strides = array<i32>} : memref<4096xi32, #tpu.memory_space<vmem>>, vector<16xi32>,
      %get3A_404 = vector.shape_cast %get3A_403 : vector<16xi32> to vector<16xi32>
      %swap3A_405 = arith.constant 16 : index
      %swap3A_406 = tpu.vector_load %arg16[%swap3A_405] {strides = array<i32>} : memref<32xi32, #tpu.memory_space<vmem>>, vector<16xi32>,
      %swap3A_407 = vector.shape_cast %swap3A_406 : vector<16xi32> to vector<16xi32>
      %swap3A_408 = vector.shape_cast %get3A_404 : vector<16xi32> to vector<16xi32>
      tpu.vector_store %arg16[%swap3A_405], %swap3A_408 {strides = array<i32>} : memref<32xi32, #tpu.memory_space<vmem>>, vector<16xi32>,
      %mul3A_409 = arith.constant 32 : i32
      %mul3A_410 = arith.muli %mul3A_330, %mul3A_409 : i32
      %add3A_411 = arith.constant 1536 : i32
      %add3A_412 = arith.addi %add3A_411, %mul3A_410 : i32
      %add3A_413 = arith.constant 0 : i32
      %add3A_414 = arith.addi %add3A_412, %add3A_413 : i32
      %get3A_415 = arith.index_cast %add3A_414 : i32 to index
      %get3A_416 = tpu.vector_load %arg11[%get3A_415] {strides = array<i32>} : memref<4096xi32, #tpu.memory_space<vmem>>, vector<16xi32>,
      %get3A_417 = vector.shape_cast %get3A_416 : vector<16xi32> to vector<16xi32>
      %swap3A_418 = arith.constant 0 : index
      %swap3A_419 = tpu.vector_load %arg17[%swap3A_418] {strides = array<i32>} : memref<32xi32, #tpu.memory_space<vmem>>, vector<16xi32>,
      %swap3A_420 = vector.shape_cast %swap3A_419 : vector<16xi32> to vector<16xi32>
      %swap3A_421 = vector.shape_cast %get3A_417 : vector<16xi32> to vector<16xi32>
      tpu.vector_store %arg17[%swap3A_418], %swap3A_421 {strides = array<i32>} : memref<32xi32, #tpu.memory_space<vmem>>, vector<16xi32>,
      %mul3A_422 = arith.constant 32 : i32
      %mul3A_423 = arith.muli %mul3A_330, %mul3A_422 : i32
      %add3A_424 = arith.constant 1536 : i32
      %add3A_425 = arith.addi %add3A_424, %mul3A_423 : i32
      %add3A_426 = arith.constant 16 : i32
      %add3A_427 = arith.addi %add3A_425, %add3A_426 : i32
      %get3A_428 = arith.index_cast %add3A_427 : i32 to index
      %get3A_429 = tpu.vector_load %arg11[%get3A_428] {strides = array<i32>} : memref<4096xi32, #tpu.memory_space<vmem>>, vector<16xi32>,
      %get3A_430 = vector.shape_cast %get3A_429 : vector<16xi32> to vector<16xi32>
      %swap3A_431 = arith.constant 16 : index
      %swap3A_432 = tpu.vector_load %arg17[%swap3A_431] {strides = array<i32>} : memref<32xi32, #tpu.memory_space<vmem>>, vector<16xi32>,
      %swap3A_433 = vector.shape_cast %swap3A_432 : vector<16xi32> to vector<16xi32>
      %swap3A_434 = vector.shape_cast %get3A_430 : vector<16xi32> to vector<16xi32>
      tpu.vector_store %arg17[%swap3A_431], %swap3A_434 {strides = array<i32>} : memref<32xi32, #tpu.memory_space<vmem>>, vector<16xi32>,
      %mul3A_435 = arith.constant 32 : i32
      %mul3A_436 = arith.muli %mul3A_330, %mul3A_435 : i32
      %add3A_437 = arith.constant 2048 : i32
      %add3A_438 = arith.addi %add3A_437, %mul3A_436 : i32
      %add3A_439 = arith.constant 0 : i32
      %add3A_440 = arith.addi %add3A_438, %add3A_439 : i32
      %get3A_441 = arith.index_cast %add3A_440 : i32 to index
      %get3A_442 = tpu.vector_load %arg11[%get3A_441] {strides = array<i32>} : memref<4096xi32, #tpu.memory_space<vmem>>, vector<16xi32>,
      %get3A_443 = vector.shape_cast %get3A_442 : vector<16xi32> to vector<16xi32>
      %swap3A_444 = arith.constant 0 : index
      %swap3A_445 = tpu.vector_load %arg18[%swap3A_444] {strides = array<i32>} : memref<32xi32, #tpu.memory_space<vmem>>, vector<16xi32>,
      %swap3A_446 = vector.shape_cast %swap3A_445 : vector<16xi32> to vector<16xi32>
      %swap3A_447 = vector.shape_cast %get3A_443 : vector<16xi32> to vector<16xi32>
      tpu.vector_store %arg18[%swap3A_444], %swap3A_447 {strides = array<i32>} : memref<32xi32, #tpu.memory_space<vmem>>, vector<16xi32>,
      %mul3A_448 = arith.constant 32 : i32
      %mul3A_449 = arith.muli %mul3A_330, %mul3A_448 : i32
      %add3A_450 = arith.constant 2048 : i32
      %add3A_451 = arith.addi %add3A_450, %mul3A_449 : i32
      %add3A_452 = arith.constant 16 : i32
      %add3A_453 = arith.addi %add3A_451, %add3A_452 : i32
      %get3A_454 = arith.index_cast %add3A_453 : i32 to index
      %get3A_455 = tpu.vector_load %arg11[%get3A_454] {strides = array<i32>} : memref<4096xi32, #tpu.memory_space<vmem>>, vector<16xi32>,
      %get3A_456 = vector.shape_cast %get3A_455 : vector<16xi32> to vector<16xi32>
      %swap3A_457 = arith.constant 16 : index
      %swap3A_458 = tpu.vector_load %arg18[%swap3A_457] {strides = array<i32>} : memref<32xi32, #tpu.memory_space<vmem>>, vector<16xi32>,
      %swap3A_459 = vector.shape_cast %swap3A_458 : vector<16xi32> to vector<16xi32>
      %swap3A_460 = vector.shape_cast %get3A_456 : vector<16xi32> to vector<16xi32>
      tpu.vector_store %arg18[%swap3A_457], %swap3A_460 {strides = array<i32>} : memref<32xi32, #tpu.memory_space<vmem>>, vector<16xi32>,
      %mul3A_461 = arith.constant 32 : i32
      %mul3A_462 = arith.muli %mul3A_330, %mul3A_461 : i32
      %add3A_463 = arith.constant 2560 : i32
      %add3A_464 = arith.addi %add3A_463, %mul3A_462 : i32
      %add3A_465 = arith.constant 0 : i32
      %add3A_466 = arith.addi %add3A_464, %add3A_465 : i32
      %get3A_467 = arith.index_cast %add3A_466 : i32 to index
      %get3A_468 = tpu.vector_load %arg11[%get3A_467] {strides = array<i32>} : memref<4096xi32, #tpu.memory_space<vmem>>, vector<16xi32>,
      %get3A_469 = vector.shape_cast %get3A_468 : vector<16xi32> to vector<16xi32>
      %swap3A_470 = arith.constant 0 : index
      %swap3A_471 = tpu.vector_load %arg19[%swap3A_470] {strides = array<i32>} : memref<32xi32, #tpu.memory_space<vmem>>, vector<16xi32>,
      %swap3A_472 = vector.shape_cast %swap3A_471 : vector<16xi32> to vector<16xi32>
      %swap3A_473 = vector.shape_cast %get3A_469 : vector<16xi32> to vector<16xi32>
      tpu.vector_store %arg19[%swap3A_470], %swap3A_473 {strides = array<i32>} : memref<32xi32, #tpu.memory_space<vmem>>, vector<16xi32>,
      %mul3A_474 = arith.constant 32 : i32
      %mul3A_475 = arith.muli %mul3A_330, %mul3A_474 : i32
      %add3A_476 = arith.constant 2560 : i32
      %add3A_477 = arith.addi %add3A_476, %mul3A_475 : i32
      %add3A_478 = arith.constant 16 : i32
      %add3A_479 = arith.addi %add3A_477, %add3A_478 : i32
      %get3A_480 = arith.index_cast %add3A_479 : i32 to index
      %get3A_481 = tpu.vector_load %arg11[%get3A_480] {strides = array<i32>} : memref<4096xi32, #tpu.memory_space<vmem>>, vector<16xi32>,
      %get3A_482 = vector.shape_cast %get3A_481 : vector<16xi32> to vector<16xi32>
      %swap3A_483 = arith.constant 16 : index
      %swap3A_484 = tpu.vector_load %arg19[%swap3A_483] {strides = array<i32>} : memref<32xi32, #tpu.memory_space<vmem>>, vector<16xi32>,
      %swap3A_485 = vector.shape_cast %swap3A_484 : vector<16xi32> to vector<16xi32>
      %swap3A_486 = vector.shape_cast %get3A_482 : vector<16xi32> to vector<16xi32>
      tpu.vector_store %arg19[%swap3A_483], %swap3A_486 {strides = array<i32>} : memref<32xi32, #tpu.memory_space<vmem>>, vector<16xi32>,
      %mul3A_487 = arith.constant 32 : i32
      %mul3A_488 = arith.muli %mul3A_330, %mul3A_487 : i32
      %add3A_489 = arith.constant 3072 : i32
      %add3A_490 = arith.addi %add3A_489, %mul3A_488 : i32
      %add3A_491 = arith.constant 0 : i32
      %add3A_492 = arith.addi %add3A_490, %add3A_491 : i32
      %get3A_493 = arith.index_cast %add3A_492 : i32 to index
      %get3A_494 = tpu.vector_load %arg11[%get3A_493] {strides = array<i32>} : memref<4096xi32, #tpu.memory_space<vmem>>, vector<16xi32>,
      %get3A_495 = vector.shape_cast %get3A_494 : vector<16xi32> to vector<16xi32>
      %swap3A_496 = arith.constant 0 : index
      %swap3A_497 = tpu.vector_load %arg20[%swap3A_496] {strides = array<i32>} : memref<32xi32, #tpu.memory_space<vmem>>, vector<16xi32>,
      %swap3A_498 = vector.shape_cast %swap3A_497 : vector<16xi32> to vector<16xi32>
      %swap3A_499 = vector.shape_cast %get3A_495 : vector<16xi32> to vector<16xi32>
      tpu.vector_store %arg20[%swap3A_496], %swap3A_499 {strides = array<i32>} : memref<32xi32, #tpu.memory_space<vmem>>, vector<16xi32>,
      %mul3A_500 = arith.constant 32 : i32
      %mul3A_501 = arith.muli %mul3A_330, %mul3A_500 : i32
      %add3A_502 = arith.constant 3072 : i32
      %add3A_503 = arith.addi %add3A_502, %mul3A_501 : i32
      %add3A_504 = arith.constant 16 : i32
      %add3A_505 = arith.addi %add3A_503, %add3A_504 : i32
      %get3A_506 = arith.index_cast %add3A_505 : i32 to index
      %get3A_507 = tpu.vector_load %arg11[%get3A_506] {strides = array<i32>} : memref<4096xi32, #tpu.memory_space<vmem>>, vector<16xi32>,
      %get3A_508 = vector.shape_cast %get3A_507 : vector<16xi32> to vector<16xi32>
      %swap3A_509 = arith.constant 16 : index
      %swap3A_510 = tpu.vector_load %arg20[%swap3A_509] {strides = array<i32>} : memref<32xi32, #tpu.memory_space<vmem>>, vector<16xi32>,
      %swap3A_511 = vector.shape_cast %swap3A_510 : vector<16xi32> to vector<16xi32>
      %swap3A_512 = vector.shape_cast %get3A_508 : vector<16xi32> to vector<16xi32>
      tpu.vector_store %arg20[%swap3A_509], %swap3A_512 {strides = array<i32>} : memref<32xi32, #tpu.memory_space<vmem>>, vector<16xi32>,
      %mul3A_513 = arith.constant 32 : i32
      %mul3A_514 = arith.muli %mul3A_330, %mul3A_513 : i32
      %add3A_515 = arith.constant 3584 : i32
      %add3A_516 = arith.addi %add3A_515, %mul3A_514 : i32
      %add3A_517 = arith.constant 0 : i32
      %add3A_518 = arith.addi %add3A_516, %add3A_517 : i32
      %get3A_519 = arith.index_cast %add3A_518 : i32 to index
      %get3A_520 = tpu.vector_load %arg11[%get3A_519] {strides = array<i32>} : memref<4096xi32, #tpu.memory_space<vmem>>, vector<16xi32>,
      %get3A_521 = vector.shape_cast %get3A_520 : vector<16xi32> to vector<16xi32>
      %swap3A_522 = arith.constant 0 : index
      %swap3A_523 = tpu.vector_load %arg21[%swap3A_522] {strides = array<i32>} : memref<32xi32, #tpu.memory_space<vmem>>, vector<16xi32>,
      %swap3A_524 = vector.shape_cast %swap3A_523 : vector<16xi32> to vector<16xi32>
      %swap3A_525 = vector.shape_cast %get3A_521 : vector<16xi32> to vector<16xi32>
      tpu.vector_store %arg21[%swap3A_522], %swap3A_525 {strides = array<i32>} : memref<32xi32, #tpu.memory_space<vmem>>, vector<16xi32>,
      %mul3A_526 = arith.constant 32 : i32
      %mul3A_527 = arith.muli %mul3A_330, %mul3A_526 : i32
      %add3A_528 = arith.constant 3584 : i32
      %add3A_529 = arith.addi %add3A_528, %mul3A_527 : i32
      %add3A_530 = arith.constant 16 : i32
      %add3A_531 = arith.addi %add3A_529, %add3A_530 : i32
      %get3A_532 = arith.index_cast %add3A_531 : i32 to index
      %get3A_533 = tpu.vector_load %arg11[%get3A_532] {strides = array<i32>} : memref<4096xi32, #tpu.memory_space<vmem>>, vector<16xi32>,
      %get3A_534 = vector.shape_cast %get3A_533 : vector<16xi32> to vector<16xi32>
      %swap3A_535 = arith.constant 16 : index
      %swap3A_536 = tpu.vector_load %arg21[%swap3A_535] {strides = array<i32>} : memref<32xi32, #tpu.memory_space<vmem>>, vector<16xi32>,
      %swap3A_537 = vector.shape_cast %swap3A_536 : vector<16xi32> to vector<16xi32>
      %swap3A_538 = vector.shape_cast %get3A_534 : vector<16xi32> to vector<16xi32>
      tpu.vector_store %arg21[%swap3A_535], %swap3A_538 {strides = array<i32>} : memref<32xi32, #tpu.memory_space<vmem>>, vector<16xi32>,
      %dma_wait3A_539 = arith.constant 0 : i32
      %dma_wait3A_540 = arith.constant 0 : i32
      %dma_wait3A_541 = tpu.memref_slice %arg2[%dma_wait3A_539, %dma_wait3A_540] : memref<16384x1024xf32, #tpu.memory_space<hbm>> -> memref<32x1024xf32, #tpu.memory_space<hbm>>
      %dma_wait3A_542 = arith.constant 0 : i32
      %dma_wait3A_543 = arith.constant 0 : i32
      %dma_wait3A_544 = tpu.memref_slice %arg2[%dma_wait3A_542, %dma_wait3A_543] : memref<16384x1024xf32, #tpu.memory_space<hbm>> -> memref<32x1024xf32, #tpu.memory_space<hbm>>
      tpu.wait_dma2 semaphore(%arg31 : memref<!tpu.dma_semaphore, #tpu.memory_space<semaphore_mem>>) src(%dma_wait3A_544 : memref<32x1024xf32, #tpu.memory_space<hbm>>) dst(%arg9 : memref<32x1024xf32, #tpu.memory_space<vmem>>)
      %gt3A = arith.constant 0 : i32
      %gt3A_545 = arith.cmpi sgt, %scan3A_328, %gt3A : i32
      %convert_element_type3A = arith.extui %gt3A_545 : i1 to i32
      %cond3A = arith.constant 0 : i32
      %cond3A_546 = arith.cmpi ne, %convert_element_type3A, %cond3A : i32
      scf.if %cond3A_546 {
        %dma_wait3A_1084 = arith.constant 0 : i32
        %dma_wait3A_1085 = arith.constant 0 : i32
        %dma_wait3A_1086 = tpu.memref_slice %arg6[%dma_wait3A_1084, %dma_wait3A_1085] : memref<131072x1024xf32, #tpu.memory_space<hbm>> -> memref<131072x1024xf32, #tpu.memory_space<hbm>>
        tpu.wait_indirect_dma semaphore(%arg34 : memref<!tpu.dma_semaphore, #tpu.memory_space<semaphore_mem>>) src(%arg10 : memref<32x1024xf32, #tpu.memory_space<vmem>>) dst(%dma_wait3A_1086 : memref<131072x1024xf32, #tpu.memory_space<hbm>>)
        %dma_wait3A_1087 = arith.constant 0 : i32
        %dma_wait3A_1088 = tpu.memref_slice %arg12[%dma_wait3A_1087] : memref<4096xf32, #tpu.memory_space<vmem>> -> memref<32xf32, #tpu.memory_space<vmem>>
        %dma_wait3A_1089 = arith.constant 0 : i32
        %dma_wait3A_1090 = tpu.memref_slice %arg7[%dma_wait3A_1089] : memref<131072xf32, #tpu.memory_space<hbm>> -> memref<131072xf32, #tpu.memory_space<hbm>>
        tpu.wait_indirect_dma semaphore(%arg34 : memref<!tpu.dma_semaphore, #tpu.memory_space<semaphore_mem>>) src(%dma_wait3A_1088 : memref<32xf32, #tpu.memory_space<vmem>>) dst(%dma_wait3A_1090 : memref<131072xf32, #tpu.memory_space<hbm>>)
        %dma_wait3A_1091 = arith.constant 0 : i32
        %dma_wait3A_1092 = tpu.memref_slice %arg13[%dma_wait3A_1091] : memref<512xi32, #tpu.memory_space<vmem>> -> memref<32xi32, #tpu.memory_space<vmem>>
        %dma_wait3A_1093 = arith.constant 0 : i32
        %dma_wait3A_1094 = tpu.memref_slice %arg8[%dma_wait3A_1093] : memref<131072xi32, #tpu.memory_space<hbm>> -> memref<131072xi32, #tpu.memory_space<hbm>>
        tpu.wait_indirect_dma semaphore(%arg34 : memref<!tpu.dma_semaphore, #tpu.memory_space<semaphore_mem>>) src(%dma_wait3A_1092 : memref<32xi32, #tpu.memory_space<vmem>>) dst(%dma_wait3A_1094 : memref<131072xi32, #tpu.memory_space<hbm>>)
        %dma_wait3A_1095 = arith.constant 0 : i32
        %dma_wait3A_1096 = arith.constant 0 : i32
        %dma_wait3A_1097 = tpu.memref_slice %arg6[%dma_wait3A_1095, %dma_wait3A_1096] : memref<131072x1024xf32, #tpu.memory_space<hbm>> -> memref<131072x1024xf32, #tpu.memory_space<hbm>>
        tpu.wait_indirect_dma semaphore(%arg34 : memref<!tpu.dma_semaphore, #tpu.memory_space<semaphore_mem>>) src(%arg10 : memref<32x1024xf32, #tpu.memory_space<vmem>>) dst(%dma_wait3A_1097 : memref<131072x1024xf32, #tpu.memory_space<hbm>>)
        %dma_wait3A_1098 = arith.constant 0 : i32
        %dma_wait3A_1099 = tpu.memref_slice %arg12[%dma_wait3A_1098] : memref<4096xf32, #tpu.memory_space<vmem>> -> memref<32xf32, #tpu.memory_space<vmem>>
        %dma_wait3A_1100 = arith.constant 0 : i32
        %dma_wait3A_1101 = tpu.memref_slice %arg7[%dma_wait3A_1100] : memref<131072xf32, #tpu.memory_space<hbm>> -> memref<131072xf32, #tpu.memory_space<hbm>>
        tpu.wait_indirect_dma semaphore(%arg34 : memref<!tpu.dma_semaphore, #tpu.memory_space<semaphore_mem>>) src(%dma_wait3A_1099 : memref<32xf32, #tpu.memory_space<vmem>>) dst(%dma_wait3A_1101 : memref<131072xf32, #tpu.memory_space<hbm>>)
        %dma_wait3A_1102 = arith.constant 0 : i32
        %dma_wait3A_1103 = tpu.memref_slice %arg13[%dma_wait3A_1102] : memref<512xi32, #tpu.memory_space<vmem>> -> memref<32xi32, #tpu.memory_space<vmem>>
        %dma_wait3A_1104 = arith.constant 0 : i32
        %dma_wait3A_1105 = tpu.memref_slice %arg8[%dma_wait3A_1104] : memref<131072xi32, #tpu.memory_space<hbm>> -> memref<131072xi32, #tpu.memory_space<hbm>>
        tpu.wait_indirect_dma semaphore(%arg34 : memref<!tpu.dma_semaphore, #tpu.memory_space<semaphore_mem>>) src(%dma_wait3A_1103 : memref<32xi32, #tpu.memory_space<vmem>>) dst(%dma_wait3A_1105 : memref<131072xi32, #tpu.memory_space<hbm>>)
        %dma_wait3A_1106 = arith.constant 0 : i32
        %dma_wait3A_1107 = arith.constant 0 : i32
        %dma_wait3A_1108 = tpu.memref_slice %arg6[%dma_wait3A_1106, %dma_wait3A_1107] : memref<131072x1024xf32, #tpu.memory_space<hbm>> -> memref<131072x1024xf32, #tpu.memory_space<hbm>>
        tpu.wait_indirect_dma semaphore(%arg34 : memref<!tpu.dma_semaphore, #tpu.memory_space<semaphore_mem>>) src(%arg10 : memref<32x1024xf32, #tpu.memory_space<vmem>>) dst(%dma_wait3A_1108 : memref<131072x1024xf32, #tpu.memory_space<hbm>>)
        %dma_wait3A_1109 = arith.constant 0 : i32
        %dma_wait3A_1110 = tpu.memref_slice %arg12[%dma_wait3A_1109] : memref<4096xf32, #tpu.memory_space<vmem>> -> memref<32xf32, #tpu.memory_space<vmem>>
        %dma_wait3A_1111 = arith.constant 0 : i32
        %dma_wait3A_1112 = tpu.memref_slice %arg7[%dma_wait3A_1111] : memref<131072xf32, #tpu.memory_space<hbm>> -> memref<131072xf32, #tpu.memory_space<hbm>>
        tpu.wait_indirect_dma semaphore(%arg34 : memref<!tpu.dma_semaphore, #tpu.memory_space<semaphore_mem>>) src(%dma_wait3A_1110 : memref<32xf32, #tpu.memory_space<vmem>>) dst(%dma_wait3A_1112 : memref<131072xf32, #tpu.memory_space<hbm>>)
        %dma_wait3A_1113 = arith.constant 0 : i32
        %dma_wait3A_1114 = tpu.memref_slice %arg13[%dma_wait3A_1113] : memref<512xi32, #tpu.memory_space<vmem>> -> memref<32xi32, #tpu.memory_space<vmem>>
        %dma_wait3A_1115 = arith.constant 0 : i32
        %dma_wait3A_1116 = tpu.memref_slice %arg8[%dma_wait3A_1115] : memref<131072xi32, #tpu.memory_space<hbm>> -> memref<131072xi32, #tpu.memory_space<hbm>>
        tpu.wait_indirect_dma semaphore(%arg34 : memref<!tpu.dma_semaphore, #tpu.memory_space<semaphore_mem>>) src(%dma_wait3A_1114 : memref<32xi32, #tpu.memory_space<vmem>>) dst(%dma_wait3A_1116 : memref<131072xi32, #tpu.memory_space<hbm>>)
        %dma_wait3A_1117 = arith.constant 0 : i32
        %dma_wait3A_1118 = arith.constant 0 : i32
        %dma_wait3A_1119 = tpu.memref_slice %arg6[%dma_wait3A_1117, %dma_wait3A_1118] : memref<131072x1024xf32, #tpu.memory_space<hbm>> -> memref<131072x1024xf32, #tpu.memory_space<hbm>>
        tpu.wait_indirect_dma semaphore(%arg34 : memref<!tpu.dma_semaphore, #tpu.memory_space<semaphore_mem>>) src(%arg10 : memref<32x1024xf32, #tpu.memory_space<vmem>>) dst(%dma_wait3A_1119 : memref<131072x1024xf32, #tpu.memory_space<hbm>>)
        %dma_wait3A_1120 = arith.constant 0 : i32
        %dma_wait3A_1121 = tpu.memref_slice %arg12[%dma_wait3A_1120] : memref<4096xf32, #tpu.memory_space<vmem>> -> memref<32xf32, #tpu.memory_space<vmem>>
        %dma_wait3A_1122 = arith.constant 0 : i32
        %dma_wait3A_1123 = tpu.memref_slice %arg7[%dma_wait3A_1122] : memref<131072xf32, #tpu.memory_space<hbm>> -> memref<131072xf32, #tpu.memory_space<hbm>>
        tpu.wait_indirect_dma semaphore(%arg34 : memref<!tpu.dma_semaphore, #tpu.memory_space<semaphore_mem>>) src(%dma_wait3A_1121 : memref<32xf32, #tpu.memory_space<vmem>>) dst(%dma_wait3A_1123 : memref<131072xf32, #tpu.memory_space<hbm>>)
        %dma_wait3A_1124 = arith.constant 0 : i32
        %dma_wait3A_1125 = tpu.memref_slice %arg13[%dma_wait3A_1124] : memref<512xi32, #tpu.memory_space<vmem>> -> memref<32xi32, #tpu.memory_space<vmem>>
        %dma_wait3A_1126 = arith.constant 0 : i32
        %dma_wait3A_1127 = tpu.memref_slice %arg8[%dma_wait3A_1126] : memref<131072xi32, #tpu.memory_space<hbm>> -> memref<131072xi32, #tpu.memory_space<hbm>>
        tpu.wait_indirect_dma semaphore(%arg34 : memref<!tpu.dma_semaphore, #tpu.memory_space<semaphore_mem>>) src(%dma_wait3A_1125 : memref<32xi32, #tpu.memory_space<vmem>>) dst(%dma_wait3A_1127 : memref<131072xi32, #tpu.memory_space<hbm>>)
        %dma_wait3A_1128 = arith.constant 0 : i32
        %dma_wait3A_1129 = arith.constant 0 : i32
        %dma_wait3A_1130 = tpu.memref_slice %arg6[%dma_wait3A_1128, %dma_wait3A_1129] : memref<131072x1024xf32, #tpu.memory_space<hbm>> -> memref<131072x1024xf32, #tpu.memory_space<hbm>>
        tpu.wait_indirect_dma semaphore(%arg34 : memref<!tpu.dma_semaphore, #tpu.memory_space<semaphore_mem>>) src(%arg10 : memref<32x1024xf32, #tpu.memory_space<vmem>>) dst(%dma_wait3A_1130 : memref<131072x1024xf32, #tpu.memory_space<hbm>>)
        %dma_wait3A_1131 = arith.constant 0 : i32
        %dma_wait3A_1132 = tpu.memref_slice %arg12[%dma_wait3A_1131] : memref<4096xf32, #tpu.memory_space<vmem>> -> memref<32xf32, #tpu.memory_space<vmem>>
        %dma_wait3A_1133 = arith.constant 0 : i32
        %dma_wait3A_1134 = tpu.memref_slice %arg7[%dma_wait3A_1133] : memref<131072xf32, #tpu.memory_space<hbm>> -> memref<131072xf32, #tpu.memory_space<hbm>>
        tpu.wait_indirect_dma semaphore(%arg34 : memref<!tpu.dma_semaphore, #tpu.memory_space<semaphore_mem>>) src(%dma_wait3A_1132 : memref<32xf32, #tpu.memory_space<vmem>>) dst(%dma_wait3A_1134 : memref<131072xf32, #tpu.memory_space<hbm>>)
        %dma_wait3A_1135 = arith.constant 0 : i32
        %dma_wait3A_1136 = tpu.memref_slice %arg13[%dma_wait3A_1135] : memref<512xi32, #tpu.memory_space<vmem>> -> memref<32xi32, #tpu.memory_space<vmem>>
        %dma_wait3A_1137 = arith.constant 0 : i32
        %dma_wait3A_1138 = tpu.memref_slice %arg8[%dma_wait3A_1137] : memref<131072xi32, #tpu.memory_space<hbm>> -> memref<131072xi32, #tpu.memory_space<hbm>>
        tpu.wait_indirect_dma semaphore(%arg34 : memref<!tpu.dma_semaphore, #tpu.memory_space<semaphore_mem>>) src(%dma_wait3A_1136 : memref<32xi32, #tpu.memory_space<vmem>>) dst(%dma_wait3A_1138 : memref<131072xi32, #tpu.memory_space<hbm>>)
        %dma_wait3A_1139 = arith.constant 0 : i32
        %dma_wait3A_1140 = arith.constant 0 : i32
        %dma_wait3A_1141 = tpu.memref_slice %arg6[%dma_wait3A_1139, %dma_wait3A_1140] : memref<131072x1024xf32, #tpu.memory_space<hbm>> -> memref<131072x1024xf32, #tpu.memory_space<hbm>>
        tpu.wait_indirect_dma semaphore(%arg34 : memref<!tpu.dma_semaphore, #tpu.memory_space<semaphore_mem>>) src(%arg10 : memref<32x1024xf32, #tpu.memory_space<vmem>>) dst(%dma_wait3A_1141 : memref<131072x1024xf32, #tpu.memory_space<hbm>>)
        %dma_wait3A_1142 = arith.constant 0 : i32
        %dma_wait3A_1143 = tpu.memref_slice %arg12[%dma_wait3A_1142] : memref<4096xf32, #tpu.memory_space<vmem>> -> memref<32xf32, #tpu.memory_space<vmem>>
        %dma_wait3A_1144 = arith.constant 0 : i32
        %dma_wait3A_1145 = tpu.memref_slice %arg7[%dma_wait3A_1144] : memref<131072xf32, #tpu.memory_space<hbm>> -> memref<131072xf32, #tpu.memory_space<hbm>>
        tpu.wait_indirect_dma semaphore(%arg34 : memref<!tpu.dma_semaphore, #tpu.memory_space<semaphore_mem>>) src(%dma_wait3A_1143 : memref<32xf32, #tpu.memory_space<vmem>>) dst(%dma_wait3A_1145 : memref<131072xf32, #tpu.memory_space<hbm>>)
        %dma_wait3A_1146 = arith.constant 0 : i32
        %dma_wait3A_1147 = tpu.memref_slice %arg13[%dma_wait3A_1146] : memref<512xi32, #tpu.memory_space<vmem>> -> memref<32xi32, #tpu.memory_space<vmem>>
        %dma_wait3A_1148 = arith.constant 0 : i32
        %dma_wait3A_1149 = tpu.memref_slice %arg8[%dma_wait3A_1148] : memref<131072xi32, #tpu.memory_space<hbm>> -> memref<131072xi32, #tpu.memory_space<hbm>>
        tpu.wait_indirect_dma semaphore(%arg34 : memref<!tpu.dma_semaphore, #tpu.memory_space<semaphore_mem>>) src(%dma_wait3A_1147 : memref<32xi32, #tpu.memory_space<vmem>>) dst(%dma_wait3A_1149 : memref<131072xi32, #tpu.memory_space<hbm>>)
        %dma_wait3A_1150 = arith.constant 0 : i32
        %dma_wait3A_1151 = arith.constant 0 : i32
        %dma_wait3A_1152 = tpu.memref_slice %arg6[%dma_wait3A_1150, %dma_wait3A_1151] : memref<131072x1024xf32, #tpu.memory_space<hbm>> -> memref<131072x1024xf32, #tpu.memory_space<hbm>>
        tpu.wait_indirect_dma semaphore(%arg34 : memref<!tpu.dma_semaphore, #tpu.memory_space<semaphore_mem>>) src(%arg10 : memref<32x1024xf32, #tpu.memory_space<vmem>>) dst(%dma_wait3A_1152 : memref<131072x1024xf32, #tpu.memory_space<hbm>>)
        %dma_wait3A_1153 = arith.constant 0 : i32
        %dma_wait3A_1154 = tpu.memref_slice %arg12[%dma_wait3A_1153] : memref<4096xf32, #tpu.memory_space<vmem>> -> memref<32xf32, #tpu.memory_space<vmem>>
        %dma_wait3A_1155 = arith.constant 0 : i32
        %dma_wait3A_1156 = tpu.memref_slice %arg7[%dma_wait3A_1155] : memref<131072xf32, #tpu.memory_space<hbm>> -> memref<131072xf32, #tpu.memory_space<hbm>>
        tpu.wait_indirect_dma semaphore(%arg34 : memref<!tpu.dma_semaphore, #tpu.memory_space<semaphore_mem>>) src(%dma_wait3A_1154 : memref<32xf32, #tpu.memory_space<vmem>>) dst(%dma_wait3A_1156 : memref<131072xf32, #tpu.memory_space<hbm>>)
        %dma_wait3A_1157 = arith.constant 0 : i32
        %dma_wait3A_1158 = tpu.memref_slice %arg13[%dma_wait3A_1157] : memref<512xi32, #tpu.memory_space<vmem>> -> memref<32xi32, #tpu.memory_space<vmem>>
        %dma_wait3A_1159 = arith.constant 0 : i32
        %dma_wait3A_1160 = tpu.memref_slice %arg8[%dma_wait3A_1159] : memref<131072xi32, #tpu.memory_space<hbm>> -> memref<131072xi32, #tpu.memory_space<hbm>>
        tpu.wait_indirect_dma semaphore(%arg34 : memref<!tpu.dma_semaphore, #tpu.memory_space<semaphore_mem>>) src(%dma_wait3A_1158 : memref<32xi32, #tpu.memory_space<vmem>>) dst(%dma_wait3A_1160 : memref<131072xi32, #tpu.memory_space<hbm>>)
        %dma_wait3A_1161 = arith.constant 0 : i32
        %dma_wait3A_1162 = arith.constant 0 : i32
        %dma_wait3A_1163 = tpu.memref_slice %arg6[%dma_wait3A_1161, %dma_wait3A_1162] : memref<131072x1024xf32, #tpu.memory_space<hbm>> -> memref<131072x1024xf32, #tpu.memory_space<hbm>>
        tpu.wait_indirect_dma semaphore(%arg34 : memref<!tpu.dma_semaphore, #tpu.memory_space<semaphore_mem>>) src(%arg10 : memref<32x1024xf32, #tpu.memory_space<vmem>>) dst(%dma_wait3A_1163 : memref<131072x1024xf32, #tpu.memory_space<hbm>>)
        %dma_wait3A_1164 = arith.constant 0 : i32
        %dma_wait3A_1165 = tpu.memref_slice %arg12[%dma_wait3A_1164] : memref<4096xf32, #tpu.memory_space<vmem>> -> memref<32xf32, #tpu.memory_space<vmem>>
        %dma_wait3A_1166 = arith.constant 0 : i32
        %dma_wait3A_1167 = tpu.memref_slice %arg7[%dma_wait3A_1166] : memref<131072xf32, #tpu.memory_space<hbm>> -> memref<131072xf32, #tpu.memory_space<hbm>>
        tpu.wait_indirect_dma semaphore(%arg34 : memref<!tpu.dma_semaphore, #tpu.memory_space<semaphore_mem>>) src(%dma_wait3A_1165 : memref<32xf32, #tpu.memory_space<vmem>>) dst(%dma_wait3A_1167 : memref<131072xf32, #tpu.memory_space<hbm>>)
        %dma_wait3A_1168 = arith.constant 0 : i32
        %dma_wait3A_1169 = tpu.memref_slice %arg13[%dma_wait3A_1168] : memref<512xi32, #tpu.memory_space<vmem>> -> memref<32xi32, #tpu.memory_space<vmem>>
        %dma_wait3A_1170 = arith.constant 0 : i32
        %dma_wait3A_1171 = tpu.memref_slice %arg8[%dma_wait3A_1170] : memref<131072xi32, #tpu.memory_space<hbm>> -> memref<131072xi32, #tpu.memory_space<hbm>>
        tpu.wait_indirect_dma semaphore(%arg34 : memref<!tpu.dma_semaphore, #tpu.memory_space<semaphore_mem>>) src(%dma_wait3A_1169 : memref<32xi32, #tpu.memory_space<vmem>>) dst(%dma_wait3A_1171 : memref<131072xi32, #tpu.memory_space<hbm>>)
      } else {
      }
      %dma_start3A_547 = arith.constant 0 : i32
      %dma_start3A_548 = arith.constant 0 : i32
      %dma_start3A_549 = tpu.memref_slice %arg6[%dma_start3A_547, %dma_start3A_548] : memref<131072x1024xf32, #tpu.memory_space<hbm>> -> memref<131072x1024xf32, #tpu.memory_space<hbm>>
      tpu.enqueue_indirect_dma source(%arg9 : memref<32x1024xf32, #tpu.memory_space<vmem>>) target(%dma_start3A_549 : memref<131072x1024xf32, #tpu.memory_space<hbm>>) offsets(%arg14 : memref<32xi32, #tpu.memory_space<vmem>>) semaphore(%arg33 : memref<!tpu.dma_semaphore, #tpu.memory_space<semaphore_mem>>)
      %mul3A_550 = arith.constant 32 : i32
      %mul3A_551 = arith.muli %mul3A_330, %mul3A_550 : i32
      %add3A_552 = arith.constant 0 : i32
      %add3A_553 = arith.addi %add3A_552, %mul3A_551 : i32
      %dma_start3A_554 = tpu.memref_slice %arg12[%add3A_553] : memref<4096xf32, #tpu.memory_space<vmem>> -> memref<32xf32, #tpu.memory_space<vmem>>
      %dma_start3A_555 = arith.constant 0 : i32
      %dma_start3A_556 = tpu.memref_slice %arg7[%dma_start3A_555] : memref<131072xf32, #tpu.memory_space<hbm>> -> memref<131072xf32, #tpu.memory_space<hbm>>
      tpu.enqueue_indirect_dma source(%dma_start3A_554 : memref<32xf32, #tpu.memory_space<vmem>>) target(%dma_start3A_556 : memref<131072xf32, #tpu.memory_space<hbm>>) offsets(%arg14 : memref<32xi32, #tpu.memory_space<vmem>>) semaphore(%arg33 : memref<!tpu.dma_semaphore, #tpu.memory_space<semaphore_mem>>)
      %mul3A_557 = arith.constant 32 : i32
      %mul3A_558 = arith.muli %mul3A_330, %mul3A_557 : i32
      %dma_start3A_559 = tpu.memref_slice %arg13[%mul3A_558] : memref<512xi32, #tpu.memory_space<vmem>> -> memref<32xi32, #tpu.memory_space<vmem>>
      %dma_start3A_560 = arith.constant 0 : i32
      %dma_start3A_561 = tpu.memref_slice %arg8[%dma_start3A_560] : memref<131072xi32, #tpu.memory_space<hbm>> -> memref<131072xi32, #tpu.memory_space<hbm>>
      tpu.enqueue_indirect_dma source(%dma_start3A_559 : memref<32xi32, #tpu.memory_space<vmem>>) target(%dma_start3A_561 : memref<131072xi32, #tpu.memory_space<hbm>>) offsets(%arg14 : memref<32xi32, #tpu.memory_space<vmem>>) semaphore(%arg33 : memref<!tpu.dma_semaphore, #tpu.memory_space<semaphore_mem>>)
      %dma_start3A_562 = arith.constant 0 : i32
      %dma_start3A_563 = arith.constant 0 : i32
      %dma_start3A_564 = tpu.memref_slice %arg6[%dma_start3A_562, %dma_start3A_563] : memref<131072x1024xf32, #tpu.memory_space<hbm>> -> memref<131072x1024xf32, #tpu.memory_space<hbm>>
      tpu.enqueue_indirect_dma source(%arg9 : memref<32x1024xf32, #tpu.memory_space<vmem>>) target(%dma_start3A_564 : memref<131072x1024xf32, #tpu.memory_space<hbm>>) offsets(%arg15 : memref<32xi32, #tpu.memory_space<vmem>>) semaphore(%arg33 : memref<!tpu.dma_semaphore, #tpu.memory_space<semaphore_mem>>)
      %mul3A_565 = arith.constant 32 : i32
      %mul3A_566 = arith.muli %mul3A_330, %mul3A_565 : i32
      %add3A_567 = arith.constant 512 : i32
      %add3A_568 = arith.addi %add3A_567, %mul3A_566 : i32
      %dma_start3A_569 = tpu.memref_slice %arg12[%add3A_568] : memref<4096xf32, #tpu.memory_space<vmem>> -> memref<32xf32, #tpu.memory_space<vmem>>
      %dma_start3A_570 = arith.constant 0 : i32
      %dma_start3A_571 = tpu.memref_slice %arg7[%dma_start3A_570] : memref<131072xf32, #tpu.memory_space<hbm>> -> memref<131072xf32, #tpu.memory_space<hbm>>
      tpu.enqueue_indirect_dma source(%dma_start3A_569 : memref<32xf32, #tpu.memory_space<vmem>>) target(%dma_start3A_571 : memref<131072xf32, #tpu.memory_space<hbm>>) offsets(%arg15 : memref<32xi32, #tpu.memory_space<vmem>>) semaphore(%arg33 : memref<!tpu.dma_semaphore, #tpu.memory_space<semaphore_mem>>)
      %mul3A_572 = arith.constant 32 : i32
      %mul3A_573 = arith.muli %mul3A_330, %mul3A_572 : i32
      %dma_start3A_574 = tpu.memref_slice %arg13[%mul3A_573] : memref<512xi32, #tpu.memory_space<vmem>> -> memref<32xi32, #tpu.memory_space<vmem>>
      %dma_start3A_575 = arith.constant 0 : i32
      %dma_start3A_576 = tpu.memref_slice %arg8[%dma_start3A_575] : memref<131072xi32, #tpu.memory_space<hbm>> -> memref<131072xi32, #tpu.memory_space<hbm>>
      tpu.enqueue_indirect_dma source(%dma_start3A_574 : memref<32xi32, #tpu.memory_space<vmem>>) target(%dma_start3A_576 : memref<131072xi32, #tpu.memory_space<hbm>>) offsets(%arg15 : memref<32xi32, #tpu.memory_space<vmem>>) semaphore(%arg33 : memref<!tpu.dma_semaphore, #tpu.memory_space<semaphore_mem>>)
      %dma_start3A_577 = arith.constant 0 : i32
      %dma_start3A_578 = arith.constant 0 : i32
      %dma_start3A_579 = tpu.memref_slice %arg6[%dma_start3A_577, %dma_start3A_578] : memref<131072x1024xf32, #tpu.memory_space<hbm>> -> memref<131072x1024xf32, #tpu.memory_space<hbm>>
      tpu.enqueue_indirect_dma source(%arg9 : memref<32x1024xf32, #tpu.memory_space<vmem>>) target(%dma_start3A_579 : memref<131072x1024xf32, #tpu.memory_space<hbm>>) offsets(%arg16 : memref<32xi32, #tpu.memory_space<vmem>>) semaphore(%arg33 : memref<!tpu.dma_semaphore, #tpu.memory_space<semaphore_mem>>)
      %mul3A_580 = arith.constant 32 : i32
      %mul3A_581 = arith.muli %mul3A_330, %mul3A_580 : i32
      %add3A_582 = arith.constant 1024 : i32
      %add3A_583 = arith.addi %add3A_582, %mul3A_581 : i32
      %dma_start3A_584 = tpu.memref_slice %arg12[%add3A_583] : memref<4096xf32, #tpu.memory_space<vmem>> -> memref<32xf32, #tpu.memory_space<vmem>>
      %dma_start3A_585 = arith.constant 0 : i32
      %dma_start3A_586 = tpu.memref_slice %arg7[%dma_start3A_585] : memref<131072xf32, #tpu.memory_space<hbm>> -> memref<131072xf32, #tpu.memory_space<hbm>>
      tpu.enqueue_indirect_dma source(%dma_start3A_584 : memref<32xf32, #tpu.memory_space<vmem>>) target(%dma_start3A_586 : memref<131072xf32, #tpu.memory_space<hbm>>) offsets(%arg16 : memref<32xi32, #tpu.memory_space<vmem>>) semaphore(%arg33 : memref<!tpu.dma_semaphore, #tpu.memory_space<semaphore_mem>>)
      %mul3A_587 = arith.constant 32 : i32
      %mul3A_588 = arith.muli %mul3A_330, %mul3A_587 : i32
      %dma_start3A_589 = tpu.memref_slice %arg13[%mul3A_588] : memref<512xi32, #tpu.memory_space<vmem>> -> memref<32xi32, #tpu.memory_space<vmem>>
      %dma_start3A_590 = arith.constant 0 : i32
      %dma_start3A_591 = tpu.memref_slice %arg8[%dma_start3A_590] : memref<131072xi32, #tpu.memory_space<hbm>> -> memref<131072xi32, #tpu.memory_space<hbm>>
      tpu.enqueue_indirect_dma source(%dma_start3A_589 : memref<32xi32, #tpu.memory_space<vmem>>) target(%dma_start3A_591 : memref<131072xi32, #tpu.memory_space<hbm>>) offsets(%arg16 : memref<32xi32, #tpu.memory_space<vmem>>) semaphore(%arg33 : memref<!tpu.dma_semaphore, #tpu.memory_space<semaphore_mem>>)
      %dma_start3A_592 = arith.constant 0 : i32
      %dma_start3A_593 = arith.constant 0 : i32
      %dma_start3A_594 = tpu.memref_slice %arg6[%dma_start3A_592, %dma_start3A_593] : memref<131072x1024xf32, #tpu.memory_space<hbm>> -> memref<131072x1024xf32, #tpu.memory_space<hbm>>
      tpu.enqueue_indirect_dma source(%arg9 : memref<32x1024xf32, #tpu.memory_space<vmem>>) target(%dma_start3A_594 : memref<131072x1024xf32, #tpu.memory_space<hbm>>) offsets(%arg17 : memref<32xi32, #tpu.memory_space<vmem>>) semaphore(%arg33 : memref<!tpu.dma_semaphore, #tpu.memory_space<semaphore_mem>>)
      %mul3A_595 = arith.constant 32 : i32
      %mul3A_596 = arith.muli %mul3A_330, %mul3A_595 : i32
      %add3A_597 = arith.constant 1536 : i32
      %add3A_598 = arith.addi %add3A_597, %mul3A_596 : i32
      %dma_start3A_599 = tpu.memref_slice %arg12[%add3A_598] : memref<4096xf32, #tpu.memory_space<vmem>> -> memref<32xf32, #tpu.memory_space<vmem>>
      %dma_start3A_600 = arith.constant 0 : i32
      %dma_start3A_601 = tpu.memref_slice %arg7[%dma_start3A_600] : memref<131072xf32, #tpu.memory_space<hbm>> -> memref<131072xf32, #tpu.memory_space<hbm>>
      tpu.enqueue_indirect_dma source(%dma_start3A_599 : memref<32xf32, #tpu.memory_space<vmem>>) target(%dma_start3A_601 : memref<131072xf32, #tpu.memory_space<hbm>>) offsets(%arg17 : memref<32xi32, #tpu.memory_space<vmem>>) semaphore(%arg33 : memref<!tpu.dma_semaphore, #tpu.memory_space<semaphore_mem>>)
      %mul3A_602 = arith.constant 32 : i32
      %mul3A_603 = arith.muli %mul3A_330, %mul3A_602 : i32
      %dma_start3A_604 = tpu.memref_slice %arg13[%mul3A_603] : memref<512xi32, #tpu.memory_space<vmem>> -> memref<32xi32, #tpu.memory_space<vmem>>
      %dma_start3A_605 = arith.constant 0 : i32
      %dma_start3A_606 = tpu.memref_slice %arg8[%dma_start3A_605] : memref<131072xi32, #tpu.memory_space<hbm>> -> memref<131072xi32, #tpu.memory_space<hbm>>
      tpu.enqueue_indirect_dma source(%dma_start3A_604 : memref<32xi32, #tpu.memory_space<vmem>>) target(%dma_start3A_606 : memref<131072xi32, #tpu.memory_space<hbm>>) offsets(%arg17 : memref<32xi32, #tpu.memory_space<vmem>>) semaphore(%arg33 : memref<!tpu.dma_semaphore, #tpu.memory_space<semaphore_mem>>)
      %dma_start3A_607 = arith.constant 0 : i32
      %dma_start3A_608 = arith.constant 0 : i32
      %dma_start3A_609 = tpu.memref_slice %arg6[%dma_start3A_607, %dma_start3A_608] : memref<131072x1024xf32, #tpu.memory_space<hbm>> -> memref<131072x1024xf32, #tpu.memory_space<hbm>>
      tpu.enqueue_indirect_dma source(%arg9 : memref<32x1024xf32, #tpu.memory_space<vmem>>) target(%dma_start3A_609 : memref<131072x1024xf32, #tpu.memory_space<hbm>>) offsets(%arg18 : memref<32xi32, #tpu.memory_space<vmem>>) semaphore(%arg33 : memref<!tpu.dma_semaphore, #tpu.memory_space<semaphore_mem>>)
      %mul3A_610 = arith.constant 32 : i32
      %mul3A_611 = arith.muli %mul3A_330, %mul3A_610 : i32
      %add3A_612 = arith.constant 2048 : i32
      %add3A_613 = arith.addi %add3A_612, %mul3A_611 : i32
      %dma_start3A_614 = tpu.memref_slice %arg12[%add3A_613] : memref<4096xf32, #tpu.memory_space<vmem>> -> memref<32xf32, #tpu.memory_space<vmem>>
      %dma_start3A_615 = arith.constant 0 : i32
      %dma_start3A_616 = tpu.memref_slice %arg7[%dma_start3A_615] : memref<131072xf32, #tpu.memory_space<hbm>> -> memref<131072xf32, #tpu.memory_space<hbm>>
      tpu.enqueue_indirect_dma source(%dma_start3A_614 : memref<32xf32, #tpu.memory_space<vmem>>) target(%dma_start3A_616 : memref<131072xf32, #tpu.memory_space<hbm>>) offsets(%arg18 : memref<32xi32, #tpu.memory_space<vmem>>) semaphore(%arg33 : memref<!tpu.dma_semaphore, #tpu.memory_space<semaphore_mem>>)
      %mul3A_617 = arith.constant 32 : i32
      %mul3A_618 = arith.muli %mul3A_330, %mul3A_617 : i32
      %dma_start3A_619 = tpu.memref_slice %arg13[%mul3A_618] : memref<512xi32, #tpu.memory_space<vmem>> -> memref<32xi32, #tpu.memory_space<vmem>>
      %dma_start3A_620 = arith.constant 0 : i32
      %dma_start3A_621 = tpu.memref_slice %arg8[%dma_start3A_620] : memref<131072xi32, #tpu.memory_space<hbm>> -> memref<131072xi32, #tpu.memory_space<hbm>>
      tpu.enqueue_indirect_dma source(%dma_start3A_619 : memref<32xi32, #tpu.memory_space<vmem>>) target(%dma_start3A_621 : memref<131072xi32, #tpu.memory_space<hbm>>) offsets(%arg18 : memref<32xi32, #tpu.memory_space<vmem>>) semaphore(%arg33 : memref<!tpu.dma_semaphore, #tpu.memory_space<semaphore_mem>>)
      %dma_start3A_622 = arith.constant 0 : i32
      %dma_start3A_623 = arith.constant 0 : i32
      %dma_start3A_624 = tpu.memref_slice %arg6[%dma_start3A_622, %dma_start3A_623] : memref<131072x1024xf32, #tpu.memory_space<hbm>> -> memref<131072x1024xf32, #tpu.memory_space<hbm>>
      tpu.enqueue_indirect_dma source(%arg9 : memref<32x1024xf32, #tpu.memory_space<vmem>>) target(%dma_start3A_624 : memref<131072x1024xf32, #tpu.memory_space<hbm>>) offsets(%arg19 : memref<32xi32, #tpu.memory_space<vmem>>) semaphore(%arg33 : memref<!tpu.dma_semaphore, #tpu.memory_space<semaphore_mem>>)
      %mul3A_625 = arith.constant 32 : i32
      %mul3A_626 = arith.muli %mul3A_330, %mul3A_625 : i32
      %add3A_627 = arith.constant 2560 : i32
      %add3A_628 = arith.addi %add3A_627, %mul3A_626 : i32
      %dma_start3A_629 = tpu.memref_slice %arg12[%add3A_628] : memref<4096xf32, #tpu.memory_space<vmem>> -> memref<32xf32, #tpu.memory_space<vmem>>
      %dma_start3A_630 = arith.constant 0 : i32
      %dma_start3A_631 = tpu.memref_slice %arg7[%dma_start3A_630] : memref<131072xf32, #tpu.memory_space<hbm>> -> memref<131072xf32, #tpu.memory_space<hbm>>
      tpu.enqueue_indirect_dma source(%dma_start3A_629 : memref<32xf32, #tpu.memory_space<vmem>>) target(%dma_start3A_631 : memref<131072xf32, #tpu.memory_space<hbm>>) offsets(%arg19 : memref<32xi32, #tpu.memory_space<vmem>>) semaphore(%arg33 : memref<!tpu.dma_semaphore, #tpu.memory_space<semaphore_mem>>)
      %mul3A_632 = arith.constant 32 : i32
      %mul3A_633 = arith.muli %mul3A_330, %mul3A_632 : i32
      %dma_start3A_634 = tpu.memref_slice %arg13[%mul3A_633] : memref<512xi32, #tpu.memory_space<vmem>> -> memref<32xi32, #tpu.memory_space<vmem>>
      %dma_start3A_635 = arith.constant 0 : i32
      %dma_start3A_636 = tpu.memref_slice %arg8[%dma_start3A_635] : memref<131072xi32, #tpu.memory_space<hbm>> -> memref<131072xi32, #tpu.memory_space<hbm>>
      tpu.enqueue_indirect_dma source(%dma_start3A_634 : memref<32xi32, #tpu.memory_space<vmem>>) target(%dma_start3A_636 : memref<131072xi32, #tpu.memory_space<hbm>>) offsets(%arg19 : memref<32xi32, #tpu.memory_space<vmem>>) semaphore(%arg33 : memref<!tpu.dma_semaphore, #tpu.memory_space<semaphore_mem>>)
      %dma_start3A_637 = arith.constant 0 : i32
      %dma_start3A_638 = arith.constant 0 : i32
      %dma_start3A_639 = tpu.memref_slice %arg6[%dma_start3A_637, %dma_start3A_638] : memref<131072x1024xf32, #tpu.memory_space<hbm>> -> memref<131072x1024xf32, #tpu.memory_space<hbm>>
      tpu.enqueue_indirect_dma source(%arg9 : memref<32x1024xf32, #tpu.memory_space<vmem>>) target(%dma_start3A_639 : memref<131072x1024xf32, #tpu.memory_space<hbm>>) offsets(%arg20 : memref<32xi32, #tpu.memory_space<vmem>>) semaphore(%arg33 : memref<!tpu.dma_semaphore, #tpu.memory_space<semaphore_mem>>)
      %mul3A_640 = arith.constant 32 : i32
      %mul3A_641 = arith.muli %mul3A_330, %mul3A_640 : i32
      %add3A_642 = arith.constant 3072 : i32
      %add3A_643 = arith.addi %add3A_642, %mul3A_641 : i32
      %dma_start3A_644 = tpu.memref_slice %arg12[%add3A_643] : memref<4096xf32, #tpu.memory_space<vmem>> -> memref<32xf32, #tpu.memory_space<vmem>>
      %dma_start3A_645 = arith.constant 0 : i32
      %dma_start3A_646 = tpu.memref_slice %arg7[%dma_start3A_645] : memref<131072xf32, #tpu.memory_space<hbm>> -> memref<131072xf32, #tpu.memory_space<hbm>>
      tpu.enqueue_indirect_dma source(%dma_start3A_644 : memref<32xf32, #tpu.memory_space<vmem>>) target(%dma_start3A_646 : memref<131072xf32, #tpu.memory_space<hbm>>) offsets(%arg20 : memref<32xi32, #tpu.memory_space<vmem>>) semaphore(%arg33 : memref<!tpu.dma_semaphore, #tpu.memory_space<semaphore_mem>>)
      %mul3A_647 = arith.constant 32 : i32
      %mul3A_648 = arith.muli %mul3A_330, %mul3A_647 : i32
      %dma_start3A_649 = tpu.memref_slice %arg13[%mul3A_648] : memref<512xi32, #tpu.memory_space<vmem>> -> memref<32xi32, #tpu.memory_space<vmem>>
      %dma_start3A_650 = arith.constant 0 : i32
      %dma_start3A_651 = tpu.memref_slice %arg8[%dma_start3A_650] : memref<131072xi32, #tpu.memory_space<hbm>> -> memref<131072xi32, #tpu.memory_space<hbm>>
      tpu.enqueue_indirect_dma source(%dma_start3A_649 : memref<32xi32, #tpu.memory_space<vmem>>) target(%dma_start3A_651 : memref<131072xi32, #tpu.memory_space<hbm>>) offsets(%arg20 : memref<32xi32, #tpu.memory_space<vmem>>) semaphore(%arg33 : memref<!tpu.dma_semaphore, #tpu.memory_space<semaphore_mem>>)
      %dma_start3A_652 = arith.constant 0 : i32
      %dma_start3A_653 = arith.constant 0 : i32
      %dma_start3A_654 = tpu.memref_slice %arg6[%dma_start3A_652, %dma_start3A_653] : memref<131072x1024xf32, #tpu.memory_space<hbm>> -> memref<131072x1024xf32, #tpu.memory_space<hbm>>
      tpu.enqueue_indirect_dma source(%arg9 : memref<32x1024xf32, #tpu.memory_space<vmem>>) target(%dma_start3A_654 : memref<131072x1024xf32, #tpu.memory_space<hbm>>) offsets(%arg21 : memref<32xi32, #tpu.memory_space<vmem>>) semaphore(%arg33 : memref<!tpu.dma_semaphore, #tpu.memory_space<semaphore_mem>>)
      %mul3A_655 = arith.constant 32 : i32
      %mul3A_656 = arith.muli %mul3A_330, %mul3A_655 : i32
      %add3A_657 = arith.constant 3584 : i32
      %add3A_658 = arith.addi %add3A_657, %mul3A_656 : i32
      %dma_start3A_659 = tpu.memref_slice %arg12[%add3A_658] : memref<4096xf32, #tpu.memory_space<vmem>> -> memref<32xf32, #tpu.memory_space<vmem>>
      %dma_start3A_660 = arith.constant 0 : i32
      %dma_start3A_661 = tpu.memref_slice %arg7[%dma_start3A_660] : memref<131072xf32, #tpu.memory_space<hbm>> -> memref<131072xf32, #tpu.memory_space<hbm>>
      tpu.enqueue_indirect_dma source(%dma_start3A_659 : memref<32xf32, #tpu.memory_space<vmem>>) target(%dma_start3A_661 : memref<131072xf32, #tpu.memory_space<hbm>>) offsets(%arg21 : memref<32xi32, #tpu.memory_space<vmem>>) semaphore(%arg33 : memref<!tpu.dma_semaphore, #tpu.memory_space<semaphore_mem>>)
      %mul3A_662 = arith.constant 32 : i32
      %mul3A_663 = arith.muli %mul3A_330, %mul3A_662 : i32
      %dma_start3A_664 = tpu.memref_slice %arg13[%mul3A_663] : memref<512xi32, #tpu.memory_space<vmem>> -> memref<32xi32, #tpu.memory_space<vmem>>
      %dma_start3A_665 = arith.constant 0 : i32
      %dma_start3A_666 = tpu.memref_slice %arg8[%dma_start3A_665] : memref<131072xi32, #tpu.memory_space<hbm>> -> memref<131072xi32, #tpu.memory_space<hbm>>
      tpu.enqueue_indirect_dma source(%dma_start3A_664 : memref<32xi32, #tpu.memory_space<vmem>>) target(%dma_start3A_666 : memref<131072xi32, #tpu.memory_space<hbm>>) offsets(%arg21 : memref<32xi32, #tpu.memory_space<vmem>>) semaphore(%arg33 : memref<!tpu.dma_semaphore, #tpu.memory_space<semaphore_mem>>)
      %mul3A_667 = arith.constant 32 : i32
      %mul3A_668 = arith.muli %add3A_332, %mul3A_667 : i32
      %add3A_669 = arith.addi %mul3A_2, %mul3A_668 : i32
      %dma_start3A_670 = arith.constant 0 : i32
      %dma_start3A_671 = tpu.memref_slice %arg2[%add3A_669, %dma_start3A_670] : memref<16384x1024xf32, #tpu.memory_space<hbm>> -> memref<32x1024xf32, #tpu.memory_space<hbm>>
      %dma_start3A_672 = arith.constant 0 : i32
      %dma_start3A_673 = tpu.memref_slice %arg2[%add3A_669, %dma_start3A_672] : memref<16384x1024xf32, #tpu.memory_space<hbm>> -> memref<32x1024xf32, #tpu.memory_space<hbm>>
      tpu.enqueue_dma source(%dma_start3A_673 : memref<32x1024xf32, #tpu.memory_space<hbm>>) target(%arg10 : memref<32x1024xf32, #tpu.memory_space<vmem>>) target_semaphore(%arg32 : memref<!tpu.dma_semaphore, #tpu.memory_space<semaphore_mem>>)
      %mul3A_674 = arith.constant 32 : i32
      %mul3A_675 = arith.muli %add3A_332, %mul3A_674 : i32
      %add3A_676 = arith.constant 0 : i32
      %add3A_677 = arith.addi %add3A_676, %mul3A_675 : i32
      %add3A_678 = arith.constant 0 : i32
      %add3A_679 = arith.addi %add3A_677, %add3A_678 : i32
      %get3A_680 = arith.index_cast %add3A_679 : i32 to index
      %get3A_681 = tpu.vector_load %arg11[%get3A_680] {strides = array<i32>} : memref<4096xi32, #tpu.memory_space<vmem>>, vector<16xi32>,
      %get3A_682 = vector.shape_cast %get3A_681 : vector<16xi32> to vector<16xi32>
      %swap3A_683 = arith.constant 0 : index
      %swap3A_684 = tpu.vector_load %arg22[%swap3A_683] {strides = array<i32>} : memref<32xi32, #tpu.memory_space<vmem>>, vector<16xi32>,
      %swap3A_685 = vector.shape_cast %swap3A_684 : vector<16xi32> to vector<16xi32>
      %swap3A_686 = vector.shape_cast %get3A_682 : vector<16xi32> to vector<16xi32>
      tpu.vector_store %arg22[%swap3A_683], %swap3A_686 {strides = array<i32>} : memref<32xi32, #tpu.memory_space<vmem>>, vector<16xi32>,
      %mul3A_687 = arith.constant 32 : i32
      %mul3A_688 = arith.muli %add3A_332, %mul3A_687 : i32
      %add3A_689 = arith.constant 0 : i32
      %add3A_690 = arith.addi %add3A_689, %mul3A_688 : i32
      %add3A_691 = arith.constant 16 : i32
      %add3A_692 = arith.addi %add3A_690, %add3A_691 : i32
      %get3A_693 = arith.index_cast %add3A_692 : i32 to index
      %get3A_694 = tpu.vector_load %arg11[%get3A_693] {strides = array<i32>} : memref<4096xi32, #tpu.memory_space<vmem>>, vector<16xi32>,
      %get3A_695 = vector.shape_cast %get3A_694 : vector<16xi32> to vector<16xi32>
      %swap3A_696 = arith.constant 16 : index
      %swap3A_697 = tpu.vector_load %arg22[%swap3A_696] {strides = array<i32>} : memref<32xi32, #tpu.memory_space<vmem>>, vector<16xi32>,
      %swap3A_698 = vector.shape_cast %swap3A_697 : vector<16xi32> to vector<16xi32>
      %swap3A_699 = vector.shape_cast %get3A_695 : vector<16xi32> to vector<16xi32>
      tpu.vector_store %arg22[%swap3A_696], %swap3A_699 {strides = array<i32>} : memref<32xi32, #tpu.memory_space<vmem>>, vector<16xi32>,
      %mul3A_700 = arith.constant 32 : i32
      %mul3A_701 = arith.muli %add3A_332, %mul3A_700 : i32
      %add3A_702 = arith.constant 512 : i32
      %add3A_703 = arith.addi %add3A_702, %mul3A_701 : i32
      %add3A_704 = arith.constant 0 : i32
      %add3A_705 = arith.addi %add3A_703, %add3A_704 : i32
      %get3A_706 = arith.index_cast %add3A_705 : i32 to index
      %get3A_707 = tpu.vector_load %arg11[%get3A_706] {strides = array<i32>} : memref<4096xi32, #tpu.memory_space<vmem>>, vector<16xi32>,
      %get3A_708 = vector.shape_cast %get3A_707 : vector<16xi32> to vector<16xi32>
      %swap3A_709 = arith.constant 0 : index
      %swap3A_710 = tpu.vector_load %arg23[%swap3A_709] {strides = array<i32>} : memref<32xi32, #tpu.memory_space<vmem>>, vector<16xi32>,
      %swap3A_711 = vector.shape_cast %swap3A_710 : vector<16xi32> to vector<16xi32>
      %swap3A_712 = vector.shape_cast %get3A_708 : vector<16xi32> to vector<16xi32>
      tpu.vector_store %arg23[%swap3A_709], %swap3A_712 {strides = array<i32>} : memref<32xi32, #tpu.memory_space<vmem>>, vector<16xi32>,
      %mul3A_713 = arith.constant 32 : i32
      %mul3A_714 = arith.muli %add3A_332, %mul3A_713 : i32
      %add3A_715 = arith.constant 512 : i32
      %add3A_716 = arith.addi %add3A_715, %mul3A_714 : i32
      %add3A_717 = arith.constant 16 : i32
      %add3A_718 = arith.addi %add3A_716, %add3A_717 : i32
      %get3A_719 = arith.index_cast %add3A_718 : i32 to index
      %get3A_720 = tpu.vector_load %arg11[%get3A_719] {strides = array<i32>} : memref<4096xi32, #tpu.memory_space<vmem>>, vector<16xi32>,
      %get3A_721 = vector.shape_cast %get3A_720 : vector<16xi32> to vector<16xi32>
      %swap3A_722 = arith.constant 16 : index
      %swap3A_723 = tpu.vector_load %arg23[%swap3A_722] {strides = array<i32>} : memref<32xi32, #tpu.memory_space<vmem>>, vector<16xi32>,
      %swap3A_724 = vector.shape_cast %swap3A_723 : vector<16xi32> to vector<16xi32>
      %swap3A_725 = vector.shape_cast %get3A_721 : vector<16xi32> to vector<16xi32>
      tpu.vector_store %arg23[%swap3A_722], %swap3A_725 {strides = array<i32>} : memref<32xi32, #tpu.memory_space<vmem>>, vector<16xi32>,
      %mul3A_726 = arith.constant 32 : i32
      %mul3A_727 = arith.muli %add3A_332, %mul3A_726 : i32
      %add3A_728 = arith.constant 1024 : i32
      %add3A_729 = arith.addi %add3A_728, %mul3A_727 : i32
      %add3A_730 = arith.constant 0 : i32
      %add3A_731 = arith.addi %add3A_729, %add3A_730 : i32
      %get3A_732 = arith.index_cast %add3A_731 : i32 to index
      %get3A_733 = tpu.vector_load %arg11[%get3A_732] {strides = array<i32>} : memref<4096xi32, #tpu.memory_space<vmem>>, vector<16xi32>,
      %get3A_734 = vector.shape_cast %get3A_733 : vector<16xi32> to vector<16xi32>
      %swap3A_735 = arith.constant 0 : index
      %swap3A_736 = tpu.vector_load %arg24[%swap3A_735] {strides = array<i32>} : memref<32xi32, #tpu.memory_space<vmem>>, vector<16xi32>,
      %swap3A_737 = vector.shape_cast %swap3A_736 : vector<16xi32> to vector<16xi32>
      %swap3A_738 = vector.shape_cast %get3A_734 : vector<16xi32> to vector<16xi32>
      tpu.vector_store %arg24[%swap3A_735], %swap3A_738 {strides = array<i32>} : memref<32xi32, #tpu.memory_space<vmem>>, vector<16xi32>,
      %mul3A_739 = arith.constant 32 : i32
      %mul3A_740 = arith.muli %add3A_332, %mul3A_739 : i32
      %add3A_741 = arith.constant 1024 : i32
      %add3A_742 = arith.addi %add3A_741, %mul3A_740 : i32
      %add3A_743 = arith.constant 16 : i32
      %add3A_744 = arith.addi %add3A_742, %add3A_743 : i32
      %get3A_745 = arith.index_cast %add3A_744 : i32 to index
      %get3A_746 = tpu.vector_load %arg11[%get3A_745] {strides = array<i32>} : memref<4096xi32, #tpu.memory_space<vmem>>, vector<16xi32>,
      %get3A_747 = vector.shape_cast %get3A_746 : vector<16xi32> to vector<16xi32>
      %swap3A_748 = arith.constant 16 : index
      %swap3A_749 = tpu.vector_load %arg24[%swap3A_748] {strides = array<i32>} : memref<32xi32, #tpu.memory_space<vmem>>, vector<16xi32>,
      %swap3A_750 = vector.shape_cast %swap3A_749 : vector<16xi32> to vector<16xi32>
      %swap3A_751 = vector.shape_cast %get3A_747 : vector<16xi32> to vector<16xi32>
      tpu.vector_store %arg24[%swap3A_748], %swap3A_751 {strides = array<i32>} : memref<32xi32, #tpu.memory_space<vmem>>, vector<16xi32>,
      %mul3A_752 = arith.constant 32 : i32
      %mul3A_753 = arith.muli %add3A_332, %mul3A_752 : i32
      %add3A_754 = arith.constant 1536 : i32
      %add3A_755 = arith.addi %add3A_754, %mul3A_753 : i32
      %add3A_756 = arith.constant 0 : i32
      %add3A_757 = arith.addi %add3A_755, %add3A_756 : i32
      %get3A_758 = arith.index_cast %add3A_757 : i32 to index
      %get3A_759 = tpu.vector_load %arg11[%get3A_758] {strides = array<i32>} : memref<4096xi32, #tpu.memory_space<vmem>>, vector<16xi32>,
      %get3A_760 = vector.shape_cast %get3A_759 : vector<16xi32> to vector<16xi32>
      %swap3A_761 = arith.constant 0 : index
      %swap3A_762 = tpu.vector_load %arg25[%swap3A_761] {strides = array<i32>} : memref<32xi32, #tpu.memory_space<vmem>>, vector<16xi32>,
      %swap3A_763 = vector.shape_cast %swap3A_762 : vector<16xi32> to vector<16xi32>
      %swap3A_764 = vector.shape_cast %get3A_760 : vector<16xi32> to vector<16xi32>
      tpu.vector_store %arg25[%swap3A_761], %swap3A_764 {strides = array<i32>} : memref<32xi32, #tpu.memory_space<vmem>>, vector<16xi32>,
      %mul3A_765 = arith.constant 32 : i32
      %mul3A_766 = arith.muli %add3A_332, %mul3A_765 : i32
      %add3A_767 = arith.constant 1536 : i32
      %add3A_768 = arith.addi %add3A_767, %mul3A_766 : i32
      %add3A_769 = arith.constant 16 : i32
      %add3A_770 = arith.addi %add3A_768, %add3A_769 : i32
      %get3A_771 = arith.index_cast %add3A_770 : i32 to index
      %get3A_772 = tpu.vector_load %arg11[%get3A_771] {strides = array<i32>} : memref<4096xi32, #tpu.memory_space<vmem>>, vector<16xi32>,
      %get3A_773 = vector.shape_cast %get3A_772 : vector<16xi32> to vector<16xi32>
      %swap3A_774 = arith.constant 16 : index
      %swap3A_775 = tpu.vector_load %arg25[%swap3A_774] {strides = array<i32>} : memref<32xi32, #tpu.memory_space<vmem>>, vector<16xi32>,
      %swap3A_776 = vector.shape_cast %swap3A_775 : vector<16xi32> to vector<16xi32>
      %swap3A_777 = vector.shape_cast %get3A_773 : vector<16xi32> to vector<16xi32>
      tpu.vector_store %arg25[%swap3A_774], %swap3A_777 {strides = array<i32>} : memref<32xi32, #tpu.memory_space<vmem>>, vector<16xi32>,
      %mul3A_778 = arith.constant 32 : i32
      %mul3A_779 = arith.muli %add3A_332, %mul3A_778 : i32
      %add3A_780 = arith.constant 2048 : i32
      %add3A_781 = arith.addi %add3A_780, %mul3A_779 : i32
      %add3A_782 = arith.constant 0 : i32
      %add3A_783 = arith.addi %add3A_781, %add3A_782 : i32
      %get3A_784 = arith.index_cast %add3A_783 : i32 to index
      %get3A_785 = tpu.vector_load %arg11[%get3A_784] {strides = array<i32>} : memref<4096xi32, #tpu.memory_space<vmem>>, vector<16xi32>,
      %get3A_786 = vector.shape_cast %get3A_785 : vector<16xi32> to vector<16xi32>
      %swap3A_787 = arith.constant 0 : index
      %swap3A_788 = tpu.vector_load %arg26[%swap3A_787] {strides = array<i32>} : memref<32xi32, #tpu.memory_space<vmem>>, vector<16xi32>,
      %swap3A_789 = vector.shape_cast %swap3A_788 : vector<16xi32> to vector<16xi32>
      %swap3A_790 = vector.shape_cast %get3A_786 : vector<16xi32> to vector<16xi32>
      tpu.vector_store %arg26[%swap3A_787], %swap3A_790 {strides = array<i32>} : memref<32xi32, #tpu.memory_space<vmem>>, vector<16xi32>,
      %mul3A_791 = arith.constant 32 : i32
      %mul3A_792 = arith.muli %add3A_332, %mul3A_791 : i32
      %add3A_793 = arith.constant 2048 : i32
      %add3A_794 = arith.addi %add3A_793, %mul3A_792 : i32
      %add3A_795 = arith.constant 16 : i32
      %add3A_796 = arith.addi %add3A_794, %add3A_795 : i32
      %get3A_797 = arith.index_cast %add3A_796 : i32 to index
      %get3A_798 = tpu.vector_load %arg11[%get3A_797] {strides = array<i32>} : memref<4096xi32, #tpu.memory_space<vmem>>, vector<16xi32>,
      %get3A_799 = vector.shape_cast %get3A_798 : vector<16xi32> to vector<16xi32>
      %swap3A_800 = arith.constant 16 : index
      %swap3A_801 = tpu.vector_load %arg26[%swap3A_800] {strides = array<i32>} : memref<32xi32, #tpu.memory_space<vmem>>, vector<16xi32>,
      %swap3A_802 = vector.shape_cast %swap3A_801 : vector<16xi32> to vector<16xi32>
      %swap3A_803 = vector.shape_cast %get3A_799 : vector<16xi32> to vector<16xi32>
      tpu.vector_store %arg26[%swap3A_800], %swap3A_803 {strides = array<i32>} : memref<32xi32, #tpu.memory_space<vmem>>, vector<16xi32>,
      %mul3A_804 = arith.constant 32 : i32
      %mul3A_805 = arith.muli %add3A_332, %mul3A_804 : i32
      %add3A_806 = arith.constant 2560 : i32
      %add3A_807 = arith.addi %add3A_806, %mul3A_805 : i32
      %add3A_808 = arith.constant 0 : i32
      %add3A_809 = arith.addi %add3A_807, %add3A_808 : i32
      %get3A_810 = arith.index_cast %add3A_809 : i32 to index
      %get3A_811 = tpu.vector_load %arg11[%get3A_810] {strides = array<i32>} : memref<4096xi32, #tpu.memory_space<vmem>>, vector<16xi32>,
      %get3A_812 = vector.shape_cast %get3A_811 : vector<16xi32> to vector<16xi32>
      %swap3A_813 = arith.constant 0 : index
      %swap3A_814 = tpu.vector_load %arg27[%swap3A_813] {strides = array<i32>} : memref<32xi32, #tpu.memory_space<vmem>>, vector<16xi32>,
      %swap3A_815 = vector.shape_cast %swap3A_814 : vector<16xi32> to vector<16xi32>
      %swap3A_816 = vector.shape_cast %get3A_812 : vector<16xi32> to vector<16xi32>
      tpu.vector_store %arg27[%swap3A_813], %swap3A_816 {strides = array<i32>} : memref<32xi32, #tpu.memory_space<vmem>>, vector<16xi32>,
      %mul3A_817 = arith.constant 32 : i32
      %mul3A_818 = arith.muli %add3A_332, %mul3A_817 : i32
      %add3A_819 = arith.constant 2560 : i32
      %add3A_820 = arith.addi %add3A_819, %mul3A_818 : i32
      %add3A_821 = arith.constant 16 : i32
      %add3A_822 = arith.addi %add3A_820, %add3A_821 : i32
      %get3A_823 = arith.index_cast %add3A_822 : i32 to index
      %get3A_824 = tpu.vector_load %arg11[%get3A_823] {strides = array<i32>} : memref<4096xi32, #tpu.memory_space<vmem>>, vector<16xi32>,
      %get3A_825 = vector.shape_cast %get3A_824 : vector<16xi32> to vector<16xi32>
      %swap3A_826 = arith.constant 16 : index
      %swap3A_827 = tpu.vector_load %arg27[%swap3A_826] {strides = array<i32>} : memref<32xi32, #tpu.memory_space<vmem>>, vector<16xi32>,
      %swap3A_828 = vector.shape_cast %swap3A_827 : vector<16xi32> to vector<16xi32>
      %swap3A_829 = vector.shape_cast %get3A_825 : vector<16xi32> to vector<16xi32>
      tpu.vector_store %arg27[%swap3A_826], %swap3A_829 {strides = array<i32>} : memref<32xi32, #tpu.memory_space<vmem>>, vector<16xi32>,
      %mul3A_830 = arith.constant 32 : i32
      %mul3A_831 = arith.muli %add3A_332, %mul3A_830 : i32
      %add3A_832 = arith.constant 3072 : i32
      %add3A_833 = arith.addi %add3A_832, %mul3A_831 : i32
      %add3A_834 = arith.constant 0 : i32
      %add3A_835 = arith.addi %add3A_833, %add3A_834 : i32
      %get3A_836 = arith.index_cast %add3A_835 : i32 to index
      %get3A_837 = tpu.vector_load %arg11[%get3A_836] {strides = array<i32>} : memref<4096xi32, #tpu.memory_space<vmem>>, vector<16xi32>,
      %get3A_838 = vector.shape_cast %get3A_837 : vector<16xi32> to vector<16xi32>
      %swap3A_839 = arith.constant 0 : index
      %swap3A_840 = tpu.vector_load %arg28[%swap3A_839] {strides = array<i32>} : memref<32xi32, #tpu.memory_space<vmem>>, vector<16xi32>,
      %swap3A_841 = vector.shape_cast %swap3A_840 : vector<16xi32> to vector<16xi32>
      %swap3A_842 = vector.shape_cast %get3A_838 : vector<16xi32> to vector<16xi32>
      tpu.vector_store %arg28[%swap3A_839], %swap3A_842 {strides = array<i32>} : memref<32xi32, #tpu.memory_space<vmem>>, vector<16xi32>,
      %mul3A_843 = arith.constant 32 : i32
      %mul3A_844 = arith.muli %add3A_332, %mul3A_843 : i32
      %add3A_845 = arith.constant 3072 : i32
      %add3A_846 = arith.addi %add3A_845, %mul3A_844 : i32
      %add3A_847 = arith.constant 16 : i32
      %add3A_848 = arith.addi %add3A_846, %add3A_847 : i32
      %get3A_849 = arith.index_cast %add3A_848 : i32 to index
      %get3A_850 = tpu.vector_load %arg11[%get3A_849] {strides = array<i32>} : memref<4096xi32, #tpu.memory_space<vmem>>, vector<16xi32>,
      %get3A_851 = vector.shape_cast %get3A_850 : vector<16xi32> to vector<16xi32>
      %swap3A_852 = arith.constant 16 : index
      %swap3A_853 = tpu.vector_load %arg28[%swap3A_852] {strides = array<i32>} : memref<32xi32, #tpu.memory_space<vmem>>, vector<16xi32>,
      %swap3A_854 = vector.shape_cast %swap3A_853 : vector<16xi32> to vector<16xi32>
      %swap3A_855 = vector.shape_cast %get3A_851 : vector<16xi32> to vector<16xi32>
      tpu.vector_store %arg28[%swap3A_852], %swap3A_855 {strides = array<i32>} : memref<32xi32, #tpu.memory_space<vmem>>, vector<16xi32>,
      %mul3A_856 = arith.constant 32 : i32
      %mul3A_857 = arith.muli %add3A_332, %mul3A_856 : i32
      %add3A_858 = arith.constant 3584 : i32
      %add3A_859 = arith.addi %add3A_858, %mul3A_857 : i32
      %add3A_860 = arith.constant 0 : i32
      %add3A_861 = arith.addi %add3A_859, %add3A_860 : i32
      %get3A_862 = arith.index_cast %add3A_861 : i32 to index
      %get3A_863 = tpu.vector_load %arg11[%get3A_862] {strides = array<i32>} : memref<4096xi32, #tpu.memory_space<vmem>>, vector<16xi32>,
      %get3A_864 = vector.shape_cast %get3A_863 : vector<16xi32> to vector<16xi32>
      %swap3A_865 = arith.constant 0 : index
      %swap3A_866 = tpu.vector_load %arg29[%swap3A_865] {strides = array<i32>} : memref<32xi32, #tpu.memory_space<vmem>>, vector<16xi32>,
      %swap3A_867 = vector.shape_cast %swap3A_866 : vector<16xi32> to vector<16xi32>
      %swap3A_868 = vector.shape_cast %get3A_864 : vector<16xi32> to vector<16xi32>
      tpu.vector_store %arg29[%swap3A_865], %swap3A_868 {strides = array<i32>} : memref<32xi32, #tpu.memory_space<vmem>>, vector<16xi32>,
      %mul3A_869 = arith.constant 32 : i32
      %mul3A_870 = arith.muli %add3A_332, %mul3A_869 : i32
      %add3A_871 = arith.constant 3584 : i32
      %add3A_872 = arith.addi %add3A_871, %mul3A_870 : i32
      %add3A_873 = arith.constant 16 : i32
      %add3A_874 = arith.addi %add3A_872, %add3A_873 : i32
      %get3A_875 = arith.index_cast %add3A_874 : i32 to index
      %get3A_876 = tpu.vector_load %arg11[%get3A_875] {strides = array<i32>} : memref<4096xi32, #tpu.memory_space<vmem>>, vector<16xi32>,
      %get3A_877 = vector.shape_cast %get3A_876 : vector<16xi32> to vector<16xi32>
      %swap3A_878 = arith.constant 16 : index
      %swap3A_879 = tpu.vector_load %arg29[%swap3A_878] {strides = array<i32>} : memref<32xi32, #tpu.memory_space<vmem>>, vector<16xi32>,
      %swap3A_880 = vector.shape_cast %swap3A_879 : vector<16xi32> to vector<16xi32>
      %swap3A_881 = vector.shape_cast %get3A_877 : vector<16xi32> to vector<16xi32>
      tpu.vector_store %arg29[%swap3A_878], %swap3A_881 {strides = array<i32>} : memref<32xi32, #tpu.memory_space<vmem>>, vector<16xi32>,
      %dma_wait3A_882 = arith.constant 0 : i32
      %dma_wait3A_883 = arith.constant 0 : i32
      %dma_wait3A_884 = tpu.memref_slice %arg2[%dma_wait3A_882, %dma_wait3A_883] : memref<16384x1024xf32, #tpu.memory_space<hbm>> -> memref<32x1024xf32, #tpu.memory_space<hbm>>
      %dma_wait3A_885 = arith.constant 0 : i32
      %dma_wait3A_886 = arith.constant 0 : i32
      %dma_wait3A_887 = tpu.memref_slice %arg2[%dma_wait3A_885, %dma_wait3A_886] : memref<16384x1024xf32, #tpu.memory_space<hbm>> -> memref<32x1024xf32, #tpu.memory_space<hbm>>
      tpu.wait_dma2 semaphore(%arg32 : memref<!tpu.dma_semaphore, #tpu.memory_space<semaphore_mem>>) src(%dma_wait3A_887 : memref<32x1024xf32, #tpu.memory_space<hbm>>) dst(%arg10 : memref<32x1024xf32, #tpu.memory_space<vmem>>)
      %dma_wait3A_888 = arith.constant 0 : i32
      %dma_wait3A_889 = arith.constant 0 : i32
      %dma_wait3A_890 = tpu.memref_slice %arg6[%dma_wait3A_888, %dma_wait3A_889] : memref<131072x1024xf32, #tpu.memory_space<hbm>> -> memref<131072x1024xf32, #tpu.memory_space<hbm>>
      tpu.wait_indirect_dma semaphore(%arg33 : memref<!tpu.dma_semaphore, #tpu.memory_space<semaphore_mem>>) src(%arg9 : memref<32x1024xf32, #tpu.memory_space<vmem>>) dst(%dma_wait3A_890 : memref<131072x1024xf32, #tpu.memory_space<hbm>>)
      %dma_wait3A_891 = tpu.memref_slice %arg12[%add3A_553] : memref<4096xf32, #tpu.memory_space<vmem>> -> memref<32xf32, #tpu.memory_space<vmem>>
      %dma_wait3A_892 = arith.constant 0 : i32
      %dma_wait3A_893 = tpu.memref_slice %arg7[%dma_wait3A_892] : memref<131072xf32, #tpu.memory_space<hbm>> -> memref<131072xf32, #tpu.memory_space<hbm>>
      tpu.wait_indirect_dma semaphore(%arg33 : memref<!tpu.dma_semaphore, #tpu.memory_space<semaphore_mem>>) src(%dma_wait3A_891 : memref<32xf32, #tpu.memory_space<vmem>>) dst(%dma_wait3A_893 : memref<131072xf32, #tpu.memory_space<hbm>>)
      %dma_wait3A_894 = tpu.memref_slice %arg13[%mul3A_558] : memref<512xi32, #tpu.memory_space<vmem>> -> memref<32xi32, #tpu.memory_space<vmem>>
      %dma_wait3A_895 = arith.constant 0 : i32
      %dma_wait3A_896 = tpu.memref_slice %arg8[%dma_wait3A_895] : memref<131072xi32, #tpu.memory_space<hbm>> -> memref<131072xi32, #tpu.memory_space<hbm>>
      tpu.wait_indirect_dma semaphore(%arg33 : memref<!tpu.dma_semaphore, #tpu.memory_space<semaphore_mem>>) src(%dma_wait3A_894 : memref<32xi32, #tpu.memory_space<vmem>>) dst(%dma_wait3A_896 : memref<131072xi32, #tpu.memory_space<hbm>>)
      %dma_wait3A_897 = arith.constant 0 : i32
      %dma_wait3A_898 = arith.constant 0 : i32
      %dma_wait3A_899 = tpu.memref_slice %arg6[%dma_wait3A_897, %dma_wait3A_898] : memref<131072x1024xf32, #tpu.memory_space<hbm>> -> memref<131072x1024xf32, #tpu.memory_space<hbm>>
      tpu.wait_indirect_dma semaphore(%arg33 : memref<!tpu.dma_semaphore, #tpu.memory_space<semaphore_mem>>) src(%arg9 : memref<32x1024xf32, #tpu.memory_space<vmem>>) dst(%dma_wait3A_899 : memref<131072x1024xf32, #tpu.memory_space<hbm>>)
      %dma_wait3A_900 = tpu.memref_slice %arg12[%add3A_568] : memref<4096xf32, #tpu.memory_space<vmem>> -> memref<32xf32, #tpu.memory_space<vmem>>
      %dma_wait3A_901 = arith.constant 0 : i32
      %dma_wait3A_902 = tpu.memref_slice %arg7[%dma_wait3A_901] : memref<131072xf32, #tpu.memory_space<hbm>> -> memref<131072xf32, #tpu.memory_space<hbm>>
      tpu.wait_indirect_dma semaphore(%arg33 : memref<!tpu.dma_semaphore, #tpu.memory_space<semaphore_mem>>) src(%dma_wait3A_900 : memref<32xf32, #tpu.memory_space<vmem>>) dst(%dma_wait3A_902 : memref<131072xf32, #tpu.memory_space<hbm>>)
      %dma_wait3A_903 = tpu.memref_slice %arg13[%mul3A_573] : memref<512xi32, #tpu.memory_space<vmem>> -> memref<32xi32, #tpu.memory_space<vmem>>
      %dma_wait3A_904 = arith.constant 0 : i32
      %dma_wait3A_905 = tpu.memref_slice %arg8[%dma_wait3A_904] : memref<131072xi32, #tpu.memory_space<hbm>> -> memref<131072xi32, #tpu.memory_space<hbm>>
      tpu.wait_indirect_dma semaphore(%arg33 : memref<!tpu.dma_semaphore, #tpu.memory_space<semaphore_mem>>) src(%dma_wait3A_903 : memref<32xi32, #tpu.memory_space<vmem>>) dst(%dma_wait3A_905 : memref<131072xi32, #tpu.memory_space<hbm>>)
      %dma_wait3A_906 = arith.constant 0 : i32
      %dma_wait3A_907 = arith.constant 0 : i32
      %dma_wait3A_908 = tpu.memref_slice %arg6[%dma_wait3A_906, %dma_wait3A_907] : memref<131072x1024xf32, #tpu.memory_space<hbm>> -> memref<131072x1024xf32, #tpu.memory_space<hbm>>
      tpu.wait_indirect_dma semaphore(%arg33 : memref<!tpu.dma_semaphore, #tpu.memory_space<semaphore_mem>>) src(%arg9 : memref<32x1024xf32, #tpu.memory_space<vmem>>) dst(%dma_wait3A_908 : memref<131072x1024xf32, #tpu.memory_space<hbm>>)
      %dma_wait3A_909 = tpu.memref_slice %arg12[%add3A_583] : memref<4096xf32, #tpu.memory_space<vmem>> -> memref<32xf32, #tpu.memory_space<vmem>>
      %dma_wait3A_910 = arith.constant 0 : i32
      %dma_wait3A_911 = tpu.memref_slice %arg7[%dma_wait3A_910] : memref<131072xf32, #tpu.memory_space<hbm>> -> memref<131072xf32, #tpu.memory_space<hbm>>
      tpu.wait_indirect_dma semaphore(%arg33 : memref<!tpu.dma_semaphore, #tpu.memory_space<semaphore_mem>>) src(%dma_wait3A_909 : memref<32xf32, #tpu.memory_space<vmem>>) dst(%dma_wait3A_911 : memref<131072xf32, #tpu.memory_space<hbm>>)
      %dma_wait3A_912 = tpu.memref_slice %arg13[%mul3A_588] : memref<512xi32, #tpu.memory_space<vmem>> -> memref<32xi32, #tpu.memory_space<vmem>>
      %dma_wait3A_913 = arith.constant 0 : i32
      %dma_wait3A_914 = tpu.memref_slice %arg8[%dma_wait3A_913] : memref<131072xi32, #tpu.memory_space<hbm>> -> memref<131072xi32, #tpu.memory_space<hbm>>
      tpu.wait_indirect_dma semaphore(%arg33 : memref<!tpu.dma_semaphore, #tpu.memory_space<semaphore_mem>>) src(%dma_wait3A_912 : memref<32xi32, #tpu.memory_space<vmem>>) dst(%dma_wait3A_914 : memref<131072xi32, #tpu.memory_space<hbm>>)
      %dma_wait3A_915 = arith.constant 0 : i32
      %dma_wait3A_916 = arith.constant 0 : i32
      %dma_wait3A_917 = tpu.memref_slice %arg6[%dma_wait3A_915, %dma_wait3A_916] : memref<131072x1024xf32, #tpu.memory_space<hbm>> -> memref<131072x1024xf32, #tpu.memory_space<hbm>>
      tpu.wait_indirect_dma semaphore(%arg33 : memref<!tpu.dma_semaphore, #tpu.memory_space<semaphore_mem>>) src(%arg9 : memref<32x1024xf32, #tpu.memory_space<vmem>>) dst(%dma_wait3A_917 : memref<131072x1024xf32, #tpu.memory_space<hbm>>)
      %dma_wait3A_918 = tpu.memref_slice %arg12[%add3A_598] : memref<4096xf32, #tpu.memory_space<vmem>> -> memref<32xf32, #tpu.memory_space<vmem>>
      %dma_wait3A_919 = arith.constant 0 : i32
      %dma_wait3A_920 = tpu.memref_slice %arg7[%dma_wait3A_919] : memref<131072xf32, #tpu.memory_space<hbm>> -> memref<131072xf32, #tpu.memory_space<hbm>>
      tpu.wait_indirect_dma semaphore(%arg33 : memref<!tpu.dma_semaphore, #tpu.memory_space<semaphore_mem>>) src(%dma_wait3A_918 : memref<32xf32, #tpu.memory_space<vmem>>) dst(%dma_wait3A_920 : memref<131072xf32, #tpu.memory_space<hbm>>)
      %dma_wait3A_921 = tpu.memref_slice %arg13[%mul3A_603] : memref<512xi32, #tpu.memory_space<vmem>> -> memref<32xi32, #tpu.memory_space<vmem>>
      %dma_wait3A_922 = arith.constant 0 : i32
      %dma_wait3A_923 = tpu.memref_slice %arg8[%dma_wait3A_922] : memref<131072xi32, #tpu.memory_space<hbm>> -> memref<131072xi32, #tpu.memory_space<hbm>>
      tpu.wait_indirect_dma semaphore(%arg33 : memref<!tpu.dma_semaphore, #tpu.memory_space<semaphore_mem>>) src(%dma_wait3A_921 : memref<32xi32, #tpu.memory_space<vmem>>) dst(%dma_wait3A_923 : memref<131072xi32, #tpu.memory_space<hbm>>)
      %dma_wait3A_924 = arith.constant 0 : i32
      %dma_wait3A_925 = arith.constant 0 : i32
      %dma_wait3A_926 = tpu.memref_slice %arg6[%dma_wait3A_924, %dma_wait3A_925] : memref<131072x1024xf32, #tpu.memory_space<hbm>> -> memref<131072x1024xf32, #tpu.memory_space<hbm>>
      tpu.wait_indirect_dma semaphore(%arg33 : memref<!tpu.dma_semaphore, #tpu.memory_space<semaphore_mem>>) src(%arg9 : memref<32x1024xf32, #tpu.memory_space<vmem>>) dst(%dma_wait3A_926 : memref<131072x1024xf32, #tpu.memory_space<hbm>>)
      %dma_wait3A_927 = tpu.memref_slice %arg12[%add3A_613] : memref<4096xf32, #tpu.memory_space<vmem>> -> memref<32xf32, #tpu.memory_space<vmem>>
      %dma_wait3A_928 = arith.constant 0 : i32
      %dma_wait3A_929 = tpu.memref_slice %arg7[%dma_wait3A_928] : memref<131072xf32, #tpu.memory_space<hbm>> -> memref<131072xf32, #tpu.memory_space<hbm>>
      tpu.wait_indirect_dma semaphore(%arg33 : memref<!tpu.dma_semaphore, #tpu.memory_space<semaphore_mem>>) src(%dma_wait3A_927 : memref<32xf32, #tpu.memory_space<vmem>>) dst(%dma_wait3A_929 : memref<131072xf32, #tpu.memory_space<hbm>>)
      %dma_wait3A_930 = tpu.memref_slice %arg13[%mul3A_618] : memref<512xi32, #tpu.memory_space<vmem>> -> memref<32xi32, #tpu.memory_space<vmem>>
      %dma_wait3A_931 = arith.constant 0 : i32
      %dma_wait3A_932 = tpu.memref_slice %arg8[%dma_wait3A_931] : memref<131072xi32, #tpu.memory_space<hbm>> -> memref<131072xi32, #tpu.memory_space<hbm>>
      tpu.wait_indirect_dma semaphore(%arg33 : memref<!tpu.dma_semaphore, #tpu.memory_space<semaphore_mem>>) src(%dma_wait3A_930 : memref<32xi32, #tpu.memory_space<vmem>>) dst(%dma_wait3A_932 : memref<131072xi32, #tpu.memory_space<hbm>>)
      %dma_wait3A_933 = arith.constant 0 : i32
      %dma_wait3A_934 = arith.constant 0 : i32
      %dma_wait3A_935 = tpu.memref_slice %arg6[%dma_wait3A_933, %dma_wait3A_934] : memref<131072x1024xf32, #tpu.memory_space<hbm>> -> memref<131072x1024xf32, #tpu.memory_space<hbm>>
      tpu.wait_indirect_dma semaphore(%arg33 : memref<!tpu.dma_semaphore, #tpu.memory_space<semaphore_mem>>) src(%arg9 : memref<32x1024xf32, #tpu.memory_space<vmem>>) dst(%dma_wait3A_935 : memref<131072x1024xf32, #tpu.memory_space<hbm>>)
      %dma_wait3A_936 = tpu.memref_slice %arg12[%add3A_628] : memref<4096xf32, #tpu.memory_space<vmem>> -> memref<32xf32, #tpu.memory_space<vmem>>
      %dma_wait3A_937 = arith.constant 0 : i32
      %dma_wait3A_938 = tpu.memref_slice %arg7[%dma_wait3A_937] : memref<131072xf32, #tpu.memory_space<hbm>> -> memref<131072xf32, #tpu.memory_space<hbm>>
      tpu.wait_indirect_dma semaphore(%arg33 : memref<!tpu.dma_semaphore, #tpu.memory_space<semaphore_mem>>) src(%dma_wait3A_936 : memref<32xf32, #tpu.memory_space<vmem>>) dst(%dma_wait3A_938 : memref<131072xf32, #tpu.memory_space<hbm>>)
      %dma_wait3A_939 = tpu.memref_slice %arg13[%mul3A_633] : memref<512xi32, #tpu.memory_space<vmem>> -> memref<32xi32, #tpu.memory_space<vmem>>
      %dma_wait3A_940 = arith.constant 0 : i32
      %dma_wait3A_941 = tpu.memref_slice %arg8[%dma_wait3A_940] : memref<131072xi32, #tpu.memory_space<hbm>> -> memref<131072xi32, #tpu.memory_space<hbm>>
      tpu.wait_indirect_dma semaphore(%arg33 : memref<!tpu.dma_semaphore, #tpu.memory_space<semaphore_mem>>) src(%dma_wait3A_939 : memref<32xi32, #tpu.memory_space<vmem>>) dst(%dma_wait3A_941 : memref<131072xi32, #tpu.memory_space<hbm>>)
      %dma_wait3A_942 = arith.constant 0 : i32
      %dma_wait3A_943 = arith.constant 0 : i32
      %dma_wait3A_944 = tpu.memref_slice %arg6[%dma_wait3A_942, %dma_wait3A_943] : memref<131072x1024xf32, #tpu.memory_space<hbm>> -> memref<131072x1024xf32, #tpu.memory_space<hbm>>
      tpu.wait_indirect_dma semaphore(%arg33 : memref<!tpu.dma_semaphore, #tpu.memory_space<semaphore_mem>>) src(%arg9 : memref<32x1024xf32, #tpu.memory_space<vmem>>) dst(%dma_wait3A_944 : memref<131072x1024xf32, #tpu.memory_space<hbm>>)
      %dma_wait3A_945 = tpu.memref_slice %arg12[%add3A_643] : memref<4096xf32, #tpu.memory_space<vmem>> -> memref<32xf32, #tpu.memory_space<vmem>>
      %dma_wait3A_946 = arith.constant 0 : i32
      %dma_wait3A_947 = tpu.memref_slice %arg7[%dma_wait3A_946] : memref<131072xf32, #tpu.memory_space<hbm>> -> memref<131072xf32, #tpu.memory_space<hbm>>
      tpu.wait_indirect_dma semaphore(%arg33 : memref<!tpu.dma_semaphore, #tpu.memory_space<semaphore_mem>>) src(%dma_wait3A_945 : memref<32xf32, #tpu.memory_space<vmem>>) dst(%dma_wait3A_947 : memref<131072xf32, #tpu.memory_space<hbm>>)
      %dma_wait3A_948 = tpu.memref_slice %arg13[%mul3A_648] : memref<512xi32, #tpu.memory_space<vmem>> -> memref<32xi32, #tpu.memory_space<vmem>>
      %dma_wait3A_949 = arith.constant 0 : i32
      %dma_wait3A_950 = tpu.memref_slice %arg8[%dma_wait3A_949] : memref<131072xi32, #tpu.memory_space<hbm>> -> memref<131072xi32, #tpu.memory_space<hbm>>
      tpu.wait_indirect_dma semaphore(%arg33 : memref<!tpu.dma_semaphore, #tpu.memory_space<semaphore_mem>>) src(%dma_wait3A_948 : memref<32xi32, #tpu.memory_space<vmem>>) dst(%dma_wait3A_950 : memref<131072xi32, #tpu.memory_space<hbm>>)
      %dma_wait3A_951 = arith.constant 0 : i32
      %dma_wait3A_952 = arith.constant 0 : i32
      %dma_wait3A_953 = tpu.memref_slice %arg6[%dma_wait3A_951, %dma_wait3A_952] : memref<131072x1024xf32, #tpu.memory_space<hbm>> -> memref<131072x1024xf32, #tpu.memory_space<hbm>>
      tpu.wait_indirect_dma semaphore(%arg33 : memref<!tpu.dma_semaphore, #tpu.memory_space<semaphore_mem>>) src(%arg9 : memref<32x1024xf32, #tpu.memory_space<vmem>>) dst(%dma_wait3A_953 : memref<131072x1024xf32, #tpu.memory_space<hbm>>)
      %dma_wait3A_954 = tpu.memref_slice %arg12[%add3A_658] : memref<4096xf32, #tpu.memory_space<vmem>> -> memref<32xf32, #tpu.memory_space<vmem>>
      %dma_wait3A_955 = arith.constant 0 : i32
      %dma_wait3A_956 = tpu.memref_slice %arg7[%dma_wait3A_955] : memref<131072xf32, #tpu.memory_space<hbm>> -> memref<131072xf32, #tpu.memory_space<hbm>>
      tpu.wait_indirect_dma semaphore(%arg33 : memref<!tpu.dma_semaphore, #tpu.memory_space<semaphore_mem>>) src(%dma_wait3A_954 : memref<32xf32, #tpu.memory_space<vmem>>) dst(%dma_wait3A_956 : memref<131072xf32, #tpu.memory_space<hbm>>)
      %dma_wait3A_957 = tpu.memref_slice %arg13[%mul3A_663] : memref<512xi32, #tpu.memory_space<vmem>> -> memref<32xi32, #tpu.memory_space<vmem>>
      %dma_wait3A_958 = arith.constant 0 : i32
      %dma_wait3A_959 = tpu.memref_slice %arg8[%dma_wait3A_958] : memref<131072xi32, #tpu.memory_space<hbm>> -> memref<131072xi32, #tpu.memory_space<hbm>>
      tpu.wait_indirect_dma semaphore(%arg33 : memref<!tpu.dma_semaphore, #tpu.memory_space<semaphore_mem>>) src(%dma_wait3A_957 : memref<32xi32, #tpu.memory_space<vmem>>) dst(%dma_wait3A_959 : memref<131072xi32, #tpu.memory_space<hbm>>)
      %dma_start3A_960 = arith.constant 0 : i32
      %dma_start3A_961 = arith.constant 0 : i32
      %dma_start3A_962 = tpu.memref_slice %arg6[%dma_start3A_960, %dma_start3A_961] : memref<131072x1024xf32, #tpu.memory_space<hbm>> -> memref<131072x1024xf32, #tpu.memory_space<hbm>>
      tpu.enqueue_indirect_dma source(%arg10 : memref<32x1024xf32, #tpu.memory_space<vmem>>) target(%dma_start3A_962 : memref<131072x1024xf32, #tpu.memory_space<hbm>>) offsets(%arg22 : memref<32xi32, #tpu.memory_space<vmem>>) semaphore(%arg34 : memref<!tpu.dma_semaphore, #tpu.memory_space<semaphore_mem>>)
      %mul3A_963 = arith.constant 32 : i32
      %mul3A_964 = arith.muli %add3A_332, %mul3A_963 : i32
      %add3A_965 = arith.constant 0 : i32
      %add3A_966 = arith.addi %add3A_965, %mul3A_964 : i32
      %dma_start3A_967 = tpu.memref_slice %arg12[%add3A_966] : memref<4096xf32, #tpu.memory_space<vmem>> -> memref<32xf32, #tpu.memory_space<vmem>>
      %dma_start3A_968 = arith.constant 0 : i32
      %dma_start3A_969 = tpu.memref_slice %arg7[%dma_start3A_968] : memref<131072xf32, #tpu.memory_space<hbm>> -> memref<131072xf32, #tpu.memory_space<hbm>>
      tpu.enqueue_indirect_dma source(%dma_start3A_967 : memref<32xf32, #tpu.memory_space<vmem>>) target(%dma_start3A_969 : memref<131072xf32, #tpu.memory_space<hbm>>) offsets(%arg22 : memref<32xi32, #tpu.memory_space<vmem>>) semaphore(%arg34 : memref<!tpu.dma_semaphore, #tpu.memory_space<semaphore_mem>>)
      %mul3A_970 = arith.constant 32 : i32
      %mul3A_971 = arith.muli %add3A_332, %mul3A_970 : i32
      %dma_start3A_972 = tpu.memref_slice %arg13[%mul3A_971] : memref<512xi32, #tpu.memory_space<vmem>> -> memref<32xi32, #tpu.memory_space<vmem>>
      %dma_start3A_973 = arith.constant 0 : i32
      %dma_start3A_974 = tpu.memref_slice %arg8[%dma_start3A_973] : memref<131072xi32, #tpu.memory_space<hbm>> -> memref<131072xi32, #tpu.memory_space<hbm>>
      tpu.enqueue_indirect_dma source(%dma_start3A_972 : memref<32xi32, #tpu.memory_space<vmem>>) target(%dma_start3A_974 : memref<131072xi32, #tpu.memory_space<hbm>>) offsets(%arg22 : memref<32xi32, #tpu.memory_space<vmem>>) semaphore(%arg34 : memref<!tpu.dma_semaphore, #tpu.memory_space<semaphore_mem>>)
      %dma_start3A_975 = arith.constant 0 : i32
      %dma_start3A_976 = arith.constant 0 : i32
      %dma_start3A_977 = tpu.memref_slice %arg6[%dma_start3A_975, %dma_start3A_976] : memref<131072x1024xf32, #tpu.memory_space<hbm>> -> memref<131072x1024xf32, #tpu.memory_space<hbm>>
      tpu.enqueue_indirect_dma source(%arg10 : memref<32x1024xf32, #tpu.memory_space<vmem>>) target(%dma_start3A_977 : memref<131072x1024xf32, #tpu.memory_space<hbm>>) offsets(%arg23 : memref<32xi32, #tpu.memory_space<vmem>>) semaphore(%arg34 : memref<!tpu.dma_semaphore, #tpu.memory_space<semaphore_mem>>)
      %mul3A_978 = arith.constant 32 : i32
      %mul3A_979 = arith.muli %add3A_332, %mul3A_978 : i32
      %add3A_980 = arith.constant 512 : i32
      %add3A_981 = arith.addi %add3A_980, %mul3A_979 : i32
      %dma_start3A_982 = tpu.memref_slice %arg12[%add3A_981] : memref<4096xf32, #tpu.memory_space<vmem>> -> memref<32xf32, #tpu.memory_space<vmem>>
      %dma_start3A_983 = arith.constant 0 : i32
      %dma_start3A_984 = tpu.memref_slice %arg7[%dma_start3A_983] : memref<131072xf32, #tpu.memory_space<hbm>> -> memref<131072xf32, #tpu.memory_space<hbm>>
      tpu.enqueue_indirect_dma source(%dma_start3A_982 : memref<32xf32, #tpu.memory_space<vmem>>) target(%dma_start3A_984 : memref<131072xf32, #tpu.memory_space<hbm>>) offsets(%arg23 : memref<32xi32, #tpu.memory_space<vmem>>) semaphore(%arg34 : memref<!tpu.dma_semaphore, #tpu.memory_space<semaphore_mem>>)
      %mul3A_985 = arith.constant 32 : i32
      %mul3A_986 = arith.muli %add3A_332, %mul3A_985 : i32
      %dma_start3A_987 = tpu.memref_slice %arg13[%mul3A_986] : memref<512xi32, #tpu.memory_space<vmem>> -> memref<32xi32, #tpu.memory_space<vmem>>
      %dma_start3A_988 = arith.constant 0 : i32
      %dma_start3A_989 = tpu.memref_slice %arg8[%dma_start3A_988] : memref<131072xi32, #tpu.memory_space<hbm>> -> memref<131072xi32, #tpu.memory_space<hbm>>
      tpu.enqueue_indirect_dma source(%dma_start3A_987 : memref<32xi32, #tpu.memory_space<vmem>>) target(%dma_start3A_989 : memref<131072xi32, #tpu.memory_space<hbm>>) offsets(%arg23 : memref<32xi32, #tpu.memory_space<vmem>>) semaphore(%arg34 : memref<!tpu.dma_semaphore, #tpu.memory_space<semaphore_mem>>)
      %dma_start3A_990 = arith.constant 0 : i32
      %dma_start3A_991 = arith.constant 0 : i32
      %dma_start3A_992 = tpu.memref_slice %arg6[%dma_start3A_990, %dma_start3A_991] : memref<131072x1024xf32, #tpu.memory_space<hbm>> -> memref<131072x1024xf32, #tpu.memory_space<hbm>>
      tpu.enqueue_indirect_dma source(%arg10 : memref<32x1024xf32, #tpu.memory_space<vmem>>) target(%dma_start3A_992 : memref<131072x1024xf32, #tpu.memory_space<hbm>>) offsets(%arg24 : memref<32xi32, #tpu.memory_space<vmem>>) semaphore(%arg34 : memref<!tpu.dma_semaphore, #tpu.memory_space<semaphore_mem>>)
      %mul3A_993 = arith.constant 32 : i32
      %mul3A_994 = arith.muli %add3A_332, %mul3A_993 : i32
      %add3A_995 = arith.constant 1024 : i32
      %add3A_996 = arith.addi %add3A_995, %mul3A_994 : i32
      %dma_start3A_997 = tpu.memref_slice %arg12[%add3A_996] : memref<4096xf32, #tpu.memory_space<vmem>> -> memref<32xf32, #tpu.memory_space<vmem>>
      %dma_start3A_998 = arith.constant 0 : i32
      %dma_start3A_999 = tpu.memref_slice %arg7[%dma_start3A_998] : memref<131072xf32, #tpu.memory_space<hbm>> -> memref<131072xf32, #tpu.memory_space<hbm>>
      tpu.enqueue_indirect_dma source(%dma_start3A_997 : memref<32xf32, #tpu.memory_space<vmem>>) target(%dma_start3A_999 : memref<131072xf32, #tpu.memory_space<hbm>>) offsets(%arg24 : memref<32xi32, #tpu.memory_space<vmem>>) semaphore(%arg34 : memref<!tpu.dma_semaphore, #tpu.memory_space<semaphore_mem>>)
      %mul3A_1000 = arith.constant 32 : i32
      %mul3A_1001 = arith.muli %add3A_332, %mul3A_1000 : i32
      %dma_start3A_1002 = tpu.memref_slice %arg13[%mul3A_1001] : memref<512xi32, #tpu.memory_space<vmem>> -> memref<32xi32, #tpu.memory_space<vmem>>
      %dma_start3A_1003 = arith.constant 0 : i32
      %dma_start3A_1004 = tpu.memref_slice %arg8[%dma_start3A_1003] : memref<131072xi32, #tpu.memory_space<hbm>> -> memref<131072xi32, #tpu.memory_space<hbm>>
      tpu.enqueue_indirect_dma source(%dma_start3A_1002 : memref<32xi32, #tpu.memory_space<vmem>>) target(%dma_start3A_1004 : memref<131072xi32, #tpu.memory_space<hbm>>) offsets(%arg24 : memref<32xi32, #tpu.memory_space<vmem>>) semaphore(%arg34 : memref<!tpu.dma_semaphore, #tpu.memory_space<semaphore_mem>>)
      %dma_start3A_1005 = arith.constant 0 : i32
      %dma_start3A_1006 = arith.constant 0 : i32
      %dma_start3A_1007 = tpu.memref_slice %arg6[%dma_start3A_1005, %dma_start3A_1006] : memref<131072x1024xf32, #tpu.memory_space<hbm>> -> memref<131072x1024xf32, #tpu.memory_space<hbm>>
      tpu.enqueue_indirect_dma source(%arg10 : memref<32x1024xf32, #tpu.memory_space<vmem>>) target(%dma_start3A_1007 : memref<131072x1024xf32, #tpu.memory_space<hbm>>) offsets(%arg25 : memref<32xi32, #tpu.memory_space<vmem>>) semaphore(%arg34 : memref<!tpu.dma_semaphore, #tpu.memory_space<semaphore_mem>>)
      %mul3A_1008 = arith.constant 32 : i32
      %mul3A_1009 = arith.muli %add3A_332, %mul3A_1008 : i32
      %add3A_1010 = arith.constant 1536 : i32
      %add3A_1011 = arith.addi %add3A_1010, %mul3A_1009 : i32
      %dma_start3A_1012 = tpu.memref_slice %arg12[%add3A_1011] : memref<4096xf32, #tpu.memory_space<vmem>> -> memref<32xf32, #tpu.memory_space<vmem>>
      %dma_start3A_1013 = arith.constant 0 : i32
      %dma_start3A_1014 = tpu.memref_slice %arg7[%dma_start3A_1013] : memref<131072xf32, #tpu.memory_space<hbm>> -> memref<131072xf32, #tpu.memory_space<hbm>>
      tpu.enqueue_indirect_dma source(%dma_start3A_1012 : memref<32xf32, #tpu.memory_space<vmem>>) target(%dma_start3A_1014 : memref<131072xf32, #tpu.memory_space<hbm>>) offsets(%arg25 : memref<32xi32, #tpu.memory_space<vmem>>) semaphore(%arg34 : memref<!tpu.dma_semaphore, #tpu.memory_space<semaphore_mem>>)
      %mul3A_1015 = arith.constant 32 : i32
      %mul3A_1016 = arith.muli %add3A_332, %mul3A_1015 : i32
      %dma_start3A_1017 = tpu.memref_slice %arg13[%mul3A_1016] : memref<512xi32, #tpu.memory_space<vmem>> -> memref<32xi32, #tpu.memory_space<vmem>>
      %dma_start3A_1018 = arith.constant 0 : i32
      %dma_start3A_1019 = tpu.memref_slice %arg8[%dma_start3A_1018] : memref<131072xi32, #tpu.memory_space<hbm>> -> memref<131072xi32, #tpu.memory_space<hbm>>
      tpu.enqueue_indirect_dma source(%dma_start3A_1017 : memref<32xi32, #tpu.memory_space<vmem>>) target(%dma_start3A_1019 : memref<131072xi32, #tpu.memory_space<hbm>>) offsets(%arg25 : memref<32xi32, #tpu.memory_space<vmem>>) semaphore(%arg34 : memref<!tpu.dma_semaphore, #tpu.memory_space<semaphore_mem>>)
      %dma_start3A_1020 = arith.constant 0 : i32
      %dma_start3A_1021 = arith.constant 0 : i32
      %dma_start3A_1022 = tpu.memref_slice %arg6[%dma_start3A_1020, %dma_start3A_1021] : memref<131072x1024xf32, #tpu.memory_space<hbm>> -> memref<131072x1024xf32, #tpu.memory_space<hbm>>
      tpu.enqueue_indirect_dma source(%arg10 : memref<32x1024xf32, #tpu.memory_space<vmem>>) target(%dma_start3A_1022 : memref<131072x1024xf32, #tpu.memory_space<hbm>>) offsets(%arg26 : memref<32xi32, #tpu.memory_space<vmem>>) semaphore(%arg34 : memref<!tpu.dma_semaphore, #tpu.memory_space<semaphore_mem>>)
      %mul3A_1023 = arith.constant 32 : i32
      %mul3A_1024 = arith.muli %add3A_332, %mul3A_1023 : i32
      %add3A_1025 = arith.constant 2048 : i32
      %add3A_1026 = arith.addi %add3A_1025, %mul3A_1024 : i32
      %dma_start3A_1027 = tpu.memref_slice %arg12[%add3A_1026] : memref<4096xf32, #tpu.memory_space<vmem>> -> memref<32xf32, #tpu.memory_space<vmem>>
      %dma_start3A_1028 = arith.constant 0 : i32
      %dma_start3A_1029 = tpu.memref_slice %arg7[%dma_start3A_1028] : memref<131072xf32, #tpu.memory_space<hbm>> -> memref<131072xf32, #tpu.memory_space<hbm>>
      tpu.enqueue_indirect_dma source(%dma_start3A_1027 : memref<32xf32, #tpu.memory_space<vmem>>) target(%dma_start3A_1029 : memref<131072xf32, #tpu.memory_space<hbm>>) offsets(%arg26 : memref<32xi32, #tpu.memory_space<vmem>>) semaphore(%arg34 : memref<!tpu.dma_semaphore, #tpu.memory_space<semaphore_mem>>)
      %mul3A_1030 = arith.constant 32 : i32
      %mul3A_1031 = arith.muli %add3A_332, %mul3A_1030 : i32
      %dma_start3A_1032 = tpu.memref_slice %arg13[%mul3A_1031] : memref<512xi32, #tpu.memory_space<vmem>> -> memref<32xi32, #tpu.memory_space<vmem>>
      %dma_start3A_1033 = arith.constant 0 : i32
      %dma_start3A_1034 = tpu.memref_slice %arg8[%dma_start3A_1033] : memref<131072xi32, #tpu.memory_space<hbm>> -> memref<131072xi32, #tpu.memory_space<hbm>>
      tpu.enqueue_indirect_dma source(%dma_start3A_1032 : memref<32xi32, #tpu.memory_space<vmem>>) target(%dma_start3A_1034 : memref<131072xi32, #tpu.memory_space<hbm>>) offsets(%arg26 : memref<32xi32, #tpu.memory_space<vmem>>) semaphore(%arg34 : memref<!tpu.dma_semaphore, #tpu.memory_space<semaphore_mem>>)
      %dma_start3A_1035 = arith.constant 0 : i32
      %dma_start3A_1036 = arith.constant 0 : i32
      %dma_start3A_1037 = tpu.memref_slice %arg6[%dma_start3A_1035, %dma_start3A_1036] : memref<131072x1024xf32, #tpu.memory_space<hbm>> -> memref<131072x1024xf32, #tpu.memory_space<hbm>>
      tpu.enqueue_indirect_dma source(%arg10 : memref<32x1024xf32, #tpu.memory_space<vmem>>) target(%dma_start3A_1037 : memref<131072x1024xf32, #tpu.memory_space<hbm>>) offsets(%arg27 : memref<32xi32, #tpu.memory_space<vmem>>) semaphore(%arg34 : memref<!tpu.dma_semaphore, #tpu.memory_space<semaphore_mem>>)
      %mul3A_1038 = arith.constant 32 : i32
      %mul3A_1039 = arith.muli %add3A_332, %mul3A_1038 : i32
      %add3A_1040 = arith.constant 2560 : i32
      %add3A_1041 = arith.addi %add3A_1040, %mul3A_1039 : i32
      %dma_start3A_1042 = tpu.memref_slice %arg12[%add3A_1041] : memref<4096xf32, #tpu.memory_space<vmem>> -> memref<32xf32, #tpu.memory_space<vmem>>
      %dma_start3A_1043 = arith.constant 0 : i32
      %dma_start3A_1044 = tpu.memref_slice %arg7[%dma_start3A_1043] : memref<131072xf32, #tpu.memory_space<hbm>> -> memref<131072xf32, #tpu.memory_space<hbm>>
      tpu.enqueue_indirect_dma source(%dma_start3A_1042 : memref<32xf32, #tpu.memory_space<vmem>>) target(%dma_start3A_1044 : memref<131072xf32, #tpu.memory_space<hbm>>) offsets(%arg27 : memref<32xi32, #tpu.memory_space<vmem>>) semaphore(%arg34 : memref<!tpu.dma_semaphore, #tpu.memory_space<semaphore_mem>>)
      %mul3A_1045 = arith.constant 32 : i32
      %mul3A_1046 = arith.muli %add3A_332, %mul3A_1045 : i32
      %dma_start3A_1047 = tpu.memref_slice %arg13[%mul3A_1046] : memref<512xi32, #tpu.memory_space<vmem>> -> memref<32xi32, #tpu.memory_space<vmem>>
      %dma_start3A_1048 = arith.constant 0 : i32
      %dma_start3A_1049 = tpu.memref_slice %arg8[%dma_start3A_1048] : memref<131072xi32, #tpu.memory_space<hbm>> -> memref<131072xi32, #tpu.memory_space<hbm>>
      tpu.enqueue_indirect_dma source(%dma_start3A_1047 : memref<32xi32, #tpu.memory_space<vmem>>) target(%dma_start3A_1049 : memref<131072xi32, #tpu.memory_space<hbm>>) offsets(%arg27 : memref<32xi32, #tpu.memory_space<vmem>>) semaphore(%arg34 : memref<!tpu.dma_semaphore, #tpu.memory_space<semaphore_mem>>)
      %dma_start3A_1050 = arith.constant 0 : i32
      %dma_start3A_1051 = arith.constant 0 : i32
      %dma_start3A_1052 = tpu.memref_slice %arg6[%dma_start3A_1050, %dma_start3A_1051] : memref<131072x1024xf32, #tpu.memory_space<hbm>> -> memref<131072x1024xf32, #tpu.memory_space<hbm>>
      tpu.enqueue_indirect_dma source(%arg10 : memref<32x1024xf32, #tpu.memory_space<vmem>>) target(%dma_start3A_1052 : memref<131072x1024xf32, #tpu.memory_space<hbm>>) offsets(%arg28 : memref<32xi32, #tpu.memory_space<vmem>>) semaphore(%arg34 : memref<!tpu.dma_semaphore, #tpu.memory_space<semaphore_mem>>)
      %mul3A_1053 = arith.constant 32 : i32
      %mul3A_1054 = arith.muli %add3A_332, %mul3A_1053 : i32
      %add3A_1055 = arith.constant 3072 : i32
      %add3A_1056 = arith.addi %add3A_1055, %mul3A_1054 : i32
      %dma_start3A_1057 = tpu.memref_slice %arg12[%add3A_1056] : memref<4096xf32, #tpu.memory_space<vmem>> -> memref<32xf32, #tpu.memory_space<vmem>>
      %dma_start3A_1058 = arith.constant 0 : i32
      %dma_start3A_1059 = tpu.memref_slice %arg7[%dma_start3A_1058] : memref<131072xf32, #tpu.memory_space<hbm>> -> memref<131072xf32, #tpu.memory_space<hbm>>
      tpu.enqueue_indirect_dma source(%dma_start3A_1057 : memref<32xf32, #tpu.memory_space<vmem>>) target(%dma_start3A_1059 : memref<131072xf32, #tpu.memory_space<hbm>>) offsets(%arg28 : memref<32xi32, #tpu.memory_space<vmem>>) semaphore(%arg34 : memref<!tpu.dma_semaphore, #tpu.memory_space<semaphore_mem>>)
      %mul3A_1060 = arith.constant 32 : i32
      %mul3A_1061 = arith.muli %add3A_332, %mul3A_1060 : i32
      %dma_start3A_1062 = tpu.memref_slice %arg13[%mul3A_1061] : memref<512xi32, #tpu.memory_space<vmem>> -> memref<32xi32, #tpu.memory_space<vmem>>
      %dma_start3A_1063 = arith.constant 0 : i32
      %dma_start3A_1064 = tpu.memref_slice %arg8[%dma_start3A_1063] : memref<131072xi32, #tpu.memory_space<hbm>> -> memref<131072xi32, #tpu.memory_space<hbm>>
      tpu.enqueue_indirect_dma source(%dma_start3A_1062 : memref<32xi32, #tpu.memory_space<vmem>>) target(%dma_start3A_1064 : memref<131072xi32, #tpu.memory_space<hbm>>) offsets(%arg28 : memref<32xi32, #tpu.memory_space<vmem>>) semaphore(%arg34 : memref<!tpu.dma_semaphore, #tpu.memory_space<semaphore_mem>>)
      %dma_start3A_1065 = arith.constant 0 : i32
      %dma_start3A_1066 = arith.constant 0 : i32
      %dma_start3A_1067 = tpu.memref_slice %arg6[%dma_start3A_1065, %dma_start3A_1066] : memref<131072x1024xf32, #tpu.memory_space<hbm>> -> memref<131072x1024xf32, #tpu.memory_space<hbm>>
      tpu.enqueue_indirect_dma source(%arg10 : memref<32x1024xf32, #tpu.memory_space<vmem>>) target(%dma_start3A_1067 : memref<131072x1024xf32, #tpu.memory_space<hbm>>) offsets(%arg29 : memref<32xi32, #tpu.memory_space<vmem>>) semaphore(%arg34 : memref<!tpu.dma_semaphore, #tpu.memory_space<semaphore_mem>>)
      %mul3A_1068 = arith.constant 32 : i32
      %mul3A_1069 = arith.muli %add3A_332, %mul3A_1068 : i32
      %add3A_1070 = arith.constant 3584 : i32
      %add3A_1071 = arith.addi %add3A_1070, %mul3A_1069 : i32
      %dma_start3A_1072 = tpu.memref_slice %arg12[%add3A_1071] : memref<4096xf32, #tpu.memory_space<vmem>> -> memref<32xf32, #tpu.memory_space<vmem>>
      %dma_start3A_1073 = arith.constant 0 : i32
      %dma_start3A_1074 = tpu.memref_slice %arg7[%dma_start3A_1073] : memref<131072xf32, #tpu.memory_space<hbm>> -> memref<131072xf32, #tpu.memory_space<hbm>>
      tpu.enqueue_indirect_dma source(%dma_start3A_1072 : memref<32xf32, #tpu.memory_space<vmem>>) target(%dma_start3A_1074 : memref<131072xf32, #tpu.memory_space<hbm>>) offsets(%arg29 : memref<32xi32, #tpu.memory_space<vmem>>) semaphore(%arg34 : memref<!tpu.dma_semaphore, #tpu.memory_space<semaphore_mem>>)
      %mul3A_1075 = arith.constant 32 : i32
      %mul3A_1076 = arith.muli %add3A_332, %mul3A_1075 : i32
      %dma_start3A_1077 = tpu.memref_slice %arg13[%mul3A_1076] : memref<512xi32, #tpu.memory_space<vmem>> -> memref<32xi32, #tpu.memory_space<vmem>>
      %dma_start3A_1078 = arith.constant 0 : i32
      %dma_start3A_1079 = tpu.memref_slice %arg8[%dma_start3A_1078] : memref<131072xi32, #tpu.memory_space<hbm>> -> memref<131072xi32, #tpu.memory_space<hbm>>
      tpu.enqueue_indirect_dma source(%dma_start3A_1077 : memref<32xi32, #tpu.memory_space<vmem>>) target(%dma_start3A_1079 : memref<131072xi32, #tpu.memory_space<hbm>>) offsets(%arg29 : memref<32xi32, #tpu.memory_space<vmem>>) semaphore(%arg34 : memref<!tpu.dma_semaphore, #tpu.memory_space<semaphore_mem>>)
      %lt3A = arith.constant 7 : i32
      %lt3A_1080 = arith.cmpi slt, %scan3A_328, %lt3A : i32
      %convert_element_type3A_1081 = arith.extui %lt3A_1080 : i1 to i32
      %cond3A_1082 = arith.constant 0 : i32
      %cond3A_1083 = arith.cmpi ne, %convert_element_type3A_1081, %cond3A_1082 : i32
      scf.if %cond3A_1083 {
        %add3A_1084 = arith.constant 2 : i32
        %add3A_1085 = arith.addi %mul3A_330, %add3A_1084 : i32
        %mul3A_1086 = arith.constant 32 : i32
        %mul3A_1087 = arith.muli %add3A_1085, %mul3A_1086 : i32
        %add3A_1088 = arith.addi %mul3A_2, %mul3A_1087 : i32
        %dma_start3A_1089 = arith.constant 0 : i32
        %dma_start3A_1090 = tpu.memref_slice %arg2[%add3A_1088, %dma_start3A_1089] : memref<16384x1024xf32, #tpu.memory_space<hbm>> -> memref<32x1024xf32, #tpu.memory_space<hbm>>
        %dma_start3A_1091 = arith.constant 0 : i32
        %dma_start3A_1092 = tpu.memref_slice %arg2[%add3A_1088, %dma_start3A_1091] : memref<16384x1024xf32, #tpu.memory_space<hbm>> -> memref<32x1024xf32, #tpu.memory_space<hbm>>
        tpu.enqueue_dma source(%dma_start3A_1092 : memref<32x1024xf32, #tpu.memory_space<hbm>>) target(%arg9 : memref<32x1024xf32, #tpu.memory_space<vmem>>) target_semaphore(%arg31 : memref<!tpu.dma_semaphore, #tpu.memory_space<semaphore_mem>>)
      } else {
      }
    }
    %scan3A_239 = arith.constant 8 : i32
    %dma_wait3A_240 = arith.constant 0 : i32
    %dma_wait3A_241 = arith.constant 0 : i32
    %dma_wait3A_242 = tpu.memref_slice %arg6[%dma_wait3A_240, %dma_wait3A_241] : memref<131072x1024xf32, #tpu.memory_space<hbm>> -> memref<131072x1024xf32, #tpu.memory_space<hbm>>
    tpu.wait_indirect_dma semaphore(%arg34 : memref<!tpu.dma_semaphore, #tpu.memory_space<semaphore_mem>>) src(%arg10 : memref<32x1024xf32, #tpu.memory_space<vmem>>) dst(%dma_wait3A_242 : memref<131072x1024xf32, #tpu.memory_space<hbm>>)
    %dma_wait3A_243 = arith.constant 0 : i32
    %dma_wait3A_244 = tpu.memref_slice %arg12[%dma_wait3A_243] : memref<4096xf32, #tpu.memory_space<vmem>> -> memref<32xf32, #tpu.memory_space<vmem>>
    %dma_wait3A_245 = arith.constant 0 : i32
    %dma_wait3A_246 = tpu.memref_slice %arg7[%dma_wait3A_245] : memref<131072xf32, #tpu.memory_space<hbm>> -> memref<131072xf32, #tpu.memory_space<hbm>>
    tpu.wait_indirect_dma semaphore(%arg34 : memref<!tpu.dma_semaphore, #tpu.memory_space<semaphore_mem>>) src(%dma_wait3A_244 : memref<32xf32, #tpu.memory_space<vmem>>) dst(%dma_wait3A_246 : memref<131072xf32, #tpu.memory_space<hbm>>)
    %dma_wait3A_247 = arith.constant 0 : i32
    %dma_wait3A_248 = tpu.memref_slice %arg13[%dma_wait3A_247] : memref<512xi32, #tpu.memory_space<vmem>> -> memref<32xi32, #tpu.memory_space<vmem>>
    %dma_wait3A_249 = arith.constant 0 : i32
    %dma_wait3A_250 = tpu.memref_slice %arg8[%dma_wait3A_249] : memref<131072xi32, #tpu.memory_space<hbm>> -> memref<131072xi32, #tpu.memory_space<hbm>>
    tpu.wait_indirect_dma semaphore(%arg34 : memref<!tpu.dma_semaphore, #tpu.memory_space<semaphore_mem>>) src(%dma_wait3A_248 : memref<32xi32, #tpu.memory_space<vmem>>) dst(%dma_wait3A_250 : memref<131072xi32, #tpu.memory_space<hbm>>)
    %dma_wait3A_251 = arith.constant 0 : i32
    %dma_wait3A_252 = arith.constant 0 : i32
    %dma_wait3A_253 = tpu.memref_slice %arg6[%dma_wait3A_251, %dma_wait3A_252] : memref<131072x1024xf32, #tpu.memory_space<hbm>> -> memref<131072x1024xf32, #tpu.memory_space<hbm>>
    tpu.wait_indirect_dma semaphore(%arg34 : memref<!tpu.dma_semaphore, #tpu.memory_space<semaphore_mem>>) src(%arg10 : memref<32x1024xf32, #tpu.memory_space<vmem>>) dst(%dma_wait3A_253 : memref<131072x1024xf32, #tpu.memory_space<hbm>>)
    %dma_wait3A_254 = arith.constant 0 : i32
    %dma_wait3A_255 = tpu.memref_slice %arg12[%dma_wait3A_254] : memref<4096xf32, #tpu.memory_space<vmem>> -> memref<32xf32, #tpu.memory_space<vmem>>
    %dma_wait3A_256 = arith.constant 0 : i32
    %dma_wait3A_257 = tpu.memref_slice %arg7[%dma_wait3A_256] : memref<131072xf32, #tpu.memory_space<hbm>> -> memref<131072xf32, #tpu.memory_space<hbm>>
    tpu.wait_indirect_dma semaphore(%arg34 : memref<!tpu.dma_semaphore, #tpu.memory_space<semaphore_mem>>) src(%dma_wait3A_255 : memref<32xf32, #tpu.memory_space<vmem>>) dst(%dma_wait3A_257 : memref<131072xf32, #tpu.memory_space<hbm>>)
    %dma_wait3A_258 = arith.constant 0 : i32
    %dma_wait3A_259 = tpu.memref_slice %arg13[%dma_wait3A_258] : memref<512xi32, #tpu.memory_space<vmem>> -> memref<32xi32, #tpu.memory_space<vmem>>
    %dma_wait3A_260 = arith.constant 0 : i32
    %dma_wait3A_261 = tpu.memref_slice %arg8[%dma_wait3A_260] : memref<131072xi32, #tpu.memory_space<hbm>> -> memref<131072xi32, #tpu.memory_space<hbm>>
    tpu.wait_indirect_dma semaphore(%arg34 : memref<!tpu.dma_semaphore, #tpu.memory_space<semaphore_mem>>) src(%dma_wait3A_259 : memref<32xi32, #tpu.memory_space<vmem>>) dst(%dma_wait3A_261 : memref<131072xi32, #tpu.memory_space<hbm>>)
    %dma_wait3A_262 = arith.constant 0 : i32
    %dma_wait3A_263 = arith.constant 0 : i32
    %dma_wait3A_264 = tpu.memref_slice %arg6[%dma_wait3A_262, %dma_wait3A_263] : memref<131072x1024xf32, #tpu.memory_space<hbm>> -> memref<131072x1024xf32, #tpu.memory_space<hbm>>
    tpu.wait_indirect_dma semaphore(%arg34 : memref<!tpu.dma_semaphore, #tpu.memory_space<semaphore_mem>>) src(%arg10 : memref<32x1024xf32, #tpu.memory_space<vmem>>) dst(%dma_wait3A_264 : memref<131072x1024xf32, #tpu.memory_space<hbm>>)
    %dma_wait3A_265 = arith.constant 0 : i32
    %dma_wait3A_266 = tpu.memref_slice %arg12[%dma_wait3A_265] : memref<4096xf32, #tpu.memory_space<vmem>> -> memref<32xf32, #tpu.memory_space<vmem>>
    %dma_wait3A_267 = arith.constant 0 : i32
    %dma_wait3A_268 = tpu.memref_slice %arg7[%dma_wait3A_267] : memref<131072xf32, #tpu.memory_space<hbm>> -> memref<131072xf32, #tpu.memory_space<hbm>>
    tpu.wait_indirect_dma semaphore(%arg34 : memref<!tpu.dma_semaphore, #tpu.memory_space<semaphore_mem>>) src(%dma_wait3A_266 : memref<32xf32, #tpu.memory_space<vmem>>) dst(%dma_wait3A_268 : memref<131072xf32, #tpu.memory_space<hbm>>)
    %dma_wait3A_269 = arith.constant 0 : i32
    %dma_wait3A_270 = tpu.memref_slice %arg13[%dma_wait3A_269] : memref<512xi32, #tpu.memory_space<vmem>> -> memref<32xi32, #tpu.memory_space<vmem>>
    %dma_wait3A_271 = arith.constant 0 : i32
    %dma_wait3A_272 = tpu.memref_slice %arg8[%dma_wait3A_271] : memref<131072xi32, #tpu.memory_space<hbm>> -> memref<131072xi32, #tpu.memory_space<hbm>>
    tpu.wait_indirect_dma semaphore(%arg34 : memref<!tpu.dma_semaphore, #tpu.memory_space<semaphore_mem>>) src(%dma_wait3A_270 : memref<32xi32, #tpu.memory_space<vmem>>) dst(%dma_wait3A_272 : memref<131072xi32, #tpu.memory_space<hbm>>)
    %dma_wait3A_273 = arith.constant 0 : i32
    %dma_wait3A_274 = arith.constant 0 : i32
    %dma_wait3A_275 = tpu.memref_slice %arg6[%dma_wait3A_273, %dma_wait3A_274] : memref<131072x1024xf32, #tpu.memory_space<hbm>> -> memref<131072x1024xf32, #tpu.memory_space<hbm>>
    tpu.wait_indirect_dma semaphore(%arg34 : memref<!tpu.dma_semaphore, #tpu.memory_space<semaphore_mem>>) src(%arg10 : memref<32x1024xf32, #tpu.memory_space<vmem>>) dst(%dma_wait3A_275 : memref<131072x1024xf32, #tpu.memory_space<hbm>>)
    %dma_wait3A_276 = arith.constant 0 : i32
    %dma_wait3A_277 = tpu.memref_slice %arg12[%dma_wait3A_276] : memref<4096xf32, #tpu.memory_space<vmem>> -> memref<32xf32, #tpu.memory_space<vmem>>
    %dma_wait3A_278 = arith.constant 0 : i32
    %dma_wait3A_279 = tpu.memref_slice %arg7[%dma_wait3A_278] : memref<131072xf32, #tpu.memory_space<hbm>> -> memref<131072xf32, #tpu.memory_space<hbm>>
    tpu.wait_indirect_dma semaphore(%arg34 : memref<!tpu.dma_semaphore, #tpu.memory_space<semaphore_mem>>) src(%dma_wait3A_277 : memref<32xf32, #tpu.memory_space<vmem>>) dst(%dma_wait3A_279 : memref<131072xf32, #tpu.memory_space<hbm>>)
    %dma_wait3A_280 = arith.constant 0 : i32
    %dma_wait3A_281 = tpu.memref_slice %arg13[%dma_wait3A_280] : memref<512xi32, #tpu.memory_space<vmem>> -> memref<32xi32, #tpu.memory_space<vmem>>
    %dma_wait3A_282 = arith.constant 0 : i32
    %dma_wait3A_283 = tpu.memref_slice %arg8[%dma_wait3A_282] : memref<131072xi32, #tpu.memory_space<hbm>> -> memref<131072xi32, #tpu.memory_space<hbm>>
    tpu.wait_indirect_dma semaphore(%arg34 : memref<!tpu.dma_semaphore, #tpu.memory_space<semaphore_mem>>) src(%dma_wait3A_281 : memref<32xi32, #tpu.memory_space<vmem>>) dst(%dma_wait3A_283 : memref<131072xi32, #tpu.memory_space<hbm>>)
    %dma_wait3A_284 = arith.constant 0 : i32
    %dma_wait3A_285 = arith.constant 0 : i32
    %dma_wait3A_286 = tpu.memref_slice %arg6[%dma_wait3A_284, %dma_wait3A_285] : memref<131072x1024xf32, #tpu.memory_space<hbm>> -> memref<131072x1024xf32, #tpu.memory_space<hbm>>
    tpu.wait_indirect_dma semaphore(%arg34 : memref<!tpu.dma_semaphore, #tpu.memory_space<semaphore_mem>>) src(%arg10 : memref<32x1024xf32, #tpu.memory_space<vmem>>) dst(%dma_wait3A_286 : memref<131072x1024xf32, #tpu.memory_space<hbm>>)
    %dma_wait3A_287 = arith.constant 0 : i32
    %dma_wait3A_288 = tpu.memref_slice %arg12[%dma_wait3A_287] : memref<4096xf32, #tpu.memory_space<vmem>> -> memref<32xf32, #tpu.memory_space<vmem>>
    %dma_wait3A_289 = arith.constant 0 : i32
    %dma_wait3A_290 = tpu.memref_slice %arg7[%dma_wait3A_289] : memref<131072xf32, #tpu.memory_space<hbm>> -> memref<131072xf32, #tpu.memory_space<hbm>>
    tpu.wait_indirect_dma semaphore(%arg34 : memref<!tpu.dma_semaphore, #tpu.memory_space<semaphore_mem>>) src(%dma_wait3A_288 : memref<32xf32, #tpu.memory_space<vmem>>) dst(%dma_wait3A_290 : memref<131072xf32, #tpu.memory_space<hbm>>)
    %dma_wait3A_291 = arith.constant 0 : i32
    %dma_wait3A_292 = tpu.memref_slice %arg13[%dma_wait3A_291] : memref<512xi32, #tpu.memory_space<vmem>> -> memref<32xi32, #tpu.memory_space<vmem>>
    %dma_wait3A_293 = arith.constant 0 : i32
    %dma_wait3A_294 = tpu.memref_slice %arg8[%dma_wait3A_293] : memref<131072xi32, #tpu.memory_space<hbm>> -> memref<131072xi32, #tpu.memory_space<hbm>>
    tpu.wait_indirect_dma semaphore(%arg34 : memref<!tpu.dma_semaphore, #tpu.memory_space<semaphore_mem>>) src(%dma_wait3A_292 : memref<32xi32, #tpu.memory_space<vmem>>) dst(%dma_wait3A_294 : memref<131072xi32, #tpu.memory_space<hbm>>)
    %dma_wait3A_295 = arith.constant 0 : i32
    %dma_wait3A_296 = arith.constant 0 : i32
    %dma_wait3A_297 = tpu.memref_slice %arg6[%dma_wait3A_295, %dma_wait3A_296] : memref<131072x1024xf32, #tpu.memory_space<hbm>> -> memref<131072x1024xf32, #tpu.memory_space<hbm>>
    tpu.wait_indirect_dma semaphore(%arg34 : memref<!tpu.dma_semaphore, #tpu.memory_space<semaphore_mem>>) src(%arg10 : memref<32x1024xf32, #tpu.memory_space<vmem>>) dst(%dma_wait3A_297 : memref<131072x1024xf32, #tpu.memory_space<hbm>>)
    %dma_wait3A_298 = arith.constant 0 : i32
    %dma_wait3A_299 = tpu.memref_slice %arg12[%dma_wait3A_298] : memref<4096xf32, #tpu.memory_space<vmem>> -> memref<32xf32, #tpu.memory_space<vmem>>
    %dma_wait3A_300 = arith.constant 0 : i32
    %dma_wait3A_301 = tpu.memref_slice %arg7[%dma_wait3A_300] : memref<131072xf32, #tpu.memory_space<hbm>> -> memref<131072xf32, #tpu.memory_space<hbm>>
    tpu.wait_indirect_dma semaphore(%arg34 : memref<!tpu.dma_semaphore, #tpu.memory_space<semaphore_mem>>) src(%dma_wait3A_299 : memref<32xf32, #tpu.memory_space<vmem>>) dst(%dma_wait3A_301 : memref<131072xf32, #tpu.memory_space<hbm>>)
    %dma_wait3A_302 = arith.constant 0 : i32
    %dma_wait3A_303 = tpu.memref_slice %arg13[%dma_wait3A_302] : memref<512xi32, #tpu.memory_space<vmem>> -> memref<32xi32, #tpu.memory_space<vmem>>
    %dma_wait3A_304 = arith.constant 0 : i32
    %dma_wait3A_305 = tpu.memref_slice %arg8[%dma_wait3A_304] : memref<131072xi32, #tpu.memory_space<hbm>> -> memref<131072xi32, #tpu.memory_space<hbm>>
    tpu.wait_indirect_dma semaphore(%arg34 : memref<!tpu.dma_semaphore, #tpu.memory_space<semaphore_mem>>) src(%dma_wait3A_303 : memref<32xi32, #tpu.memory_space<vmem>>) dst(%dma_wait3A_305 : memref<131072xi32, #tpu.memory_space<hbm>>)
    %dma_wait3A_306 = arith.constant 0 : i32
    %dma_wait3A_307 = arith.constant 0 : i32
    %dma_wait3A_308 = tpu.memref_slice %arg6[%dma_wait3A_306, %dma_wait3A_307] : memref<131072x1024xf32, #tpu.memory_space<hbm>> -> memref<131072x1024xf32, #tpu.memory_space<hbm>>
    tpu.wait_indirect_dma semaphore(%arg34 : memref<!tpu.dma_semaphore, #tpu.memory_space<semaphore_mem>>) src(%arg10 : memref<32x1024xf32, #tpu.memory_space<vmem>>) dst(%dma_wait3A_308 : memref<131072x1024xf32, #tpu.memory_space<hbm>>)
    %dma_wait3A_309 = arith.constant 0 : i32
    %dma_wait3A_310 = tpu.memref_slice %arg12[%dma_wait3A_309] : memref<4096xf32, #tpu.memory_space<vmem>> -> memref<32xf32, #tpu.memory_space<vmem>>
    %dma_wait3A_311 = arith.constant 0 : i32
    %dma_wait3A_312 = tpu.memref_slice %arg7[%dma_wait3A_311] : memref<131072xf32, #tpu.memory_space<hbm>> -> memref<131072xf32, #tpu.memory_space<hbm>>
    tpu.wait_indirect_dma semaphore(%arg34 : memref<!tpu.dma_semaphore, #tpu.memory_space<semaphore_mem>>) src(%dma_wait3A_310 : memref<32xf32, #tpu.memory_space<vmem>>) dst(%dma_wait3A_312 : memref<131072xf32, #tpu.memory_space<hbm>>)
    %dma_wait3A_313 = arith.constant 0 : i32
    %dma_wait3A_314 = tpu.memref_slice %arg13[%dma_wait3A_313] : memref<512xi32, #tpu.memory_space<vmem>> -> memref<32xi32, #tpu.memory_space<vmem>>
    %dma_wait3A_315 = arith.constant 0 : i32
    %dma_wait3A_316 = tpu.memref_slice %arg8[%dma_wait3A_315] : memref<131072xi32, #tpu.memory_space<hbm>> -> memref<131072xi32, #tpu.memory_space<hbm>>
    tpu.wait_indirect_dma semaphore(%arg34 : memref<!tpu.dma_semaphore, #tpu.memory_space<semaphore_mem>>) src(%dma_wait3A_314 : memref<32xi32, #tpu.memory_space<vmem>>) dst(%dma_wait3A_316 : memref<131072xi32, #tpu.memory_space<hbm>>)
    %dma_wait3A_317 = arith.constant 0 : i32
    %dma_wait3A_318 = arith.constant 0 : i32
    %dma_wait3A_319 = tpu.memref_slice %arg6[%dma_wait3A_317, %dma_wait3A_318] : memref<131072x1024xf32, #tpu.memory_space<hbm>> -> memref<131072x1024xf32, #tpu.memory_space<hbm>>
    tpu.wait_indirect_dma semaphore(%arg34 : memref<!tpu.dma_semaphore, #tpu.memory_space<semaphore_mem>>) src(%arg10 : memref<32x1024xf32, #tpu.memory_space<vmem>>) dst(%dma_wait3A_319 : memref<131072x1024xf32, #tpu.memory_space<hbm>>)
    %dma_wait3A_320 = arith.constant 0 : i32
    %dma_wait3A_321 = tpu.memref_slice %arg12[%dma_wait3A_320] : memref<4096xf32, #tpu.memory_space<vmem>> -> memref<32xf32, #tpu.memory_space<vmem>>
    %dma_wait3A_322 = arith.constant 0 : i32
    %dma_wait3A_323 = tpu.memref_slice %arg7[%dma_wait3A_322] : memref<131072xf32, #tpu.memory_space<hbm>> -> memref<131072xf32, #tpu.memory_space<hbm>>
    tpu.wait_indirect_dma semaphore(%arg34 : memref<!tpu.dma_semaphore, #tpu.memory_space<semaphore_mem>>) src(%dma_wait3A_321 : memref<32xf32, #tpu.memory_space<vmem>>) dst(%dma_wait3A_323 : memref<131072xf32, #tpu.memory_space<hbm>>)
    %dma_wait3A_324 = arith.constant 0 : i32
    %dma_wait3A_325 = tpu.memref_slice %arg13[%dma_wait3A_324] : memref<512xi32, #tpu.memory_space<vmem>> -> memref<32xi32, #tpu.memory_space<vmem>>
    %dma_wait3A_326 = arith.constant 0 : i32
    %dma_wait3A_327 = tpu.memref_slice %arg8[%dma_wait3A_326] : memref<131072xi32, #tpu.memory_space<hbm>> -> memref<131072xi32, #tpu.memory_space<hbm>>
    tpu.wait_indirect_dma semaphore(%arg34 : memref<!tpu.dma_semaphore, #tpu.memory_space<semaphore_mem>>) src(%dma_wait3A_325 : memref<32xi32, #tpu.memory_space<vmem>>) dst(%dma_wait3A_327 : memref<131072xi32, #tpu.memory_space<hbm>>)
    return
  }
}

module attributes {stable_mosaic.version = 14 : i64} {
  func.func @_routing_body(%arg0: i32, %arg1: memref<64x1024xf32, #tpu.memory_space<vmem>>, %arg2: memref<1024x1024xf32, #tpu.memory_space<vmem>>, %arg3: memref<64x1xf32, #tpu.memory_space<vmem>>, %arg4: memref<1x64xf32, #tpu.memory_space<vmem>>, %arg5: memref<64x64xf32, #tpu.memory_space<vmem>>, %arg6: memref<8x1024xf32, #tpu.memory_space<vmem>>, %arg7: memref<8x2048xi32, #tpu.memory_space<vmem>>, %arg8: memref<64x1xi32, #tpu.memory_space<vmem>>, %arg9: memref<64x1xf32, #tpu.memory_space<vmem>>, %arg10: memref<8x16384xi32, #tpu.memory_space<vmem>>, %arg11: memref<8x16384xi32, #tpu.memory_space<vmem>>, %arg12: memref<64x1xi32, #tpu.memory_space<vmem>>) attributes {dimension_semantics = [#tpu.dimension_semantics<arbitrary>], iteration_bounds = array<i64: 24>, scalar_prefetch = 0 : i64, scratch_operands = 4 : i64, tpu.core_type = #tpu.core_type<tc>, window_params = [{transform_indices = @transform_0, window_bounds = array<i64: 64, 1024>}, {pipeline_mode = #tpu.pipeline_mode<synchronous>, transform_indices = @transform_1, window_bounds = array<i64: 1024, 1024>}, {pipeline_mode = #tpu.pipeline_mode<synchronous>, transform_indices = @transform_2, window_bounds = array<i64: 64, 1>}, {pipeline_mode = #tpu.pipeline_mode<synchronous>, transform_indices = @transform_3, window_bounds = array<i64: 1, 64>}, {pipeline_mode = #tpu.pipeline_mode<synchronous>, transform_indices = @transform_4, window_bounds = array<i64: 64, 64>}, {transform_indices = @transform_5, window_bounds = array<i64: 8, 1024>}, {transform_indices = @transform_6, window_bounds = array<i64: 8, 2048>}, {pipeline_mode = #tpu.pipeline_mode<synchronous>, transform_indices = @transform_7, window_bounds = array<i64: 64, 1>}]} {
    %eq3A = arith.constant 0 : i32
    %eq3A_0 = arith.cmpi eq, %arg0, %eq3A : i32
    %convert_element_type3A = arith.extui %eq3A_0 : i1 to i32
    %cond3A = arith.constant 0 : i32
    %cond3A_1 = arith.cmpi ne, %convert_element_type3A, %cond3A : i32
    scf.if %cond3A_1 {
      %broadcast_in_dim3A = arith.constant 0.000000e+00 : f32
      %broadcast_in_dim3A_10 = vector.broadcast %broadcast_in_dim3A : f32 to vector<64x1xf32>
      %swap3A = arith.constant 0 : index
      %swap3A_11 = arith.constant 0 : index
      %swap3A_12 = vector.load %arg9[%swap3A, %swap3A_11] : memref<64x1xf32, #tpu.memory_space<vmem>>, vector<64x1xf32>
      tpu.vector_store %arg9[%swap3A, %swap3A_11], %broadcast_in_dim3A_10 {strides = array<i32>} : memref<64x1xf32, #tpu.memory_space<vmem>>, vector<64x1xf32>,
    } else {
    }
    %lt3A = arith.constant 16 : i32
    %lt3A_2 = arith.cmpi slt, %arg0, %lt3A : i32
    %convert_element_type3A_3 = arith.extui %lt3A_2 : i1 to i32
    %cond3A_4 = arith.constant 0 : i32
    %cond3A_5 = arith.cmpi ne, %convert_element_type3A_3, %cond3A_4 : i32
    scf.if %cond3A_5 {
      %get3A = arith.constant 0 : index
      %get3A_10 = arith.constant 0 : index
      %get3A_11 = vector.load %arg1[%get3A, %get3A_10] : memref<64x1024xf32, #tpu.memory_space<vmem>>, vector<64x1024xf32>
      %iota3A = tpu.iota {dimensions = array<i32: 0>} : vector<64x1024xi32>
      %broadcast_in_dim3A = arith.constant 0.000000e+00 : f32
      %broadcast_in_dim3A_12 = vector.broadcast %broadcast_in_dim3A : f32 to vector<64x1024xf32>
      %reduce_max3A = arith.constant dense<0xFF800000> : vector<1024xf32>
      %reduce_max3A_13 = vector.multi_reduction <maximumf>, %get3A_11, %reduce_max3A [0] : vector<64x1024xf32> to vector<1024xf32>
      %broadcast_in_dim3A_14 = vector.shape_cast %reduce_max3A_13 : vector<1024xf32> to vector<1x1024xf32>
      %eq3A_15 = vector.broadcast %broadcast_in_dim3A_14 : vector<1x1024xf32> to vector<64x1024xf32>
      %eq3A_16 = arith.cmpf oeq, %get3A_11, %eq3A_15 : vector<64x1024xf32>
      %get3A_17 = arith.constant 0 : index
      %get3A_18 = arith.constant 0 : index
      %get3A_19 = vector.load %arg3[%get3A_17, %get3A_18] : memref<64x1xf32, #tpu.memory_space<vmem>>, vector<64x1xf32>
      %jit3A = arith.constant 0.000000e+00 : f32
      %broadcast_in_dim3A_20 = vector.shape_cast %get3A_19 : vector<64x1xf32> to vector<64x1xf32>
      %broadcast_in_dim3A_21 = vector.broadcast %broadcast_in_dim3A_20 : vector<64x1xf32> to vector<64x1024xf32>
      %broadcast_in_dim3A_22 = vector.broadcast %jit3A : f32 to vector<64x1024xf32>
      %select_n3A = arith.select %eq3A_16, %broadcast_in_dim3A_21, %broadcast_in_dim3A_22 : vector<64x1024xi1>, vector<64x1024xf32>
      %get3A_23 = arith.constant 0 : index
      %get3A_24 = arith.constant 0 : index
      %get3A_25 = vector.load %arg4[%get3A_23, %get3A_24] : memref<1x64xf32, #tpu.memory_space<vmem>>, vector<1x64xf32>
      %dot_general3A = arith.constant dense<0.000000e+00> : vector<1x1024xf32>
      %dot_general3A_26 = tpu.matmul %get3A_25, %select_n3A, %dot_general3A {dimension_numbers = #tpu.dot_dimension_numbers<[1], [0], [0], [1], [0, 0, 1, 1], [], []>, transpose_lhs_hint = false} : vector<1x64xf32>, vector<64x1024xf32>, vector<1x1024xf32> -> vector<1x1024xf32>
      %bitcast_convert_type3A = tpu.bitcast %dot_general3A_26 : vector<1x1024xf32> -> vector<1x1024xi32>
      %shift_right_logical3A = arith.constant 23 : i32
      %shift_right_logical3A_27 = vector.broadcast %shift_right_logical3A : i32 to vector<1x1024xi32>
      %shift_right_logical3A_28 = arith.shrui %bitcast_convert_type3A, %shift_right_logical3A_27 : vector<1x1024xi32>
      %sub3A = arith.constant 127 : i32
      %sub3A_29 = vector.broadcast %sub3A : i32 to vector<1x1024xi32>
      %sub3A_30 = arith.subi %sub3A_29, %shift_right_logical3A_28 : vector<1x1024xi32>
      %eq3A_31 = vector.broadcast %sub3A_30 : vector<1x1024xi32> to vector<64x1024xi32>
      %eq3A_32 = arith.cmpi eq, %iota3A, %eq3A_31 : vector<64x1024xi32>
      %squeeze3A = vector.shape_cast %broadcast_in_dim3A_14 : vector<1x1024xf32> to vector<1024xf32>
      %swap3A = arith.constant 0 : index
      %swap3A_33 = arith.constant 0 : index
      %swap3A_34 = vector.load %arg6[%swap3A, %swap3A_33] : memref<8x1024xf32, #tpu.memory_space<vmem>>, vector<1x1024xf32>
      %swap3A_35 = vector.shape_cast %swap3A_34 : vector<1x1024xf32> to vector<1024xf32>
      %swap3A_36 = vector.shape_cast %squeeze3A : vector<1024xf32> to vector<1x1024xf32>
      tpu.vector_store %arg6[%swap3A, %swap3A_33], %swap3A_36 {strides = array<i32>} : memref<8x1024xf32, #tpu.memory_space<vmem>>, vector<1x1024xf32>,
      %squeeze3A_37 = vector.shape_cast %sub3A_30 : vector<1x1024xi32> to vector<1024xi32>
      %mul3A = arith.constant 1024 : i32
      %mul3A_38 = arith.muli %arg0, %mul3A : i32
      %swap3A_39 = arith.constant 0 : index
      %swap3A_40 = arith.index_cast %mul3A_38 : i32 to index
      %swap3A_41 = vector.load %arg10[%swap3A_39, %swap3A_40] : memref<8x16384xi32, #tpu.memory_space<vmem>>, vector<1x1024xi32>
      %swap3A_42 = vector.shape_cast %swap3A_41 : vector<1x1024xi32> to vector<1024xi32>
      %swap3A_43 = vector.shape_cast %squeeze3A_37 : vector<1024xi32> to vector<1x1024xi32>
      tpu.vector_store %arg10[%swap3A_39, %swap3A_40], %swap3A_43 {strides = array<i32>} : memref<8x16384xi32, #tpu.memory_space<vmem>>, vector<1x1024xi32>,
      %jit3A_44 = arith.constant -1.000000e+00 : f32
      %broadcast_in_dim3A_45 = vector.broadcast %jit3A_44 : f32 to vector<64x1024xf32>
      %select_n3A_46 = arith.select %eq3A_32, %broadcast_in_dim3A_45, %get3A_11 : vector<64x1024xi1>, vector<64x1024xf32>
      %convert_element_type3A_47 = arith.extui %eq3A_32 : vector<64x1024xi1> to vector<64x1024xi32>
      %convert_element_type3A_48 = arith.sitofp %convert_element_type3A_47 : vector<64x1024xi32> to vector<64x1024xf32>
      %add3A = arith.addf %broadcast_in_dim3A_12, %convert_element_type3A_48 : vector<64x1024xf32>
      %reduce_max3A_49 = arith.constant dense<0xFF800000> : vector<1024xf32>
      %reduce_max3A_50 = vector.multi_reduction <maximumf>, %select_n3A_46, %reduce_max3A_49 [0] : vector<64x1024xf32> to vector<1024xf32>
      %broadcast_in_dim3A_51 = vector.shape_cast %reduce_max3A_50 : vector<1024xf32> to vector<1x1024xf32>
      %eq3A_52 = vector.broadcast %broadcast_in_dim3A_51 : vector<1x1024xf32> to vector<64x1024xf32>
      %eq3A_53 = arith.cmpf oeq, %select_n3A_46, %eq3A_52 : vector<64x1024xf32>
      %get3A_54 = arith.constant 0 : index
      %get3A_55 = arith.constant 0 : index
      %get3A_56 = vector.load %arg3[%get3A_54, %get3A_55] : memref<64x1xf32, #tpu.memory_space<vmem>>, vector<64x1xf32>
      %jit3A_57 = arith.constant 0.000000e+00 : f32
      %broadcast_in_dim3A_58 = vector.shape_cast %get3A_56 : vector<64x1xf32> to vector<64x1xf32>
      %broadcast_in_dim3A_59 = vector.broadcast %broadcast_in_dim3A_58 : vector<64x1xf32> to vector<64x1024xf32>
      %broadcast_in_dim3A_60 = vector.broadcast %jit3A_57 : f32 to vector<64x1024xf32>
      %select_n3A_61 = arith.select %eq3A_53, %broadcast_in_dim3A_59, %broadcast_in_dim3A_60 : vector<64x1024xi1>, vector<64x1024xf32>
      %get3A_62 = arith.constant 0 : index
      %get3A_63 = arith.constant 0 : index
      %get3A_64 = vector.load %arg4[%get3A_62, %get3A_63] : memref<1x64xf32, #tpu.memory_space<vmem>>, vector<1x64xf32>
      %dot_general3A_65 = arith.constant dense<0.000000e+00> : vector<1x1024xf32>
      %dot_general3A_66 = tpu.matmul %get3A_64, %select_n3A_61, %dot_general3A_65 {dimension_numbers = #tpu.dot_dimension_numbers<[1], [0], [0], [1], [0, 0, 1, 1], [], []>, transpose_lhs_hint = false} : vector<1x64xf32>, vector<64x1024xf32>, vector<1x1024xf32> -> vector<1x1024xf32>
      %bitcast_convert_type3A_67 = tpu.bitcast %dot_general3A_66 : vector<1x1024xf32> -> vector<1x1024xi32>
      %shift_right_logical3A_68 = arith.constant 23 : i32
      %shift_right_logical3A_69 = vector.broadcast %shift_right_logical3A_68 : i32 to vector<1x1024xi32>
      %shift_right_logical3A_70 = arith.shrui %bitcast_convert_type3A_67, %shift_right_logical3A_69 : vector<1x1024xi32>
      %sub3A_71 = arith.constant 127 : i32
      %sub3A_72 = vector.broadcast %sub3A_71 : i32 to vector<1x1024xi32>
      %sub3A_73 = arith.subi %sub3A_72, %shift_right_logical3A_70 : vector<1x1024xi32>
      %eq3A_74 = vector.broadcast %sub3A_73 : vector<1x1024xi32> to vector<64x1024xi32>
      %eq3A_75 = arith.cmpi eq, %iota3A, %eq3A_74 : vector<64x1024xi32>
      %squeeze3A_76 = vector.shape_cast %broadcast_in_dim3A_51 : vector<1x1024xf32> to vector<1024xf32>
      %swap3A_77 = arith.constant 1 : index
      %swap3A_78 = arith.constant 0 : index
      %swap3A_79 = vector.load %arg6[%swap3A_77, %swap3A_78] : memref<8x1024xf32, #tpu.memory_space<vmem>>, vector<1x1024xf32>
      %swap3A_80 = vector.shape_cast %swap3A_79 : vector<1x1024xf32> to vector<1024xf32>
      %swap3A_81 = vector.shape_cast %squeeze3A_76 : vector<1024xf32> to vector<1x1024xf32>
      tpu.vector_store %arg6[%swap3A_77, %swap3A_78], %swap3A_81 {strides = array<i32>} : memref<8x1024xf32, #tpu.memory_space<vmem>>, vector<1x1024xf32>,
      %squeeze3A_82 = vector.shape_cast %sub3A_73 : vector<1x1024xi32> to vector<1024xi32>
      %mul3A_83 = arith.constant 1024 : i32
      %mul3A_84 = arith.muli %arg0, %mul3A_83 : i32
      %swap3A_85 = arith.constant 1 : index
      %swap3A_86 = arith.index_cast %mul3A_84 : i32 to index
      %swap3A_87 = vector.load %arg10[%swap3A_85, %swap3A_86] : memref<8x16384xi32, #tpu.memory_space<vmem>>, vector<1x1024xi32>
      %swap3A_88 = vector.shape_cast %swap3A_87 : vector<1x1024xi32> to vector<1024xi32>
      %swap3A_89 = vector.shape_cast %squeeze3A_82 : vector<1024xi32> to vector<1x1024xi32>
      tpu.vector_store %arg10[%swap3A_85, %swap3A_86], %swap3A_89 {strides = array<i32>} : memref<8x16384xi32, #tpu.memory_space<vmem>>, vector<1x1024xi32>,
      %jit3A_90 = arith.constant -1.000000e+00 : f32
      %broadcast_in_dim3A_91 = vector.broadcast %jit3A_90 : f32 to vector<64x1024xf32>
      %select_n3A_92 = arith.select %eq3A_75, %broadcast_in_dim3A_91, %select_n3A_46 : vector<64x1024xi1>, vector<64x1024xf32>
      %convert_element_type3A_93 = arith.extui %eq3A_75 : vector<64x1024xi1> to vector<64x1024xi32>
      %convert_element_type3A_94 = arith.sitofp %convert_element_type3A_93 : vector<64x1024xi32> to vector<64x1024xf32>
      %add3A_95 = arith.addf %add3A, %convert_element_type3A_94 : vector<64x1024xf32>
      %reduce_max3A_96 = arith.constant dense<0xFF800000> : vector<1024xf32>
      %reduce_max3A_97 = vector.multi_reduction <maximumf>, %select_n3A_92, %reduce_max3A_96 [0] : vector<64x1024xf32> to vector<1024xf32>
      %broadcast_in_dim3A_98 = vector.shape_cast %reduce_max3A_97 : vector<1024xf32> to vector<1x1024xf32>
      %eq3A_99 = vector.broadcast %broadcast_in_dim3A_98 : vector<1x1024xf32> to vector<64x1024xf32>
      %eq3A_100 = arith.cmpf oeq, %select_n3A_92, %eq3A_99 : vector<64x1024xf32>
      %get3A_101 = arith.constant 0 : index
      %get3A_102 = arith.constant 0 : index
      %get3A_103 = vector.load %arg3[%get3A_101, %get3A_102] : memref<64x1xf32, #tpu.memory_space<vmem>>, vector<64x1xf32>
      %jit3A_104 = arith.constant 0.000000e+00 : f32
      %broadcast_in_dim3A_105 = vector.shape_cast %get3A_103 : vector<64x1xf32> to vector<64x1xf32>
      %broadcast_in_dim3A_106 = vector.broadcast %broadcast_in_dim3A_105 : vector<64x1xf32> to vector<64x1024xf32>
      %broadcast_in_dim3A_107 = vector.broadcast %jit3A_104 : f32 to vector<64x1024xf32>
      %select_n3A_108 = arith.select %eq3A_100, %broadcast_in_dim3A_106, %broadcast_in_dim3A_107 : vector<64x1024xi1>, vector<64x1024xf32>
      %get3A_109 = arith.constant 0 : index
      %get3A_110 = arith.constant 0 : index
      %get3A_111 = vector.load %arg4[%get3A_109, %get3A_110] : memref<1x64xf32, #tpu.memory_space<vmem>>, vector<1x64xf32>
      %dot_general3A_112 = arith.constant dense<0.000000e+00> : vector<1x1024xf32>
      %dot_general3A_113 = tpu.matmul %get3A_111, %select_n3A_108, %dot_general3A_112 {dimension_numbers = #tpu.dot_dimension_numbers<[1], [0], [0], [1], [0, 0, 1, 1], [], []>, transpose_lhs_hint = false} : vector<1x64xf32>, vector<64x1024xf32>, vector<1x1024xf32> -> vector<1x1024xf32>
      %bitcast_convert_type3A_114 = tpu.bitcast %dot_general3A_113 : vector<1x1024xf32> -> vector<1x1024xi32>
      %shift_right_logical3A_115 = arith.constant 23 : i32
      %shift_right_logical3A_116 = vector.broadcast %shift_right_logical3A_115 : i32 to vector<1x1024xi32>
      %shift_right_logical3A_117 = arith.shrui %bitcast_convert_type3A_114, %shift_right_logical3A_116 : vector<1x1024xi32>
      %sub3A_118 = arith.constant 127 : i32
      %sub3A_119 = vector.broadcast %sub3A_118 : i32 to vector<1x1024xi32>
      %sub3A_120 = arith.subi %sub3A_119, %shift_right_logical3A_117 : vector<1x1024xi32>
      %eq3A_121 = vector.broadcast %sub3A_120 : vector<1x1024xi32> to vector<64x1024xi32>
      %eq3A_122 = arith.cmpi eq, %iota3A, %eq3A_121 : vector<64x1024xi32>
      %squeeze3A_123 = vector.shape_cast %broadcast_in_dim3A_98 : vector<1x1024xf32> to vector<1024xf32>
      %swap3A_124 = arith.constant 2 : index
      %swap3A_125 = arith.constant 0 : index
      %swap3A_126 = vector.load %arg6[%swap3A_124, %swap3A_125] : memref<8x1024xf32, #tpu.memory_space<vmem>>, vector<1x1024xf32>
      %swap3A_127 = vector.shape_cast %swap3A_126 : vector<1x1024xf32> to vector<1024xf32>
      %swap3A_128 = vector.shape_cast %squeeze3A_123 : vector<1024xf32> to vector<1x1024xf32>
      tpu.vector_store %arg6[%swap3A_124, %swap3A_125], %swap3A_128 {strides = array<i32>} : memref<8x1024xf32, #tpu.memory_space<vmem>>, vector<1x1024xf32>,
      %squeeze3A_129 = vector.shape_cast %sub3A_120 : vector<1x1024xi32> to vector<1024xi32>
      %mul3A_130 = arith.constant 1024 : i32
      %mul3A_131 = arith.muli %arg0, %mul3A_130 : i32
      %swap3A_132 = arith.constant 2 : index
      %swap3A_133 = arith.index_cast %mul3A_131 : i32 to index
      %swap3A_134 = vector.load %arg10[%swap3A_132, %swap3A_133] : memref<8x16384xi32, #tpu.memory_space<vmem>>, vector<1x1024xi32>
      %swap3A_135 = vector.shape_cast %swap3A_134 : vector<1x1024xi32> to vector<1024xi32>
      %swap3A_136 = vector.shape_cast %squeeze3A_129 : vector<1024xi32> to vector<1x1024xi32>
      tpu.vector_store %arg10[%swap3A_132, %swap3A_133], %swap3A_136 {strides = array<i32>} : memref<8x16384xi32, #tpu.memory_space<vmem>>, vector<1x1024xi32>,
      %jit3A_137 = arith.constant -1.000000e+00 : f32
      %broadcast_in_dim3A_138 = vector.broadcast %jit3A_137 : f32 to vector<64x1024xf32>
      %select_n3A_139 = arith.select %eq3A_122, %broadcast_in_dim3A_138, %select_n3A_92 : vector<64x1024xi1>, vector<64x1024xf32>
      %convert_element_type3A_140 = arith.extui %eq3A_122 : vector<64x1024xi1> to vector<64x1024xi32>
      %convert_element_type3A_141 = arith.sitofp %convert_element_type3A_140 : vector<64x1024xi32> to vector<64x1024xf32>
      %add3A_142 = arith.addf %add3A_95, %convert_element_type3A_141 : vector<64x1024xf32>
      %reduce_max3A_143 = arith.constant dense<0xFF800000> : vector<1024xf32>
      %reduce_max3A_144 = vector.multi_reduction <maximumf>, %select_n3A_139, %reduce_max3A_143 [0] : vector<64x1024xf32> to vector<1024xf32>
      %broadcast_in_dim3A_145 = vector.shape_cast %reduce_max3A_144 : vector<1024xf32> to vector<1x1024xf32>
      %eq3A_146 = vector.broadcast %broadcast_in_dim3A_145 : vector<1x1024xf32> to vector<64x1024xf32>
      %eq3A_147 = arith.cmpf oeq, %select_n3A_139, %eq3A_146 : vector<64x1024xf32>
      %get3A_148 = arith.constant 0 : index
      %get3A_149 = arith.constant 0 : index
      %get3A_150 = vector.load %arg3[%get3A_148, %get3A_149] : memref<64x1xf32, #tpu.memory_space<vmem>>, vector<64x1xf32>
      %jit3A_151 = arith.constant 0.000000e+00 : f32
      %broadcast_in_dim3A_152 = vector.shape_cast %get3A_150 : vector<64x1xf32> to vector<64x1xf32>
      %broadcast_in_dim3A_153 = vector.broadcast %broadcast_in_dim3A_152 : vector<64x1xf32> to vector<64x1024xf32>
      %broadcast_in_dim3A_154 = vector.broadcast %jit3A_151 : f32 to vector<64x1024xf32>
      %select_n3A_155 = arith.select %eq3A_147, %broadcast_in_dim3A_153, %broadcast_in_dim3A_154 : vector<64x1024xi1>, vector<64x1024xf32>
      %get3A_156 = arith.constant 0 : index
      %get3A_157 = arith.constant 0 : index
      %get3A_158 = vector.load %arg4[%get3A_156, %get3A_157] : memref<1x64xf32, #tpu.memory_space<vmem>>, vector<1x64xf32>
      %dot_general3A_159 = arith.constant dense<0.000000e+00> : vector<1x1024xf32>
      %dot_general3A_160 = tpu.matmul %get3A_158, %select_n3A_155, %dot_general3A_159 {dimension_numbers = #tpu.dot_dimension_numbers<[1], [0], [0], [1], [0, 0, 1, 1], [], []>, transpose_lhs_hint = false} : vector<1x64xf32>, vector<64x1024xf32>, vector<1x1024xf32> -> vector<1x1024xf32>
      %bitcast_convert_type3A_161 = tpu.bitcast %dot_general3A_160 : vector<1x1024xf32> -> vector<1x1024xi32>
      %shift_right_logical3A_162 = arith.constant 23 : i32
      %shift_right_logical3A_163 = vector.broadcast %shift_right_logical3A_162 : i32 to vector<1x1024xi32>
      %shift_right_logical3A_164 = arith.shrui %bitcast_convert_type3A_161, %shift_right_logical3A_163 : vector<1x1024xi32>
      %sub3A_165 = arith.constant 127 : i32
      %sub3A_166 = vector.broadcast %sub3A_165 : i32 to vector<1x1024xi32>
      %sub3A_167 = arith.subi %sub3A_166, %shift_right_logical3A_164 : vector<1x1024xi32>
      %eq3A_168 = vector.broadcast %sub3A_167 : vector<1x1024xi32> to vector<64x1024xi32>
      %eq3A_169 = arith.cmpi eq, %iota3A, %eq3A_168 : vector<64x1024xi32>
      %squeeze3A_170 = vector.shape_cast %broadcast_in_dim3A_145 : vector<1x1024xf32> to vector<1024xf32>
      %swap3A_171 = arith.constant 3 : index
      %swap3A_172 = arith.constant 0 : index
      %swap3A_173 = vector.load %arg6[%swap3A_171, %swap3A_172] : memref<8x1024xf32, #tpu.memory_space<vmem>>, vector<1x1024xf32>
      %swap3A_174 = vector.shape_cast %swap3A_173 : vector<1x1024xf32> to vector<1024xf32>
      %swap3A_175 = vector.shape_cast %squeeze3A_170 : vector<1024xf32> to vector<1x1024xf32>
      tpu.vector_store %arg6[%swap3A_171, %swap3A_172], %swap3A_175 {strides = array<i32>} : memref<8x1024xf32, #tpu.memory_space<vmem>>, vector<1x1024xf32>,
      %squeeze3A_176 = vector.shape_cast %sub3A_167 : vector<1x1024xi32> to vector<1024xi32>
      %mul3A_177 = arith.constant 1024 : i32
      %mul3A_178 = arith.muli %arg0, %mul3A_177 : i32
      %swap3A_179 = arith.constant 3 : index
      %swap3A_180 = arith.index_cast %mul3A_178 : i32 to index
      %swap3A_181 = vector.load %arg10[%swap3A_179, %swap3A_180] : memref<8x16384xi32, #tpu.memory_space<vmem>>, vector<1x1024xi32>
      %swap3A_182 = vector.shape_cast %swap3A_181 : vector<1x1024xi32> to vector<1024xi32>
      %swap3A_183 = vector.shape_cast %squeeze3A_176 : vector<1024xi32> to vector<1x1024xi32>
      tpu.vector_store %arg10[%swap3A_179, %swap3A_180], %swap3A_183 {strides = array<i32>} : memref<8x16384xi32, #tpu.memory_space<vmem>>, vector<1x1024xi32>,
      %jit3A_184 = arith.constant -1.000000e+00 : f32
      %broadcast_in_dim3A_185 = vector.broadcast %jit3A_184 : f32 to vector<64x1024xf32>
      %select_n3A_186 = arith.select %eq3A_169, %broadcast_in_dim3A_185, %select_n3A_139 : vector<64x1024xi1>, vector<64x1024xf32>
      %convert_element_type3A_187 = arith.extui %eq3A_169 : vector<64x1024xi1> to vector<64x1024xi32>
      %convert_element_type3A_188 = arith.sitofp %convert_element_type3A_187 : vector<64x1024xi32> to vector<64x1024xf32>
      %add3A_189 = arith.addf %add3A_142, %convert_element_type3A_188 : vector<64x1024xf32>
      %reduce_max3A_190 = arith.constant dense<0xFF800000> : vector<1024xf32>
      %reduce_max3A_191 = vector.multi_reduction <maximumf>, %select_n3A_186, %reduce_max3A_190 [0] : vector<64x1024xf32> to vector<1024xf32>
      %broadcast_in_dim3A_192 = vector.shape_cast %reduce_max3A_191 : vector<1024xf32> to vector<1x1024xf32>
      %eq3A_193 = vector.broadcast %broadcast_in_dim3A_192 : vector<1x1024xf32> to vector<64x1024xf32>
      %eq3A_194 = arith.cmpf oeq, %select_n3A_186, %eq3A_193 : vector<64x1024xf32>
      %get3A_195 = arith.constant 0 : index
      %get3A_196 = arith.constant 0 : index
      %get3A_197 = vector.load %arg3[%get3A_195, %get3A_196] : memref<64x1xf32, #tpu.memory_space<vmem>>, vector<64x1xf32>
      %jit3A_198 = arith.constant 0.000000e+00 : f32
      %broadcast_in_dim3A_199 = vector.shape_cast %get3A_197 : vector<64x1xf32> to vector<64x1xf32>
      %broadcast_in_dim3A_200 = vector.broadcast %broadcast_in_dim3A_199 : vector<64x1xf32> to vector<64x1024xf32>
      %broadcast_in_dim3A_201 = vector.broadcast %jit3A_198 : f32 to vector<64x1024xf32>
      %select_n3A_202 = arith.select %eq3A_194, %broadcast_in_dim3A_200, %broadcast_in_dim3A_201 : vector<64x1024xi1>, vector<64x1024xf32>
      %get3A_203 = arith.constant 0 : index
      %get3A_204 = arith.constant 0 : index
      %get3A_205 = vector.load %arg4[%get3A_203, %get3A_204] : memref<1x64xf32, #tpu.memory_space<vmem>>, vector<1x64xf32>
      %dot_general3A_206 = arith.constant dense<0.000000e+00> : vector<1x1024xf32>
      %dot_general3A_207 = tpu.matmul %get3A_205, %select_n3A_202, %dot_general3A_206 {dimension_numbers = #tpu.dot_dimension_numbers<[1], [0], [0], [1], [0, 0, 1, 1], [], []>, transpose_lhs_hint = false} : vector<1x64xf32>, vector<64x1024xf32>, vector<1x1024xf32> -> vector<1x1024xf32>
      %bitcast_convert_type3A_208 = tpu.bitcast %dot_general3A_207 : vector<1x1024xf32> -> vector<1x1024xi32>
      %shift_right_logical3A_209 = arith.constant 23 : i32
      %shift_right_logical3A_210 = vector.broadcast %shift_right_logical3A_209 : i32 to vector<1x1024xi32>
      %shift_right_logical3A_211 = arith.shrui %bitcast_convert_type3A_208, %shift_right_logical3A_210 : vector<1x1024xi32>
      %sub3A_212 = arith.constant 127 : i32
      %sub3A_213 = vector.broadcast %sub3A_212 : i32 to vector<1x1024xi32>
      %sub3A_214 = arith.subi %sub3A_213, %shift_right_logical3A_211 : vector<1x1024xi32>
      %eq3A_215 = vector.broadcast %sub3A_214 : vector<1x1024xi32> to vector<64x1024xi32>
      %eq3A_216 = arith.cmpi eq, %iota3A, %eq3A_215 : vector<64x1024xi32>
      %squeeze3A_217 = vector.shape_cast %broadcast_in_dim3A_192 : vector<1x1024xf32> to vector<1024xf32>
      %swap3A_218 = arith.constant 4 : index
      %swap3A_219 = arith.constant 0 : index
      %swap3A_220 = vector.load %arg6[%swap3A_218, %swap3A_219] : memref<8x1024xf32, #tpu.memory_space<vmem>>, vector<1x1024xf32>
      %swap3A_221 = vector.shape_cast %swap3A_220 : vector<1x1024xf32> to vector<1024xf32>
      %swap3A_222 = vector.shape_cast %squeeze3A_217 : vector<1024xf32> to vector<1x1024xf32>
      tpu.vector_store %arg6[%swap3A_218, %swap3A_219], %swap3A_222 {strides = array<i32>} : memref<8x1024xf32, #tpu.memory_space<vmem>>, vector<1x1024xf32>,
      %squeeze3A_223 = vector.shape_cast %sub3A_214 : vector<1x1024xi32> to vector<1024xi32>
      %mul3A_224 = arith.constant 1024 : i32
      %mul3A_225 = arith.muli %arg0, %mul3A_224 : i32
      %swap3A_226 = arith.constant 4 : index
      %swap3A_227 = arith.index_cast %mul3A_225 : i32 to index
      %swap3A_228 = vector.load %arg10[%swap3A_226, %swap3A_227] : memref<8x16384xi32, #tpu.memory_space<vmem>>, vector<1x1024xi32>
      %swap3A_229 = vector.shape_cast %swap3A_228 : vector<1x1024xi32> to vector<1024xi32>
      %swap3A_230 = vector.shape_cast %squeeze3A_223 : vector<1024xi32> to vector<1x1024xi32>
      tpu.vector_store %arg10[%swap3A_226, %swap3A_227], %swap3A_230 {strides = array<i32>} : memref<8x16384xi32, #tpu.memory_space<vmem>>, vector<1x1024xi32>,
      %jit3A_231 = arith.constant -1.000000e+00 : f32
      %broadcast_in_dim3A_232 = vector.broadcast %jit3A_231 : f32 to vector<64x1024xf32>
      %select_n3A_233 = arith.select %eq3A_216, %broadcast_in_dim3A_232, %select_n3A_186 : vector<64x1024xi1>, vector<64x1024xf32>
      %convert_element_type3A_234 = arith.extui %eq3A_216 : vector<64x1024xi1> to vector<64x1024xi32>
      %convert_element_type3A_235 = arith.sitofp %convert_element_type3A_234 : vector<64x1024xi32> to vector<64x1024xf32>
      %add3A_236 = arith.addf %add3A_189, %convert_element_type3A_235 : vector<64x1024xf32>
      %reduce_max3A_237 = arith.constant dense<0xFF800000> : vector<1024xf32>
      %reduce_max3A_238 = vector.multi_reduction <maximumf>, %select_n3A_233, %reduce_max3A_237 [0] : vector<64x1024xf32> to vector<1024xf32>
      %broadcast_in_dim3A_239 = vector.shape_cast %reduce_max3A_238 : vector<1024xf32> to vector<1x1024xf32>
      %eq3A_240 = vector.broadcast %broadcast_in_dim3A_239 : vector<1x1024xf32> to vector<64x1024xf32>
      %eq3A_241 = arith.cmpf oeq, %select_n3A_233, %eq3A_240 : vector<64x1024xf32>
      %get3A_242 = arith.constant 0 : index
      %get3A_243 = arith.constant 0 : index
      %get3A_244 = vector.load %arg3[%get3A_242, %get3A_243] : memref<64x1xf32, #tpu.memory_space<vmem>>, vector<64x1xf32>
      %jit3A_245 = arith.constant 0.000000e+00 : f32
      %broadcast_in_dim3A_246 = vector.shape_cast %get3A_244 : vector<64x1xf32> to vector<64x1xf32>
      %broadcast_in_dim3A_247 = vector.broadcast %broadcast_in_dim3A_246 : vector<64x1xf32> to vector<64x1024xf32>
      %broadcast_in_dim3A_248 = vector.broadcast %jit3A_245 : f32 to vector<64x1024xf32>
      %select_n3A_249 = arith.select %eq3A_241, %broadcast_in_dim3A_247, %broadcast_in_dim3A_248 : vector<64x1024xi1>, vector<64x1024xf32>
      %get3A_250 = arith.constant 0 : index
      %get3A_251 = arith.constant 0 : index
      %get3A_252 = vector.load %arg4[%get3A_250, %get3A_251] : memref<1x64xf32, #tpu.memory_space<vmem>>, vector<1x64xf32>
      %dot_general3A_253 = arith.constant dense<0.000000e+00> : vector<1x1024xf32>
      %dot_general3A_254 = tpu.matmul %get3A_252, %select_n3A_249, %dot_general3A_253 {dimension_numbers = #tpu.dot_dimension_numbers<[1], [0], [0], [1], [0, 0, 1, 1], [], []>, transpose_lhs_hint = false} : vector<1x64xf32>, vector<64x1024xf32>, vector<1x1024xf32> -> vector<1x1024xf32>
      %bitcast_convert_type3A_255 = tpu.bitcast %dot_general3A_254 : vector<1x1024xf32> -> vector<1x1024xi32>
      %shift_right_logical3A_256 = arith.constant 23 : i32
      %shift_right_logical3A_257 = vector.broadcast %shift_right_logical3A_256 : i32 to vector<1x1024xi32>
      %shift_right_logical3A_258 = arith.shrui %bitcast_convert_type3A_255, %shift_right_logical3A_257 : vector<1x1024xi32>
      %sub3A_259 = arith.constant 127 : i32
      %sub3A_260 = vector.broadcast %sub3A_259 : i32 to vector<1x1024xi32>
      %sub3A_261 = arith.subi %sub3A_260, %shift_right_logical3A_258 : vector<1x1024xi32>
      %eq3A_262 = vector.broadcast %sub3A_261 : vector<1x1024xi32> to vector<64x1024xi32>
      %eq3A_263 = arith.cmpi eq, %iota3A, %eq3A_262 : vector<64x1024xi32>
      %squeeze3A_264 = vector.shape_cast %broadcast_in_dim3A_239 : vector<1x1024xf32> to vector<1024xf32>
      %swap3A_265 = arith.constant 5 : index
      %swap3A_266 = arith.constant 0 : index
      %swap3A_267 = vector.load %arg6[%swap3A_265, %swap3A_266] : memref<8x1024xf32, #tpu.memory_space<vmem>>, vector<1x1024xf32>
      %swap3A_268 = vector.shape_cast %swap3A_267 : vector<1x1024xf32> to vector<1024xf32>
      %swap3A_269 = vector.shape_cast %squeeze3A_264 : vector<1024xf32> to vector<1x1024xf32>
      tpu.vector_store %arg6[%swap3A_265, %swap3A_266], %swap3A_269 {strides = array<i32>} : memref<8x1024xf32, #tpu.memory_space<vmem>>, vector<1x1024xf32>,
      %squeeze3A_270 = vector.shape_cast %sub3A_261 : vector<1x1024xi32> to vector<1024xi32>
      %mul3A_271 = arith.constant 1024 : i32
      %mul3A_272 = arith.muli %arg0, %mul3A_271 : i32
      %swap3A_273 = arith.constant 5 : index
      %swap3A_274 = arith.index_cast %mul3A_272 : i32 to index
      %swap3A_275 = vector.load %arg10[%swap3A_273, %swap3A_274] : memref<8x16384xi32, #tpu.memory_space<vmem>>, vector<1x1024xi32>
      %swap3A_276 = vector.shape_cast %swap3A_275 : vector<1x1024xi32> to vector<1024xi32>
      %swap3A_277 = vector.shape_cast %squeeze3A_270 : vector<1024xi32> to vector<1x1024xi32>
      tpu.vector_store %arg10[%swap3A_273, %swap3A_274], %swap3A_277 {strides = array<i32>} : memref<8x16384xi32, #tpu.memory_space<vmem>>, vector<1x1024xi32>,
      %jit3A_278 = arith.constant -1.000000e+00 : f32
      %broadcast_in_dim3A_279 = vector.broadcast %jit3A_278 : f32 to vector<64x1024xf32>
      %select_n3A_280 = arith.select %eq3A_263, %broadcast_in_dim3A_279, %select_n3A_233 : vector<64x1024xi1>, vector<64x1024xf32>
      %convert_element_type3A_281 = arith.extui %eq3A_263 : vector<64x1024xi1> to vector<64x1024xi32>
      %convert_element_type3A_282 = arith.sitofp %convert_element_type3A_281 : vector<64x1024xi32> to vector<64x1024xf32>
      %add3A_283 = arith.addf %add3A_236, %convert_element_type3A_282 : vector<64x1024xf32>
      %reduce_max3A_284 = arith.constant dense<0xFF800000> : vector<1024xf32>
      %reduce_max3A_285 = vector.multi_reduction <maximumf>, %select_n3A_280, %reduce_max3A_284 [0] : vector<64x1024xf32> to vector<1024xf32>
      %broadcast_in_dim3A_286 = vector.shape_cast %reduce_max3A_285 : vector<1024xf32> to vector<1x1024xf32>
      %eq3A_287 = vector.broadcast %broadcast_in_dim3A_286 : vector<1x1024xf32> to vector<64x1024xf32>
      %eq3A_288 = arith.cmpf oeq, %select_n3A_280, %eq3A_287 : vector<64x1024xf32>
      %get3A_289 = arith.constant 0 : index
      %get3A_290 = arith.constant 0 : index
      %get3A_291 = vector.load %arg3[%get3A_289, %get3A_290] : memref<64x1xf32, #tpu.memory_space<vmem>>, vector<64x1xf32>
      %jit3A_292 = arith.constant 0.000000e+00 : f32
      %broadcast_in_dim3A_293 = vector.shape_cast %get3A_291 : vector<64x1xf32> to vector<64x1xf32>
      %broadcast_in_dim3A_294 = vector.broadcast %broadcast_in_dim3A_293 : vector<64x1xf32> to vector<64x1024xf32>
      %broadcast_in_dim3A_295 = vector.broadcast %jit3A_292 : f32 to vector<64x1024xf32>
      %select_n3A_296 = arith.select %eq3A_288, %broadcast_in_dim3A_294, %broadcast_in_dim3A_295 : vector<64x1024xi1>, vector<64x1024xf32>
      %get3A_297 = arith.constant 0 : index
      %get3A_298 = arith.constant 0 : index
      %get3A_299 = vector.load %arg4[%get3A_297, %get3A_298] : memref<1x64xf32, #tpu.memory_space<vmem>>, vector<1x64xf32>
      %dot_general3A_300 = arith.constant dense<0.000000e+00> : vector<1x1024xf32>
      %dot_general3A_301 = tpu.matmul %get3A_299, %select_n3A_296, %dot_general3A_300 {dimension_numbers = #tpu.dot_dimension_numbers<[1], [0], [0], [1], [0, 0, 1, 1], [], []>, transpose_lhs_hint = false} : vector<1x64xf32>, vector<64x1024xf32>, vector<1x1024xf32> -> vector<1x1024xf32>
      %bitcast_convert_type3A_302 = tpu.bitcast %dot_general3A_301 : vector<1x1024xf32> -> vector<1x1024xi32>
      %shift_right_logical3A_303 = arith.constant 23 : i32
      %shift_right_logical3A_304 = vector.broadcast %shift_right_logical3A_303 : i32 to vector<1x1024xi32>
      %shift_right_logical3A_305 = arith.shrui %bitcast_convert_type3A_302, %shift_right_logical3A_304 : vector<1x1024xi32>
      %sub3A_306 = arith.constant 127 : i32
      %sub3A_307 = vector.broadcast %sub3A_306 : i32 to vector<1x1024xi32>
      %sub3A_308 = arith.subi %sub3A_307, %shift_right_logical3A_305 : vector<1x1024xi32>
      %eq3A_309 = vector.broadcast %sub3A_308 : vector<1x1024xi32> to vector<64x1024xi32>
      %eq3A_310 = arith.cmpi eq, %iota3A, %eq3A_309 : vector<64x1024xi32>
      %squeeze3A_311 = vector.shape_cast %broadcast_in_dim3A_286 : vector<1x1024xf32> to vector<1024xf32>
      %swap3A_312 = arith.constant 6 : index
      %swap3A_313 = arith.constant 0 : index
      %swap3A_314 = vector.load %arg6[%swap3A_312, %swap3A_313] : memref<8x1024xf32, #tpu.memory_space<vmem>>, vector<1x1024xf32>
      %swap3A_315 = vector.shape_cast %swap3A_314 : vector<1x1024xf32> to vector<1024xf32>
      %swap3A_316 = vector.shape_cast %squeeze3A_311 : vector<1024xf32> to vector<1x1024xf32>
      tpu.vector_store %arg6[%swap3A_312, %swap3A_313], %swap3A_316 {strides = array<i32>} : memref<8x1024xf32, #tpu.memory_space<vmem>>, vector<1x1024xf32>,
      %squeeze3A_317 = vector.shape_cast %sub3A_308 : vector<1x1024xi32> to vector<1024xi32>
      %mul3A_318 = arith.constant 1024 : i32
      %mul3A_319 = arith.muli %arg0, %mul3A_318 : i32
      %swap3A_320 = arith.constant 6 : index
      %swap3A_321 = arith.index_cast %mul3A_319 : i32 to index
      %swap3A_322 = vector.load %arg10[%swap3A_320, %swap3A_321] : memref<8x16384xi32, #tpu.memory_space<vmem>>, vector<1x1024xi32>
      %swap3A_323 = vector.shape_cast %swap3A_322 : vector<1x1024xi32> to vector<1024xi32>
      %swap3A_324 = vector.shape_cast %squeeze3A_317 : vector<1024xi32> to vector<1x1024xi32>
      tpu.vector_store %arg10[%swap3A_320, %swap3A_321], %swap3A_324 {strides = array<i32>} : memref<8x16384xi32, #tpu.memory_space<vmem>>, vector<1x1024xi32>,
      %jit3A_325 = arith.constant -1.000000e+00 : f32
      %broadcast_in_dim3A_326 = vector.broadcast %jit3A_325 : f32 to vector<64x1024xf32>
      %select_n3A_327 = arith.select %eq3A_310, %broadcast_in_dim3A_326, %select_n3A_280 : vector<64x1024xi1>, vector<64x1024xf32>
      %convert_element_type3A_328 = arith.extui %eq3A_310 : vector<64x1024xi1> to vector<64x1024xi32>
      %convert_element_type3A_329 = arith.sitofp %convert_element_type3A_328 : vector<64x1024xi32> to vector<64x1024xf32>
      %add3A_330 = arith.addf %add3A_283, %convert_element_type3A_329 : vector<64x1024xf32>
      %reduce_max3A_331 = arith.constant dense<0xFF800000> : vector<1024xf32>
      %reduce_max3A_332 = vector.multi_reduction <maximumf>, %select_n3A_327, %reduce_max3A_331 [0] : vector<64x1024xf32> to vector<1024xf32>
      %broadcast_in_dim3A_333 = vector.shape_cast %reduce_max3A_332 : vector<1024xf32> to vector<1x1024xf32>
      %eq3A_334 = vector.broadcast %broadcast_in_dim3A_333 : vector<1x1024xf32> to vector<64x1024xf32>
      %eq3A_335 = arith.cmpf oeq, %select_n3A_327, %eq3A_334 : vector<64x1024xf32>
      %get3A_336 = arith.constant 0 : index
      %get3A_337 = arith.constant 0 : index
      %get3A_338 = vector.load %arg3[%get3A_336, %get3A_337] : memref<64x1xf32, #tpu.memory_space<vmem>>, vector<64x1xf32>
      %jit3A_339 = arith.constant 0.000000e+00 : f32
      %broadcast_in_dim3A_340 = vector.shape_cast %get3A_338 : vector<64x1xf32> to vector<64x1xf32>
      %broadcast_in_dim3A_341 = vector.broadcast %broadcast_in_dim3A_340 : vector<64x1xf32> to vector<64x1024xf32>
      %broadcast_in_dim3A_342 = vector.broadcast %jit3A_339 : f32 to vector<64x1024xf32>
      %select_n3A_343 = arith.select %eq3A_335, %broadcast_in_dim3A_341, %broadcast_in_dim3A_342 : vector<64x1024xi1>, vector<64x1024xf32>
      %get3A_344 = arith.constant 0 : index
      %get3A_345 = arith.constant 0 : index
      %get3A_346 = vector.load %arg4[%get3A_344, %get3A_345] : memref<1x64xf32, #tpu.memory_space<vmem>>, vector<1x64xf32>
      %dot_general3A_347 = arith.constant dense<0.000000e+00> : vector<1x1024xf32>
      %dot_general3A_348 = tpu.matmul %get3A_346, %select_n3A_343, %dot_general3A_347 {dimension_numbers = #tpu.dot_dimension_numbers<[1], [0], [0], [1], [0, 0, 1, 1], [], []>, transpose_lhs_hint = false} : vector<1x64xf32>, vector<64x1024xf32>, vector<1x1024xf32> -> vector<1x1024xf32>
      %bitcast_convert_type3A_349 = tpu.bitcast %dot_general3A_348 : vector<1x1024xf32> -> vector<1x1024xi32>
      %shift_right_logical3A_350 = arith.constant 23 : i32
      %shift_right_logical3A_351 = vector.broadcast %shift_right_logical3A_350 : i32 to vector<1x1024xi32>
      %shift_right_logical3A_352 = arith.shrui %bitcast_convert_type3A_349, %shift_right_logical3A_351 : vector<1x1024xi32>
      %sub3A_353 = arith.constant 127 : i32
      %sub3A_354 = vector.broadcast %sub3A_353 : i32 to vector<1x1024xi32>
      %sub3A_355 = arith.subi %sub3A_354, %shift_right_logical3A_352 : vector<1x1024xi32>
      %eq3A_356 = vector.broadcast %sub3A_355 : vector<1x1024xi32> to vector<64x1024xi32>
      %eq3A_357 = arith.cmpi eq, %iota3A, %eq3A_356 : vector<64x1024xi32>
      %squeeze3A_358 = vector.shape_cast %broadcast_in_dim3A_333 : vector<1x1024xf32> to vector<1024xf32>
      %swap3A_359 = arith.constant 7 : index
      %swap3A_360 = arith.constant 0 : index
      %swap3A_361 = vector.load %arg6[%swap3A_359, %swap3A_360] : memref<8x1024xf32, #tpu.memory_space<vmem>>, vector<1x1024xf32>
      %swap3A_362 = vector.shape_cast %swap3A_361 : vector<1x1024xf32> to vector<1024xf32>
      %swap3A_363 = vector.shape_cast %squeeze3A_358 : vector<1024xf32> to vector<1x1024xf32>
      tpu.vector_store %arg6[%swap3A_359, %swap3A_360], %swap3A_363 {strides = array<i32>} : memref<8x1024xf32, #tpu.memory_space<vmem>>, vector<1x1024xf32>,
      %squeeze3A_364 = vector.shape_cast %sub3A_355 : vector<1x1024xi32> to vector<1024xi32>
      %mul3A_365 = arith.constant 1024 : i32
      %mul3A_366 = arith.muli %arg0, %mul3A_365 : i32
      %swap3A_367 = arith.constant 7 : index
      %swap3A_368 = arith.index_cast %mul3A_366 : i32 to index
      %swap3A_369 = vector.load %arg10[%swap3A_367, %swap3A_368] : memref<8x16384xi32, #tpu.memory_space<vmem>>, vector<1x1024xi32>
      %swap3A_370 = vector.shape_cast %swap3A_369 : vector<1x1024xi32> to vector<1024xi32>
      %swap3A_371 = vector.shape_cast %squeeze3A_364 : vector<1024xi32> to vector<1x1024xi32>
      tpu.vector_store %arg10[%swap3A_367, %swap3A_368], %swap3A_371 {strides = array<i32>} : memref<8x16384xi32, #tpu.memory_space<vmem>>, vector<1x1024xi32>,
      %convert_element_type3A_372 = arith.extui %eq3A_357 : vector<64x1024xi1> to vector<64x1024xi32>
      %convert_element_type3A_373 = arith.sitofp %convert_element_type3A_372 : vector<64x1024xi32> to vector<64x1024xf32>
      %add3A_374 = arith.addf %add3A_330, %convert_element_type3A_373 : vector<64x1024xf32>
      %get3A_375 = arith.constant 0 : index
      %get3A_376 = arith.constant 0 : index
      %get3A_377 = vector.load %arg2[%get3A_375, %get3A_376] : memref<1024x1024xf32, #tpu.memory_space<vmem>>, vector<1024x1024xf32>
      %dot_general3A_378 = arith.constant dense<0.000000e+00> : vector<64x1024xf32>
      %dot_general3A_379 = tpu.matmul %add3A_374, %get3A_377, %dot_general3A_378 {dimension_numbers = #tpu.dot_dimension_numbers<[1], [0], [0], [1], [0, 0, 1, 1], [], []>, transpose_lhs_hint = false} : vector<64x1024xf32>, vector<1024x1024xf32>, vector<64x1024xf32> -> vector<64x1024xf32>
      %sub3A_380 = arith.subf %dot_general3A_379, %add3A_374 : vector<64x1024xf32>
      %get3A_381 = arith.constant 0 : index
      %get3A_382 = arith.constant 0 : index
      %get3A_383 = vector.load %arg9[%get3A_381, %get3A_382] : memref<64x1xf32, #tpu.memory_space<vmem>>, vector<64x1xf32>
      %add3A_384 = vector.broadcast %get3A_383 : vector<64x1xf32> to vector<64x1024xf32>
      %add3A_385 = arith.addf %sub3A_380, %add3A_384 : vector<64x1024xf32>
      %get3A_386 = arith.constant 0 : index
      %get3A_387 = arith.constant 0 : index
      %get3A_388 = vector.load %arg4[%get3A_386, %get3A_387] : memref<1x64xf32, #tpu.memory_space<vmem>>, vector<1x64xf32>
      %jit3A_389 = arith.constant 0.000000e+00 : f32
      %broadcast_in_dim3A_390 = vector.broadcast %jit3A_389 : f32 to vector<64x1024xf32>
      %select_n3A_391 = arith.select %eq3A_32, %add3A_385, %broadcast_in_dim3A_390 : vector<64x1024xi1>, vector<64x1024xf32>
      %dot_general3A_392 = arith.constant dense<0.000000e+00> : vector<1x1024xf32>
      %dot_general3A_393 = tpu.matmul %get3A_388, %select_n3A_391, %dot_general3A_392 {dimension_numbers = #tpu.dot_dimension_numbers<[1], [0], [0], [1], [0, 0, 1, 1], [], []>, precision = #tpu.contract_precision<fp32>, transpose_lhs_hint = false} : vector<1x64xf32>, vector<64x1024xf32>, vector<1x1024xf32> -> vector<1x1024xf32>
      %squeeze3A_394 = vector.shape_cast %dot_general3A_393 : vector<1x1024xf32> to vector<1024xf32>
      %convert_element_type3A_395 = arith.fptosi %squeeze3A_394 : vector<1024xf32> to vector<1024xi32>
      %mul3A_396 = arith.constant 1024 : i32
      %mul3A_397 = arith.muli %arg0, %mul3A_396 : i32
      %swap3A_398 = arith.constant 0 : index
      %swap3A_399 = arith.index_cast %mul3A_397 : i32 to index
      %swap3A_400 = vector.load %arg11[%swap3A_398, %swap3A_399] : memref<8x16384xi32, #tpu.memory_space<vmem>>, vector<1x1024xi32>
      %swap3A_401 = vector.shape_cast %swap3A_400 : vector<1x1024xi32> to vector<1024xi32>
      %swap3A_402 = vector.shape_cast %convert_element_type3A_395 : vector<1024xi32> to vector<1x1024xi32>
      tpu.vector_store %arg11[%swap3A_398, %swap3A_399], %swap3A_402 {strides = array<i32>} : memref<8x16384xi32, #tpu.memory_space<vmem>>, vector<1x1024xi32>,
      %get3A_403 = arith.constant 0 : index
      %get3A_404 = arith.constant 0 : index
      %get3A_405 = vector.load %arg4[%get3A_403, %get3A_404] : memref<1x64xf32, #tpu.memory_space<vmem>>, vector<1x64xf32>
      %jit3A_406 = arith.constant 0.000000e+00 : f32
      %broadcast_in_dim3A_407 = vector.broadcast %jit3A_406 : f32 to vector<64x1024xf32>
      %select_n3A_408 = arith.select %eq3A_75, %add3A_385, %broadcast_in_dim3A_407 : vector<64x1024xi1>, vector<64x1024xf32>
      %dot_general3A_409 = arith.constant dense<0.000000e+00> : vector<1x1024xf32>
      %dot_general3A_410 = tpu.matmul %get3A_405, %select_n3A_408, %dot_general3A_409 {dimension_numbers = #tpu.dot_dimension_numbers<[1], [0], [0], [1], [0, 0, 1, 1], [], []>, precision = #tpu.contract_precision<fp32>, transpose_lhs_hint = false} : vector<1x64xf32>, vector<64x1024xf32>, vector<1x1024xf32> -> vector<1x1024xf32>
      %squeeze3A_411 = vector.shape_cast %dot_general3A_410 : vector<1x1024xf32> to vector<1024xf32>
      %convert_element_type3A_412 = arith.fptosi %squeeze3A_411 : vector<1024xf32> to vector<1024xi32>
      %mul3A_413 = arith.constant 1024 : i32
      %mul3A_414 = arith.muli %arg0, %mul3A_413 : i32
      %swap3A_415 = arith.constant 1 : index
      %swap3A_416 = arith.index_cast %mul3A_414 : i32 to index
      %swap3A_417 = vector.load %arg11[%swap3A_415, %swap3A_416] : memref<8x16384xi32, #tpu.memory_space<vmem>>, vector<1x1024xi32>
      %swap3A_418 = vector.shape_cast %swap3A_417 : vector<1x1024xi32> to vector<1024xi32>
      %swap3A_419 = vector.shape_cast %convert_element_type3A_412 : vector<1024xi32> to vector<1x1024xi32>
      tpu.vector_store %arg11[%swap3A_415, %swap3A_416], %swap3A_419 {strides = array<i32>} : memref<8x16384xi32, #tpu.memory_space<vmem>>, vector<1x1024xi32>,
      %get3A_420 = arith.constant 0 : index
      %get3A_421 = arith.constant 0 : index
      %get3A_422 = vector.load %arg4[%get3A_420, %get3A_421] : memref<1x64xf32, #tpu.memory_space<vmem>>, vector<1x64xf32>
      %jit3A_423 = arith.constant 0.000000e+00 : f32
      %broadcast_in_dim3A_424 = vector.broadcast %jit3A_423 : f32 to vector<64x1024xf32>
      %select_n3A_425 = arith.select %eq3A_122, %add3A_385, %broadcast_in_dim3A_424 : vector<64x1024xi1>, vector<64x1024xf32>
      %dot_general3A_426 = arith.constant dense<0.000000e+00> : vector<1x1024xf32>
      %dot_general3A_427 = tpu.matmul %get3A_422, %select_n3A_425, %dot_general3A_426 {dimension_numbers = #tpu.dot_dimension_numbers<[1], [0], [0], [1], [0, 0, 1, 1], [], []>, precision = #tpu.contract_precision<fp32>, transpose_lhs_hint = false} : vector<1x64xf32>, vector<64x1024xf32>, vector<1x1024xf32> -> vector<1x1024xf32>
      %squeeze3A_428 = vector.shape_cast %dot_general3A_427 : vector<1x1024xf32> to vector<1024xf32>
      %convert_element_type3A_429 = arith.fptosi %squeeze3A_428 : vector<1024xf32> to vector<1024xi32>
      %mul3A_430 = arith.constant 1024 : i32
      %mul3A_431 = arith.muli %arg0, %mul3A_430 : i32
      %swap3A_432 = arith.constant 2 : index
      %swap3A_433 = arith.index_cast %mul3A_431 : i32 to index
      %swap3A_434 = vector.load %arg11[%swap3A_432, %swap3A_433] : memref<8x16384xi32, #tpu.memory_space<vmem>>, vector<1x1024xi32>
      %swap3A_435 = vector.shape_cast %swap3A_434 : vector<1x1024xi32> to vector<1024xi32>
      %swap3A_436 = vector.shape_cast %convert_element_type3A_429 : vector<1024xi32> to vector<1x1024xi32>
      tpu.vector_store %arg11[%swap3A_432, %swap3A_433], %swap3A_436 {strides = array<i32>} : memref<8x16384xi32, #tpu.memory_space<vmem>>, vector<1x1024xi32>,
      %get3A_437 = arith.constant 0 : index
      %get3A_438 = arith.constant 0 : index
      %get3A_439 = vector.load %arg4[%get3A_437, %get3A_438] : memref<1x64xf32, #tpu.memory_space<vmem>>, vector<1x64xf32>
      %jit3A_440 = arith.constant 0.000000e+00 : f32
      %broadcast_in_dim3A_441 = vector.broadcast %jit3A_440 : f32 to vector<64x1024xf32>
      %select_n3A_442 = arith.select %eq3A_169, %add3A_385, %broadcast_in_dim3A_441 : vector<64x1024xi1>, vector<64x1024xf32>
      %dot_general3A_443 = arith.constant dense<0.000000e+00> : vector<1x1024xf32>
      %dot_general3A_444 = tpu.matmul %get3A_439, %select_n3A_442, %dot_general3A_443 {dimension_numbers = #tpu.dot_dimension_numbers<[1], [0], [0], [1], [0, 0, 1, 1], [], []>, precision = #tpu.contract_precision<fp32>, transpose_lhs_hint = false} : vector<1x64xf32>, vector<64x1024xf32>, vector<1x1024xf32> -> vector<1x1024xf32>
      %squeeze3A_445 = vector.shape_cast %dot_general3A_444 : vector<1x1024xf32> to vector<1024xf32>
      %convert_element_type3A_446 = arith.fptosi %squeeze3A_445 : vector<1024xf32> to vector<1024xi32>
      %mul3A_447 = arith.constant 1024 : i32
      %mul3A_448 = arith.muli %arg0, %mul3A_447 : i32
      %swap3A_449 = arith.constant 3 : index
      %swap3A_450 = arith.index_cast %mul3A_448 : i32 to index
      %swap3A_451 = vector.load %arg11[%swap3A_449, %swap3A_450] : memref<8x16384xi32, #tpu.memory_space<vmem>>, vector<1x1024xi32>
      %swap3A_452 = vector.shape_cast %swap3A_451 : vector<1x1024xi32> to vector<1024xi32>
      %swap3A_453 = vector.shape_cast %convert_element_type3A_446 : vector<1024xi32> to vector<1x1024xi32>
      tpu.vector_store %arg11[%swap3A_449, %swap3A_450], %swap3A_453 {strides = array<i32>} : memref<8x16384xi32, #tpu.memory_space<vmem>>, vector<1x1024xi32>,
      %get3A_454 = arith.constant 0 : index
      %get3A_455 = arith.constant 0 : index
      %get3A_456 = vector.load %arg4[%get3A_454, %get3A_455] : memref<1x64xf32, #tpu.memory_space<vmem>>, vector<1x64xf32>
      %jit3A_457 = arith.constant 0.000000e+00 : f32
      %broadcast_in_dim3A_458 = vector.broadcast %jit3A_457 : f32 to vector<64x1024xf32>
      %select_n3A_459 = arith.select %eq3A_216, %add3A_385, %broadcast_in_dim3A_458 : vector<64x1024xi1>, vector<64x1024xf32>
      %dot_general3A_460 = arith.constant dense<0.000000e+00> : vector<1x1024xf32>
      %dot_general3A_461 = tpu.matmul %get3A_456, %select_n3A_459, %dot_general3A_460 {dimension_numbers = #tpu.dot_dimension_numbers<[1], [0], [0], [1], [0, 0, 1, 1], [], []>, precision = #tpu.contract_precision<fp32>, transpose_lhs_hint = false} : vector<1x64xf32>, vector<64x1024xf32>, vector<1x1024xf32> -> vector<1x1024xf32>
      %squeeze3A_462 = vector.shape_cast %dot_general3A_461 : vector<1x1024xf32> to vector<1024xf32>
      %convert_element_type3A_463 = arith.fptosi %squeeze3A_462 : vector<1024xf32> to vector<1024xi32>
      %mul3A_464 = arith.constant 1024 : i32
      %mul3A_465 = arith.muli %arg0, %mul3A_464 : i32
      %swap3A_466 = arith.constant 4 : index
      %swap3A_467 = arith.index_cast %mul3A_465 : i32 to index
      %swap3A_468 = vector.load %arg11[%swap3A_466, %swap3A_467] : memref<8x16384xi32, #tpu.memory_space<vmem>>, vector<1x1024xi32>
      %swap3A_469 = vector.shape_cast %swap3A_468 : vector<1x1024xi32> to vector<1024xi32>
      %swap3A_470 = vector.shape_cast %convert_element_type3A_463 : vector<1024xi32> to vector<1x1024xi32>
      tpu.vector_store %arg11[%swap3A_466, %swap3A_467], %swap3A_470 {strides = array<i32>} : memref<8x16384xi32, #tpu.memory_space<vmem>>, vector<1x1024xi32>,
      %get3A_471 = arith.constant 0 : index
      %get3A_472 = arith.constant 0 : index
      %get3A_473 = vector.load %arg4[%get3A_471, %get3A_472] : memref<1x64xf32, #tpu.memory_space<vmem>>, vector<1x64xf32>
      %jit3A_474 = arith.constant 0.000000e+00 : f32
      %broadcast_in_dim3A_475 = vector.broadcast %jit3A_474 : f32 to vector<64x1024xf32>
      %select_n3A_476 = arith.select %eq3A_263, %add3A_385, %broadcast_in_dim3A_475 : vector<64x1024xi1>, vector<64x1024xf32>
      %dot_general3A_477 = arith.constant dense<0.000000e+00> : vector<1x1024xf32>
      %dot_general3A_478 = tpu.matmul %get3A_473, %select_n3A_476, %dot_general3A_477 {dimension_numbers = #tpu.dot_dimension_numbers<[1], [0], [0], [1], [0, 0, 1, 1], [], []>, precision = #tpu.contract_precision<fp32>, transpose_lhs_hint = false} : vector<1x64xf32>, vector<64x1024xf32>, vector<1x1024xf32> -> vector<1x1024xf32>
      %squeeze3A_479 = vector.shape_cast %dot_general3A_478 : vector<1x1024xf32> to vector<1024xf32>
      %convert_element_type3A_480 = arith.fptosi %squeeze3A_479 : vector<1024xf32> to vector<1024xi32>
      %mul3A_481 = arith.constant 1024 : i32
      %mul3A_482 = arith.muli %arg0, %mul3A_481 : i32
      %swap3A_483 = arith.constant 5 : index
      %swap3A_484 = arith.index_cast %mul3A_482 : i32 to index
      %swap3A_485 = vector.load %arg11[%swap3A_483, %swap3A_484] : memref<8x16384xi32, #tpu.memory_space<vmem>>, vector<1x1024xi32>
      %swap3A_486 = vector.shape_cast %swap3A_485 : vector<1x1024xi32> to vector<1024xi32>
      %swap3A_487 = vector.shape_cast %convert_element_type3A_480 : vector<1024xi32> to vector<1x1024xi32>
      tpu.vector_store %arg11[%swap3A_483, %swap3A_484], %swap3A_487 {strides = array<i32>} : memref<8x16384xi32, #tpu.memory_space<vmem>>, vector<1x1024xi32>,
      %get3A_488 = arith.constant 0 : index
      %get3A_489 = arith.constant 0 : index
      %get3A_490 = vector.load %arg4[%get3A_488, %get3A_489] : memref<1x64xf32, #tpu.memory_space<vmem>>, vector<1x64xf32>
      %jit3A_491 = arith.constant 0.000000e+00 : f32
      %broadcast_in_dim3A_492 = vector.broadcast %jit3A_491 : f32 to vector<64x1024xf32>
      %select_n3A_493 = arith.select %eq3A_310, %add3A_385, %broadcast_in_dim3A_492 : vector<64x1024xi1>, vector<64x1024xf32>
      %dot_general3A_494 = arith.constant dense<0.000000e+00> : vector<1x1024xf32>
      %dot_general3A_495 = tpu.matmul %get3A_490, %select_n3A_493, %dot_general3A_494 {dimension_numbers = #tpu.dot_dimension_numbers<[1], [0], [0], [1], [0, 0, 1, 1], [], []>, precision = #tpu.contract_precision<fp32>, transpose_lhs_hint = false} : vector<1x64xf32>, vector<64x1024xf32>, vector<1x1024xf32> -> vector<1x1024xf32>
      %squeeze3A_496 = vector.shape_cast %dot_general3A_495 : vector<1x1024xf32> to vector<1024xf32>
      %convert_element_type3A_497 = arith.fptosi %squeeze3A_496 : vector<1024xf32> to vector<1024xi32>
      %mul3A_498 = arith.constant 1024 : i32
      %mul3A_499 = arith.muli %arg0, %mul3A_498 : i32
      %swap3A_500 = arith.constant 6 : index
      %swap3A_501 = arith.index_cast %mul3A_499 : i32 to index
      %swap3A_502 = vector.load %arg11[%swap3A_500, %swap3A_501] : memref<8x16384xi32, #tpu.memory_space<vmem>>, vector<1x1024xi32>
      %swap3A_503 = vector.shape_cast %swap3A_502 : vector<1x1024xi32> to vector<1024xi32>
      %swap3A_504 = vector.shape_cast %convert_element_type3A_497 : vector<1024xi32> to vector<1x1024xi32>
      tpu.vector_store %arg11[%swap3A_500, %swap3A_501], %swap3A_504 {strides = array<i32>} : memref<8x16384xi32, #tpu.memory_space<vmem>>, vector<1x1024xi32>,
      %get3A_505 = arith.constant 0 : index
      %get3A_506 = arith.constant 0 : index
      %get3A_507 = vector.load %arg4[%get3A_505, %get3A_506] : memref<1x64xf32, #tpu.memory_space<vmem>>, vector<1x64xf32>
      %jit3A_508 = arith.constant 0.000000e+00 : f32
      %broadcast_in_dim3A_509 = vector.broadcast %jit3A_508 : f32 to vector<64x1024xf32>
      %select_n3A_510 = arith.select %eq3A_357, %add3A_385, %broadcast_in_dim3A_509 : vector<64x1024xi1>, vector<64x1024xf32>
      %dot_general3A_511 = arith.constant dense<0.000000e+00> : vector<1x1024xf32>
      %dot_general3A_512 = tpu.matmul %get3A_507, %select_n3A_510, %dot_general3A_511 {dimension_numbers = #tpu.dot_dimension_numbers<[1], [0], [0], [1], [0, 0, 1, 1], [], []>, precision = #tpu.contract_precision<fp32>, transpose_lhs_hint = false} : vector<1x64xf32>, vector<64x1024xf32>, vector<1x1024xf32> -> vector<1x1024xf32>
      %squeeze3A_513 = vector.shape_cast %dot_general3A_512 : vector<1x1024xf32> to vector<1024xf32>
      %convert_element_type3A_514 = arith.fptosi %squeeze3A_513 : vector<1024xf32> to vector<1024xi32>
      %mul3A_515 = arith.constant 1024 : i32
      %mul3A_516 = arith.muli %arg0, %mul3A_515 : i32
      %swap3A_517 = arith.constant 7 : index
      %swap3A_518 = arith.index_cast %mul3A_516 : i32 to index
      %swap3A_519 = vector.load %arg11[%swap3A_517, %swap3A_518] : memref<8x16384xi32, #tpu.memory_space<vmem>>, vector<1x1024xi32>
      %swap3A_520 = vector.shape_cast %swap3A_519 : vector<1x1024xi32> to vector<1024xi32>
      %swap3A_521 = vector.shape_cast %convert_element_type3A_514 : vector<1024xi32> to vector<1x1024xi32>
      tpu.vector_store %arg11[%swap3A_517, %swap3A_518], %swap3A_521 {strides = array<i32>} : memref<8x16384xi32, #tpu.memory_space<vmem>>, vector<1x1024xi32>,
      %get3A_522 = arith.constant 0 : index
      %get3A_523 = arith.constant 0 : index
      %get3A_524 = vector.load %arg9[%get3A_522, %get3A_523] : memref<64x1xf32, #tpu.memory_space<vmem>>, vector<64x1xf32>
      %slice3A = vector.extract_strided_slice %dot_general3A_379 {offsets = [0, 1023], sizes = [64, 1], strides = [1, 1]} : vector<64x1024xf32> to vector<64x1xf32>
      %add3A_525 = arith.addf %get3A_524, %slice3A : vector<64x1xf32>
      %swap3A_526 = arith.constant 0 : index
      %swap3A_527 = arith.constant 0 : index
      %swap3A_528 = vector.load %arg9[%swap3A_526, %swap3A_527] : memref<64x1xf32, #tpu.memory_space<vmem>>, vector<64x1xf32>
      tpu.vector_store %arg9[%swap3A_526, %swap3A_527], %add3A_525 {strides = array<i32>} : memref<64x1xf32, #tpu.memory_space<vmem>>, vector<64x1xf32>,
      %eq3A_529 = arith.constant 15 : i32
      %eq3A_530 = arith.cmpi eq, %arg0, %eq3A_529 : i32
      %convert_element_type3A_531 = arith.extui %eq3A_530 : i1 to i32
      %cond3A_532 = arith.constant 0 : i32
      %cond3A_533 = arith.cmpi ne, %convert_element_type3A_531, %cond3A_532 : i32
      scf.if %cond3A_533 {
        %convert_element_type3A_534 = arith.fptosi %add3A_525 : vector<64x1xf32> to vector<64x1xi32>
        %swap3A_535 = arith.constant 0 : index
        %swap3A_536 = arith.constant 0 : index
        %swap3A_537 = vector.load %arg8[%swap3A_535, %swap3A_536] : memref<64x1xi32, #tpu.memory_space<vmem>>, vector<64x1xi32>
        tpu.vector_store %arg8[%swap3A_535, %swap3A_536], %convert_element_type3A_534 {strides = array<i32>} : memref<64x1xi32, #tpu.memory_space<vmem>>, vector<64x1xi32>,
        %get3A_538 = arith.constant 0 : index
        %get3A_539 = arith.constant 0 : index
        %get3A_540 = vector.load %arg5[%get3A_538, %get3A_539] : memref<64x64xf32, #tpu.memory_space<vmem>>, vector<64x64xf32>
        %dot_general3A_541 = arith.constant dense<0.000000e+00> : vector<64x1xf32>
        %dot_general3A_542 = tpu.matmul %get3A_540, %add3A_525, %dot_general3A_541 {dimension_numbers = #tpu.dot_dimension_numbers<[1], [0], [0], [1], [0, 0, 1, 1], [], []>, precision = #tpu.contract_precision<fp32>, transpose_lhs_hint = false} : vector<64x64xf32>, vector<64x1xf32>, vector<64x1xf32> -> vector<64x1xf32>
        %convert_element_type3A_543 = arith.fptosi %dot_general3A_542 : vector<64x1xf32> to vector<64x1xi32>
        %swap3A_544 = arith.constant 0 : index
        %swap3A_545 = arith.constant 0 : index
        %swap3A_546 = vector.load %arg12[%swap3A_544, %swap3A_545] : memref<64x1xi32, #tpu.memory_space<vmem>>, vector<64x1xi32>
        tpu.vector_store %arg12[%swap3A_544, %swap3A_545], %convert_element_type3A_543 {strides = array<i32>} : memref<64x1xi32, #tpu.memory_space<vmem>>, vector<64x1xi32>,
      } else {
      }
    } else {
    }
    %ge3A = arith.constant 16 : i32
    %ge3A_6 = arith.cmpi sge, %arg0, %ge3A : i32
    %convert_element_type3A_7 = arith.extui %ge3A_6 : i1 to i32
    %cond3A_8 = arith.constant 0 : i32
    %cond3A_9 = arith.cmpi ne, %convert_element_type3A_7, %cond3A_8 : i32
    scf.if %cond3A_9 {
      %sub3A = arith.constant 16 : i32
      %sub3A_10 = arith.subi %arg0, %sub3A : i32
      %mul3A = arith.constant 2048 : i32
      %mul3A_11 = arith.muli %sub3A_10, %mul3A : i32
      %get3A = arith.constant 0 : index
      %get3A_12 = arith.index_cast %mul3A_11 : i32 to index
      %get3A_13 = vector.load %arg10[%get3A, %get3A_12] : memref<8x16384xi32, #tpu.memory_space<vmem>>, vector<8x2048xi32>
      %get3A_14 = arith.constant 0 : index
      %get3A_15 = arith.index_cast %mul3A_11 : i32 to index
      %get3A_16 = vector.load %arg11[%get3A_14, %get3A_15] : memref<8x16384xi32, #tpu.memory_space<vmem>>, vector<8x2048xi32>
      %broadcast_in_dim3A = arith.constant 0 : i32
      %broadcast_in_dim3A_17 = vector.broadcast %broadcast_in_dim3A : i32 to vector<8x2048xi32>
      %eq3A_18 = arith.constant 0 : i32
      %eq3A_19 = vector.broadcast %eq3A_18 : i32 to vector<8x2048xi32>
      %eq3A_20 = arith.cmpi eq, %get3A_13, %eq3A_19 : vector<8x2048xi32>
      %get3A_21 = arith.constant 0 : index
      %get3A_22 = arith.constant 0 : index
      %get3A_23 = vector.load %arg12[%get3A_21, %get3A_22] : memref<64x1xi32, #tpu.memory_space<vmem>>, vector<1x1xi32>
      %get3A_24 = vector.extract %get3A_23[0, 0] : i32 from vector<1x1xi32>
      %broadcast_in_dim3A_25 = vector.broadcast %get3A_24 : i32 to vector<8x2048xi32>
      %select_n3A = arith.select %eq3A_20, %broadcast_in_dim3A_25, %broadcast_in_dim3A_17 : vector<8x2048xi1>, vector<8x2048xi32>
      %eq3A_26 = arith.constant 1 : i32
      %eq3A_27 = vector.broadcast %eq3A_26 : i32 to vector<8x2048xi32>
      %eq3A_28 = arith.cmpi eq, %get3A_13, %eq3A_27 : vector<8x2048xi32>
      %get3A_29 = arith.constant 1 : index
      %get3A_30 = arith.constant 0 : index
      %get3A_31 = vector.load %arg12[%get3A_29, %get3A_30] : memref<64x1xi32, #tpu.memory_space<vmem>>, vector<1x1xi32>
      %get3A_32 = vector.extract %get3A_31[0, 0] : i32 from vector<1x1xi32>
      %broadcast_in_dim3A_33 = vector.broadcast %get3A_32 : i32 to vector<8x2048xi32>
      %select_n3A_34 = arith.select %eq3A_28, %broadcast_in_dim3A_33, %select_n3A : vector<8x2048xi1>, vector<8x2048xi32>
      %eq3A_35 = arith.constant 2 : i32
      %eq3A_36 = vector.broadcast %eq3A_35 : i32 to vector<8x2048xi32>
      %eq3A_37 = arith.cmpi eq, %get3A_13, %eq3A_36 : vector<8x2048xi32>
      %get3A_38 = arith.constant 2 : index
      %get3A_39 = arith.constant 0 : index
      %get3A_40 = vector.load %arg12[%get3A_38, %get3A_39] : memref<64x1xi32, #tpu.memory_space<vmem>>, vector<1x1xi32>
      %get3A_41 = vector.extract %get3A_40[0, 0] : i32 from vector<1x1xi32>
      %broadcast_in_dim3A_42 = vector.broadcast %get3A_41 : i32 to vector<8x2048xi32>
      %select_n3A_43 = arith.select %eq3A_37, %broadcast_in_dim3A_42, %select_n3A_34 : vector<8x2048xi1>, vector<8x2048xi32>
      %eq3A_44 = arith.constant 3 : i32
      %eq3A_45 = vector.broadcast %eq3A_44 : i32 to vector<8x2048xi32>
      %eq3A_46 = arith.cmpi eq, %get3A_13, %eq3A_45 : vector<8x2048xi32>
      %get3A_47 = arith.constant 3 : index
      %get3A_48 = arith.constant 0 : index
      %get3A_49 = vector.load %arg12[%get3A_47, %get3A_48] : memref<64x1xi32, #tpu.memory_space<vmem>>, vector<1x1xi32>
      %get3A_50 = vector.extract %get3A_49[0, 0] : i32 from vector<1x1xi32>
      %broadcast_in_dim3A_51 = vector.broadcast %get3A_50 : i32 to vector<8x2048xi32>
      %select_n3A_52 = arith.select %eq3A_46, %broadcast_in_dim3A_51, %select_n3A_43 : vector<8x2048xi1>, vector<8x2048xi32>
      %eq3A_53 = arith.constant 4 : i32
      %eq3A_54 = vector.broadcast %eq3A_53 : i32 to vector<8x2048xi32>
      %eq3A_55 = arith.cmpi eq, %get3A_13, %eq3A_54 : vector<8x2048xi32>
      %get3A_56 = arith.constant 4 : index
      %get3A_57 = arith.constant 0 : index
      %get3A_58 = vector.load %arg12[%get3A_56, %get3A_57] : memref<64x1xi32, #tpu.memory_space<vmem>>, vector<1x1xi32>
      %get3A_59 = vector.extract %get3A_58[0, 0] : i32 from vector<1x1xi32>
      %broadcast_in_dim3A_60 = vector.broadcast %get3A_59 : i32 to vector<8x2048xi32>
      %select_n3A_61 = arith.select %eq3A_55, %broadcast_in_dim3A_60, %select_n3A_52 : vector<8x2048xi1>, vector<8x2048xi32>
      %eq3A_62 = arith.constant 5 : i32
      %eq3A_63 = vector.broadcast %eq3A_62 : i32 to vector<8x2048xi32>
      %eq3A_64 = arith.cmpi eq, %get3A_13, %eq3A_63 : vector<8x2048xi32>
      %get3A_65 = arith.constant 5 : index
      %get3A_66 = arith.constant 0 : index
      %get3A_67 = vector.load %arg12[%get3A_65, %get3A_66] : memref<64x1xi32, #tpu.memory_space<vmem>>, vector<1x1xi32>
      %get3A_68 = vector.extract %get3A_67[0, 0] : i32 from vector<1x1xi32>
      %broadcast_in_dim3A_69 = vector.broadcast %get3A_68 : i32 to vector<8x2048xi32>
      %select_n3A_70 = arith.select %eq3A_64, %broadcast_in_dim3A_69, %select_n3A_61 : vector<8x2048xi1>, vector<8x2048xi32>
      %eq3A_71 = arith.constant 6 : i32
      %eq3A_72 = vector.broadcast %eq3A_71 : i32 to vector<8x2048xi32>
      %eq3A_73 = arith.cmpi eq, %get3A_13, %eq3A_72 : vector<8x2048xi32>
      %get3A_74 = arith.constant 6 : index
      %get3A_75 = arith.constant 0 : index
      %get3A_76 = vector.load %arg12[%get3A_74, %get3A_75] : memref<64x1xi32, #tpu.memory_space<vmem>>, vector<1x1xi32>
      %get3A_77 = vector.extract %get3A_76[0, 0] : i32 from vector<1x1xi32>
      %broadcast_in_dim3A_78 = vector.broadcast %get3A_77 : i32 to vector<8x2048xi32>
      %select_n3A_79 = arith.select %eq3A_73, %broadcast_in_dim3A_78, %select_n3A_70 : vector<8x2048xi1>, vector<8x2048xi32>
      %eq3A_80 = arith.constant 7 : i32
      %eq3A_81 = vector.broadcast %eq3A_80 : i32 to vector<8x2048xi32>
      %eq3A_82 = arith.cmpi eq, %get3A_13, %eq3A_81 : vector<8x2048xi32>
      %get3A_83 = arith.constant 7 : index
      %get3A_84 = arith.constant 0 : index
      %get3A_85 = vector.load %arg12[%get3A_83, %get3A_84] : memref<64x1xi32, #tpu.memory_space<vmem>>, vector<1x1xi32>
      %get3A_86 = vector.extract %get3A_85[0, 0] : i32 from vector<1x1xi32>
      %broadcast_in_dim3A_87 = vector.broadcast %get3A_86 : i32 to vector<8x2048xi32>
      %select_n3A_88 = arith.select %eq3A_82, %broadcast_in_dim3A_87, %select_n3A_79 : vector<8x2048xi1>, vector<8x2048xi32>
      %eq3A_89 = arith.constant 8 : i32
      %eq3A_90 = vector.broadcast %eq3A_89 : i32 to vector<8x2048xi32>
      %eq3A_91 = arith.cmpi eq, %get3A_13, %eq3A_90 : vector<8x2048xi32>
      %get3A_92 = arith.constant 8 : index
      %get3A_93 = arith.constant 0 : index
      %get3A_94 = vector.load %arg12[%get3A_92, %get3A_93] : memref<64x1xi32, #tpu.memory_space<vmem>>, vector<1x1xi32>
      %get3A_95 = vector.extract %get3A_94[0, 0] : i32 from vector<1x1xi32>
      %broadcast_in_dim3A_96 = vector.broadcast %get3A_95 : i32 to vector<8x2048xi32>
      %select_n3A_97 = arith.select %eq3A_91, %broadcast_in_dim3A_96, %select_n3A_88 : vector<8x2048xi1>, vector<8x2048xi32>
      %eq3A_98 = arith.constant 9 : i32
      %eq3A_99 = vector.broadcast %eq3A_98 : i32 to vector<8x2048xi32>
      %eq3A_100 = arith.cmpi eq, %get3A_13, %eq3A_99 : vector<8x2048xi32>
      %get3A_101 = arith.constant 9 : index
      %get3A_102 = arith.constant 0 : index
      %get3A_103 = vector.load %arg12[%get3A_101, %get3A_102] : memref<64x1xi32, #tpu.memory_space<vmem>>, vector<1x1xi32>
      %get3A_104 = vector.extract %get3A_103[0, 0] : i32 from vector<1x1xi32>
      %broadcast_in_dim3A_105 = vector.broadcast %get3A_104 : i32 to vector<8x2048xi32>
      %select_n3A_106 = arith.select %eq3A_100, %broadcast_in_dim3A_105, %select_n3A_97 : vector<8x2048xi1>, vector<8x2048xi32>
      %eq3A_107 = arith.constant 10 : i32
      %eq3A_108 = vector.broadcast %eq3A_107 : i32 to vector<8x2048xi32>
      %eq3A_109 = arith.cmpi eq, %get3A_13, %eq3A_108 : vector<8x2048xi32>
      %get3A_110 = arith.constant 10 : index
      %get3A_111 = arith.constant 0 : index
      %get3A_112 = vector.load %arg12[%get3A_110, %get3A_111] : memref<64x1xi32, #tpu.memory_space<vmem>>, vector<1x1xi32>
      %get3A_113 = vector.extract %get3A_112[0, 0] : i32 from vector<1x1xi32>
      %broadcast_in_dim3A_114 = vector.broadcast %get3A_113 : i32 to vector<8x2048xi32>
      %select_n3A_115 = arith.select %eq3A_109, %broadcast_in_dim3A_114, %select_n3A_106 : vector<8x2048xi1>, vector<8x2048xi32>
      %eq3A_116 = arith.constant 11 : i32
      %eq3A_117 = vector.broadcast %eq3A_116 : i32 to vector<8x2048xi32>
      %eq3A_118 = arith.cmpi eq, %get3A_13, %eq3A_117 : vector<8x2048xi32>
      %get3A_119 = arith.constant 11 : index
      %get3A_120 = arith.constant 0 : index
      %get3A_121 = vector.load %arg12[%get3A_119, %get3A_120] : memref<64x1xi32, #tpu.memory_space<vmem>>, vector<1x1xi32>
      %get3A_122 = vector.extract %get3A_121[0, 0] : i32 from vector<1x1xi32>
      %broadcast_in_dim3A_123 = vector.broadcast %get3A_122 : i32 to vector<8x2048xi32>
      %select_n3A_124 = arith.select %eq3A_118, %broadcast_in_dim3A_123, %select_n3A_115 : vector<8x2048xi1>, vector<8x2048xi32>
      %eq3A_125 = arith.constant 12 : i32
      %eq3A_126 = vector.broadcast %eq3A_125 : i32 to vector<8x2048xi32>
      %eq3A_127 = arith.cmpi eq, %get3A_13, %eq3A_126 : vector<8x2048xi32>
      %get3A_128 = arith.constant 12 : index
      %get3A_129 = arith.constant 0 : index
      %get3A_130 = vector.load %arg12[%get3A_128, %get3A_129] : memref<64x1xi32, #tpu.memory_space<vmem>>, vector<1x1xi32>
      %get3A_131 = vector.extract %get3A_130[0, 0] : i32 from vector<1x1xi32>
      %broadcast_in_dim3A_132 = vector.broadcast %get3A_131 : i32 to vector<8x2048xi32>
      %select_n3A_133 = arith.select %eq3A_127, %broadcast_in_dim3A_132, %select_n3A_124 : vector<8x2048xi1>, vector<8x2048xi32>
      %eq3A_134 = arith.constant 13 : i32
      %eq3A_135 = vector.broadcast %eq3A_134 : i32 to vector<8x2048xi32>
      %eq3A_136 = arith.cmpi eq, %get3A_13, %eq3A_135 : vector<8x2048xi32>
      %get3A_137 = arith.constant 13 : index
      %get3A_138 = arith.constant 0 : index
      %get3A_139 = vector.load %arg12[%get3A_137, %get3A_138] : memref<64x1xi32, #tpu.memory_space<vmem>>, vector<1x1xi32>
      %get3A_140 = vector.extract %get3A_139[0, 0] : i32 from vector<1x1xi32>
      %broadcast_in_dim3A_141 = vector.broadcast %get3A_140 : i32 to vector<8x2048xi32>
      %select_n3A_142 = arith.select %eq3A_136, %broadcast_in_dim3A_141, %select_n3A_133 : vector<8x2048xi1>, vector<8x2048xi32>
      %eq3A_143 = arith.constant 14 : i32
      %eq3A_144 = vector.broadcast %eq3A_143 : i32 to vector<8x2048xi32>
      %eq3A_145 = arith.cmpi eq, %get3A_13, %eq3A_144 : vector<8x2048xi32>
      %get3A_146 = arith.constant 14 : index
      %get3A_147 = arith.constant 0 : index
      %get3A_148 = vector.load %arg12[%get3A_146, %get3A_147] : memref<64x1xi32, #tpu.memory_space<vmem>>, vector<1x1xi32>
      %get3A_149 = vector.extract %get3A_148[0, 0] : i32 from vector<1x1xi32>
      %broadcast_in_dim3A_150 = vector.broadcast %get3A_149 : i32 to vector<8x2048xi32>
      %select_n3A_151 = arith.select %eq3A_145, %broadcast_in_dim3A_150, %select_n3A_142 : vector<8x2048xi1>, vector<8x2048xi32>
      %eq3A_152 = arith.constant 15 : i32
      %eq3A_153 = vector.broadcast %eq3A_152 : i32 to vector<8x2048xi32>
      %eq3A_154 = arith.cmpi eq, %get3A_13, %eq3A_153 : vector<8x2048xi32>
      %get3A_155 = arith.constant 15 : index
      %get3A_156 = arith.constant 0 : index
      %get3A_157 = vector.load %arg12[%get3A_155, %get3A_156] : memref<64x1xi32, #tpu.memory_space<vmem>>, vector<1x1xi32>
      %get3A_158 = vector.extract %get3A_157[0, 0] : i32 from vector<1x1xi32>
      %broadcast_in_dim3A_159 = vector.broadcast %get3A_158 : i32 to vector<8x2048xi32>
      %select_n3A_160 = arith.select %eq3A_154, %broadcast_in_dim3A_159, %select_n3A_151 : vector<8x2048xi1>, vector<8x2048xi32>
      %eq3A_161 = arith.constant 16 : i32
      %eq3A_162 = vector.broadcast %eq3A_161 : i32 to vector<8x2048xi32>
      %eq3A_163 = arith.cmpi eq, %get3A_13, %eq3A_162 : vector<8x2048xi32>
      %get3A_164 = arith.constant 16 : index
      %get3A_165 = arith.constant 0 : index
      %get3A_166 = vector.load %arg12[%get3A_164, %get3A_165] : memref<64x1xi32, #tpu.memory_space<vmem>>, vector<1x1xi32>
      %get3A_167 = vector.extract %get3A_166[0, 0] : i32 from vector<1x1xi32>
      %broadcast_in_dim3A_168 = vector.broadcast %get3A_167 : i32 to vector<8x2048xi32>
      %select_n3A_169 = arith.select %eq3A_163, %broadcast_in_dim3A_168, %select_n3A_160 : vector<8x2048xi1>, vector<8x2048xi32>
      %eq3A_170 = arith.constant 17 : i32
      %eq3A_171 = vector.broadcast %eq3A_170 : i32 to vector<8x2048xi32>
      %eq3A_172 = arith.cmpi eq, %get3A_13, %eq3A_171 : vector<8x2048xi32>
      %get3A_173 = arith.constant 17 : index
      %get3A_174 = arith.constant 0 : index
      %get3A_175 = vector.load %arg12[%get3A_173, %get3A_174] : memref<64x1xi32, #tpu.memory_space<vmem>>, vector<1x1xi32>
      %get3A_176 = vector.extract %get3A_175[0, 0] : i32 from vector<1x1xi32>
      %broadcast_in_dim3A_177 = vector.broadcast %get3A_176 : i32 to vector<8x2048xi32>
      %select_n3A_178 = arith.select %eq3A_172, %broadcast_in_dim3A_177, %select_n3A_169 : vector<8x2048xi1>, vector<8x2048xi32>
      %eq3A_179 = arith.constant 18 : i32
      %eq3A_180 = vector.broadcast %eq3A_179 : i32 to vector<8x2048xi32>
      %eq3A_181 = arith.cmpi eq, %get3A_13, %eq3A_180 : vector<8x2048xi32>
      %get3A_182 = arith.constant 18 : index
      %get3A_183 = arith.constant 0 : index
      %get3A_184 = vector.load %arg12[%get3A_182, %get3A_183] : memref<64x1xi32, #tpu.memory_space<vmem>>, vector<1x1xi32>
      %get3A_185 = vector.extract %get3A_184[0, 0] : i32 from vector<1x1xi32>
      %broadcast_in_dim3A_186 = vector.broadcast %get3A_185 : i32 to vector<8x2048xi32>
      %select_n3A_187 = arith.select %eq3A_181, %broadcast_in_dim3A_186, %select_n3A_178 : vector<8x2048xi1>, vector<8x2048xi32>
      %eq3A_188 = arith.constant 19 : i32
      %eq3A_189 = vector.broadcast %eq3A_188 : i32 to vector<8x2048xi32>
      %eq3A_190 = arith.cmpi eq, %get3A_13, %eq3A_189 : vector<8x2048xi32>
      %get3A_191 = arith.constant 19 : index
      %get3A_192 = arith.constant 0 : index
      %get3A_193 = vector.load %arg12[%get3A_191, %get3A_192] : memref<64x1xi32, #tpu.memory_space<vmem>>, vector<1x1xi32>
      %get3A_194 = vector.extract %get3A_193[0, 0] : i32 from vector<1x1xi32>
      %broadcast_in_dim3A_195 = vector.broadcast %get3A_194 : i32 to vector<8x2048xi32>
      %select_n3A_196 = arith.select %eq3A_190, %broadcast_in_dim3A_195, %select_n3A_187 : vector<8x2048xi1>, vector<8x2048xi32>
      %eq3A_197 = arith.constant 20 : i32
      %eq3A_198 = vector.broadcast %eq3A_197 : i32 to vector<8x2048xi32>
      %eq3A_199 = arith.cmpi eq, %get3A_13, %eq3A_198 : vector<8x2048xi32>
      %get3A_200 = arith.constant 20 : index
      %get3A_201 = arith.constant 0 : index
      %get3A_202 = vector.load %arg12[%get3A_200, %get3A_201] : memref<64x1xi32, #tpu.memory_space<vmem>>, vector<1x1xi32>
      %get3A_203 = vector.extract %get3A_202[0, 0] : i32 from vector<1x1xi32>
      %broadcast_in_dim3A_204 = vector.broadcast %get3A_203 : i32 to vector<8x2048xi32>
      %select_n3A_205 = arith.select %eq3A_199, %broadcast_in_dim3A_204, %select_n3A_196 : vector<8x2048xi1>, vector<8x2048xi32>
      %eq3A_206 = arith.constant 21 : i32
      %eq3A_207 = vector.broadcast %eq3A_206 : i32 to vector<8x2048xi32>
      %eq3A_208 = arith.cmpi eq, %get3A_13, %eq3A_207 : vector<8x2048xi32>
      %get3A_209 = arith.constant 21 : index
      %get3A_210 = arith.constant 0 : index
      %get3A_211 = vector.load %arg12[%get3A_209, %get3A_210] : memref<64x1xi32, #tpu.memory_space<vmem>>, vector<1x1xi32>
      %get3A_212 = vector.extract %get3A_211[0, 0] : i32 from vector<1x1xi32>
      %broadcast_in_dim3A_213 = vector.broadcast %get3A_212 : i32 to vector<8x2048xi32>
      %select_n3A_214 = arith.select %eq3A_208, %broadcast_in_dim3A_213, %select_n3A_205 : vector<8x2048xi1>, vector<8x2048xi32>
      %eq3A_215 = arith.constant 22 : i32
      %eq3A_216 = vector.broadcast %eq3A_215 : i32 to vector<8x2048xi32>
      %eq3A_217 = arith.cmpi eq, %get3A_13, %eq3A_216 : vector<8x2048xi32>
      %get3A_218 = arith.constant 22 : index
      %get3A_219 = arith.constant 0 : index
      %get3A_220 = vector.load %arg12[%get3A_218, %get3A_219] : memref<64x1xi32, #tpu.memory_space<vmem>>, vector<1x1xi32>
      %get3A_221 = vector.extract %get3A_220[0, 0] : i32 from vector<1x1xi32>
      %broadcast_in_dim3A_222 = vector.broadcast %get3A_221 : i32 to vector<8x2048xi32>
      %select_n3A_223 = arith.select %eq3A_217, %broadcast_in_dim3A_222, %select_n3A_214 : vector<8x2048xi1>, vector<8x2048xi32>
      %eq3A_224 = arith.constant 23 : i32
      %eq3A_225 = vector.broadcast %eq3A_224 : i32 to vector<8x2048xi32>
      %eq3A_226 = arith.cmpi eq, %get3A_13, %eq3A_225 : vector<8x2048xi32>
      %get3A_227 = arith.constant 23 : index
      %get3A_228 = arith.constant 0 : index
      %get3A_229 = vector.load %arg12[%get3A_227, %get3A_228] : memref<64x1xi32, #tpu.memory_space<vmem>>, vector<1x1xi32>
      %get3A_230 = vector.extract %get3A_229[0, 0] : i32 from vector<1x1xi32>
      %broadcast_in_dim3A_231 = vector.broadcast %get3A_230 : i32 to vector<8x2048xi32>
      %select_n3A_232 = arith.select %eq3A_226, %broadcast_in_dim3A_231, %select_n3A_223 : vector<8x2048xi1>, vector<8x2048xi32>
      %eq3A_233 = arith.constant 24 : i32
      %eq3A_234 = vector.broadcast %eq3A_233 : i32 to vector<8x2048xi32>
      %eq3A_235 = arith.cmpi eq, %get3A_13, %eq3A_234 : vector<8x2048xi32>
      %get3A_236 = arith.constant 24 : index
      %get3A_237 = arith.constant 0 : index
      %get3A_238 = vector.load %arg12[%get3A_236, %get3A_237] : memref<64x1xi32, #tpu.memory_space<vmem>>, vector<1x1xi32>
      %get3A_239 = vector.extract %get3A_238[0, 0] : i32 from vector<1x1xi32>
      %broadcast_in_dim3A_240 = vector.broadcast %get3A_239 : i32 to vector<8x2048xi32>
      %select_n3A_241 = arith.select %eq3A_235, %broadcast_in_dim3A_240, %select_n3A_232 : vector<8x2048xi1>, vector<8x2048xi32>
      %eq3A_242 = arith.constant 25 : i32
      %eq3A_243 = vector.broadcast %eq3A_242 : i32 to vector<8x2048xi32>
      %eq3A_244 = arith.cmpi eq, %get3A_13, %eq3A_243 : vector<8x2048xi32>
      %get3A_245 = arith.constant 25 : index
      %get3A_246 = arith.constant 0 : index
      %get3A_247 = vector.load %arg12[%get3A_245, %get3A_246] : memref<64x1xi32, #tpu.memory_space<vmem>>, vector<1x1xi32>
      %get3A_248 = vector.extract %get3A_247[0, 0] : i32 from vector<1x1xi32>
      %broadcast_in_dim3A_249 = vector.broadcast %get3A_248 : i32 to vector<8x2048xi32>
      %select_n3A_250 = arith.select %eq3A_244, %broadcast_in_dim3A_249, %select_n3A_241 : vector<8x2048xi1>, vector<8x2048xi32>
      %eq3A_251 = arith.constant 26 : i32
      %eq3A_252 = vector.broadcast %eq3A_251 : i32 to vector<8x2048xi32>
      %eq3A_253 = arith.cmpi eq, %get3A_13, %eq3A_252 : vector<8x2048xi32>
      %get3A_254 = arith.constant 26 : index
      %get3A_255 = arith.constant 0 : index
      %get3A_256 = vector.load %arg12[%get3A_254, %get3A_255] : memref<64x1xi32, #tpu.memory_space<vmem>>, vector<1x1xi32>
      %get3A_257 = vector.extract %get3A_256[0, 0] : i32 from vector<1x1xi32>
      %broadcast_in_dim3A_258 = vector.broadcast %get3A_257 : i32 to vector<8x2048xi32>
      %select_n3A_259 = arith.select %eq3A_253, %broadcast_in_dim3A_258, %select_n3A_250 : vector<8x2048xi1>, vector<8x2048xi32>
      %eq3A_260 = arith.constant 27 : i32
      %eq3A_261 = vector.broadcast %eq3A_260 : i32 to vector<8x2048xi32>
      %eq3A_262 = arith.cmpi eq, %get3A_13, %eq3A_261 : vector<8x2048xi32>
      %get3A_263 = arith.constant 27 : index
      %get3A_264 = arith.constant 0 : index
      %get3A_265 = vector.load %arg12[%get3A_263, %get3A_264] : memref<64x1xi32, #tpu.memory_space<vmem>>, vector<1x1xi32>
      %get3A_266 = vector.extract %get3A_265[0, 0] : i32 from vector<1x1xi32>
      %broadcast_in_dim3A_267 = vector.broadcast %get3A_266 : i32 to vector<8x2048xi32>
      %select_n3A_268 = arith.select %eq3A_262, %broadcast_in_dim3A_267, %select_n3A_259 : vector<8x2048xi1>, vector<8x2048xi32>
      %eq3A_269 = arith.constant 28 : i32
      %eq3A_270 = vector.broadcast %eq3A_269 : i32 to vector<8x2048xi32>
      %eq3A_271 = arith.cmpi eq, %get3A_13, %eq3A_270 : vector<8x2048xi32>
      %get3A_272 = arith.constant 28 : index
      %get3A_273 = arith.constant 0 : index
      %get3A_274 = vector.load %arg12[%get3A_272, %get3A_273] : memref<64x1xi32, #tpu.memory_space<vmem>>, vector<1x1xi32>
      %get3A_275 = vector.extract %get3A_274[0, 0] : i32 from vector<1x1xi32>
      %broadcast_in_dim3A_276 = vector.broadcast %get3A_275 : i32 to vector<8x2048xi32>
      %select_n3A_277 = arith.select %eq3A_271, %broadcast_in_dim3A_276, %select_n3A_268 : vector<8x2048xi1>, vector<8x2048xi32>
      %eq3A_278 = arith.constant 29 : i32
      %eq3A_279 = vector.broadcast %eq3A_278 : i32 to vector<8x2048xi32>
      %eq3A_280 = arith.cmpi eq, %get3A_13, %eq3A_279 : vector<8x2048xi32>
      %get3A_281 = arith.constant 29 : index
      %get3A_282 = arith.constant 0 : index
      %get3A_283 = vector.load %arg12[%get3A_281, %get3A_282] : memref<64x1xi32, #tpu.memory_space<vmem>>, vector<1x1xi32>
      %get3A_284 = vector.extract %get3A_283[0, 0] : i32 from vector<1x1xi32>
      %broadcast_in_dim3A_285 = vector.broadcast %get3A_284 : i32 to vector<8x2048xi32>
      %select_n3A_286 = arith.select %eq3A_280, %broadcast_in_dim3A_285, %select_n3A_277 : vector<8x2048xi1>, vector<8x2048xi32>
      %eq3A_287 = arith.constant 30 : i32
      %eq3A_288 = vector.broadcast %eq3A_287 : i32 to vector<8x2048xi32>
      %eq3A_289 = arith.cmpi eq, %get3A_13, %eq3A_288 : vector<8x2048xi32>
      %get3A_290 = arith.constant 30 : index
      %get3A_291 = arith.constant 0 : index
      %get3A_292 = vector.load %arg12[%get3A_290, %get3A_291] : memref<64x1xi32, #tpu.memory_space<vmem>>, vector<1x1xi32>
      %get3A_293 = vector.extract %get3A_292[0, 0] : i32 from vector<1x1xi32>
      %broadcast_in_dim3A_294 = vector.broadcast %get3A_293 : i32 to vector<8x2048xi32>
      %select_n3A_295 = arith.select %eq3A_289, %broadcast_in_dim3A_294, %select_n3A_286 : vector<8x2048xi1>, vector<8x2048xi32>
      %eq3A_296 = arith.constant 31 : i32
      %eq3A_297 = vector.broadcast %eq3A_296 : i32 to vector<8x2048xi32>
      %eq3A_298 = arith.cmpi eq, %get3A_13, %eq3A_297 : vector<8x2048xi32>
      %get3A_299 = arith.constant 31 : index
      %get3A_300 = arith.constant 0 : index
      %get3A_301 = vector.load %arg12[%get3A_299, %get3A_300] : memref<64x1xi32, #tpu.memory_space<vmem>>, vector<1x1xi32>
      %get3A_302 = vector.extract %get3A_301[0, 0] : i32 from vector<1x1xi32>
      %broadcast_in_dim3A_303 = vector.broadcast %get3A_302 : i32 to vector<8x2048xi32>
      %select_n3A_304 = arith.select %eq3A_298, %broadcast_in_dim3A_303, %select_n3A_295 : vector<8x2048xi1>, vector<8x2048xi32>
      %eq3A_305 = arith.constant 32 : i32
      %eq3A_306 = vector.broadcast %eq3A_305 : i32 to vector<8x2048xi32>
      %eq3A_307 = arith.cmpi eq, %get3A_13, %eq3A_306 : vector<8x2048xi32>
      %get3A_308 = arith.constant 32 : index
      %get3A_309 = arith.constant 0 : index
      %get3A_310 = vector.load %arg12[%get3A_308, %get3A_309] : memref<64x1xi32, #tpu.memory_space<vmem>>, vector<1x1xi32>
      %get3A_311 = vector.extract %get3A_310[0, 0] : i32 from vector<1x1xi32>
      %broadcast_in_dim3A_312 = vector.broadcast %get3A_311 : i32 to vector<8x2048xi32>
      %select_n3A_313 = arith.select %eq3A_307, %broadcast_in_dim3A_312, %select_n3A_304 : vector<8x2048xi1>, vector<8x2048xi32>
      %eq3A_314 = arith.constant 33 : i32
      %eq3A_315 = vector.broadcast %eq3A_314 : i32 to vector<8x2048xi32>
      %eq3A_316 = arith.cmpi eq, %get3A_13, %eq3A_315 : vector<8x2048xi32>
      %get3A_317 = arith.constant 33 : index
      %get3A_318 = arith.constant 0 : index
      %get3A_319 = vector.load %arg12[%get3A_317, %get3A_318] : memref<64x1xi32, #tpu.memory_space<vmem>>, vector<1x1xi32>
      %get3A_320 = vector.extract %get3A_319[0, 0] : i32 from vector<1x1xi32>
      %broadcast_in_dim3A_321 = vector.broadcast %get3A_320 : i32 to vector<8x2048xi32>
      %select_n3A_322 = arith.select %eq3A_316, %broadcast_in_dim3A_321, %select_n3A_313 : vector<8x2048xi1>, vector<8x2048xi32>
      %eq3A_323 = arith.constant 34 : i32
      %eq3A_324 = vector.broadcast %eq3A_323 : i32 to vector<8x2048xi32>
      %eq3A_325 = arith.cmpi eq, %get3A_13, %eq3A_324 : vector<8x2048xi32>
      %get3A_326 = arith.constant 34 : index
      %get3A_327 = arith.constant 0 : index
      %get3A_328 = vector.load %arg12[%get3A_326, %get3A_327] : memref<64x1xi32, #tpu.memory_space<vmem>>, vector<1x1xi32>
      %get3A_329 = vector.extract %get3A_328[0, 0] : i32 from vector<1x1xi32>
      %broadcast_in_dim3A_330 = vector.broadcast %get3A_329 : i32 to vector<8x2048xi32>
      %select_n3A_331 = arith.select %eq3A_325, %broadcast_in_dim3A_330, %select_n3A_322 : vector<8x2048xi1>, vector<8x2048xi32>
      %eq3A_332 = arith.constant 35 : i32
      %eq3A_333 = vector.broadcast %eq3A_332 : i32 to vector<8x2048xi32>
      %eq3A_334 = arith.cmpi eq, %get3A_13, %eq3A_333 : vector<8x2048xi32>
      %get3A_335 = arith.constant 35 : index
      %get3A_336 = arith.constant 0 : index
      %get3A_337 = vector.load %arg12[%get3A_335, %get3A_336] : memref<64x1xi32, #tpu.memory_space<vmem>>, vector<1x1xi32>
      %get3A_338 = vector.extract %get3A_337[0, 0] : i32 from vector<1x1xi32>
      %broadcast_in_dim3A_339 = vector.broadcast %get3A_338 : i32 to vector<8x2048xi32>
      %select_n3A_340 = arith.select %eq3A_334, %broadcast_in_dim3A_339, %select_n3A_331 : vector<8x2048xi1>, vector<8x2048xi32>
      %eq3A_341 = arith.constant 36 : i32
      %eq3A_342 = vector.broadcast %eq3A_341 : i32 to vector<8x2048xi32>
      %eq3A_343 = arith.cmpi eq, %get3A_13, %eq3A_342 : vector<8x2048xi32>
      %get3A_344 = arith.constant 36 : index
      %get3A_345 = arith.constant 0 : index
      %get3A_346 = vector.load %arg12[%get3A_344, %get3A_345] : memref<64x1xi32, #tpu.memory_space<vmem>>, vector<1x1xi32>
      %get3A_347 = vector.extract %get3A_346[0, 0] : i32 from vector<1x1xi32>
      %broadcast_in_dim3A_348 = vector.broadcast %get3A_347 : i32 to vector<8x2048xi32>
      %select_n3A_349 = arith.select %eq3A_343, %broadcast_in_dim3A_348, %select_n3A_340 : vector<8x2048xi1>, vector<8x2048xi32>
      %eq3A_350 = arith.constant 37 : i32
      %eq3A_351 = vector.broadcast %eq3A_350 : i32 to vector<8x2048xi32>
      %eq3A_352 = arith.cmpi eq, %get3A_13, %eq3A_351 : vector<8x2048xi32>
      %get3A_353 = arith.constant 37 : index
      %get3A_354 = arith.constant 0 : index
      %get3A_355 = vector.load %arg12[%get3A_353, %get3A_354] : memref<64x1xi32, #tpu.memory_space<vmem>>, vector<1x1xi32>
      %get3A_356 = vector.extract %get3A_355[0, 0] : i32 from vector<1x1xi32>
      %broadcast_in_dim3A_357 = vector.broadcast %get3A_356 : i32 to vector<8x2048xi32>
      %select_n3A_358 = arith.select %eq3A_352, %broadcast_in_dim3A_357, %select_n3A_349 : vector<8x2048xi1>, vector<8x2048xi32>
      %eq3A_359 = arith.constant 38 : i32
      %eq3A_360 = vector.broadcast %eq3A_359 : i32 to vector<8x2048xi32>
      %eq3A_361 = arith.cmpi eq, %get3A_13, %eq3A_360 : vector<8x2048xi32>
      %get3A_362 = arith.constant 38 : index
      %get3A_363 = arith.constant 0 : index
      %get3A_364 = vector.load %arg12[%get3A_362, %get3A_363] : memref<64x1xi32, #tpu.memory_space<vmem>>, vector<1x1xi32>
      %get3A_365 = vector.extract %get3A_364[0, 0] : i32 from vector<1x1xi32>
      %broadcast_in_dim3A_366 = vector.broadcast %get3A_365 : i32 to vector<8x2048xi32>
      %select_n3A_367 = arith.select %eq3A_361, %broadcast_in_dim3A_366, %select_n3A_358 : vector<8x2048xi1>, vector<8x2048xi32>
      %eq3A_368 = arith.constant 39 : i32
      %eq3A_369 = vector.broadcast %eq3A_368 : i32 to vector<8x2048xi32>
      %eq3A_370 = arith.cmpi eq, %get3A_13, %eq3A_369 : vector<8x2048xi32>
      %get3A_371 = arith.constant 39 : index
      %get3A_372 = arith.constant 0 : index
      %get3A_373 = vector.load %arg12[%get3A_371, %get3A_372] : memref<64x1xi32, #tpu.memory_space<vmem>>, vector<1x1xi32>
      %get3A_374 = vector.extract %get3A_373[0, 0] : i32 from vector<1x1xi32>
      %broadcast_in_dim3A_375 = vector.broadcast %get3A_374 : i32 to vector<8x2048xi32>
      %select_n3A_376 = arith.select %eq3A_370, %broadcast_in_dim3A_375, %select_n3A_367 : vector<8x2048xi1>, vector<8x2048xi32>
      %eq3A_377 = arith.constant 40 : i32
      %eq3A_378 = vector.broadcast %eq3A_377 : i32 to vector<8x2048xi32>
      %eq3A_379 = arith.cmpi eq, %get3A_13, %eq3A_378 : vector<8x2048xi32>
      %get3A_380 = arith.constant 40 : index
      %get3A_381 = arith.constant 0 : index
      %get3A_382 = vector.load %arg12[%get3A_380, %get3A_381] : memref<64x1xi32, #tpu.memory_space<vmem>>, vector<1x1xi32>
      %get3A_383 = vector.extract %get3A_382[0, 0] : i32 from vector<1x1xi32>
      %broadcast_in_dim3A_384 = vector.broadcast %get3A_383 : i32 to vector<8x2048xi32>
      %select_n3A_385 = arith.select %eq3A_379, %broadcast_in_dim3A_384, %select_n3A_376 : vector<8x2048xi1>, vector<8x2048xi32>
      %eq3A_386 = arith.constant 41 : i32
      %eq3A_387 = vector.broadcast %eq3A_386 : i32 to vector<8x2048xi32>
      %eq3A_388 = arith.cmpi eq, %get3A_13, %eq3A_387 : vector<8x2048xi32>
      %get3A_389 = arith.constant 41 : index
      %get3A_390 = arith.constant 0 : index
      %get3A_391 = vector.load %arg12[%get3A_389, %get3A_390] : memref<64x1xi32, #tpu.memory_space<vmem>>, vector<1x1xi32>
      %get3A_392 = vector.extract %get3A_391[0, 0] : i32 from vector<1x1xi32>
      %broadcast_in_dim3A_393 = vector.broadcast %get3A_392 : i32 to vector<8x2048xi32>
      %select_n3A_394 = arith.select %eq3A_388, %broadcast_in_dim3A_393, %select_n3A_385 : vector<8x2048xi1>, vector<8x2048xi32>
      %eq3A_395 = arith.constant 42 : i32
      %eq3A_396 = vector.broadcast %eq3A_395 : i32 to vector<8x2048xi32>
      %eq3A_397 = arith.cmpi eq, %get3A_13, %eq3A_396 : vector<8x2048xi32>
      %get3A_398 = arith.constant 42 : index
      %get3A_399 = arith.constant 0 : index
      %get3A_400 = vector.load %arg12[%get3A_398, %get3A_399] : memref<64x1xi32, #tpu.memory_space<vmem>>, vector<1x1xi32>
      %get3A_401 = vector.extract %get3A_400[0, 0] : i32 from vector<1x1xi32>
      %broadcast_in_dim3A_402 = vector.broadcast %get3A_401 : i32 to vector<8x2048xi32>
      %select_n3A_403 = arith.select %eq3A_397, %broadcast_in_dim3A_402, %select_n3A_394 : vector<8x2048xi1>, vector<8x2048xi32>
      %eq3A_404 = arith.constant 43 : i32
      %eq3A_405 = vector.broadcast %eq3A_404 : i32 to vector<8x2048xi32>
      %eq3A_406 = arith.cmpi eq, %get3A_13, %eq3A_405 : vector<8x2048xi32>
      %get3A_407 = arith.constant 43 : index
      %get3A_408 = arith.constant 0 : index
      %get3A_409 = vector.load %arg12[%get3A_407, %get3A_408] : memref<64x1xi32, #tpu.memory_space<vmem>>, vector<1x1xi32>
      %get3A_410 = vector.extract %get3A_409[0, 0] : i32 from vector<1x1xi32>
      %broadcast_in_dim3A_411 = vector.broadcast %get3A_410 : i32 to vector<8x2048xi32>
      %select_n3A_412 = arith.select %eq3A_406, %broadcast_in_dim3A_411, %select_n3A_403 : vector<8x2048xi1>, vector<8x2048xi32>
      %eq3A_413 = arith.constant 44 : i32
      %eq3A_414 = vector.broadcast %eq3A_413 : i32 to vector<8x2048xi32>
      %eq3A_415 = arith.cmpi eq, %get3A_13, %eq3A_414 : vector<8x2048xi32>
      %get3A_416 = arith.constant 44 : index
      %get3A_417 = arith.constant 0 : index
      %get3A_418 = vector.load %arg12[%get3A_416, %get3A_417] : memref<64x1xi32, #tpu.memory_space<vmem>>, vector<1x1xi32>
      %get3A_419 = vector.extract %get3A_418[0, 0] : i32 from vector<1x1xi32>
      %broadcast_in_dim3A_420 = vector.broadcast %get3A_419 : i32 to vector<8x2048xi32>
      %select_n3A_421 = arith.select %eq3A_415, %broadcast_in_dim3A_420, %select_n3A_412 : vector<8x2048xi1>, vector<8x2048xi32>
      %eq3A_422 = arith.constant 45 : i32
      %eq3A_423 = vector.broadcast %eq3A_422 : i32 to vector<8x2048xi32>
      %eq3A_424 = arith.cmpi eq, %get3A_13, %eq3A_423 : vector<8x2048xi32>
      %get3A_425 = arith.constant 45 : index
      %get3A_426 = arith.constant 0 : index
      %get3A_427 = vector.load %arg12[%get3A_425, %get3A_426] : memref<64x1xi32, #tpu.memory_space<vmem>>, vector<1x1xi32>
      %get3A_428 = vector.extract %get3A_427[0, 0] : i32 from vector<1x1xi32>
      %broadcast_in_dim3A_429 = vector.broadcast %get3A_428 : i32 to vector<8x2048xi32>
      %select_n3A_430 = arith.select %eq3A_424, %broadcast_in_dim3A_429, %select_n3A_421 : vector<8x2048xi1>, vector<8x2048xi32>
      %eq3A_431 = arith.constant 46 : i32
      %eq3A_432 = vector.broadcast %eq3A_431 : i32 to vector<8x2048xi32>
      %eq3A_433 = arith.cmpi eq, %get3A_13, %eq3A_432 : vector<8x2048xi32>
      %get3A_434 = arith.constant 46 : index
      %get3A_435 = arith.constant 0 : index
      %get3A_436 = vector.load %arg12[%get3A_434, %get3A_435] : memref<64x1xi32, #tpu.memory_space<vmem>>, vector<1x1xi32>
      %get3A_437 = vector.extract %get3A_436[0, 0] : i32 from vector<1x1xi32>
      %broadcast_in_dim3A_438 = vector.broadcast %get3A_437 : i32 to vector<8x2048xi32>
      %select_n3A_439 = arith.select %eq3A_433, %broadcast_in_dim3A_438, %select_n3A_430 : vector<8x2048xi1>, vector<8x2048xi32>
      %eq3A_440 = arith.constant 47 : i32
      %eq3A_441 = vector.broadcast %eq3A_440 : i32 to vector<8x2048xi32>
      %eq3A_442 = arith.cmpi eq, %get3A_13, %eq3A_441 : vector<8x2048xi32>
      %get3A_443 = arith.constant 47 : index
      %get3A_444 = arith.constant 0 : index
      %get3A_445 = vector.load %arg12[%get3A_443, %get3A_444] : memref<64x1xi32, #tpu.memory_space<vmem>>, vector<1x1xi32>
      %get3A_446 = vector.extract %get3A_445[0, 0] : i32 from vector<1x1xi32>
      %broadcast_in_dim3A_447 = vector.broadcast %get3A_446 : i32 to vector<8x2048xi32>
      %select_n3A_448 = arith.select %eq3A_442, %broadcast_in_dim3A_447, %select_n3A_439 : vector<8x2048xi1>, vector<8x2048xi32>
      %eq3A_449 = arith.constant 48 : i32
      %eq3A_450 = vector.broadcast %eq3A_449 : i32 to vector<8x2048xi32>
      %eq3A_451 = arith.cmpi eq, %get3A_13, %eq3A_450 : vector<8x2048xi32>
      %get3A_452 = arith.constant 48 : index
      %get3A_453 = arith.constant 0 : index
      %get3A_454 = vector.load %arg12[%get3A_452, %get3A_453] : memref<64x1xi32, #tpu.memory_space<vmem>>, vector<1x1xi32>
      %get3A_455 = vector.extract %get3A_454[0, 0] : i32 from vector<1x1xi32>
      %broadcast_in_dim3A_456 = vector.broadcast %get3A_455 : i32 to vector<8x2048xi32>
      %select_n3A_457 = arith.select %eq3A_451, %broadcast_in_dim3A_456, %select_n3A_448 : vector<8x2048xi1>, vector<8x2048xi32>
      %eq3A_458 = arith.constant 49 : i32
      %eq3A_459 = vector.broadcast %eq3A_458 : i32 to vector<8x2048xi32>
      %eq3A_460 = arith.cmpi eq, %get3A_13, %eq3A_459 : vector<8x2048xi32>
      %get3A_461 = arith.constant 49 : index
      %get3A_462 = arith.constant 0 : index
      %get3A_463 = vector.load %arg12[%get3A_461, %get3A_462] : memref<64x1xi32, #tpu.memory_space<vmem>>, vector<1x1xi32>
      %get3A_464 = vector.extract %get3A_463[0, 0] : i32 from vector<1x1xi32>
      %broadcast_in_dim3A_465 = vector.broadcast %get3A_464 : i32 to vector<8x2048xi32>
      %select_n3A_466 = arith.select %eq3A_460, %broadcast_in_dim3A_465, %select_n3A_457 : vector<8x2048xi1>, vector<8x2048xi32>
      %eq3A_467 = arith.constant 50 : i32
      %eq3A_468 = vector.broadcast %eq3A_467 : i32 to vector<8x2048xi32>
      %eq3A_469 = arith.cmpi eq, %get3A_13, %eq3A_468 : vector<8x2048xi32>
      %get3A_470 = arith.constant 50 : index
      %get3A_471 = arith.constant 0 : index
      %get3A_472 = vector.load %arg12[%get3A_470, %get3A_471] : memref<64x1xi32, #tpu.memory_space<vmem>>, vector<1x1xi32>
      %get3A_473 = vector.extract %get3A_472[0, 0] : i32 from vector<1x1xi32>
      %broadcast_in_dim3A_474 = vector.broadcast %get3A_473 : i32 to vector<8x2048xi32>
      %select_n3A_475 = arith.select %eq3A_469, %broadcast_in_dim3A_474, %select_n3A_466 : vector<8x2048xi1>, vector<8x2048xi32>
      %eq3A_476 = arith.constant 51 : i32
      %eq3A_477 = vector.broadcast %eq3A_476 : i32 to vector<8x2048xi32>
      %eq3A_478 = arith.cmpi eq, %get3A_13, %eq3A_477 : vector<8x2048xi32>
      %get3A_479 = arith.constant 51 : index
      %get3A_480 = arith.constant 0 : index
      %get3A_481 = vector.load %arg12[%get3A_479, %get3A_480] : memref<64x1xi32, #tpu.memory_space<vmem>>, vector<1x1xi32>
      %get3A_482 = vector.extract %get3A_481[0, 0] : i32 from vector<1x1xi32>
      %broadcast_in_dim3A_483 = vector.broadcast %get3A_482 : i32 to vector<8x2048xi32>
      %select_n3A_484 = arith.select %eq3A_478, %broadcast_in_dim3A_483, %select_n3A_475 : vector<8x2048xi1>, vector<8x2048xi32>
      %eq3A_485 = arith.constant 52 : i32
      %eq3A_486 = vector.broadcast %eq3A_485 : i32 to vector<8x2048xi32>
      %eq3A_487 = arith.cmpi eq, %get3A_13, %eq3A_486 : vector<8x2048xi32>
      %get3A_488 = arith.constant 52 : index
      %get3A_489 = arith.constant 0 : index
      %get3A_490 = vector.load %arg12[%get3A_488, %get3A_489] : memref<64x1xi32, #tpu.memory_space<vmem>>, vector<1x1xi32>
      %get3A_491 = vector.extract %get3A_490[0, 0] : i32 from vector<1x1xi32>
      %broadcast_in_dim3A_492 = vector.broadcast %get3A_491 : i32 to vector<8x2048xi32>
      %select_n3A_493 = arith.select %eq3A_487, %broadcast_in_dim3A_492, %select_n3A_484 : vector<8x2048xi1>, vector<8x2048xi32>
      %eq3A_494 = arith.constant 53 : i32
      %eq3A_495 = vector.broadcast %eq3A_494 : i32 to vector<8x2048xi32>
      %eq3A_496 = arith.cmpi eq, %get3A_13, %eq3A_495 : vector<8x2048xi32>
      %get3A_497 = arith.constant 53 : index
      %get3A_498 = arith.constant 0 : index
      %get3A_499 = vector.load %arg12[%get3A_497, %get3A_498] : memref<64x1xi32, #tpu.memory_space<vmem>>, vector<1x1xi32>
      %get3A_500 = vector.extract %get3A_499[0, 0] : i32 from vector<1x1xi32>
      %broadcast_in_dim3A_501 = vector.broadcast %get3A_500 : i32 to vector<8x2048xi32>
      %select_n3A_502 = arith.select %eq3A_496, %broadcast_in_dim3A_501, %select_n3A_493 : vector<8x2048xi1>, vector<8x2048xi32>
      %eq3A_503 = arith.constant 54 : i32
      %eq3A_504 = vector.broadcast %eq3A_503 : i32 to vector<8x2048xi32>
      %eq3A_505 = arith.cmpi eq, %get3A_13, %eq3A_504 : vector<8x2048xi32>
      %get3A_506 = arith.constant 54 : index
      %get3A_507 = arith.constant 0 : index
      %get3A_508 = vector.load %arg12[%get3A_506, %get3A_507] : memref<64x1xi32, #tpu.memory_space<vmem>>, vector<1x1xi32>
      %get3A_509 = vector.extract %get3A_508[0, 0] : i32 from vector<1x1xi32>
      %broadcast_in_dim3A_510 = vector.broadcast %get3A_509 : i32 to vector<8x2048xi32>
      %select_n3A_511 = arith.select %eq3A_505, %broadcast_in_dim3A_510, %select_n3A_502 : vector<8x2048xi1>, vector<8x2048xi32>
      %eq3A_512 = arith.constant 55 : i32
      %eq3A_513 = vector.broadcast %eq3A_512 : i32 to vector<8x2048xi32>
      %eq3A_514 = arith.cmpi eq, %get3A_13, %eq3A_513 : vector<8x2048xi32>
      %get3A_515 = arith.constant 55 : index
      %get3A_516 = arith.constant 0 : index
      %get3A_517 = vector.load %arg12[%get3A_515, %get3A_516] : memref<64x1xi32, #tpu.memory_space<vmem>>, vector<1x1xi32>
      %get3A_518 = vector.extract %get3A_517[0, 0] : i32 from vector<1x1xi32>
      %broadcast_in_dim3A_519 = vector.broadcast %get3A_518 : i32 to vector<8x2048xi32>
      %select_n3A_520 = arith.select %eq3A_514, %broadcast_in_dim3A_519, %select_n3A_511 : vector<8x2048xi1>, vector<8x2048xi32>
      %eq3A_521 = arith.constant 56 : i32
      %eq3A_522 = vector.broadcast %eq3A_521 : i32 to vector<8x2048xi32>
      %eq3A_523 = arith.cmpi eq, %get3A_13, %eq3A_522 : vector<8x2048xi32>
      %get3A_524 = arith.constant 56 : index
      %get3A_525 = arith.constant 0 : index
      %get3A_526 = vector.load %arg12[%get3A_524, %get3A_525] : memref<64x1xi32, #tpu.memory_space<vmem>>, vector<1x1xi32>
      %get3A_527 = vector.extract %get3A_526[0, 0] : i32 from vector<1x1xi32>
      %broadcast_in_dim3A_528 = vector.broadcast %get3A_527 : i32 to vector<8x2048xi32>
      %select_n3A_529 = arith.select %eq3A_523, %broadcast_in_dim3A_528, %select_n3A_520 : vector<8x2048xi1>, vector<8x2048xi32>
      %eq3A_530 = arith.constant 57 : i32
      %eq3A_531 = vector.broadcast %eq3A_530 : i32 to vector<8x2048xi32>
      %eq3A_532 = arith.cmpi eq, %get3A_13, %eq3A_531 : vector<8x2048xi32>
      %get3A_533 = arith.constant 57 : index
      %get3A_534 = arith.constant 0 : index
      %get3A_535 = vector.load %arg12[%get3A_533, %get3A_534] : memref<64x1xi32, #tpu.memory_space<vmem>>, vector<1x1xi32>
      %get3A_536 = vector.extract %get3A_535[0, 0] : i32 from vector<1x1xi32>
      %broadcast_in_dim3A_537 = vector.broadcast %get3A_536 : i32 to vector<8x2048xi32>
      %select_n3A_538 = arith.select %eq3A_532, %broadcast_in_dim3A_537, %select_n3A_529 : vector<8x2048xi1>, vector<8x2048xi32>
      %eq3A_539 = arith.constant 58 : i32
      %eq3A_540 = vector.broadcast %eq3A_539 : i32 to vector<8x2048xi32>
      %eq3A_541 = arith.cmpi eq, %get3A_13, %eq3A_540 : vector<8x2048xi32>
      %get3A_542 = arith.constant 58 : index
      %get3A_543 = arith.constant 0 : index
      %get3A_544 = vector.load %arg12[%get3A_542, %get3A_543] : memref<64x1xi32, #tpu.memory_space<vmem>>, vector<1x1xi32>
      %get3A_545 = vector.extract %get3A_544[0, 0] : i32 from vector<1x1xi32>
      %broadcast_in_dim3A_546 = vector.broadcast %get3A_545 : i32 to vector<8x2048xi32>
      %select_n3A_547 = arith.select %eq3A_541, %broadcast_in_dim3A_546, %select_n3A_538 : vector<8x2048xi1>, vector<8x2048xi32>
      %eq3A_548 = arith.constant 59 : i32
      %eq3A_549 = vector.broadcast %eq3A_548 : i32 to vector<8x2048xi32>
      %eq3A_550 = arith.cmpi eq, %get3A_13, %eq3A_549 : vector<8x2048xi32>
      %get3A_551 = arith.constant 59 : index
      %get3A_552 = arith.constant 0 : index
      %get3A_553 = vector.load %arg12[%get3A_551, %get3A_552] : memref<64x1xi32, #tpu.memory_space<vmem>>, vector<1x1xi32>
      %get3A_554 = vector.extract %get3A_553[0, 0] : i32 from vector<1x1xi32>
      %broadcast_in_dim3A_555 = vector.broadcast %get3A_554 : i32 to vector<8x2048xi32>
      %select_n3A_556 = arith.select %eq3A_550, %broadcast_in_dim3A_555, %select_n3A_547 : vector<8x2048xi1>, vector<8x2048xi32>
      %eq3A_557 = arith.constant 60 : i32
      %eq3A_558 = vector.broadcast %eq3A_557 : i32 to vector<8x2048xi32>
      %eq3A_559 = arith.cmpi eq, %get3A_13, %eq3A_558 : vector<8x2048xi32>
      %get3A_560 = arith.constant 60 : index
      %get3A_561 = arith.constant 0 : index
      %get3A_562 = vector.load %arg12[%get3A_560, %get3A_561] : memref<64x1xi32, #tpu.memory_space<vmem>>, vector<1x1xi32>
      %get3A_563 = vector.extract %get3A_562[0, 0] : i32 from vector<1x1xi32>
      %broadcast_in_dim3A_564 = vector.broadcast %get3A_563 : i32 to vector<8x2048xi32>
      %select_n3A_565 = arith.select %eq3A_559, %broadcast_in_dim3A_564, %select_n3A_556 : vector<8x2048xi1>, vector<8x2048xi32>
      %eq3A_566 = arith.constant 61 : i32
      %eq3A_567 = vector.broadcast %eq3A_566 : i32 to vector<8x2048xi32>
      %eq3A_568 = arith.cmpi eq, %get3A_13, %eq3A_567 : vector<8x2048xi32>
      %get3A_569 = arith.constant 61 : index
      %get3A_570 = arith.constant 0 : index
      %get3A_571 = vector.load %arg12[%get3A_569, %get3A_570] : memref<64x1xi32, #tpu.memory_space<vmem>>, vector<1x1xi32>
      %get3A_572 = vector.extract %get3A_571[0, 0] : i32 from vector<1x1xi32>
      %broadcast_in_dim3A_573 = vector.broadcast %get3A_572 : i32 to vector<8x2048xi32>
      %select_n3A_574 = arith.select %eq3A_568, %broadcast_in_dim3A_573, %select_n3A_565 : vector<8x2048xi1>, vector<8x2048xi32>
      %eq3A_575 = arith.constant 62 : i32
      %eq3A_576 = vector.broadcast %eq3A_575 : i32 to vector<8x2048xi32>
      %eq3A_577 = arith.cmpi eq, %get3A_13, %eq3A_576 : vector<8x2048xi32>
      %get3A_578 = arith.constant 62 : index
      %get3A_579 = arith.constant 0 : index
      %get3A_580 = vector.load %arg12[%get3A_578, %get3A_579] : memref<64x1xi32, #tpu.memory_space<vmem>>, vector<1x1xi32>
      %get3A_581 = vector.extract %get3A_580[0, 0] : i32 from vector<1x1xi32>
      %broadcast_in_dim3A_582 = vector.broadcast %get3A_581 : i32 to vector<8x2048xi32>
      %select_n3A_583 = arith.select %eq3A_577, %broadcast_in_dim3A_582, %select_n3A_574 : vector<8x2048xi1>, vector<8x2048xi32>
      %eq3A_584 = arith.constant 63 : i32
      %eq3A_585 = vector.broadcast %eq3A_584 : i32 to vector<8x2048xi32>
      %eq3A_586 = arith.cmpi eq, %get3A_13, %eq3A_585 : vector<8x2048xi32>
      %get3A_587 = arith.constant 63 : index
      %get3A_588 = arith.constant 0 : index
      %get3A_589 = vector.load %arg12[%get3A_587, %get3A_588] : memref<64x1xi32, #tpu.memory_space<vmem>>, vector<1x1xi32>
      %get3A_590 = vector.extract %get3A_589[0, 0] : i32 from vector<1x1xi32>
      %broadcast_in_dim3A_591 = vector.broadcast %get3A_590 : i32 to vector<8x2048xi32>
      %select_n3A_592 = arith.select %eq3A_586, %broadcast_in_dim3A_591, %select_n3A_583 : vector<8x2048xi1>, vector<8x2048xi32>
      %add3A = arith.addi %get3A_16, %select_n3A_592 : vector<8x2048xi32>
      %swap3A = arith.constant 0 : index
      %swap3A_593 = arith.constant 0 : index
      %swap3A_594 = vector.load %arg7[%swap3A, %swap3A_593] : memref<8x2048xi32, #tpu.memory_space<vmem>>, vector<8x2048xi32>
      tpu.vector_store %arg7[%swap3A, %swap3A_593], %add3A {strides = array<i32>} : memref<8x2048xi32, #tpu.memory_space<vmem>>, vector<8x2048xi32>,
    } else {
    }
    return
  }
  func.func @transform_0(%arg0: i32) -> (i32, i32) {
    %min3A = arith.constant 15 : i32
    %min3A_0 = arith.minsi %arg0, %min3A : i32
    %c0_i32 = arith.constant 0 : i32
    %c0_i32_1 = arith.constant 0 : i32
    return %c0_i32, %min3A_0 : i32, i32
  }
  func.func @transform_1(%arg0: i32) -> (i32, i32) {
    %c0_i32 = arith.constant 0 : i32
    %c0_i32_0 = arith.constant 0 : i32
    %c0_i32_1 = arith.constant 0 : i32
    return %c0_i32, %c0_i32_0 : i32, i32
  }
  func.func @transform_2(%arg0: i32) -> (i32, i32) {
    %c0_i32 = arith.constant 0 : i32
    %c0_i32_0 = arith.constant 0 : i32
    %c0_i32_1 = arith.constant 0 : i32
    return %c0_i32, %c0_i32_0 : i32, i32
  }
  func.func @transform_3(%arg0: i32) -> (i32, i32) {
    %c0_i32 = arith.constant 0 : i32
    %c0_i32_0 = arith.constant 0 : i32
    %c0_i32_1 = arith.constant 0 : i32
    return %c0_i32, %c0_i32_0 : i32, i32
  }
  func.func @transform_4(%arg0: i32) -> (i32, i32) {
    %c0_i32 = arith.constant 0 : i32
    %c0_i32_0 = arith.constant 0 : i32
    %c0_i32_1 = arith.constant 0 : i32
    return %c0_i32, %c0_i32_0 : i32, i32
  }
  func.func @transform_5(%arg0: i32) -> (i32, i32) {
    %min3A = arith.constant 15 : i32
    %min3A_0 = arith.minsi %arg0, %min3A : i32
    %c0_i32 = arith.constant 0 : i32
    %c0_i32_1 = arith.constant 0 : i32
    return %c0_i32, %min3A_0 : i32, i32
  }
  func.func @transform_6(%arg0: i32) -> (i32, i32) {
    %sub3A = arith.constant 16 : i32
    %sub3A_0 = arith.subi %arg0, %sub3A : i32
    %max3A = arith.constant 0 : i32
    %max3A_1 = arith.maxsi %sub3A_0, %max3A : i32
    %c0_i32 = arith.constant 0 : i32
    %c0_i32_2 = arith.constant 0 : i32
    return %c0_i32, %max3A_1 : i32, i32
  }
  func.func @transform_7(%arg0: i32) -> (i32, i32) {
    %c0_i32 = arith.constant 0 : i32
    %c0_i32_0 = arith.constant 0 : i32
    %c0_i32_1 = arith.constant 0 : i32
    return %c0_i32, %c0_i32_0 : i32, i32
  }
}

</mosaic_0001>

<sc_bundles>
// kernel: kernel.4.cloned.1.call-start
scs
__scs_entry_jumppad:
0x0: {  	(pc) =	sbr.rel $0x88, $3  }
0x1: {  	(tag) =	ssettag $0x0;
	lr =	simm.s32 $0x1  }
0x2: {  	[smem:$0x3F9F] =	sst lr;
	_ =	strace $0xD0000000  }
0x3: {  	_ = 	snop  }
0x4: {  	_ = 	snop  }
0x5: {  	_ = 	snop  }
0x6: {  	_ = 	snop  }
0x7: {  	_ = 	snop  }
__scs_overlays_trampoline_lowered:
0x8: {  	[smem:$0x3FAE] =	sst s0  }
0x9: {  	[smem:$0x3FAF] =	sst s1  }
0xa: {  	[smem:$0x3FB0] =	sst s2  }
0xb: {  	[smem:$0x3FB1] =	sst s3  }
0xc: {  	[smem:$0x3FB2] =	sst s4  }
0xd: {  	[smem:$0x3FB3] =	sst s5  }
0xe: {  	[smem:$0x3FB4] =	sst s6  }
0xf: {  	[smem:$0x3FB5] =	sst s7  }
0x10: {  	[smem:$0x3FB6] =	sst s8  }
0x11: {  	[smem:$0x3FB7] =	sst s9;
	s0 =	simm.s32 @!p0 $0x0  }
0x12: {  	s1 =	sld [smem:$0x3F9D];
	s0 =	simm.s32 @p0 $0x1  }
0x13: {  	[smem:$0x3FB8] =	sst s0;
	s0 =	simm.s32 @!p1 $0x0  }
0x14: {  	s2 =	sld [smem:$0x3F9C];
	s0 =	simm.s32 @p1 $0x1  }
0x15: {  	[smem:$0x3FB9] =	sst s0;
	s0 =	simm.s32 @!p2 $0x0  }
0x16: {  	s3 =	sld [smem:$0x3FDB];
	s0 =	simm.s32 @p2 $0x1  }
0x17: {  	s4 =	simm.s32 $0x1BF5;
	[smem:$0x3FBB] =	sst s0  }
0x18: {  	s0 =	sld [smem:$0x3F9E];
	_ =	swait.ge [sflag:s4], $0x0  }
0x19: {  	s7 =	sld [smem:$0x3F9F]  }
0x1a: {  	s8 =	sadd.s32 $0xFFFFE003, lr  }
0x1b: {  	s9 =	sadd.s32 $0xFFFFFEF7, lr;
	s5 =	simm.s32 $0xFFFFFFFF;
	p2 =	slt.u32 s8, $0xFFFFF086  }
0x1c: {  	p1 =	slt.u32 s9, $0xF7A;
	s5 =	simm.s32 @!p2 $0x0  }
0x1d: {  	s5 =	simm.s32 @p1 $0x1;
	p0 =	seq.s32 s7, s2  }
0x1e: {  	s7 =	smul.u32 @!p0 $0xF7A, s2;
	p2 =	seq.s32 @!p0 s5, $0x0  }
0x1f: {  	s9 =	smul.u32 $0xF7A, s1;
	s8 =	simm.s32 @!p0 $0x1BF5;
	p2 =	por !p2, p0  }
0x20: {  	[sflag:s8] =	ssyncset.s32 @!p0 $0xFFFFF086;
	s6 =	sadd.s32 @!p0 s3, s7;
	s7 =	simm.s32 @!p0 $0x108  }
0x21: {  	s3 =	sadd.s32 s3, s9;
	s6 =	sadd.s32 @!p0 $0x88, s6;
	s7 =	simm.s32 @p2 $0x1082  }
0x22: {  	[simem:s7], [sflag:s8] =	dma.local @!p0 [hbm:s6], $0xF7A  }
0x23: {  	s9 =	sor.u32 $0xD0000000, s2;
	s6 =	simm.s32 $0x108;
	_ =	swait.ge @!p0 [sflag:s8], $0x0  }
0x24: {  	s3 =	sadd.s32 $0x88, s3;
	s6 =	simm.s32 @!p1 $0x1082;
	[sflag:s4] =	ssyncset.s32 $0xFFFFF086  }
0x25: {  	[simem:s6], [sflag:s4] =	dma.local [hbm:s3], $0xF7A  }
0x26: {  	[smem:$0x3F9F] =	sst s1;
	(tag) =	ssettag s2;
	_ =	strace s9  }
0x27: {  	s1 =	sld [smem:$0x3FAF]  }
0x28: {  	s2 =	sld [smem:$0x3FB0]  }
0x29: {  	s4 =	sld [smem:$0x3FB2]  }
0x2a: {  	p0 =	seq.s32 s5, $0x0;
	s5 =	sld [smem:$0x3FB3]  }
0x2b: {  	s6 =	sld [smem:$0x3FB4]  }
0x2c: {  	s7 =	sld [smem:$0x3FB5]  }
0x2d: {  	s3 =	simm.s32 $0x108;
	s8 =	sld [smem:$0x3FB6]  }
0x2e: {  	s3 =	simm.s32 @!p0 $0x1082;
	s9 =	sld [smem:$0x3FB7]  }
0x2f: {  	lr =	sadd.s32 s0, s3;
	s0 =	sld [smem:$0x3FAE]  }
0x30: {  	s3 =	sld [smem:$0x3FB1]  }
0x31: {  	[smem:$0x3FBA] =	sst s10  }
0x32: {  	s10 =	sld [smem:$0x3FB8];
	_ =	sdelay $0x3  }
0x33: {  	p0 =	seq.s32 s10, $0x1;
	s10 =	sld [smem:$0x3FBA];
	_ =	sdelay $0x3  }
0x34: {  	[smem:$0x3FBA] =	sst s10  }
0x35: {  	s10 =	sld [smem:$0x3FB9];
	_ =	sdelay $0x3  }
0x36: {  	p1 =	seq.s32 s10, $0x1;
	s10 =	sld [smem:$0x3FBA];
	_ =	sdelay $0x3  }
0x37: {  	[smem:$0x3FBA] =	sst s10  }
0x38: {  	s10 =	sld [smem:$0x3FBB]  }
0x39: {  	_ = 	snop;
	(pc) =	sbr.ind lr, $3  }
0x3a: {  	_ = 	snop  }
0x3b: {  	_ = 	snop  }
0x3c: {  	p2 =	seq.s32 s10, $0x1;
	s10 =	sld [smem:$0x3FBA]  }
0x3d: {  	_ =	shalt  }
0x3e: {  	_ =	shalt  }
0x3f: {  	_ =	shalt  }
0x40: {  	_ =	shalt  }
0x41: {  	_ =	shalt  }
0x42: {  	_ =	shalt  }
0x43: {  	_ =	shalt  }
0x44: {  	_ =	shalt  }
0x45: {  	_ =	shalt  }
0x46: {  	_ =	shalt  }
0x47: {  	_ =	shalt  }
0x48: {  	_ =	shalt  }
0x49: {  	_ =	shalt  }
0x4a: {  	_ =	shalt  }
0x4b: {  	_ =	shalt  }
0x4c: {  	_ =	shalt  }
0x4d: {  	_ =	shalt  }
0x4e: {  	_ =	shalt  }
0x4f: {  	_ =	shalt  }
0x50: {  	_ =	shalt  }
0x51: {  	_ =	shalt  }
0x52: {  	_ =	shalt  }
0x53: {  	_ =	shalt  }
0x54: {  	_ =	shalt  }
0x55: {  	_ =	shalt  }
0x56: {  	_ =	shalt  }
0x57: {  	_ =	shalt  }
0x58: {  	_ =	shalt  }
0x59: {  	_ =	shalt  }
0x5a: {  	_ =	shalt  }
0x5b: {  	_ =	shalt  }
0x5c: {  	_ =	shalt  }
0x5d: {  	_ =	shalt  }
0x5e: {  	_ =	shalt  }
0x5f: {  	_ =	shalt  }
0x60: {  	_ =	shalt  }
0x61: {  	_ =	shalt  }
0x62: {  	_ =	shalt  }
0x63: {  	_ =	shalt  }
0x64: {  	_ =	shalt  }
0x65: {  	_ =	shalt  }
0x66: {  	_ =	shalt  }
0x67: {  	_ =	shalt  }
0x68: {  	_ =	shalt  }
0x69: {  	_ =	shalt  }
0x6a: {  	_ =	shalt  }
0x6b: {  	_ =	shalt  }
0x6c: {  	_ =	shalt  }
0x6d: {  	_ =	shalt  }
0x6e: {  	_ =	shalt  }
0x6f: {  	_ =	shalt  }
0x70: {  	_ =	shalt  }
0x71: {  	_ =	shalt  }
0x72: {  	_ =	shalt  }
0x73: {  	_ =	shalt  }
0x74: {  	_ =	shalt  }
0x75: {  	_ =	shalt  }
0x76: {  	_ =	shalt  }
0x77: {  	_ =	shalt  }
0x78: {  	_ =	shalt  }
0x79: {  	_ =	shalt  }
0x7a: {  	_ =	shalt  }
0x7b: {  	_ =	shalt  }
0x7c: {  	_ =	shalt  }
0x7d: {  	_ =	shalt  }
0x7e: {  	_ =	shalt  }
0x7f: {  	_ =	shalt  }
0x80: {  	_ =	shalt  }
0x81: {  	_ =	shalt  }
0x82: {  	_ =	shalt  }
0x83: {  	_ =	shalt  }
0x84: {  	_ =	shalt  }
0x85: {  	_ =	shalt  }
0x86: {  	_ =	shalt  }
0x87: {  	_ =	shalt  }
.Lfunc_end0:
.L_simem_size_0:
called_computation_lowered:
.L_overlay_start_0:
0x88: {  	s2 =	sld [smem:$0x3FD9]  }
0x89: {  	s3 =	sld [smem:$0x3FFE];
	_ =	sdelay $0x1  }
0x8a: {  	s1 =	srdreg.scid  }
0x8b: {  	s0 =	sand.u32 $0x1, s1  }
0x8c: {  	s14 =	sshll.u32 s0, $0xA;
	s2 =	sadd.s32 s3, s2  }
0x8d: {  	s2 =	sadd.s32 s2, s14  }
0x8e: {  	[smem:$0x3FC6] =	sst s2  }
0x8f: {  	_ = 	snop  }
0x90: {  	s2 =	sld [smem:$0x3FD0];
	_ =	sdelay $0x2  }
0x91: {  	s4 =	simm.s32 $0xA;
	s5 =	simm.s32 $0x10;
	s15 =	sld [smem:$0x3FC9]  }
0x92: {  	[smem:s5], [sflag:s4] =	dma.local [hbm:s2], $0x1  }
0x93: {  	_ =	swait.eq [sflag:s4], $0x1  }
0x94: {  	s16 =	sld [smem:$0x10];
	[sflag:s4] =	ssyncset.done $0x0  }
0x95: {  	s17 =	sld [smem:$0x11];
	[sflag:s4] =	ssyncadd.s32 $0xFFFFFFFF  }
0x96: {  	s18 =	sld [smem:$0x12];
	(tm) =	ssettm $0x1  }
0x97: {  	s6 =	sld [smem:$0x3FFB];
	_ =	sdelay $0x3  }
0x98: {  	_ =	strace s6  }
0x99: {  	s6 =	sld [smem:$0x3FFC];
	_ =	sdelay $0x3  }
0x9a: {  	_ =	strace s6  }
0x9b: {  	s6 =	sld [smem:$0x3FFD];
	_ =	sdelay $0x3  }
0x9c: {  	_ =	strace s6  }
0x9d: {  	_ =	strace $0x8FFFFFFF  }
0x9e: {  	s19 =	sld [smem:$0x3FDB];
	_ =	sdelay $0x1  }
0x9f: {  	s7 =	simm.s32 $_scs_section_size  }
0xa0: {  	s8 =	simm.s32 $_size__tile_overlayer_lowered;
	s9 =	simm.s32 $_tile_overlayer_lowered  }
0xa1: {  	s22 =	simm.s32 $0x1BFF;
	s21 =	sshll.u32 s9, $0x1;
	s6 =	sadd.s32 s7, s19  }
0xa2: {  	s10 =	simm.s32 $0x0;
	s20 =	sshll.u32 s8, $0x1;
	s8 =	sadd.s32 s21, s6  }
0xa3: {  	[timem:s10], [sflag:s22] =	dma.local [hbm:s8], s20  }
0xa4: {  	_ =	swait.ge [sflag:s22], s20  }
0xa5: {  	s7 =	ssub.s32 $0x0, s20;
	[sflag:s22] =	ssyncset.done $0x0  }
0xa6: {  	[sflag:s22] =	ssyncadd.s32 s7;
	_ =	sdelay $0x1  }
0xa7: {  	s23 =	simm.s32 $0x1B8B  }
0xa8: {  	_ =	swait.ge [sflag:s23], $0x1  }
0xa9: {  	[sflag:s23] =	ssyncset.done $0x0  }
0xaa: {  	s25 =	simm.s32 $0x1B8E;
	s24 =	sld [smem:$0x3FFE];
	[sflag:s23] =	ssyncadd.s32 $0xFFFFFFFF  }
0xab: {  	s26 =	simm.s32 $execute0_lowered;
	[smem:$0x3FD2] =	sst s25  }
0xac: {  	s8 =	sshll.u32 s26, $0x1;
	_ =	strace $0x80000046;
	[dreg:$0x1] =	wrdreg $0xFFFFFFFF  }
0xad: {  	s28 =	simm.s32 $_size_execute0_lowered;
	s6 =	sadd.s32 s6, s8;
	[dreg:$0x0] =	wrdreg $0x0  }
0xae: {  	s8 =	sshll.u32 s28, $0x1;
	[dreg:$0x2] =	wrdreg s6  }
0xaf: {  	[dreg:$0x3] =	wrdreg s8  }
0xb0: {  	[dreg:$0x4] =	wrdreg $0xC0  }
0xb1: {  	_ =	task [dreg:s10], $0x5FFFF  }
0xb2: {  	[dreg:$0x1] =	wrdreg $0xFFFFFFFF  }
0xb3: {  	[dreg:$0x0] =	wrdreg $0x60  }
0xb4: {  	[dreg:$0x2] =	wrdreg s15  }
0xb5: {  	[dreg:$0x3] =	wrdreg s24  }
0xb6: {  	[dreg:$0x4] =	wrdreg s16  }
0xb7: {  	[dreg:$0x5] =	wrdreg s17  }
0xb8: {  	[dreg:$0x6] =	wrdreg s18  }
0xb9: {  	[dreg:$0x7] =	wrdreg $0x9  }
0xba: {  	_ =	task.clear_ibuf [dreg:s10], $0x8FFFF;
	_ =	strace $0x90000046  }
0xbb: {  	s29 =	simm.s32 $0x9;
	_ =	strace $0x80000048  }
0xbc: {  	_ =	swait.ge [sflag:s29], $0x1  }
0xbd: {  	[sflag:s29] =	ssyncadd.s32 $0xFFFFFFFF  }
0xbe: {  	_ =	strace $0x90000048  }
0xbf: {  	_ =	sfence  }
0xc0: {  	s30 =	sld [smem:$0x0];
	_ =	sdelay $0x2  }
0xc1: {  	s31 =	sshll.u32 s1, $0xD;
	s1 =	sshrl.u32 s1, $0x2  }
0xc2: {  	s3 =	sand.u32 $0x4000, s31;
	s1 =	sadd.s32 s1, s30  }
0xc3: {  	s0 =	sor.u32 s3, s0;
	s1 =	sshll.u32 s1, $0x11  }
0xc4: {  	s0 =	sor.u32 s1, s0  }
0xc5: {  	s0 =	sadd.s32 $0x8F2B, s0  }
0xc6: {  	[sflag:s0] =	ssyncadd.remote.s32 $0x1  }
0xc7: {  	_ =	sfence.sel $0xFFFF  }
0xc8: {  	[dreg:$0x0] =	wrdreg $0xFFFFFFFF;
	(pc) =	sbr.abs _section_cstart, $3  }
0xc9: {  	[dreg:$0x1] =	wrdreg $0xFFFFFFFF  }
0xca: {  	_ =	task.clear_ibuf [dreg:s10], $0x2FFFF;
	_ =	strace $0x9FFFFFFF  }
0xcb: {  	(tm) =	ssettm $0x7FFFFFFF  }
tec
execute0_lowered:
.L_overlay_start_1:
0x0: {  	(tag) =	ssettag $0x1  }
0x1: {  	s0 =	rddreg [dreg:$0x0];
	s2 =	srdreg.scid  }
0x2: {  	s4 =	rddreg [dreg:$0x1];
	s13 =	stileid.u32;
	s5 =	sand.u32 $0x1, s2  }
0x3: {  	s1 =	rddreg [dreg:$0x2];
	s7 =	sshll.u32 s13, $0x9;
	s6 =	sshll.u32 s5, $0xD  }
0x4: {  	s30 =	sadd.s32 $0x800, s4;
	s10 =	sadd.s32 $0x4800, s4;
	s6 =	sor.u32 s7, s6  }
0x5: {  	s9 =	ssub.s32 $0x2, s5;
	s5 =	sshll.u32 s5, $0x14;
	s8 =	sshrl.u32 s6, $0x3  }
0x6: {  	s11 =	sshrl.u32 s9, $0x1;
	s5 =	sadd.s32 s5, s0;
	s31 =	sadd.s32 s30, s8  }
0x7: {  	s6 =	sshll.u32 s6, $0x7;
	s12 =	sadd.s32 s10, s8;
	[dreg:$0x6] =	wrdreg s31  }
0x8: {  	s2 =	sor.u32 $0x800, s8;
	s0 =	sadd.s32 s0, s6;
	[dreg:$0x7] =	wrdreg s12  }
0x9: {  	s9 =	ssub.s32 s9, s11;
	s3 =	sadd.s32 s30, s2;
	[dreg:$0x16] =	wrdreg s0  }
0xa: {  	s14 =	sor.u32 $0x1000, s8;
	s11 =	sadd.s32 s10, s2;
	[dreg:$0x8] =	wrdreg s3  }
0xb: {  	s15 =	sadd.s32 s30, s14;
	[dreg:$0x9] =	wrdreg s11  }
0xc: {  	s16 =	sor.u32 $0x1800, s8;
	s12 =	sadd.s32 s10, s14;
	[dreg:$0xa] =	wrdreg s15  }
0xd: {  	s18 =	sor.u32 $0x2000, s8;
	s17 =	sadd.s32 s30, s16;
	[dreg:$0xb] =	wrdreg s12  }
0xe: {  	s20 =	sor.u32 $0x2800, s8;
	s19 =	sadd.s32 s30, s18;
	[dreg:$0xc] =	wrdreg s17  }
0xf: {  	s22 =	sor.u32 $0x3000, s8;
	s21 =	sadd.s32 s30, s20;
	[dreg:$0xe] =	wrdreg s19  }
0x10: {  	s4 =	sadd.s32 s8, s4;
	s23 =	sadd.s32 s30, s22;
	[dreg:$0x10] =	wrdreg s21  }
0x11: {  	s8 =	sor.u32 $0x3800, s8;
	s24 =	sadd.s32 s10, s22;
	[dreg:$0x12] =	wrdreg s23  }
0x12: {  	s26 =	sshll.u32 s13, $0x10;
	s7 =	sadd.s32 s30, s8;
	[dreg:$0x13] =	wrdreg s24  }
0x13: {  	s28 =	sadd.s32 $0x200, s1;
	s25 =	sadd.s32 s10, s8;
	[dreg:$0x14] =	wrdreg s7  }
0x14: {  	s29 =	sadd.s32 $0x300, s1;
	s11 =	sadd.s32 s10, s16;
	[dreg:$0x15] =	wrdreg s25  }
0x15: {  	s30 =	sadd.s32 s26, s5;
	s12 =	sadd.s32 s10, s18;
	[dreg:$0xd] =	wrdreg s11  }
0x16: {  	s4 =	sadd.s32 $0x8800, s4;
	s21 =	simm.s32 $0x0;
	[dreg:$0xf] =	wrdreg s12  }
.Ltmp0:
0x17: {  	s11 =	sadd.s32 s10, s20;
	[smem:$0x7FF] =	sst s21;
	(pc) =	sbr.rel .LBB2_1-.Ltmp0, $4  }
0x18: {  	s31 =	smax.u32 s9, $0x1;
	s26 =	sadd.s32 $0x100, s1;
	[dreg:$0x11] =	wrdreg s11  }
0x19: {  	v2 =	vlaneseq.u32;
	s0 =	sadd.s32 $0x2000, s30;
	_ =	strace $0x80000047;
	[dreg:$0x17] =	wrdreg s4  }
0x1a: {  	vm0 =	vmmov $0xffff;
	v1 =	vshrl.u32 v2, $0x3;
	s18 =	simm.s32 $0x20;
	s23 =	simm.s32 $0x4;
	[dreg:$0x18] =	wrdreg s31  }
0x1b: {  	v0 =	vand.u32 $0x7, v2;
	v2 =	vor.u32 $0x8, v2;
	v1 =	vmul.u32 $0x8, v1;
	s11 =	simm.s32 $0x5;
	[dreg:$0x19] =	wrdreg s0;
	s0 =	simm.s32 $0x0  }
.LBB2_6:
0x1c: {  	_ =	swait.ge [sflag:s11], $0x8000  }
0x1d: {  	[sflag:s11] =	ssyncset.done $0x0  }
0x1e: {  	[sflag:s11] =	ssyncadd.s32 $0xFFFF8000  }
0x1f: {  	_ =	swait.ge [sflag:s11], $0x20  }
0x20: {  	[sflag:s11] =	ssyncset.done $0x0  }
0x21: {  	[sflag:s11] =	ssyncadd.s32 $0xFFFFFFE0  }
0x22: {  	_ =	swait.ge [sflag:s11], $0x20  }
0x23: {  	[sflag:s11] =	ssyncset.done $0x0  }
0x24: {  	[sflag:s11] =	ssyncadd.s32 $0xFFFFFFE0  }
0x25: {  	_ =	swait.ge [sflag:s11], $0x8000  }
0x26: {  	[sflag:s11] =	ssyncset.done $0x0  }
0x27: {  	[sflag:s11] =	ssyncadd.s32 $0xFFFF8000  }
0x28: {  	_ =	swait.ge [sflag:s11], $0x20  }
0x29: {  	[sflag:s11] =	ssyncset.done $0x0  }
0x2a: {  	[sflag:s11] =	ssyncadd.s32 $0xFFFFFFE0  }
0x2b: {  	_ =	swait.ge [sflag:s11], $0x20  }
0x2c: {  	[sflag:s11] =	ssyncset.done $0x0  }
0x2d: {  	[sflag:s11] =	ssyncadd.s32 $0xFFFFFFE0  }
0x2e: {  	_ =	swait.ge [sflag:s11], $0x8000  }
0x2f: {  	[sflag:s11] =	ssyncset.done $0x0  }
0x30: {  	[sflag:s11] =	ssyncadd.s32 $0xFFFF8000  }
0x31: {  	_ =	swait.ge [sflag:s11], $0x20  }
0x32: {  	[sflag:s11] =	ssyncset.done $0x0  }
0x33: {  	[sflag:s11] =	ssyncadd.s32 $0xFFFFFFE0  }
0x34: {  	_ =	swait.ge [sflag:s11], $0x20  }
0x35: {  	[sflag:s11] =	ssyncset.done $0x0  }
0x36: {  	[sflag:s11] =	ssyncadd.s32 $0xFFFFFFE0  }
0x37: {  	_ =	swait.ge [sflag:s11], $0x8000  }
0x38: {  	[sflag:s11] =	ssyncset.done $0x0  }
0x39: {  	[sflag:s11] =	ssyncadd.s32 $0xFFFF8000  }
0x3a: {  	_ =	swait.ge [sflag:s11], $0x20  }
0x3b: {  	[sflag:s11] =	ssyncset.done $0x0  }
0x3c: {  	[sflag:s11] =	ssyncadd.s32 $0xFFFFFFE0  }
0x3d: {  	_ =	swait.ge [sflag:s11], $0x20  }
0x3e: {  	[sflag:s11] =	ssyncset.done $0x0  }
0x3f: {  	[sflag:s11] =	ssyncadd.s32 $0xFFFFFFE0  }
0x40: {  	_ =	swait.ge [sflag:s11], $0x8000  }
0x41: {  	[sflag:s11] =	ssyncset.done $0x0  }
0x42: {  	[sflag:s11] =	ssyncadd.s32 $0xFFFF8000  }
0x43: {  	_ =	swait.ge [sflag:s11], $0x20  }
0x44: {  	[sflag:s11] =	ssyncset.done $0x0  }
0x45: {  	[sflag:s11] =	ssyncadd.s32 $0xFFFFFFE0  }
0x46: {  	_ =	swait.ge [sflag:s11], $0x20  }
0x47: {  	[sflag:s11] =	ssyncset.done $0x0  }
0x48: {  	[sflag:s11] =	ssyncadd.s32 $0xFFFFFFE0  }
0x49: {  	_ =	swait.ge [sflag:s11], $0x8000  }
0x4a: {  	[sflag:s11] =	ssyncset.done $0x0  }
0x4b: {  	[sflag:s11] =	ssyncadd.s32 $0xFFFF8000  }
0x4c: {  	_ =	swait.ge [sflag:s11], $0x20  }
0x4d: {  	[sflag:s11] =	ssyncset.done $0x0  }
0x4e: {  	[sflag:s11] =	ssyncadd.s32 $0xFFFFFFE0  }
0x4f: {  	_ =	swait.ge [sflag:s11], $0x20  }
0x50: {  	[sflag:s11] =	ssyncset.done $0x0  }
0x51: {  	[sflag:s11] =	ssyncadd.s32 $0xFFFFFFE0  }
0x52: {  	_ =	swait.ge [sflag:s11], $0x8000  }
0x53: {  	[sflag:s11] =	ssyncset.done $0x0  }
0x54: {  	[sflag:s11] =	ssyncadd.s32 $0xFFFF8000  }
0x55: {  	_ =	swait.ge [sflag:s11], $0x20  }
0x56: {  	[sflag:s11] =	ssyncset.done $0x0  }
0x57: {  	[sflag:s11] =	ssyncadd.s32 $0xFFFFFFE0  }
0x58: {  	_ =	swait.ge [sflag:s11], $0x20  }
0x59: {  	[sflag:s11] =	ssyncset.done $0x0  }
0x5a: {  	[sflag:s11] =	ssyncadd.s32 $0xFFFFFFE0  }
0x5b: {  	_ =	swait.ge [sflag:s11], $0x8000  }
0x5c: {  	[sflag:s11] =	ssyncset.done $0x0  }
0x5d: {  	[sflag:s11] =	ssyncadd.s32 $0xFFFF8000  }
0x5e: {  	_ =	swait.ge [sflag:s11], $0x20  }
0x5f: {  	[sflag:s11] =	ssyncset.done $0x0  }
0x60: {  	[sflag:s11] =	ssyncadd.s32 $0xFFFFFFE0  }
0x61: {  	_ =	swait.ge [sflag:s11], $0x20  }
0x62: {  	s0 =	rddreg [dreg:$0x1a]  }
0x63: {  	s12 =	rddreg [dreg:$0x18];
	s0 =	sadd.s32 $0x1, s0  }
0x64: {  	p0 =	sne.s32 s0, s12  }
.Ltmp1:
0x65: {  	_ = 	snop;
	(pc) =	sbr.rel @!p0 .LBB2_7-.Ltmp1, $3  }
0x66: {  	_ =	sdelay $0x1  }
0x67: {  	[sflag:s11] =	ssyncset.done $0x0  }
0x68: {  	[sflag:s11] =	ssyncadd.s32 $0xFFFFFFE0  }
.LBB2_1:
0x69: {  	[dreg:$0x1a] =	wrdreg s0  }
0x6a: {  	s12 =	rddreg [dreg:$0x17];
	s13 =	simm.s32 $0x12000  }
0x6b: {  	[tilespmem:s13], [sflag:$0x1] =	stream.linear.gather [hbm4b:s12+s21], $0x200, $0x38;
	[tilespmem:$0x12A00] =	vst v63  }
0x6c: {  	s14 =	simm.s32 $0x10000;
	s13 =	rddreg [dreg:$0x6]  }
0x6d: {  	[tilespmem:s14], [sflag:$0x1] =	stream.linear.gather [hbm4b:s13+s21], $0x200, $0x38;
	[tilespmem:$0x12A00] =	vst v63  }
0x6e: {  	s15 =	rddreg [dreg:$0x7];
	s16 =	simm.s32 $0x11000  }
0x6f: {  	[tilespmem:s16], [sflag:$0x1] =	stream.linear.gather [hbm4b:s15+s21], $0x200, $0x38;
	[tilespmem:$0x12A00] =	vst v63  }
0x70: {  	s17 =	rddreg [dreg:$0x8];
	s19 =	simm.s32 $0x10200  }
0x71: {  	[tilespmem:s19], [sflag:$0x1] =	stream.linear.gather [hbm4b:s17+s21], $0x200, $0x38;
	[tilespmem:$0x12A00] =	vst v63  }
0x72: {  	s20 =	rddreg [dreg:$0x9];
	s22 =	simm.s32 $0x11200  }
0x73: {  	[tilespmem:s22], [sflag:$0x1] =	stream.linear.gather [hbm4b:s20+s21], $0x200, $0x38;
	[tilespmem:$0x12A00] =	vst v63  }
0x74: {  	s24 =	rddreg [dreg:$0xa];
	s25 =	simm.s32 $0x10400  }
0x75: {  	[tilespmem:s25], [sflag:$0x1] =	stream.linear.gather [hbm4b:s24+s21], $0x200, $0x38;
	[tilespmem:$0x12A00] =	vst v63  }
0x76: {  	s30 =	rddreg [dreg:$0xb];
	s31 =	simm.s32 $0x11400  }
0x77: {  	[tilespmem:s31], [sflag:$0x1] =	stream.linear.gather [hbm4b:s30+s21], $0x200, $0x38;
	[tilespmem:$0x12A00] =	vst v63  }
0x78: {  	s0 =	rddreg [dreg:$0xc];
	s2 =	simm.s32 $0x10600  }
0x79: {  	[tilespmem:s2], [sflag:$0x1] =	stream.linear.gather [hbm4b:s0+s21], $0x200, $0x38;
	[tilespmem:$0x12A00] =	vst v63  }
0x7a: {  	s3 =	rddreg [dreg:$0xd];
	s4 =	simm.s32 $0x11600  }
0x7b: {  	[tilespmem:s4], [sflag:$0x1] =	stream.linear.gather [hbm4b:s3+s21], $0x200, $0x38;
	[tilespmem:$0x12A00] =	vst v63  }
0x7c: {  	s5 =	rddreg [dreg:$0xe];
	s6 =	simm.s32 $0x10800  }
0x7d: {  	[tilespmem:s6], [sflag:$0x1] =	stream.linear.gather [hbm4b:s5+s21], $0x200, $0x38;
	[tilespmem:$0x12A00] =	vst v63  }
0x7e: {  	s7 =	rddreg [dreg:$0xf];
	s8 =	simm.s32 $0x11800  }
0x7f: {  	[tilespmem:s8], [sflag:$0x1] =	stream.linear.gather [hbm4b:s7+s21], $0x200, $0x38;
	[tilespmem:$0x12A00] =	vst v63  }
0x80: {  	s9 =	rddreg [dreg:$0x10];
	s10 =	simm.s32 $0x10A00  }
0x81: {  	[tilespmem:s10], [sflag:$0x1] =	stream.linear.gather [hbm4b:s9+s21], $0x200, $0x38;
	[tilespmem:$0x12A00] =	vst v63  }
0x82: {  	s13 =	rddreg [dreg:$0x11];
	s14 =	simm.s32 $0x11A00  }
0x83: {  	[tilespmem:s14], [sflag:$0x1] =	stream.linear.gather [hbm4b:s13+s21], $0x200, $0x38;
	[tilespmem:$0x12A00] =	vst v63  }
0x84: {  	s15 =	rddreg [dreg:$0x12];
	s16 =	simm.s32 $0x10C00  }
0x85: {  	[tilespmem:s16], [sflag:$0x1] =	stream.linear.gather [hbm4b:s15+s21], $0x200, $0x38;
	[tilespmem:$0x12A00] =	vst v63  }
0x86: {  	s17 =	rddreg [dreg:$0x13];
	s19 =	simm.s32 $0x11C00  }
0x87: {  	[tilespmem:s19], [sflag:$0x1] =	stream.linear.gather [hbm4b:s17+s21], $0x200, $0x38;
	[tilespmem:$0x12A00] =	vst v63  }
0x88: {  	s20 =	rddreg [dreg:$0x14];
	s22 =	simm.s32 $0x10E00  }
0x89: {  	[tilespmem:s22], [sflag:$0x1] =	stream.linear.gather [hbm4b:s20+s21], $0x200, $0x38;
	[tilespmem:$0x12A00] =	vst v63  }
0x8a: {  	s24 =	rddreg [dreg:$0x15];
	s25 =	simm.s32 $0x11E00  }
0x8b: {  	[tilespmem:s25], [sflag:$0x1] =	stream.linear.gather [hbm4b:s24+s21], $0x200, $0x38;
	[tilespmem:$0x12A00] =	vst v63  }
0x8c: {  	s30 =	rddreg [dreg:$0x16];
	s31 =	simm.s32 $0x1  }
0x8d: {  	[tilespmem:s21], [sflag:$0x2] =	stream.linear.gather [hbm4b:s30+s21], $0x8000, $0x38;
	[tilespmem:$0x12A00] =	vst v63  }
0x8e: {  	_ =	swait.ge [sflag:s31], $0x200  }
0x8f: {  	[sflag:s31] =	ssyncset.done $0x0  }
0x90: {  	[sflag:s31] =	ssyncadd.s32 $0xFFFFFE00  }
0x91: {  	_ =	swait.ge [sflag:s31], $0x200  }
0x92: {  	[sflag:s31] =	ssyncset.done $0x0  }
0x93: {  	[sflag:s31] =	ssyncadd.s32 $0xFFFFFE00  }
0x94: {  	_ =	swait.ge [sflag:s31], $0x200  }
0x95: {  	[sflag:s31] =	ssyncset.done $0x0  }
0x96: {  	[sflag:s31] =	ssyncadd.s32 $0xFFFFFE00  }
0x97: {  	_ =	swait.ge [sflag:s31], $0x200  }
0x98: {  	[sflag:s31] =	ssyncset.done $0x0  }
0x99: {  	[sflag:s31] =	ssyncadd.s32 $0xFFFFFE00  }
0x9a: {  	_ =	swait.ge [sflag:s31], $0x200  }
0x9b: {  	[sflag:s31] =	ssyncset.done $0x0  }
0x9c: {  	[sflag:s31] =	ssyncadd.s32 $0xFFFFFE00  }
0x9d: {  	_ =	swait.ge [sflag:s31], $0x200  }
0x9e: {  	[sflag:s31] =	ssyncset.done $0x0  }
0x9f: {  	[sflag:s31] =	ssyncadd.s32 $0xFFFFFE00  }
0xa0: {  	_ =	swait.ge [sflag:s31], $0x200  }
0xa1: {  	[sflag:s31] =	ssyncset.done $0x0  }
0xa2: {  	[sflag:s31] =	ssyncadd.s32 $0xFFFFFE00  }
0xa3: {  	_ =	swait.ge [sflag:s31], $0x200  }
0xa4: {  	[sflag:s31] =	ssyncset.done $0x0  }
0xa5: {  	[sflag:s31] =	ssyncadd.s32 $0xFFFFFE00  }
0xa6: {  	_ =	swait.ge [sflag:s31], $0x200  }
0xa7: {  	[sflag:s31] =	ssyncset.done $0x0  }
0xa8: {  	[sflag:s31] =	ssyncadd.s32 $0xFFFFFE00  }
0xa9: {  	_ =	swait.ge [sflag:s31], $0x200  }
0xaa: {  	[sflag:s31] =	ssyncset.done $0x0  }
0xab: {  	[sflag:s31] =	ssyncadd.s32 $0xFFFFFE00  }
0xac: {  	_ =	swait.ge [sflag:s31], $0x200  }
0xad: {  	[sflag:s31] =	ssyncset.done $0x0  }
0xae: {  	[sflag:s31] =	ssyncadd.s32 $0xFFFFFE00  }
0xaf: {  	_ =	swait.ge [sflag:s31], $0x200  }
0xb0: {  	[sflag:s31] =	ssyncset.done $0x0  }
0xb1: {  	[sflag:s31] =	ssyncadd.s32 $0xFFFFFE00  }
0xb2: {  	_ =	swait.ge [sflag:s31], $0x200  }
0xb3: {  	[sflag:s31] =	ssyncset.done $0x0  }
0xb4: {  	[sflag:s31] =	ssyncadd.s32 $0xFFFFFE00  }
0xb5: {  	_ =	swait.ge [sflag:s31], $0x200  }
0xb6: {  	[sflag:s31] =	ssyncset.done $0x0  }
0xb7: {  	[sflag:s31] =	ssyncadd.s32 $0xFFFFFE00  }
0xb8: {  	_ =	swait.ge [sflag:s31], $0x200  }
0xb9: {  	[sflag:s31] =	ssyncset.done $0x0  }
0xba: {  	[sflag:s31] =	ssyncadd.s32 $0xFFFFFE00  }
0xbb: {  	_ =	swait.ge [sflag:s31], $0x200  }
0xbc: {  	[sflag:s31] =	ssyncset.done $0x0  }
0xbd: {  	[sflag:s31] =	ssyncadd.s32 $0xFFFFFE00  }
0xbe: {  	_ =	swait.ge [sflag:s31], $0x200  }
0xbf: {  	s0 =	simm.s32 $0x0;
	[sflag:s31] =	ssyncset.done $0x0  }
0xc0: {  	s3 =	simm.s32 $0x0;
	s2 =	rddreg [dreg:$0x19];
	[sflag:s31] =	ssyncadd.s32 $0xFFFFFE00  }
.LBB2_2:
0xc1: {  	s16 =	sshra.s32 s3, $0x2  }
0xc2: {  	v3 =	vld [tilespmem:s16+$0x10000];
	_ =	sdelay $0x4  }
0xc3: {  	[tilespmem:$0x12200] =	vst v3  }
0xc4: {  	v3 =	vld [tilespmem:s16+$0x10010];
	_ =	sdelay $0x2  }
0xc5: {  	s17 =	sadd.s32 $0x200, s0  }
0xc6: {  	s24 =	sand.u32 $0x40, s0;
	s17 =	sand.u32 $0x380, s17  }
0xc7: {  	s17 =	sor.u32 s24, s17;
	[tilespmem:$0x12210] =	vst v3  }
0xc8: {  	v3 =	vld [tilespmem:s17+$0x10000];
	_ =	sdelay $0x4  }
0xc9: {  	[tilespmem:$0x12280] =	vst v3  }
0xca: {  	v3 =	vld [tilespmem:s16+$0x10210];
	_ =	sdelay $0x2  }
0xcb: {  	s15 =	sadd.s32 $0x400, s0  }
0xcc: {  	s17 =	sand.u32 $0x580, s15  }
0xcd: {  	s17 =	sor.u32 s24, s17;
	[tilespmem:$0x12290] =	vst v3  }
0xce: {  	v3 =	vld [tilespmem:s17+$0x10000];
	_ =	sdelay $0x4  }
0xcf: {  	[tilespmem:$0x12300] =	vst v3  }
0xd0: {  	v3 =	vld [tilespmem:s16+$0x10410];
	_ =	sdelay $0x2  }
0xd1: {  	s19 =	sadd.s32 $0x600, s0  }
0xd2: {  	s17 =	sand.u32 $0x780, s19  }
0xd3: {  	s17 =	sor.u32 s24, s17;
	[tilespmem:$0x12310] =	vst v3  }
0xd4: {  	v3 =	vld [tilespmem:s17+$0x10000];
	_ =	sdelay $0x4  }
0xd5: {  	[tilespmem:$0x12380] =	vst v3  }
0xd6: {  	v3 =	vld [tilespmem:s16+$0x10610];
	_ =	sdelay $0x2  }
0xd7: {  	s20 =	sadd.s32 $0x800, s0  }
0xd8: {  	s17 =	sand.u32 $0x980, s20  }
0xd9: {  	s17 =	sor.u32 s24, s17;
	[tilespmem:$0x12390] =	vst v3  }
0xda: {  	v3 =	vld [tilespmem:s17+$0x10000];
	_ =	sdelay $0x4  }
0xdb: {  	[tilespmem:$0x12400] =	vst v3  }
0xdc: {  	v3 =	vld [tilespmem:s16+$0x10810];
	_ =	sdelay $0x2  }
0xdd: {  	s22 =	sadd.s32 $0xA00, s0  }
0xde: {  	s17 =	sand.u32 $0xB80, s22  }
0xdf: {  	s17 =	sor.u32 s24, s17;
	[tilespmem:$0x12410] =	vst v3  }
0xe0: {  	v3 =	vld [tilespmem:s17+$0x10000];
	_ =	sdelay $0x4  }
0xe1: {  	[tilespmem:$0x12480] =	vst v3  }
0xe2: {  	v3 =	vld [tilespmem:s16+$0x10A10];
	_ =	sdelay $0x2  }
0xe3: {  	s25 =	sadd.s32 $0xC00, s0  }
0xe4: {  	s17 =	sand.u32 $0xD80, s25  }
0xe5: {  	s17 =	sor.u32 s24, s17;
	[tilespmem:$0x12490] =	vst v3  }
0xe6: {  	v3 =	vld [tilespmem:s17+$0x10000];
	_ =	sdelay $0x4  }
0xe7: {  	[tilespmem:$0x12500] =	vst v3  }
0xe8: {  	v3 =	vld [tilespmem:s16+$0x10C10];
	_ =	sdelay $0x2  }
0xe9: {  	s30 =	sadd.s32 $0xE00, s0  }
0xea: {  	s17 =	sand.u32 $0xF80, s30  }
0xeb: {  	s17 =	sor.u32 s24, s17;
	[tilespmem:$0x12510] =	vst v3  }
0xec: {  	v3 =	vld [tilespmem:s17+$0x10000];
	_ =	sdelay $0x4  }
0xed: {  	[tilespmem:$0x12580] =	vst v3  }
0xee: {  	v3 =	vld [tilespmem:s16+$0x10E10];
	_ =	sdelay $0x2  }
0xef: {  	p0 =	seq.s32 s3, $0x0  }
.Ltmp2:
0xf0: {  	_ = 	snop;
	(pc) =	sbr.rel @p0 .LBB2_4-.Ltmp2, $4  }
0xf1: {  	[dreg:$0x1b] =	wrdreg s0;
	s31 =	simm.s32 $0x2;
	[tilespmem:$0x12590] =	vst v3  }
0xf2: {  	_ =	swait.ge [sflag:s31], $0x8000  }
0xf3: {  	[sflag:s31] =	ssyncset.done $0x0  }
0xf4: {  	[dreg:$0x1c] =	wrdreg s3;
	[sflag:s31] =	ssyncadd.s32 $0xFFFF8000  }
0xf5: {  	_ =	swait.ge [sflag:s11], $0x8000  }
0xf6: {  	[sflag:s11] =	ssyncset.done $0x0  }
0xf7: {  	[sflag:s11] =	ssyncadd.s32 $0xFFFF8000  }
0xf8: {  	_ =	swait.ge [sflag:s11], $0x20  }
0xf9: {  	[sflag:s11] =	ssyncset.done $0x0  }
0xfa: {  	[sflag:s11] =	ssyncadd.s32 $0xFFFFFFE0  }
0xfb: {  	_ =	swait.ge [sflag:s11], $0x20  }
0xfc: {  	[sflag:s11] =	ssyncset.done $0x0  }
0xfd: {  	[sflag:s11] =	ssyncadd.s32 $0xFFFFFFE0  }
0xfe: {  	_ =	swait.ge [sflag:s11], $0x8000  }
0xff: {  	[sflag:s11] =	ssyncset.done $0x0  }
0x100: {  	[sflag:s11] =	ssyncadd.s32 $0xFFFF8000  }
0x101: {  	_ =	swait.ge [sflag:s11], $0x20  }
0x102: {  	[sflag:s11] =	ssyncset.done $0x0  }
0x103: {  	[sflag:s11] =	ssyncadd.s32 $0xFFFFFFE0  }
0x104: {  	_ =	swait.ge [sflag:s11], $0x20  }
0x105: {  	[sflag:s11] =	ssyncset.done $0x0  }
0x106: {  	[sflag:s11] =	ssyncadd.s32 $0xFFFFFFE0  }
0x107: {  	_ =	swait.ge [sflag:s11], $0x8000  }
0x108: {  	[sflag:s11] =	ssyncset.done $0x0  }
0x109: {  	[sflag:s11] =	ssyncadd.s32 $0xFFFF8000  }
0x10a: {  	_ =	swait.ge [sflag:s11], $0x20  }
0x10b: {  	[sflag:s11] =	ssyncset.done $0x0  }
0x10c: {  	[sflag:s11] =	ssyncadd.s32 $0xFFFFFFE0  }
0x10d: {  	_ =	swait.ge [sflag:s11], $0x20  }
0x10e: {  	[sflag:s11] =	ssyncset.done $0x0  }
0x10f: {  	[sflag:s11] =	ssyncadd.s32 $0xFFFFFFE0  }
0x110: {  	_ =	swait.ge [sflag:s11], $0x8000  }
0x111: {  	[sflag:s11] =	ssyncset.done $0x0  }
0x112: {  	[sflag:s11] =	ssyncadd.s32 $0xFFFF8000  }
0x113: {  	_ =	swait.ge [sflag:s11], $0x20  }
0x114: {  	[sflag:s11] =	ssyncset.done $0x0  }
0x115: {  	[sflag:s11] =	ssyncadd.s32 $0xFFFFFFE0  }
0x116: {  	_ =	swait.ge [sflag:s11], $0x20  }
0x117: {  	[sflag:s11] =	ssyncset.done $0x0  }
0x118: {  	[sflag:s11] =	ssyncadd.s32 $0xFFFFFFE0  }
0x119: {  	_ =	swait.ge [sflag:s11], $0x8000  }
0x11a: {  	[sflag:s11] =	ssyncset.done $0x0  }
0x11b: {  	[sflag:s11] =	ssyncadd.s32 $0xFFFF8000  }
0x11c: {  	_ =	swait.ge [sflag:s11], $0x20  }
0x11d: {  	[sflag:s11] =	ssyncset.done $0x0  }
0x11e: {  	[sflag:s11] =	ssyncadd.s32 $0xFFFFFFE0  }
0x11f: {  	_ =	swait.ge [sflag:s11], $0x20  }
0x120: {  	[sflag:s11] =	ssyncset.done $0x0  }
0x121: {  	[sflag:s11] =	ssyncadd.s32 $0xFFFFFFE0  }
0x122: {  	_ =	swait.ge [sflag:s11], $0x8000  }
0x123: {  	[sflag:s11] =	ssyncset.done $0x0  }
0x124: {  	[sflag:s11] =	ssyncadd.s32 $0xFFFF8000  }
0x125: {  	_ =	swait.ge [sflag:s11], $0x20  }
0x126: {  	[sflag:s11] =	ssyncset.done $0x0  }
0x127: {  	[sflag:s11] =	ssyncadd.s32 $0xFFFFFFE0  }
0x128: {  	_ =	swait.ge [sflag:s11], $0x20  }
0x129: {  	[sflag:s11] =	ssyncset.done $0x0  }
0x12a: {  	[sflag:s11] =	ssyncadd.s32 $0xFFFFFFE0  }
0x12b: {  	_ =	swait.ge [sflag:s11], $0x8000  }
0x12c: {  	[sflag:s11] =	ssyncset.done $0x0  }
0x12d: {  	[sflag:s11] =	ssyncadd.s32 $0xFFFF8000  }
0x12e: {  	_ =	swait.ge [sflag:s11], $0x20  }
0x12f: {  	[sflag:s11] =	ssyncset.done $0x0  }
0x130: {  	[sflag:s11] =	ssyncadd.s32 $0xFFFFFFE0  }
0x131: {  	_ =	swait.ge [sflag:s11], $0x20  }
0x132: {  	[sflag:s11] =	ssyncset.done $0x0  }
0x133: {  	[sflag:s11] =	ssyncadd.s32 $0xFFFFFFE0  }
0x134: {  	_ =	swait.ge [sflag:s11], $0x8000  }
0x135: {  	[sflag:s11] =	ssyncset.done $0x0  }
0x136: {  	[sflag:s11] =	ssyncadd.s32 $0xFFFF8000  }
0x137: {  	_ =	swait.ge [sflag:s11], $0x20  }
0x138: {  	[sflag:s11] =	ssyncset.done $0x0  }
0x139: {  	[sflag:s11] =	ssyncadd.s32 $0xFFFFFFE0  }
0x13a: {  	_ =	swait.ge [sflag:s11], $0x20  }
0x13b: {  	[sflag:s11] =	ssyncset.done $0x0  }
0x13c: {  	[sflag:s11] =	ssyncadd.s32 $0xFFFFFFE0  }
.LBB2_4:
0x13d: {  	v3 =	vld [tilespmem:$0x12200];
	_ =	sdelay $0x4  }
0x13e: {  	v4 =	vshll.u32 v3, $0x3  }
0x13f: {  	v3 =	vand.u32 $0x7, v3;
	v4 =	vand.u32 $0xFFFFFFC0, v4  }
0x140: {  	v3 =	vor.u32 v3, v4  }
0x141: {  	v4 =	vperm.xlane v3, v0;
	_ =	sdelay $0x1  }
0x142: {  	v4 =	vadd.s32 v1, v4;
	_ =	sdelay $0x4  }
0x143: {  	[hbm4b:s1+s21] =	stream.indirect_vreg.scatter [tilespmem:s21], [sflag:$0x4], $0x80, v4, vm0, $0xb8;
	[tilespmem:$0x12A00] =	vst v63  }
0x144: {  	s25 =	simm.s32 $0x800;
	v3 =	vperm.xlane v3, v2  }
0x145: {  	[hbm4b:s26+s21] =	stream.indirect_vreg.scatter [tilespmem:s25], [sflag:$0x4], $0x80, v4, vm0, $0xb8;
	[tilespmem:$0x12A00] =	vst v63  }
0x146: {  	s31 =	simm.s32 $0x1000;
	v3 =	vadd.s32 v1, v3  }
0x147: {  	[hbm4b:s28+s21] =	stream.indirect_vreg.scatter [tilespmem:s31], [sflag:$0x4], $0x80, v4, vm0, $0xb8;
	[tilespmem:$0x12A00] =	vst v63  }
0x148: {  	s19 =	simm.s32 $0x1800  }
0x149: {  	[hbm4b:s29+s21] =	stream.indirect_vreg.scatter [tilespmem:s19], [sflag:$0x4], $0x80, v4, vm0, $0xb8;
	[tilespmem:$0x12A00] =	vst v63  }
0x14a: {  	s15 =	simm.s32 $0x2000  }
0x14b: {  	[hbm4b:s1+s21] =	stream.indirect_vreg.scatter [tilespmem:s15], [sflag:$0x4], $0x80, v3, vm0, $0xb8;
	[tilespmem:$0x12A00] =	vst v63  }
0x14c: {  	s22 =	simm.s32 $0x2800  }
0x14d: {  	[hbm4b:s26+s21] =	stream.indirect_vreg.scatter [tilespmem:s22], [sflag:$0x4], $0x80, v3, vm0, $0xb8;
	[tilespmem:$0x12A00] =	vst v63  }
0x14e: {  	s0 =	simm.s32 $0x3000  }
0x14f: {  	[hbm4b:s28+s21] =	stream.indirect_vreg.scatter [tilespmem:s0], [sflag:$0x4], $0x80, v3, vm0, $0xb8;
	[tilespmem:$0x12A00] =	vst v63  }
0x150: {  	s30 =	simm.s32 $0x3800  }
0x151: {  	[hbm4b:s29+s21] =	stream.indirect_vreg.scatter [tilespmem:s30], [sflag:$0x4], $0x80, v3, vm0, $0xb8;
	[tilespmem:$0x12A00] =	vst v63  }
0x152: {  	v3 =	vld [tilespmem:$0x12210];
	_ =	sdelay $0x4  }
0x153: {  	v33 =	vshll.u32 v3, $0x3  }
0x154: {  	v3 =	vand.u32 $0x7, v3;
	v4 =	vand.u32 $0xFFFFFFC0, v33  }
0x155: {  	v3 =	vor.u32 v3, v4  }
0x156: {  	v4 =	vperm.xlane v3, v0;
	_ =	sdelay $0x1  }
0x157: {  	v4 =	vadd.s32 v1, v4;
	_ =	sdelay $0x3  }
0x158: {  	s4 =	simm.s32 $0x4000  }
0x159: {  	[hbm4b:s1+s21] =	stream.indirect_vreg.scatter [tilespmem:s4], [sflag:$0x4], $0x80, v4, vm0, $0xb8;
	[tilespmem:$0x12A00] =	vst v63  }
0x15a: {  	s5 =	simm.s32 $0x4800;
	v3 =	vperm.xlane v3, v2  }
0x15b: {  	[hbm4b:s26+s21] =	stream.indirect_vreg.scatter [tilespmem:s5], [sflag:$0x4], $0x80, v4, vm0, $0xb8;
	[tilespmem:$0x12A00] =	vst v63  }
0x15c: {  	s6 =	simm.s32 $0x5000;
	v3 =	vadd.s32 v1, v3  }
0x15d: {  	[hbm4b:s28+s21] =	stream.indirect_vreg.scatter [tilespmem:s6], [sflag:$0x4], $0x80, v4, vm0, $0xb8;
	[tilespmem:$0x12A00] =	vst v63  }
0x15e: {  	s7 =	simm.s32 $0x5800  }
0x15f: {  	[hbm4b:s29+s21] =	stream.indirect_vreg.scatter [tilespmem:s7], [sflag:$0x4], $0x80, v4, vm0, $0xb8;
	[tilespmem:$0x12A00] =	vst v63  }
0x160: {  	s8 =	simm.s32 $0x6000  }
0x161: {  	[hbm4b:s1+s21] =	stream.indirect_vreg.scatter [tilespmem:s8], [sflag:$0x4], $0x80, v3, vm0, $0xb8;
	[tilespmem:$0x12A00] =	vst v63  }
0x162: {  	s9 =	simm.s32 $0x6800  }
0x163: {  	[hbm4b:s26+s21] =	stream.indirect_vreg.scatter [tilespmem:s9], [sflag:$0x4], $0x80, v3, vm0, $0xb8;
	[tilespmem:$0x12A00] =	vst v63  }
0x164: {  	s10 =	simm.s32 $0x7000  }
0x165: {  	[hbm4b:s28+s21] =	stream.indirect_vreg.scatter [tilespmem:s10], [sflag:$0x4], $0x80, v3, vm0, $0xb8;
	[tilespmem:$0x12A00] =	vst v63  }
0x166: {  	s20 =	simm.s32 $0x7800  }
0x167: {  	[hbm4b:s29+s21] =	stream.indirect_vreg.scatter [tilespmem:s20], [sflag:$0x4], $0x80, v3, vm0, $0xb8;
	[tilespmem:$0x12A00] =	vst v63  }
0x168: {  	s17 =	sadd.s32 $0x11000, s16;
	s24 =	simm.s32 $0x12200;
	s3 =	rddreg [dreg:$0x3]  }
0x169: {  	[hbm4b:s3+s18] =	stream.indirect.scatter [tilespmem:s17], [sflag:$0x4], $0x1, s24, s18, $0xb8;
	[tilespmem:$0x12A00] =	vst v63  }
0x16a: {  	s12 =	rddreg [dreg:$0x4];
	s17 =	sadd.s32 $0x12000, s16  }
0x16b: {  	[hbm4b:s12+s18] =	stream.indirect.scatter [tilespmem:s17], [sflag:$0x4], $0x1, s24, s18, $0xb8;
	[tilespmem:$0x12A00] =	vst v63  }
0x16c: {  	v3 =	vld [tilespmem:$0x12280];
	_ =	sdelay $0x4  }
0x16d: {  	v34 =	vshll.u32 v3, $0x3  }
0x16e: {  	v3 =	vand.u32 $0x7, v3;
	v4 =	vand.u32 $0xFFFFFFC0, v34  }
0x16f: {  	v3 =	vor.u32 v3, v4  }
0x170: {  	v4 =	vperm.xlane v3, v0;
	_ =	sdelay $0x1  }
0x171: {  	v4 =	vadd.s32 v1, v4;
	_ =	sdelay $0x4  }
0x172: {  	[hbm4b:s1+s21] =	stream.indirect_vreg.scatter [tilespmem:s21], [sflag:$0x4], $0x80, v4, vm0, $0xb8;
	[tilespmem:$0x12A00] =	vst v63  }
0x173: {  	v3 =	vperm.xlane v3, v2  }
0x174: {  	[hbm4b:s26+s21] =	stream.indirect_vreg.scatter [tilespmem:s25], [sflag:$0x4], $0x80, v4, vm0, $0xb8;
	[tilespmem:$0x12A00] =	vst v63  }
0x175: {  	v3 =	vadd.s32 v1, v3  }
0x176: {  	[hbm4b:s28+s21] =	stream.indirect_vreg.scatter [tilespmem:s31], [sflag:$0x4], $0x80, v4, vm0, $0xb8;
	[tilespmem:$0x12A00] =	vst v63  }
0x177: {  	_ = 	snop  }
0x178: {  	[hbm4b:s29+s21] =	stream.indirect_vreg.scatter [tilespmem:s19], [sflag:$0x4], $0x80, v4, vm0, $0xb8;
	[tilespmem:$0x12A00] =	vst v63  }
0x179: {  	_ = 	snop  }
0x17a: {  	[hbm4b:s1+s21] =	stream.indirect_vreg.scatter [tilespmem:s15], [sflag:$0x4], $0x80, v3, vm0, $0xb8;
	[tilespmem:$0x12A00] =	vst v63  }
0x17b: {  	_ = 	snop  }
0x17c: {  	[hbm4b:s26+s21] =	stream.indirect_vreg.scatter [tilespmem:s22], [sflag:$0x4], $0x80, v3, vm0, $0xb8;
	[tilespmem:$0x12A00] =	vst v63  }
0x17d: {  	_ = 	snop  }
0x17e: {  	[hbm4b:s28+s21] =	stream.indirect_vreg.scatter [tilespmem:s0], [sflag:$0x4], $0x80, v3, vm0, $0xb8;
	[tilespmem:$0x12A00] =	vst v63  }
0x17f: {  	_ = 	snop  }
0x180: {  	[hbm4b:s29+s21] =	stream.indirect_vreg.scatter [tilespmem:s30], [sflag:$0x4], $0x80, v3, vm0, $0xb8;
	[tilespmem:$0x12A00] =	vst v63  }
0x181: {  	v3 =	vld [tilespmem:$0x12290];
	_ =	sdelay $0x4  }
0x182: {  	v35 =	vshll.u32 v3, $0x3  }
0x183: {  	v3 =	vand.u32 $0x7, v3;
	v4 =	vand.u32 $0xFFFFFFC0, v35  }
0x184: {  	v3 =	vor.u32 v3, v4  }
0x185: {  	v4 =	vperm.xlane v3, v0;
	_ =	sdelay $0x1  }
0x186: {  	v4 =	vadd.s32 v1, v4;
	_ =	sdelay $0x4  }
0x187: {  	[hbm4b:s1+s21] =	stream.indirect_vreg.scatter [tilespmem:s4], [sflag:$0x4], $0x80, v4, vm0, $0xb8;
	[tilespmem:$0x12A00] =	vst v63  }
0x188: {  	v3 =	vperm.xlane v3, v2  }
0x189: {  	[hbm4b:s26+s21] =	stream.indirect_vreg.scatter [tilespmem:s5], [sflag:$0x4], $0x80, v4, vm0, $0xb8;
	[tilespmem:$0x12A00] =	vst v63  }
0x18a: {  	v3 =	vadd.s32 v1, v3  }
0x18b: {  	[hbm4b:s28+s21] =	stream.indirect_vreg.scatter [tilespmem:s6], [sflag:$0x4], $0x80, v4, vm0, $0xb8;
	[tilespmem:$0x12A00] =	vst v63  }
0x18c: {  	_ = 	snop  }
0x18d: {  	[hbm4b:s29+s21] =	stream.indirect_vreg.scatter [tilespmem:s7], [sflag:$0x4], $0x80, v4, vm0, $0xb8;
	[tilespmem:$0x12A00] =	vst v63  }
0x18e: {  	_ = 	snop  }
0x18f: {  	[hbm4b:s1+s21] =	stream.indirect_vreg.scatter [tilespmem:s8], [sflag:$0x4], $0x80, v3, vm0, $0xb8;
	[tilespmem:$0x12A00] =	vst v63  }
0x190: {  	_ = 	snop  }
0x191: {  	[hbm4b:s26+s21] =	stream.indirect_vreg.scatter [tilespmem:s9], [sflag:$0x4], $0x80, v3, vm0, $0xb8;
	[tilespmem:$0x12A00] =	vst v63  }
0x192: {  	_ = 	snop  }
0x193: {  	[hbm4b:s28+s21] =	stream.indirect_vreg.scatter [tilespmem:s10], [sflag:$0x4], $0x80, v3, vm0, $0xb8;
	[tilespmem:$0x12A00] =	vst v63  }
0x194: {  	_ = 	snop  }
0x195: {  	[hbm4b:s29+s21] =	stream.indirect_vreg.scatter [tilespmem:s20], [sflag:$0x4], $0x80, v3, vm0, $0xb8;
	[tilespmem:$0x12A00] =	vst v63  }
0x196: {  	s14 =	sadd.s32 $0x11200, s16;
	s13 =	simm.s32 $0x12280  }
0x197: {  	[hbm4b:s3+s18] =	stream.indirect.scatter [tilespmem:s14], [sflag:$0x4], $0x1, s13, s18, $0xb8;
	[tilespmem:$0x12A00] =	vst v63  }
0x198: {  	_ = 	snop  }
0x199: {  	[hbm4b:s12+s18] =	stream.indirect.scatter [tilespmem:s17], [sflag:$0x4], $0x1, s13, s18, $0xb8;
	[tilespmem:$0x12A00] =	vst v63  }
0x19a: {  	v3 =	vld [tilespmem:$0x12300];
	_ =	sdelay $0x4  }
0x19b: {  	v36 =	vshll.u32 v3, $0x3  }
0x19c: {  	v3 =	vand.u32 $0x7, v3;
	v4 =	vand.u32 $0xFFFFFFC0, v36  }
0x19d: {  	v3 =	vor.u32 v3, v4  }
0x19e: {  	v4 =	vperm.xlane v3, v0;
	_ =	sdelay $0x1  }
0x19f: {  	v4 =	vadd.s32 v1, v4;
	_ =	sdelay $0x4  }
0x1a0: {  	[hbm4b:s1+s21] =	stream.indirect_vreg.scatter [tilespmem:s21], [sflag:$0x4], $0x80, v4, vm0, $0xb8;
	[tilespmem:$0x12A00] =	vst v63  }
0x1a1: {  	v3 =	vperm.xlane v3, v2  }
0x1a2: {  	[hbm4b:s26+s21] =	stream.indirect_vreg.scatter [tilespmem:s25], [sflag:$0x4], $0x80, v4, vm0, $0xb8;
	[tilespmem:$0x12A00] =	vst v63  }
0x1a3: {  	v3 =	vadd.s32 v1, v3  }
0x1a4: {  	[hbm4b:s28+s21] =	stream.indirect_vreg.scatter [tilespmem:s31], [sflag:$0x4], $0x80, v4, vm0, $0xb8;
	[tilespmem:$0x12A00] =	vst v63  }
0x1a5: {  	_ = 	snop  }
0x1a6: {  	[hbm4b:s29+s21] =	stream.indirect_vreg.scatter [tilespmem:s19], [sflag:$0x4], $0x80, v4, vm0, $0xb8;
	[tilespmem:$0x12A00] =	vst v63  }
0x1a7: {  	_ = 	snop  }
0x1a8: {  	[hbm4b:s1+s21] =	stream.indirect_vreg.scatter [tilespmem:s15], [sflag:$0x4], $0x80, v3, vm0, $0xb8;
	[tilespmem:$0x12A00] =	vst v63  }
0x1a9: {  	_ = 	snop  }
0x1aa: {  	[hbm4b:s26+s21] =	stream.indirect_vreg.scatter [tilespmem:s22], [sflag:$0x4], $0x80, v3, vm0, $0xb8;
	[tilespmem:$0x12A00] =	vst v63  }
0x1ab: {  	_ = 	snop  }
0x1ac: {  	[hbm4b:s28+s21] =	stream.indirect_vreg.scatter [tilespmem:s0], [sflag:$0x4], $0x80, v3, vm0, $0xb8;
	[tilespmem:$0x12A00] =	vst v63  }
0x1ad: {  	_ = 	snop  }
0x1ae: {  	[hbm4b:s29+s21] =	stream.indirect_vreg.scatter [tilespmem:s30], [sflag:$0x4], $0x80, v3, vm0, $0xb8;
	[tilespmem:$0x12A00] =	vst v63  }
0x1af: {  	v3 =	vld [tilespmem:$0x12310];
	_ =	sdelay $0x4  }
0x1b0: {  	v37 =	vshll.u32 v3, $0x3  }
0x1b1: {  	v3 =	vand.u32 $0x7, v3;
	v4 =	vand.u32 $0xFFFFFFC0, v37  }
0x1b2: {  	v3 =	vor.u32 v3, v4  }
0x1b3: {  	v4 =	vperm.xlane v3, v0;
	_ =	sdelay $0x1  }
0x1b4: {  	v4 =	vadd.s32 v1, v4;
	_ =	sdelay $0x4  }
0x1b5: {  	[hbm4b:s1+s21] =	stream.indirect_vreg.scatter [tilespmem:s4], [sflag:$0x4], $0x80, v4, vm0, $0xb8;
	[tilespmem:$0x12A00] =	vst v63  }
0x1b6: {  	v3 =	vperm.xlane v3, v2  }
0x1b7: {  	[hbm4b:s26+s21] =	stream.indirect_vreg.scatter [tilespmem:s5], [sflag:$0x4], $0x80, v4, vm0, $0xb8;
	[tilespmem:$0x12A00] =	vst v63  }
0x1b8: {  	v3 =	vadd.s32 v1, v3  }
0x1b9: {  	[hbm4b:s28+s21] =	stream.indirect_vreg.scatter [tilespmem:s6], [sflag:$0x4], $0x80, v4, vm0, $0xb8;
	[tilespmem:$0x12A00] =	vst v63  }
0x1ba: {  	_ = 	snop  }
0x1bb: {  	[hbm4b:s29+s21] =	stream.indirect_vreg.scatter [tilespmem:s7], [sflag:$0x4], $0x80, v4, vm0, $0xb8;
	[tilespmem:$0x12A00] =	vst v63  }
0x1bc: {  	_ = 	snop  }
0x1bd: {  	[hbm4b:s1+s21] =	stream.indirect_vreg.scatter [tilespmem:s8], [sflag:$0x4], $0x80, v3, vm0, $0xb8;
	[tilespmem:$0x12A00] =	vst v63  }
0x1be: {  	_ = 	snop  }
0x1bf: {  	[hbm4b:s26+s21] =	stream.indirect_vreg.scatter [tilespmem:s9], [sflag:$0x4], $0x80, v3, vm0, $0xb8;
	[tilespmem:$0x12A00] =	vst v63  }
0x1c0: {  	_ = 	snop  }
0x1c1: {  	[hbm4b:s28+s21] =	stream.indirect_vreg.scatter [tilespmem:s10], [sflag:$0x4], $0x80, v3, vm0, $0xb8;
	[tilespmem:$0x12A00] =	vst v63  }
0x1c2: {  	_ = 	snop  }
0x1c3: {  	[hbm4b:s29+s21] =	stream.indirect_vreg.scatter [tilespmem:s20], [sflag:$0x4], $0x80, v3, vm0, $0xb8;
	[tilespmem:$0x12A00] =	vst v63  }
0x1c4: {  	s14 =	simm.s32 $0x12300;
	s13 =	sadd.s32 $0x11400, s16  }
0x1c5: {  	[hbm4b:s3+s18] =	stream.indirect.scatter [tilespmem:s13], [sflag:$0x4], $0x1, s14, s18, $0xb8;
	[tilespmem:$0x12A00] =	vst v63  }
0x1c6: {  	_ = 	snop  }
0x1c7: {  	[hbm4b:s12+s18] =	stream.indirect.scatter [tilespmem:s17], [sflag:$0x4], $0x1, s14, s18, $0xb8;
	[tilespmem:$0x12A00] =	vst v63  }
0x1c8: {  	v3 =	vld [tilespmem:$0x12380];
	_ =	sdelay $0x4  }
0x1c9: {  	v38 =	vshll.u32 v3, $0x3  }
0x1ca: {  	v3 =	vand.u32 $0x7, v3;
	v4 =	vand.u32 $0xFFFFFFC0, v38  }
0x1cb: {  	v3 =	vor.u32 v3, v4  }
0x1cc: {  	v4 =	vperm.xlane v3, v0;
	_ =	sdelay $0x1  }
0x1cd: {  	v4 =	vadd.s32 v1, v4;
	_ =	sdelay $0x4  }
0x1ce: {  	[hbm4b:s1+s21] =	stream.indirect_vreg.scatter [tilespmem:s21], [sflag:$0x4], $0x80, v4, vm0, $0xb8;
	[tilespmem:$0x12A00] =	vst v63  }
0x1cf: {  	v3 =	vperm.xlane v3, v2  }
0x1d0: {  	[hbm4b:s26+s21] =	stream.indirect_vreg.scatter [tilespmem:s25], [sflag:$0x4], $0x80, v4, vm0, $0xb8;
	[tilespmem:$0x12A00] =	vst v63  }
0x1d1: {  	v3 =	vadd.s32 v1, v3  }
0x1d2: {  	[hbm4b:s28+s21] =	stream.indirect_vreg.scatter [tilespmem:s31], [sflag:$0x4], $0x80, v4, vm0, $0xb8;
	[tilespmem:$0x12A00] =	vst v63  }
0x1d3: {  	_ = 	snop  }
0x1d4: {  	[hbm4b:s29+s21] =	stream.indirect_vreg.scatter [tilespmem:s19], [sflag:$0x4], $0x80, v4, vm0, $0xb8;
	[tilespmem:$0x12A00] =	vst v63  }
0x1d5: {  	_ = 	snop  }
0x1d6: {  	[hbm4b:s1+s21] =	stream.indirect_vreg.scatter [tilespmem:s15], [sflag:$0x4], $0x80, v3, vm0, $0xb8;
	[tilespmem:$0x12A00] =	vst v63  }
0x1d7: {  	_ = 	snop  }
0x1d8: {  	[hbm4b:s26+s21] =	stream.indirect_vreg.scatter [tilespmem:s22], [sflag:$0x4], $0x80, v3, vm0, $0xb8;
	[tilespmem:$0x12A00] =	vst v63  }
0x1d9: {  	_ = 	snop  }
0x1da: {  	[hbm4b:s28+s21] =	stream.indirect_vreg.scatter [tilespmem:s0], [sflag:$0x4], $0x80, v3, vm0, $0xb8;
	[tilespmem:$0x12A00] =	vst v63  }
0x1db: {  	_ = 	snop  }
0x1dc: {  	[hbm4b:s29+s21] =	stream.indirect_vreg.scatter [tilespmem:s30], [sflag:$0x4], $0x80, v3, vm0, $0xb8;
	[tilespmem:$0x12A00] =	vst v63  }
0x1dd: {  	v3 =	vld [tilespmem:$0x12390];
	_ =	sdelay $0x4  }
0x1de: {  	v39 =	vshll.u32 v3, $0x3  }
0x1df: {  	v3 =	vand.u32 $0x7, v3;
	v4 =	vand.u32 $0xFFFFFFC0, v39  }
0x1e0: {  	v3 =	vor.u32 v3, v4  }
0x1e1: {  	v4 =	vperm.xlane v3, v0;
	_ =	sdelay $0x1  }
0x1e2: {  	v4 =	vadd.s32 v1, v4;
	_ =	sdelay $0x4  }
0x1e3: {  	[hbm4b:s1+s21] =	stream.indirect_vreg.scatter [tilespmem:s4], [sflag:$0x4], $0x80, v4, vm0, $0xb8;
	[tilespmem:$0x12A00] =	vst v63  }
0x1e4: {  	v3 =	vperm.xlane v3, v2  }
0x1e5: {  	[hbm4b:s26+s21] =	stream.indirect_vreg.scatter [tilespmem:s5], [sflag:$0x4], $0x80, v4, vm0, $0xb8;
	[tilespmem:$0x12A00] =	vst v63  }
0x1e6: {  	v3 =	vadd.s32 v1, v3  }
0x1e7: {  	[hbm4b:s28+s21] =	stream.indirect_vreg.scatter [tilespmem:s6], [sflag:$0x4], $0x80, v4, vm0, $0xb8;
	[tilespmem:$0x12A00] =	vst v63  }
0x1e8: {  	_ = 	snop  }
0x1e9: {  	[hbm4b:s29+s21] =	stream.indirect_vreg.scatter [tilespmem:s7], [sflag:$0x4], $0x80, v4, vm0, $0xb8;
	[tilespmem:$0x12A00] =	vst v63  }
0x1ea: {  	_ = 	snop  }
0x1eb: {  	[hbm4b:s1+s21] =	stream.indirect_vreg.scatter [tilespmem:s8], [sflag:$0x4], $0x80, v3, vm0, $0xb8;
	[tilespmem:$0x12A00] =	vst v63  }
0x1ec: {  	_ = 	snop  }
0x1ed: {  	[hbm4b:s26+s21] =	stream.indirect_vreg.scatter [tilespmem:s9], [sflag:$0x4], $0x80, v3, vm0, $0xb8;
	[tilespmem:$0x12A00] =	vst v63  }
0x1ee: {  	_ = 	snop  }
0x1ef: {  	[hbm4b:s28+s21] =	stream.indirect_vreg.scatter [tilespmem:s10], [sflag:$0x4], $0x80, v3, vm0, $0xb8;
	[tilespmem:$0x12A00] =	vst v63  }
0x1f0: {  	_ = 	snop  }
0x1f1: {  	[hbm4b:s29+s21] =	stream.indirect_vreg.scatter [tilespmem:s20], [sflag:$0x4], $0x80, v3, vm0, $0xb8;
	[tilespmem:$0x12A00] =	vst v63  }
0x1f2: {  	s13 =	sadd.s32 $0x11600, s16;
	s14 =	simm.s32 $0x12380  }
0x1f3: {  	[hbm4b:s3+s18] =	stream.indirect.scatter [tilespmem:s13], [sflag:$0x4], $0x1, s14, s18, $0xb8;
	[tilespmem:$0x12A00] =	vst v63  }
0x1f4: {  	_ = 	snop  }
0x1f5: {  	[hbm4b:s12+s18] =	stream.indirect.scatter [tilespmem:s17], [sflag:$0x4], $0x1, s14, s18, $0xb8;
	[tilespmem:$0x12A00] =	vst v63  }
0x1f6: {  	v3 =	vld [tilespmem:$0x12400];
	_ =	sdelay $0x4  }
0x1f7: {  	v40 =	vshll.u32 v3, $0x3  }
0x1f8: {  	v3 =	vand.u32 $0x7, v3;
	v4 =	vand.u32 $0xFFFFFFC0, v40  }
0x1f9: {  	v3 =	vor.u32 v3, v4  }
0x1fa: {  	v4 =	vperm.xlane v3, v0;
	_ =	sdelay $0x1  }
0x1fb: {  	v4 =	vadd.s32 v1, v4;
	_ =	sdelay $0x4  }
0x1fc: {  	[hbm4b:s1+s21] =	stream.indirect_vreg.scatter [tilespmem:s21], [sflag:$0x4], $0x80, v4, vm0, $0xb8;
	[tilespmem:$0x12A00] =	vst v63  }
0x1fd: {  	v3 =	vperm.xlane v3, v2  }
0x1fe: {  	[hbm4b:s26+s21] =	stream.indirect_vreg.scatter [tilespmem:s25], [sflag:$0x4], $0x80, v4, vm0, $0xb8;
	[tilespmem:$0x12A00] =	vst v63  }
0x1ff: {  	v3 =	vadd.s32 v1, v3  }
0x200: {  	[hbm4b:s28+s21] =	stream.indirect_vreg.scatter [tilespmem:s31], [sflag:$0x4], $0x80, v4, vm0, $0xb8;
	[tilespmem:$0x12A00] =	vst v63  }
0x201: {  	_ = 	snop  }
0x202: {  	[hbm4b:s29+s21] =	stream.indirect_vreg.scatter [tilespmem:s19], [sflag:$0x4], $0x80, v4, vm0, $0xb8;
	[tilespmem:$0x12A00] =	vst v63  }
0x203: {  	_ = 	snop  }
0x204: {  	[hbm4b:s1+s21] =	stream.indirect_vreg.scatter [tilespmem:s15], [sflag:$0x4], $0x80, v3, vm0, $0xb8;
	[tilespmem:$0x12A00] =	vst v63  }
0x205: {  	_ = 	snop  }
0x206: {  	[hbm4b:s26+s21] =	stream.indirect_vreg.scatter [tilespmem:s22], [sflag:$0x4], $0x80, v3, vm0, $0xb8;
	[tilespmem:$0x12A00] =	vst v63  }
0x207: {  	_ = 	snop  }
0x208: {  	[hbm4b:s28+s21] =	stream.indirect_vreg.scatter [tilespmem:s0], [sflag:$0x4], $0x80, v3, vm0, $0xb8;
	[tilespmem:$0x12A00] =	vst v63  }
0x209: {  	_ = 	snop  }
0x20a: {  	[hbm4b:s29+s21] =	stream.indirect_vreg.scatter [tilespmem:s30], [sflag:$0x4], $0x80, v3, vm0, $0xb8;
	[tilespmem:$0x12A00] =	vst v63  }
0x20b: {  	v3 =	vld [tilespmem:$0x12410];
	_ =	sdelay $0x4  }
0x20c: {  	v41 =	vshll.u32 v3, $0x3  }
0x20d: {  	v3 =	vand.u32 $0x7, v3;
	v4 =	vand.u32 $0xFFFFFFC0, v41  }
0x20e: {  	v3 =	vor.u32 v3, v4  }
0x20f: {  	v4 =	vperm.xlane v3, v0;
	_ =	sdelay $0x1  }
0x210: {  	v4 =	vadd.s32 v1, v4;
	_ =	sdelay $0x4  }
0x211: {  	[hbm4b:s1+s21] =	stream.indirect_vreg.scatter [tilespmem:s4], [sflag:$0x4], $0x80, v4, vm0, $0xb8;
	[tilespmem:$0x12A00] =	vst v63  }
0x212: {  	v3 =	vperm.xlane v3, v2  }
0x213: {  	[hbm4b:s26+s21] =	stream.indirect_vreg.scatter [tilespmem:s5], [sflag:$0x4], $0x80, v4, vm0, $0xb8;
	[tilespmem:$0x12A00] =	vst v63  }
0x214: {  	v3 =	vadd.s32 v1, v3  }
0x215: {  	[hbm4b:s28+s21] =	stream.indirect_vreg.scatter [tilespmem:s6], [sflag:$0x4], $0x80, v4, vm0, $0xb8;
	[tilespmem:$0x12A00] =	vst v63  }
0x216: {  	_ = 	snop  }
0x217: {  	[hbm4b:s29+s21] =	stream.indirect_vreg.scatter [tilespmem:s7], [sflag:$0x4], $0x80, v4, vm0, $0xb8;
	[tilespmem:$0x12A00] =	vst v63  }
0x218: {  	_ = 	snop  }
0x219: {  	[hbm4b:s1+s21] =	stream.indirect_vreg.scatter [tilespmem:s8], [sflag:$0x4], $0x80, v3, vm0, $0xb8;
	[tilespmem:$0x12A00] =	vst v63  }
0x21a: {  	_ = 	snop  }
0x21b: {  	[hbm4b:s26+s21] =	stream.indirect_vreg.scatter [tilespmem:s9], [sflag:$0x4], $0x80, v3, vm0, $0xb8;
	[tilespmem:$0x12A00] =	vst v63  }
0x21c: {  	_ = 	snop  }
0x21d: {  	[hbm4b:s28+s21] =	stream.indirect_vreg.scatter [tilespmem:s10], [sflag:$0x4], $0x80, v3, vm0, $0xb8;
	[tilespmem:$0x12A00] =	vst v63  }
0x21e: {  	_ = 	snop  }
0x21f: {  	[hbm4b:s29+s21] =	stream.indirect_vreg.scatter [tilespmem:s20], [sflag:$0x4], $0x80, v3, vm0, $0xb8;
	[tilespmem:$0x12A00] =	vst v63  }
0x220: {  	s13 =	sadd.s32 $0x11800, s16;
	s14 =	simm.s32 $0x12400  }
0x221: {  	[hbm4b:s3+s18] =	stream.indirect.scatter [tilespmem:s13], [sflag:$0x4], $0x1, s14, s18, $0xb8;
	[tilespmem:$0x12A00] =	vst v63  }
0x222: {  	_ = 	snop  }
0x223: {  	[hbm4b:s12+s18] =	stream.indirect.scatter [tilespmem:s17], [sflag:$0x4], $0x1, s14, s18, $0xb8;
	[tilespmem:$0x12A00] =	vst v63  }
0x224: {  	v3 =	vld [tilespmem:$0x12480];
	_ =	sdelay $0x4  }
0x225: {  	v42 =	vshll.u32 v3, $0x3  }
0x226: {  	v3 =	vand.u32 $0x7, v3;
	v4 =	vand.u32 $0xFFFFFFC0, v42  }
0x227: {  	v3 =	vor.u32 v3, v4  }
0x228: {  	v4 =	vperm.xlane v3, v0;
	_ =	sdelay $0x1  }
0x229: {  	v4 =	vadd.s32 v1, v4;
	_ =	sdelay $0x4  }
0x22a: {  	[hbm4b:s1+s21] =	stream.indirect_vreg.scatter [tilespmem:s21], [sflag:$0x4], $0x80, v4, vm0, $0xb8;
	[tilespmem:$0x12A00] =	vst v63  }
0x22b: {  	v3 =	vperm.xlane v3, v2  }
0x22c: {  	[hbm4b:s26+s21] =	stream.indirect_vreg.scatter [tilespmem:s25], [sflag:$0x4], $0x80, v4, vm0, $0xb8;
	[tilespmem:$0x12A00] =	vst v63  }
0x22d: {  	v3 =	vadd.s32 v1, v3  }
0x22e: {  	[hbm4b:s28+s21] =	stream.indirect_vreg.scatter [tilespmem:s31], [sflag:$0x4], $0x80, v4, vm0, $0xb8;
	[tilespmem:$0x12A00] =	vst v63  }
0x22f: {  	_ = 	snop  }
0x230: {  	[hbm4b:s29+s21] =	stream.indirect_vreg.scatter [tilespmem:s19], [sflag:$0x4], $0x80, v4, vm0, $0xb8;
	[tilespmem:$0x12A00] =	vst v63  }
0x231: {  	_ = 	snop  }
0x232: {  	[hbm4b:s1+s21] =	stream.indirect_vreg.scatter [tilespmem:s15], [sflag:$0x4], $0x80, v3, vm0, $0xb8;
	[tilespmem:$0x12A00] =	vst v63  }
0x233: {  	_ = 	snop  }
0x234: {  	[hbm4b:s26+s21] =	stream.indirect_vreg.scatter [tilespmem:s22], [sflag:$0x4], $0x80, v3, vm0, $0xb8;
	[tilespmem:$0x12A00] =	vst v63  }
0x235: {  	_ = 	snop  }
0x236: {  	[hbm4b:s28+s21] =	stream.indirect_vreg.scatter [tilespmem:s0], [sflag:$0x4], $0x80, v3, vm0, $0xb8;
	[tilespmem:$0x12A00] =	vst v63  }
0x237: {  	_ = 	snop  }
0x238: {  	[hbm4b:s29+s21] =	stream.indirect_vreg.scatter [tilespmem:s30], [sflag:$0x4], $0x80, v3, vm0, $0xb8;
	[tilespmem:$0x12A00] =	vst v63  }
0x239: {  	v3 =	vld [tilespmem:$0x12490];
	_ =	sdelay $0x4  }
0x23a: {  	v43 =	vshll.u32 v3, $0x3  }
0x23b: {  	v3 =	vand.u32 $0x7, v3;
	v4 =	vand.u32 $0xFFFFFFC0, v43  }
0x23c: {  	v3 =	vor.u32 v3, v4  }
0x23d: {  	v4 =	vperm.xlane v3, v0;
	_ =	sdelay $0x1  }
0x23e: {  	v4 =	vadd.s32 v1, v4;
	_ =	sdelay $0x4  }
0x23f: {  	[hbm4b:s1+s21] =	stream.indirect_vreg.scatter [tilespmem:s4], [sflag:$0x4], $0x80, v4, vm0, $0xb8;
	[tilespmem:$0x12A00] =	vst v63  }
0x240: {  	v3 =	vperm.xlane v3, v2  }
0x241: {  	[hbm4b:s26+s21] =	stream.indirect_vreg.scatter [tilespmem:s5], [sflag:$0x4], $0x80, v4, vm0, $0xb8;
	[tilespmem:$0x12A00] =	vst v63  }
0x242: {  	v3 =	vadd.s32 v1, v3  }
0x243: {  	[hbm4b:s28+s21] =	stream.indirect_vreg.scatter [tilespmem:s6], [sflag:$0x4], $0x80, v4, vm0, $0xb8;
	[tilespmem:$0x12A00] =	vst v63  }
0x244: {  	_ = 	snop  }
0x245: {  	[hbm4b:s29+s21] =	stream.indirect_vreg.scatter [tilespmem:s7], [sflag:$0x4], $0x80, v4, vm0, $0xb8;
	[tilespmem:$0x12A00] =	vst v63  }
0x246: {  	_ = 	snop  }
0x247: {  	[hbm4b:s1+s21] =	stream.indirect_vreg.scatter [tilespmem:s8], [sflag:$0x4], $0x80, v3, vm0, $0xb8;
	[tilespmem:$0x12A00] =	vst v63  }
0x248: {  	_ = 	snop  }
0x249: {  	[hbm4b:s26+s21] =	stream.indirect_vreg.scatter [tilespmem:s9], [sflag:$0x4], $0x80, v3, vm0, $0xb8;
	[tilespmem:$0x12A00] =	vst v63  }
0x24a: {  	_ = 	snop  }
0x24b: {  	[hbm4b:s28+s21] =	stream.indirect_vreg.scatter [tilespmem:s10], [sflag:$0x4], $0x80, v3, vm0, $0xb8;
	[tilespmem:$0x12A00] =	vst v63  }
0x24c: {  	_ = 	snop  }
0x24d: {  	[hbm4b:s29+s21] =	stream.indirect_vreg.scatter [tilespmem:s20], [sflag:$0x4], $0x80, v3, vm0, $0xb8;
	[tilespmem:$0x12A00] =	vst v63  }
0x24e: {  	s13 =	sadd.s32 $0x11A00, s16;
	s14 =	simm.s32 $0x12480  }
0x24f: {  	[hbm4b:s3+s18] =	stream.indirect.scatter [tilespmem:s13], [sflag:$0x4], $0x1, s14, s18, $0xb8;
	[tilespmem:$0x12A00] =	vst v63  }
0x250: {  	_ = 	snop  }
0x251: {  	[hbm4b:s12+s18] =	stream.indirect.scatter [tilespmem:s17], [sflag:$0x4], $0x1, s14, s18, $0xb8;
	[tilespmem:$0x12A00] =	vst v63  }
0x252: {  	v3 =	vld [tilespmem:$0x12500];
	_ =	sdelay $0x4  }
0x253: {  	v44 =	vshll.u32 v3, $0x3  }
0x254: {  	v3 =	vand.u32 $0x7, v3;
	v4 =	vand.u32 $0xFFFFFFC0, v44  }
0x255: {  	v3 =	vor.u32 v3, v4  }
0x256: {  	v4 =	vperm.xlane v3, v0;
	_ =	sdelay $0x1  }
0x257: {  	v4 =	vadd.s32 v1, v4;
	_ =	sdelay $0x4  }
0x258: {  	[hbm4b:s1+s21] =	stream.indirect_vreg.scatter [tilespmem:s21], [sflag:$0x4], $0x80, v4, vm0, $0xb8;
	[tilespmem:$0x12A00] =	vst v63  }
0x259: {  	v3 =	vperm.xlane v3, v2  }
0x25a: {  	[hbm4b:s26+s21] =	stream.indirect_vreg.scatter [tilespmem:s25], [sflag:$0x4], $0x80, v4, vm0, $0xb8;
	[tilespmem:$0x12A00] =	vst v63  }
0x25b: {  	v3 =	vadd.s32 v1, v3  }
0x25c: {  	[hbm4b:s28+s21] =	stream.indirect_vreg.scatter [tilespmem:s31], [sflag:$0x4], $0x80, v4, vm0, $0xb8;
	[tilespmem:$0x12A00] =	vst v63  }
0x25d: {  	_ = 	snop  }
0x25e: {  	[hbm4b:s29+s21] =	stream.indirect_vreg.scatter [tilespmem:s19], [sflag:$0x4], $0x80, v4, vm0, $0xb8;
	[tilespmem:$0x12A00] =	vst v63  }
0x25f: {  	_ = 	snop  }
0x260: {  	[hbm4b:s1+s21] =	stream.indirect_vreg.scatter [tilespmem:s15], [sflag:$0x4], $0x80, v3, vm0, $0xb8;
	[tilespmem:$0x12A00] =	vst v63  }
0x261: {  	_ = 	snop  }
0x262: {  	[hbm4b:s26+s21] =	stream.indirect_vreg.scatter [tilespmem:s22], [sflag:$0x4], $0x80, v3, vm0, $0xb8;
	[tilespmem:$0x12A00] =	vst v63  }
0x263: {  	_ = 	snop  }
0x264: {  	[hbm4b:s28+s21] =	stream.indirect_vreg.scatter [tilespmem:s0], [sflag:$0x4], $0x80, v3, vm0, $0xb8;
	[tilespmem:$0x12A00] =	vst v63  }
0x265: {  	_ = 	snop  }
0x266: {  	[hbm4b:s29+s21] =	stream.indirect_vreg.scatter [tilespmem:s30], [sflag:$0x4], $0x80, v3, vm0, $0xb8;
	[tilespmem:$0x12A00] =	vst v63  }
0x267: {  	v3 =	vld [tilespmem:$0x12510];
	_ =	sdelay $0x4  }
0x268: {  	v45 =	vshll.u32 v3, $0x3  }
0x269: {  	v3 =	vand.u32 $0x7, v3;
	v4 =	vand.u32 $0xFFFFFFC0, v45  }
0x26a: {  	v3 =	vor.u32 v3, v4  }
0x26b: {  	v4 =	vperm.xlane v3, v0;
	_ =	sdelay $0x1  }
0x26c: {  	v4 =	vadd.s32 v1, v4;
	_ =	sdelay $0x4  }
0x26d: {  	[hbm4b:s1+s21] =	stream.indirect_vreg.scatter [tilespmem:s4], [sflag:$0x4], $0x80, v4, vm0, $0xb8;
	[tilespmem:$0x12A00] =	vst v63  }
0x26e: {  	v3 =	vperm.xlane v3, v2  }
0x26f: {  	[hbm4b:s26+s21] =	stream.indirect_vreg.scatter [tilespmem:s5], [sflag:$0x4], $0x80, v4, vm0, $0xb8;
	[tilespmem:$0x12A00] =	vst v63  }
0x270: {  	v3 =	vadd.s32 v1, v3  }
0x271: {  	[hbm4b:s28+s21] =	stream.indirect_vreg.scatter [tilespmem:s6], [sflag:$0x4], $0x80, v4, vm0, $0xb8;
	[tilespmem:$0x12A00] =	vst v63  }
0x272: {  	_ = 	snop  }
0x273: {  	[hbm4b:s29+s21] =	stream.indirect_vreg.scatter [tilespmem:s7], [sflag:$0x4], $0x80, v4, vm0, $0xb8;
	[tilespmem:$0x12A00] =	vst v63  }
0x274: {  	_ = 	snop  }
0x275: {  	[hbm4b:s1+s21] =	stream.indirect_vreg.scatter [tilespmem:s8], [sflag:$0x4], $0x80, v3, vm0, $0xb8;
	[tilespmem:$0x12A00] =	vst v63  }
0x276: {  	_ = 	snop  }
0x277: {  	[hbm4b:s26+s21] =	stream.indirect_vreg.scatter [tilespmem:s9], [sflag:$0x4], $0x80, v3, vm0, $0xb8;
	[tilespmem:$0x12A00] =	vst v63  }
0x278: {  	_ = 	snop  }
0x279: {  	[hbm4b:s28+s21] =	stream.indirect_vreg.scatter [tilespmem:s10], [sflag:$0x4], $0x80, v3, vm0, $0xb8;
	[tilespmem:$0x12A00] =	vst v63  }
0x27a: {  	_ = 	snop  }
0x27b: {  	[hbm4b:s29+s21] =	stream.indirect_vreg.scatter [tilespmem:s20], [sflag:$0x4], $0x80, v3, vm0, $0xb8;
	[tilespmem:$0x12A00] =	vst v63  }
0x27c: {  	s13 =	sadd.s32 $0x11C00, s16;
	s14 =	simm.s32 $0x12500  }
0x27d: {  	[hbm4b:s3+s18] =	stream.indirect.scatter [tilespmem:s13], [sflag:$0x4], $0x1, s14, s18, $0xb8;
	[tilespmem:$0x12A00] =	vst v63  }
0x27e: {  	_ = 	snop  }
0x27f: {  	[hbm4b:s12+s18] =	stream.indirect.scatter [tilespmem:s17], [sflag:$0x4], $0x1, s14, s18, $0xb8;
	[tilespmem:$0x12A00] =	vst v63  }
0x280: {  	v3 =	vld [tilespmem:$0x12580];
	_ =	sdelay $0x4  }
0x281: {  	v46 =	vshll.u32 v3, $0x3  }
0x282: {  	v3 =	vand.u32 $0x7, v3;
	v4 =	vand.u32 $0xFFFFFFC0, v46  }
0x283: {  	v3 =	vor.u32 v3, v4  }
0x284: {  	v4 =	vperm.xlane v3, v0;
	_ =	sdelay $0x1  }
0x285: {  	v4 =	vadd.s32 v1, v4;
	_ =	sdelay $0x4  }
0x286: {  	[hbm4b:s1+s21] =	stream.indirect_vreg.scatter [tilespmem:s21], [sflag:$0x4], $0x80, v4, vm0, $0xb8;
	[tilespmem:$0x12A00] =	vst v63  }
0x287: {  	v3 =	vperm.xlane v3, v2  }
0x288: {  	[hbm4b:s26+s21] =	stream.indirect_vreg.scatter [tilespmem:s25], [sflag:$0x4], $0x80, v4, vm0, $0xb8;
	[tilespmem:$0x12A00] =	vst v63  }
0x289: {  	v3 =	vadd.s32 v1, v3  }
0x28a: {  	[hbm4b:s28+s21] =	stream.indirect_vreg.scatter [tilespmem:s31], [sflag:$0x4], $0x80, v4, vm0, $0xb8;
	[tilespmem:$0x12A00] =	vst v63  }
0x28b: {  	_ = 	snop  }
0x28c: {  	[hbm4b:s29+s21] =	stream.indirect_vreg.scatter [tilespmem:s19], [sflag:$0x4], $0x80, v4, vm0, $0xb8;
	[tilespmem:$0x12A00] =	vst v63  }
0x28d: {  	_ = 	snop  }
0x28e: {  	[hbm4b:s1+s21] =	stream.indirect_vreg.scatter [tilespmem:s15], [sflag:$0x4], $0x80, v3, vm0, $0xb8;
	[tilespmem:$0x12A00] =	vst v63  }
0x28f: {  	_ = 	snop  }
0x290: {  	[hbm4b:s26+s21] =	stream.indirect_vreg.scatter [tilespmem:s22], [sflag:$0x4], $0x80, v3, vm0, $0xb8;
	[tilespmem:$0x12A00] =	vst v63  }
0x291: {  	_ = 	snop  }
0x292: {  	[hbm4b:s28+s21] =	stream.indirect_vreg.scatter [tilespmem:s0], [sflag:$0x4], $0x80, v3, vm0, $0xb8;
	[tilespmem:$0x12A00] =	vst v63  }
0x293: {  	_ = 	snop  }
0x294: {  	[hbm4b:s29+s21] =	stream.indirect_vreg.scatter [tilespmem:s30], [sflag:$0x4], $0x80, v3, vm0, $0xb8;
	[tilespmem:$0x12A00] =	vst v63  }
0x295: {  	v3 =	vld [tilespmem:$0x12590];
	_ =	sdelay $0x4  }
0x296: {  	v47 =	vshll.u32 v3, $0x3  }
0x297: {  	v3 =	vand.u32 $0x7, v3;
	v4 =	vand.u32 $0xFFFFFFC0, v47  }
0x298: {  	v3 =	vor.u32 v3, v4  }
0x299: {  	v4 =	vperm.xlane v3, v0;
	_ =	sdelay $0x1  }
0x29a: {  	v4 =	vadd.s32 v1, v4;
	_ =	sdelay $0x4  }
0x29b: {  	[hbm4b:s1+s21] =	stream.indirect_vreg.scatter [tilespmem:s4], [sflag:$0x4], $0x80, v4, vm0, $0xb8;
	[tilespmem:$0x12A00] =	vst v63  }
0x29c: {  	v3 =	vperm.xlane v3, v2  }
0x29d: {  	[hbm4b:s26+s21] =	stream.indirect_vreg.scatter [tilespmem:s5], [sflag:$0x4], $0x80, v4, vm0, $0xb8;
	[tilespmem:$0x12A00] =	vst v63  }
0x29e: {  	v3 =	vadd.s32 v1, v3  }
0x29f: {  	[hbm4b:s28+s21] =	stream.indirect_vreg.scatter [tilespmem:s6], [sflag:$0x4], $0x80, v4, vm0, $0xb8;
	[tilespmem:$0x12A00] =	vst v63  }
0x2a0: {  	_ = 	snop  }
0x2a1: {  	[hbm4b:s29+s21] =	stream.indirect_vreg.scatter [tilespmem:s7], [sflag:$0x4], $0x80, v4, vm0, $0xb8;
	[tilespmem:$0x12A00] =	vst v63  }
0x2a2: {  	_ = 	snop  }
0x2a3: {  	[hbm4b:s1+s21] =	stream.indirect_vreg.scatter [tilespmem:s8], [sflag:$0x4], $0x80, v3, vm0, $0xb8;
	[tilespmem:$0x12A00] =	vst v63  }
0x2a4: {  	_ = 	snop  }
0x2a5: {  	[hbm4b:s26+s21] =	stream.indirect_vreg.scatter [tilespmem:s9], [sflag:$0x4], $0x80, v3, vm0, $0xb8;
	[tilespmem:$0x12A00] =	vst v63  }
0x2a6: {  	_ = 	snop  }
0x2a7: {  	[hbm4b:s28+s21] =	stream.indirect_vreg.scatter [tilespmem:s10], [sflag:$0x4], $0x80, v3, vm0, $0xb8;
	[tilespmem:$0x12A00] =	vst v63  }
0x2a8: {  	_ = 	snop  }
0x2a9: {  	[hbm4b:s29+s21] =	stream.indirect_vreg.scatter [tilespmem:s20], [sflag:$0x4], $0x80, v3, vm0, $0xb8;
	[tilespmem:$0x12A00] =	vst v63  }
0x2aa: {  	s19 =	simm.s32 $0x12580;
	s15 =	sadd.s32 $0x11E00, s16  }
0x2ab: {  	[hbm4b:s3+s18] =	stream.indirect.scatter [tilespmem:s15], [sflag:$0x4], $0x1, s19, s18, $0xb8;
	[tilespmem:$0x12A00] =	vst v63  }
0x2ac: {  	_ = 	snop  }
0x2ad: {  	[hbm4b:s12+s18] =	stream.indirect.scatter [tilespmem:s17], [sflag:$0x4], $0x1, s19, s18, $0xb8;
	[tilespmem:$0x12A00] =	vst v63  }
0x2ae: {  	s0 =	simm.s32 $0x8000;
	s20 =	sadd.s32 $0xFFFFF000, s2  }
0x2af: {  	[tilespmem:s0], [sflag:$0x3] =	stream.linear.gather [hbm4b:s20+s21], $0x8000, $0x38;
	[tilespmem:$0x12A00] =	vst v63  }
0x2b0: {  	v3 =	vld [tilespmem:s16+$0x10020];
	_ =	sdelay $0x4  }
0x2b1: {  	[tilespmem:$0x12600] =	vst v3  }
0x2b2: {  	v3 =	vld [tilespmem:s16+$0x10030];
	_ =	sdelay $0x4  }
0x2b3: {  	[tilespmem:$0x12610] =	vst v3  }
0x2b4: {  	v3 =	vld [tilespmem:s16+$0x10220];
	_ =	sdelay $0x4  }
0x2b5: {  	[tilespmem:$0x12680] =	vst v3  }
0x2b6: {  	v3 =	vld [tilespmem:s16+$0x10230];
	_ =	sdelay $0x4  }
0x2b7: {  	[tilespmem:$0x12690] =	vst v3  }
0x2b8: {  	v3 =	vld [tilespmem:s16+$0x10420];
	_ =	sdelay $0x4  }
0x2b9: {  	[tilespmem:$0x12700] =	vst v3  }
0x2ba: {  	v3 =	vld [tilespmem:s16+$0x10430];
	_ =	sdelay $0x4  }
0x2bb: {  	[tilespmem:$0x12710] =	vst v3  }
0x2bc: {  	v3 =	vld [tilespmem:s16+$0x10620];
	_ =	sdelay $0x4  }
0x2bd: {  	[tilespmem:$0x12780] =	vst v3  }
0x2be: {  	v3 =	vld [tilespmem:s16+$0x10630];
	_ =	sdelay $0x4  }
0x2bf: {  	[tilespmem:$0x12790] =	vst v3  }
0x2c0: {  	v3 =	vld [tilespmem:s16+$0x10820];
	_ =	sdelay $0x4  }
0x2c1: {  	[tilespmem:$0x12800] =	vst v3  }
0x2c2: {  	v3 =	vld [tilespmem:s16+$0x10830];
	_ =	sdelay $0x4  }
0x2c3: {  	[tilespmem:$0x12810] =	vst v3  }
0x2c4: {  	v3 =	vld [tilespmem:s16+$0x10A20];
	_ =	sdelay $0x4  }
0x2c5: {  	[tilespmem:$0x12880] =	vst v3  }
0x2c6: {  	v3 =	vld [tilespmem:s16+$0x10A30];
	_ =	sdelay $0x4  }
0x2c7: {  	[tilespmem:$0x12890] =	vst v3  }
0x2c8: {  	v3 =	vld [tilespmem:s16+$0x10C20];
	_ =	sdelay $0x4  }
0x2c9: {  	[tilespmem:$0x12900] =	vst v3  }
0x2ca: {  	v3 =	vld [tilespmem:s16+$0x10C30];
	_ =	sdelay $0x4  }
0x2cb: {  	[tilespmem:$0x12910] =	vst v3  }
0x2cc: {  	v3 =	vld [tilespmem:s16+$0x10E20];
	_ =	sdelay $0x4  }
0x2cd: {  	[tilespmem:$0x12980] =	vst v3  }
0x2ce: {  	v3 =	vld [tilespmem:s16+$0x10E30];
	_ =	sdelay $0x4  }
0x2cf: {  	s22 =	simm.s32 $0x3;
	[tilespmem:$0x12990] =	vst v3  }
0x2d0: {  	_ =	swait.ge [sflag:s22], $0x8000  }
0x2d1: {  	[sflag:s22] =	ssyncset.done $0x0  }
0x2d2: {  	[sflag:s22] =	ssyncadd.s32 $0xFFFF8000  }
0x2d3: {  	_ =	swait.ge [sflag:s23], $0x8000  }
0x2d4: {  	[sflag:s23] =	ssyncset.done $0x0  }
0x2d5: {  	[sflag:s23] =	ssyncadd.s32 $0xFFFF8000  }
0x2d6: {  	_ =	swait.ge [sflag:s23], $0x20  }
0x2d7: {  	[sflag:s23] =	ssyncset.done $0x0  }
0x2d8: {  	[sflag:s23] =	ssyncadd.s32 $0xFFFFFFE0  }
0x2d9: {  	_ =	swait.ge [sflag:s23], $0x20  }
0x2da: {  	[sflag:s23] =	ssyncset.done $0x0  }
0x2db: {  	[sflag:s23] =	ssyncadd.s32 $0xFFFFFFE0  }
0x2dc: {  	_ =	swait.ge [sflag:s23], $0x8000  }
0x2dd: {  	[sflag:s23] =	ssyncset.done $0x0  }
0x2de: {  	[sflag:s23] =	ssyncadd.s32 $0xFFFF8000  }
0x2df: {  	_ =	swait.ge [sflag:s23], $0x20  }
0x2e0: {  	[sflag:s23] =	ssyncset.done $0x0  }
0x2e1: {  	[sflag:s23] =	ssyncadd.s32 $0xFFFFFFE0  }
0x2e2: {  	_ =	swait.ge [sflag:s23], $0x20  }
0x2e3: {  	[sflag:s23] =	ssyncset.done $0x0  }
0x2e4: {  	[sflag:s23] =	ssyncadd.s32 $0xFFFFFFE0  }
0x2e5: {  	_ =	swait.ge [sflag:s23], $0x8000  }
0x2e6: {  	[sflag:s23] =	ssyncset.done $0x0  }
0x2e7: {  	[sflag:s23] =	ssyncadd.s32 $0xFFFF8000  }
0x2e8: {  	_ =	swait.ge [sflag:s23], $0x20  }
0x2e9: {  	[sflag:s23] =	ssyncset.done $0x0  }
0x2ea: {  	[sflag:s23] =	ssyncadd.s32 $0xFFFFFFE0  }
0x2eb: {  	_ =	swait.ge [sflag:s23], $0x20  }
0x2ec: {  	[sflag:s23] =	ssyncset.done $0x0  }
0x2ed: {  	[sflag:s23] =	ssyncadd.s32 $0xFFFFFFE0  }
0x2ee: {  	_ =	swait.ge [sflag:s23], $0x8000  }
0x2ef: {  	[sflag:s23] =	ssyncset.done $0x0  }
0x2f0: {  	[sflag:s23] =	ssyncadd.s32 $0xFFFF8000  }
0x2f1: {  	_ =	swait.ge [sflag:s23], $0x20  }
0x2f2: {  	[sflag:s23] =	ssyncset.done $0x0  }
0x2f3: {  	[sflag:s23] =	ssyncadd.s32 $0xFFFFFFE0  }
0x2f4: {  	_ =	swait.ge [sflag:s23], $0x20  }
0x2f5: {  	[sflag:s23] =	ssyncset.done $0x0  }
0x2f6: {  	[sflag:s23] =	ssyncadd.s32 $0xFFFFFFE0  }
0x2f7: {  	_ =	swait.ge [sflag:s23], $0x8000  }
0x2f8: {  	[sflag:s23] =	ssyncset.done $0x0  }
0x2f9: {  	[sflag:s23] =	ssyncadd.s32 $0xFFFF8000  }
0x2fa: {  	_ =	swait.ge [sflag:s23], $0x20  }
0x2fb: {  	[sflag:s23] =	ssyncset.done $0x0  }
0x2fc: {  	[sflag:s23] =	ssyncadd.s32 $0xFFFFFFE0  }
0x2fd: {  	_ =	swait.ge [sflag:s23], $0x20  }
0x2fe: {  	[sflag:s23] =	ssyncset.done $0x0  }
0x2ff: {  	[sflag:s23] =	ssyncadd.s32 $0xFFFFFFE0  }
0x300: {  	_ =	swait.ge [sflag:s23], $0x8000  }
0x301: {  	[sflag:s23] =	ssyncset.done $0x0  }
0x302: {  	[sflag:s23] =	ssyncadd.s32 $0xFFFF8000  }
0x303: {  	_ =	swait.ge [sflag:s23], $0x20  }
0x304: {  	[sflag:s23] =	ssyncset.done $0x0  }
0x305: {  	[sflag:s23] =	ssyncadd.s32 $0xFFFFFFE0  }
0x306: {  	_ =	swait.ge [sflag:s23], $0x20  }
0x307: {  	[sflag:s23] =	ssyncset.done $0x0  }
0x308: {  	[sflag:s23] =	ssyncadd.s32 $0xFFFFFFE0  }
0x309: {  	_ =	swait.ge [sflag:s23], $0x8000  }
0x30a: {  	[sflag:s23] =	ssyncset.done $0x0  }
0x30b: {  	[sflag:s23] =	ssyncadd.s32 $0xFFFF8000  }
0x30c: {  	_ =	swait.ge [sflag:s23], $0x20  }
0x30d: {  	[sflag:s23] =	ssyncset.done $0x0  }
0x30e: {  	[sflag:s23] =	ssyncadd.s32 $0xFFFFFFE0  }
0x30f: {  	_ =	swait.ge [sflag:s23], $0x20  }
0x310: {  	[sflag:s23] =	ssyncset.done $0x0  }
0x311: {  	[sflag:s23] =	ssyncadd.s32 $0xFFFFFFE0  }
0x312: {  	_ =	swait.ge [sflag:s23], $0x8000  }
0x313: {  	[sflag:s23] =	ssyncset.done $0x0  }
0x314: {  	[sflag:s23] =	ssyncadd.s32 $0xFFFF8000  }
0x315: {  	_ =	swait.ge [sflag:s23], $0x20  }
0x316: {  	[sflag:s23] =	ssyncset.done $0x0  }
0x317: {  	[sflag:s23] =	ssyncadd.s32 $0xFFFFFFE0  }
0x318: {  	_ =	swait.ge [sflag:s23], $0x20  }
0x319: {  	[sflag:s23] =	ssyncset.done $0x0  }
0x31a: {  	[sflag:s23] =	ssyncadd.s32 $0xFFFFFFE0  }
0x31b: {  	v3 =	vld [tilespmem:$0x12600];
	_ =	sdelay $0x4  }
0x31c: {  	v48 =	vshll.u32 v3, $0x3  }
0x31d: {  	v3 =	vand.u32 $0x7, v3;
	v4 =	vand.u32 $0xFFFFFFC0, v48  }
0x31e: {  	v3 =	vor.u32 v3, v4  }
0x31f: {  	v4 =	vperm.xlane v3, v0;
	_ =	sdelay $0x1  }
0x320: {  	v4 =	vadd.s32 v1, v4;
	_ =	sdelay $0x4  }
0x321: {  	[hbm4b:s1+s21] =	stream.indirect_vreg.scatter [tilespmem:s0], [sflag:$0x5], $0x80, v4, vm0, $0xb8;
	[tilespmem:$0x12A00] =	vst v63  }
0x322: {  	s4 =	simm.s32 $0x8800;
	v3 =	vperm.xlane v3, v2  }
0x323: {  	[hbm4b:s26+s21] =	stream.indirect_vreg.scatter [tilespmem:s4], [sflag:$0x5], $0x80, v4, vm0, $0xb8;
	[tilespmem:$0x12A00] =	vst v63  }
0x324: {  	s5 =	simm.s32 $0x9000;
	v3 =	vadd.s32 v1, v3  }
0x325: {  	[hbm4b:s28+s21] =	stream.indirect_vreg.scatter [tilespmem:s5], [sflag:$0x5], $0x80, v4, vm0, $0xb8;
	[tilespmem:$0x12A00] =	vst v63  }
0x326: {  	s6 =	simm.s32 $0x9800  }
0x327: {  	[hbm4b:s29+s21] =	stream.indirect_vreg.scatter [tilespmem:s6], [sflag:$0x5], $0x80, v4, vm0, $0xb8;
	[tilespmem:$0x12A00] =	vst v63  }
0x328: {  	s7 =	simm.s32 $0xA000  }
0x329: {  	[hbm4b:s1+s21] =	stream.indirect_vreg.scatter [tilespmem:s7], [sflag:$0x5], $0x80, v3, vm0, $0xb8;
	[tilespmem:$0x12A00] =	vst v63  }
0x32a: {  	s8 =	simm.s32 $0xA800  }
0x32b: {  	[hbm4b:s26+s21] =	stream.indirect_vreg.scatter [tilespmem:s8], [sflag:$0x5], $0x80, v3, vm0, $0xb8;
	[tilespmem:$0x12A00] =	vst v63  }
0x32c: {  	s9 =	simm.s32 $0xB000  }
0x32d: {  	[hbm4b:s28+s21] =	stream.indirect_vreg.scatter [tilespmem:s9], [sflag:$0x5], $0x80, v3, vm0, $0xb8;
	[tilespmem:$0x12A00] =	vst v63  }
0x32e: {  	s10 =	simm.s32 $0xB800  }
0x32f: {  	[hbm4b:s29+s21] =	stream.indirect_vreg.scatter [tilespmem:s10], [sflag:$0x5], $0x80, v3, vm0, $0xb8;
	[tilespmem:$0x12A00] =	vst v63  }
0x330: {  	v3 =	vld [tilespmem:$0x12610];
	_ =	sdelay $0x4  }
0x331: {  	v49 =	vshll.u32 v3, $0x3  }
0x332: {  	v3 =	vand.u32 $0x7, v3;
	v4 =	vand.u32 $0xFFFFFFC0, v49  }
0x333: {  	v3 =	vor.u32 v3, v4  }
0x334: {  	v4 =	vperm.xlane v3, v0;
	_ =	sdelay $0x1  }
0x335: {  	v4 =	vadd.s32 v1, v4;
	_ =	sdelay $0x3  }
0x336: {  	s13 =	simm.s32 $0xC000  }
0x337: {  	[hbm4b:s1+s21] =	stream.indirect_vreg.scatter [tilespmem:s13], [sflag:$0x5], $0x80, v4, vm0, $0xb8;
	[tilespmem:$0x12A00] =	vst v63  }
0x338: {  	s15 =	simm.s32 $0xC800;
	v3 =	vperm.xlane v3, v2  }
0x339: {  	[hbm4b:s26+s21] =	stream.indirect_vreg.scatter [tilespmem:s15], [sflag:$0x5], $0x80, v4, vm0, $0xb8;
	[tilespmem:$0x12A00] =	vst v63  }
0x33a: {  	s19 =	simm.s32 $0xD000;
	v3 =	vadd.s32 v1, v3  }
0x33b: {  	[hbm4b:s28+s21] =	stream.indirect_vreg.scatter [tilespmem:s19], [sflag:$0x5], $0x80, v4, vm0, $0xb8;
	[tilespmem:$0x12A00] =	vst v63  }
0x33c: {  	s20 =	simm.s32 $0xD800  }
0x33d: {  	[hbm4b:s29+s21] =	stream.indirect_vreg.scatter [tilespmem:s20], [sflag:$0x5], $0x80, v4, vm0, $0xb8;
	[tilespmem:$0x12A00] =	vst v63  }
0x33e: {  	s22 =	simm.s32 $0xE000  }
0x33f: {  	[hbm4b:s1+s21] =	stream.indirect_vreg.scatter [tilespmem:s22], [sflag:$0x5], $0x80, v3, vm0, $0xb8;
	[tilespmem:$0x12A00] =	vst v63  }
0x340: {  	s25 =	simm.s32 $0xE800  }
0x341: {  	[hbm4b:s26+s21] =	stream.indirect_vreg.scatter [tilespmem:s25], [sflag:$0x5], $0x80, v3, vm0, $0xb8;
	[tilespmem:$0x12A00] =	vst v63  }
0x342: {  	s30 =	simm.s32 $0xF000  }
0x343: {  	[hbm4b:s28+s21] =	stream.indirect_vreg.scatter [tilespmem:s30], [sflag:$0x5], $0x80, v3, vm0, $0xb8;
	[tilespmem:$0x12A00] =	vst v63  }
0x344: {  	s31 =	simm.s32 $0xF800  }
0x345: {  	[hbm4b:s29+s21] =	stream.indirect_vreg.scatter [tilespmem:s31], [sflag:$0x5], $0x80, v3, vm0, $0xb8;
	[tilespmem:$0x12A00] =	vst v63  }
0x346: {  	s24 =	sadd.s32 $0x11020, s16;
	s14 =	simm.s32 $0x12600  }
0x347: {  	[hbm4b:s3+s18] =	stream.indirect.scatter [tilespmem:s24], [sflag:$0x5], $0x1, s14, s18, $0xb8;
	[tilespmem:$0x12A00] =	vst v63  }
0x348: {  	s17 =	sadd.s32 $0x12020, s16  }
0x349: {  	[hbm4b:s12+s18] =	stream.indirect.scatter [tilespmem:s17], [sflag:$0x5], $0x1, s14, s18, $0xb8;
	[tilespmem:$0x12A00] =	vst v63  }
0x34a: {  	v3 =	vld [tilespmem:$0x12680];
	_ =	sdelay $0x4  }
0x34b: {  	v50 =	vshll.u32 v3, $0x3  }
0x34c: {  	v3 =	vand.u32 $0x7, v3;
	v4 =	vand.u32 $0xFFFFFFC0, v50  }
0x34d: {  	v3 =	vor.u32 v3, v4  }
0x34e: {  	v4 =	vperm.xlane v3, v0;
	_ =	sdelay $0x1  }
0x34f: {  	v4 =	vadd.s32 v1, v4;
	_ =	sdelay $0x4  }
0x350: {  	[hbm4b:s1+s21] =	stream.indirect_vreg.scatter [tilespmem:s0], [sflag:$0x5], $0x80, v4, vm0, $0xb8;
	[tilespmem:$0x12A00] =	vst v63  }
0x351: {  	v3 =	vperm.xlane v3, v2  }
0x352: {  	[hbm4b:s26+s21] =	stream.indirect_vreg.scatter [tilespmem:s4], [sflag:$0x5], $0x80, v4, vm0, $0xb8;
	[tilespmem:$0x12A00] =	vst v63  }
0x353: {  	v3 =	vadd.s32 v1, v3  }
0x354: {  	[hbm4b:s28+s21] =	stream.indirect_vreg.scatter [tilespmem:s5], [sflag:$0x5], $0x80, v4, vm0, $0xb8;
	[tilespmem:$0x12A00] =	vst v63  }
0x355: {  	_ = 	snop  }
0x356: {  	[hbm4b:s29+s21] =	stream.indirect_vreg.scatter [tilespmem:s6], [sflag:$0x5], $0x80, v4, vm0, $0xb8;
	[tilespmem:$0x12A00] =	vst v63  }
0x357: {  	_ = 	snop  }
0x358: {  	[hbm4b:s1+s21] =	stream.indirect_vreg.scatter [tilespmem:s7], [sflag:$0x5], $0x80, v3, vm0, $0xb8;
	[tilespmem:$0x12A00] =	vst v63  }
0x359: {  	_ = 	snop  }
0x35a: {  	[hbm4b:s26+s21] =	stream.indirect_vreg.scatter [tilespmem:s8], [sflag:$0x5], $0x80, v3, vm0, $0xb8;
	[tilespmem:$0x12A00] =	vst v63  }
0x35b: {  	_ = 	snop  }
0x35c: {  	[hbm4b:s28+s21] =	stream.indirect_vreg.scatter [tilespmem:s9], [sflag:$0x5], $0x80, v3, vm0, $0xb8;
	[tilespmem:$0x12A00] =	vst v63  }
0x35d: {  	_ = 	snop  }
0x35e: {  	[hbm4b:s29+s21] =	stream.indirect_vreg.scatter [tilespmem:s10], [sflag:$0x5], $0x80, v3, vm0, $0xb8;
	[tilespmem:$0x12A00] =	vst v63  }
0x35f: {  	v3 =	vld [tilespmem:$0x12690];
	_ =	sdelay $0x4  }
0x360: {  	v51 =	vshll.u32 v3, $0x3  }
0x361: {  	v3 =	vand.u32 $0x7, v3;
	v4 =	vand.u32 $0xFFFFFFC0, v51  }
0x362: {  	v3 =	vor.u32 v3, v4  }
0x363: {  	v4 =	vperm.xlane v3, v0;
	_ =	sdelay $0x1  }
0x364: {  	v4 =	vadd.s32 v1, v4;
	_ =	sdelay $0x4  }
0x365: {  	[hbm4b:s1+s21] =	stream.indirect_vreg.scatter [tilespmem:s13], [sflag:$0x5], $0x80, v4, vm0, $0xb8;
	[tilespmem:$0x12A00] =	vst v63  }
0x366: {  	v3 =	vperm.xlane v3, v2  }
0x367: {  	[hbm4b:s26+s21] =	stream.indirect_vreg.scatter [tilespmem:s15], [sflag:$0x5], $0x80, v4, vm0, $0xb8;
	[tilespmem:$0x12A00] =	vst v63  }
0x368: {  	v3 =	vadd.s32 v1, v3  }
0x369: {  	[hbm4b:s28+s21] =	stream.indirect_vreg.scatter [tilespmem:s19], [sflag:$0x5], $0x80, v4, vm0, $0xb8;
	[tilespmem:$0x12A00] =	vst v63  }
0x36a: {  	_ = 	snop  }
0x36b: {  	[hbm4b:s29+s21] =	stream.indirect_vreg.scatter [tilespmem:s20], [sflag:$0x5], $0x80, v4, vm0, $0xb8;
	[tilespmem:$0x12A00] =	vst v63  }
0x36c: {  	_ = 	snop  }
0x36d: {  	[hbm4b:s1+s21] =	stream.indirect_vreg.scatter [tilespmem:s22], [sflag:$0x5], $0x80, v3, vm0, $0xb8;
	[tilespmem:$0x12A00] =	vst v63  }
0x36e: {  	_ = 	snop  }
0x36f: {  	[hbm4b:s26+s21] =	stream.indirect_vreg.scatter [tilespmem:s25], [sflag:$0x5], $0x80, v3, vm0, $0xb8;
	[tilespmem:$0x12A00] =	vst v63  }
0x370: {  	_ = 	snop  }
0x371: {  	[hbm4b:s28+s21] =	stream.indirect_vreg.scatter [tilespmem:s30], [sflag:$0x5], $0x80, v3, vm0, $0xb8;
	[tilespmem:$0x12A00] =	vst v63  }
0x372: {  	_ = 	snop  }
0x373: {  	[hbm4b:s29+s21] =	stream.indirect_vreg.scatter [tilespmem:s31], [sflag:$0x5], $0x80, v3, vm0, $0xb8;
	[tilespmem:$0x12A00] =	vst v63  }
0x374: {  	s24 =	sadd.s32 $0x11220, s16;
	s14 =	simm.s32 $0x12680  }
0x375: {  	[hbm4b:s3+s18] =	stream.indirect.scatter [tilespmem:s24], [sflag:$0x5], $0x1, s14, s18, $0xb8;
	[tilespmem:$0x12A00] =	vst v63  }
0x376: {  	_ = 	snop  }
0x377: {  	[hbm4b:s12+s18] =	stream.indirect.scatter [tilespmem:s17], [sflag:$0x5], $0x1, s14, s18, $0xb8;
	[tilespmem:$0x12A00] =	vst v63  }
0x378: {  	v3 =	vld [tilespmem:$0x12700];
	_ =	sdelay $0x4  }
0x379: {  	v52 =	vshll.u32 v3, $0x3  }
0x37a: {  	v3 =	vand.u32 $0x7, v3;
	v4 =	vand.u32 $0xFFFFFFC0, v52  }
0x37b: {  	v3 =	vor.u32 v3, v4  }
0x37c: {  	v4 =	vperm.xlane v3, v0;
	_ =	sdelay $0x1  }
0x37d: {  	v4 =	vadd.s32 v1, v4;
	_ =	sdelay $0x4  }
0x37e: {  	[hbm4b:s1+s21] =	stream.indirect_vreg.scatter [tilespmem:s0], [sflag:$0x5], $0x80, v4, vm0, $0xb8;
	[tilespmem:$0x12A00] =	vst v63  }
0x37f: {  	v3 =	vperm.xlane v3, v2  }
0x380: {  	[hbm4b:s26+s21] =	stream.indirect_vreg.scatter [tilespmem:s4], [sflag:$0x5], $0x80, v4, vm0, $0xb8;
	[tilespmem:$0x12A00] =	vst v63  }
0x381: {  	v3 =	vadd.s32 v1, v3  }
0x382: {  	[hbm4b:s28+s21] =	stream.indirect_vreg.scatter [tilespmem:s5], [sflag:$0x5], $0x80, v4, vm0, $0xb8;
	[tilespmem:$0x12A00] =	vst v63  }
0x383: {  	_ = 	snop  }
0x384: {  	[hbm4b:s29+s21] =	stream.indirect_vreg.scatter [tilespmem:s6], [sflag:$0x5], $0x80, v4, vm0, $0xb8;
	[tilespmem:$0x12A00] =	vst v63  }
0x385: {  	_ = 	snop  }
0x386: {  	[hbm4b:s1+s21] =	stream.indirect_vreg.scatter [tilespmem:s7], [sflag:$0x5], $0x80, v3, vm0, $0xb8;
	[tilespmem:$0x12A00] =	vst v63  }
0x387: {  	_ = 	snop  }
0x388: {  	[hbm4b:s26+s21] =	stream.indirect_vreg.scatter [tilespmem:s8], [sflag:$0x5], $0x80, v3, vm0, $0xb8;
	[tilespmem:$0x12A00] =	vst v63  }
0x389: {  	_ = 	snop  }
0x38a: {  	[hbm4b:s28+s21] =	stream.indirect_vreg.scatter [tilespmem:s9], [sflag:$0x5], $0x80, v3, vm0, $0xb8;
	[tilespmem:$0x12A00] =	vst v63  }
0x38b: {  	_ = 	snop  }
0x38c: {  	[hbm4b:s29+s21] =	stream.indirect_vreg.scatter [tilespmem:s10], [sflag:$0x5], $0x80, v3, vm0, $0xb8;
	[tilespmem:$0x12A00] =	vst v63  }
0x38d: {  	v3 =	vld [tilespmem:$0x12710];
	_ =	sdelay $0x4  }
0x38e: {  	v53 =	vshll.u32 v3, $0x3  }
0x38f: {  	v3 =	vand.u32 $0x7, v3;
	v4 =	vand.u32 $0xFFFFFFC0, v53  }
0x390: {  	v3 =	vor.u32 v3, v4  }
0x391: {  	v4 =	vperm.xlane v3, v0;
	_ =	sdelay $0x1  }
0x392: {  	v4 =	vadd.s32 v1, v4;
	_ =	sdelay $0x4  }
0x393: {  	[hbm4b:s1+s21] =	stream.indirect_vreg.scatter [tilespmem:s13], [sflag:$0x5], $0x80, v4, vm0, $0xb8;
	[tilespmem:$0x12A00] =	vst v63  }
0x394: {  	v3 =	vperm.xlane v3, v2  }
0x395: {  	[hbm4b:s26+s21] =	stream.indirect_vreg.scatter [tilespmem:s15], [sflag:$0x5], $0x80, v4, vm0, $0xb8;
	[tilespmem:$0x12A00] =	vst v63  }
0x396: {  	v3 =	vadd.s32 v1, v3  }
0x397: {  	[hbm4b:s28+s21] =	stream.indirect_vreg.scatter [tilespmem:s19], [sflag:$0x5], $0x80, v4, vm0, $0xb8;
	[tilespmem:$0x12A00] =	vst v63  }
0x398: {  	_ = 	snop  }
0x399: {  	[hbm4b:s29+s21] =	stream.indirect_vreg.scatter [tilespmem:s20], [sflag:$0x5], $0x80, v4, vm0, $0xb8;
	[tilespmem:$0x12A00] =	vst v63  }
0x39a: {  	_ = 	snop  }
0x39b: {  	[hbm4b:s1+s21] =	stream.indirect_vreg.scatter [tilespmem:s22], [sflag:$0x5], $0x80, v3, vm0, $0xb8;
	[tilespmem:$0x12A00] =	vst v63  }
0x39c: {  	_ = 	snop  }
0x39d: {  	[hbm4b:s26+s21] =	stream.indirect_vreg.scatter [tilespmem:s25], [sflag:$0x5], $0x80, v3, vm0, $0xb8;
	[tilespmem:$0x12A00] =	vst v63  }
0x39e: {  	_ = 	snop  }
0x39f: {  	[hbm4b:s28+s21] =	stream.indirect_vreg.scatter [tilespmem:s30], [sflag:$0x5], $0x80, v3, vm0, $0xb8;
	[tilespmem:$0x12A00] =	vst v63  }
0x3a0: {  	_ = 	snop  }
0x3a1: {  	[hbm4b:s29+s21] =	stream.indirect_vreg.scatter [tilespmem:s31], [sflag:$0x5], $0x80, v3, vm0, $0xb8;
	[tilespmem:$0x12A00] =	vst v63  }
0x3a2: {  	s24 =	sadd.s32 $0x11420, s16;
	s14 =	simm.s32 $0x12700  }
0x3a3: {  	[hbm4b:s3+s18] =	stream.indirect.scatter [tilespmem:s24], [sflag:$0x5], $0x1, s14, s18, $0xb8;
	[tilespmem:$0x12A00] =	vst v63  }
0x3a4: {  	_ = 	snop  }
0x3a5: {  	[hbm4b:s12+s18] =	stream.indirect.scatter [tilespmem:s17], [sflag:$0x5], $0x1, s14, s18, $0xb8;
	[tilespmem:$0x12A00] =	vst v63  }
0x3a6: {  	v3 =	vld [tilespmem:$0x12780];
	_ =	sdelay $0x4  }
0x3a7: {  	v54 =	vshll.u32 v3, $0x3  }
0x3a8: {  	v3 =	vand.u32 $0x7, v3;
	v4 =	vand.u32 $0xFFFFFFC0, v54  }
0x3a9: {  	v3 =	vor.u32 v3, v4  }
0x3aa: {  	v4 =	vperm.xlane v3, v0;
	_ =	sdelay $0x1  }
0x3ab: {  	v4 =	vadd.s32 v1, v4;
	_ =	sdelay $0x4  }
0x3ac: {  	[hbm4b:s1+s21] =	stream.indirect_vreg.scatter [tilespmem:s0], [sflag:$0x5], $0x80, v4, vm0, $0xb8;
	[tilespmem:$0x12A00] =	vst v63  }
0x3ad: {  	v3 =	vperm.xlane v3, v2  }
0x3ae: {  	[hbm4b:s26+s21] =	stream.indirect_vreg.scatter [tilespmem:s4], [sflag:$0x5], $0x80, v4, vm0, $0xb8;
	[tilespmem:$0x12A00] =	vst v63  }
0x3af: {  	v3 =	vadd.s32 v1, v3  }
0x3b0: {  	[hbm4b:s28+s21] =	stream.indirect_vreg.scatter [tilespmem:s5], [sflag:$0x5], $0x80, v4, vm0, $0xb8;
	[tilespmem:$0x12A00] =	vst v63  }
0x3b1: {  	_ = 	snop  }
0x3b2: {  	[hbm4b:s29+s21] =	stream.indirect_vreg.scatter [tilespmem:s6], [sflag:$0x5], $0x80, v4, vm0, $0xb8;
	[tilespmem:$0x12A00] =	vst v63  }
0x3b3: {  	_ = 	snop  }
0x3b4: {  	[hbm4b:s1+s21] =	stream.indirect_vreg.scatter [tilespmem:s7], [sflag:$0x5], $0x80, v3, vm0, $0xb8;
	[tilespmem:$0x12A00] =	vst v63  }
0x3b5: {  	_ = 	snop  }
0x3b6: {  	[hbm4b:s26+s21] =	stream.indirect_vreg.scatter [tilespmem:s8], [sflag:$0x5], $0x80, v3, vm0, $0xb8;
	[tilespmem:$0x12A00] =	vst v63  }
0x3b7: {  	_ = 	snop  }
0x3b8: {  	[hbm4b:s28+s21] =	stream.indirect_vreg.scatter [tilespmem:s9], [sflag:$0x5], $0x80, v3, vm0, $0xb8;
	[tilespmem:$0x12A00] =	vst v63  }
0x3b9: {  	_ = 	snop  }
0x3ba: {  	[hbm4b:s29+s21] =	stream.indirect_vreg.scatter [tilespmem:s10], [sflag:$0x5], $0x80, v3, vm0, $0xb8;
	[tilespmem:$0x12A00] =	vst v63  }
0x3bb: {  	v3 =	vld [tilespmem:$0x12790];
	_ =	sdelay $0x4  }
0x3bc: {  	v55 =	vshll.u32 v3, $0x3  }
0x3bd: {  	v3 =	vand.u32 $0x7, v3;
	v4 =	vand.u32 $0xFFFFFFC0, v55  }
0x3be: {  	v3 =	vor.u32 v3, v4  }
0x3bf: {  	v4 =	vperm.xlane v3, v0;
	_ =	sdelay $0x1  }
0x3c0: {  	v4 =	vadd.s32 v1, v4;
	_ =	sdelay $0x4  }
0x3c1: {  	[hbm4b:s1+s21] =	stream.indirect_vreg.scatter [tilespmem:s13], [sflag:$0x5], $0x80, v4, vm0, $0xb8;
	[tilespmem:$0x12A00] =	vst v63  }
0x3c2: {  	v3 =	vperm.xlane v3, v2  }
0x3c3: {  	[hbm4b:s26+s21] =	stream.indirect_vreg.scatter [tilespmem:s15], [sflag:$0x5], $0x80, v4, vm0, $0xb8;
	[tilespmem:$0x12A00] =	vst v63  }
0x3c4: {  	v3 =	vadd.s32 v1, v3  }
0x3c5: {  	[hbm4b:s28+s21] =	stream.indirect_vreg.scatter [tilespmem:s19], [sflag:$0x5], $0x80, v4, vm0, $0xb8;
	[tilespmem:$0x12A00] =	vst v63  }
0x3c6: {  	_ = 	snop  }
0x3c7: {  	[hbm4b:s29+s21] =	stream.indirect_vreg.scatter [tilespmem:s20], [sflag:$0x5], $0x80, v4, vm0, $0xb8;
	[tilespmem:$0x12A00] =	vst v63  }
0x3c8: {  	_ = 	snop  }
0x3c9: {  	[hbm4b:s1+s21] =	stream.indirect_vreg.scatter [tilespmem:s22], [sflag:$0x5], $0x80, v3, vm0, $0xb8;
	[tilespmem:$0x12A00] =	vst v63  }
0x3ca: {  	_ = 	snop  }
0x3cb: {  	[hbm4b:s26+s21] =	stream.indirect_vreg.scatter [tilespmem:s25], [sflag:$0x5], $0x80, v3, vm0, $0xb8;
	[tilespmem:$0x12A00] =	vst v63  }
0x3cc: {  	_ = 	snop  }
0x3cd: {  	[hbm4b:s28+s21] =	stream.indirect_vreg.scatter [tilespmem:s30], [sflag:$0x5], $0x80, v3, vm0, $0xb8;
	[tilespmem:$0x12A00] =	vst v63  }
0x3ce: {  	_ = 	snop  }
0x3cf: {  	[hbm4b:s29+s21] =	stream.indirect_vreg.scatter [tilespmem:s31], [sflag:$0x5], $0x80, v3, vm0, $0xb8;
	[tilespmem:$0x12A00] =	vst v63  }
0x3d0: {  	s24 =	sadd.s32 $0x11620, s16;
	s14 =	simm.s32 $0x12780  }
0x3d1: {  	[hbm4b:s3+s18] =	stream.indirect.scatter [tilespmem:s24], [sflag:$0x5], $0x1, s14, s18, $0xb8;
	[tilespmem:$0x12A00] =	vst v63  }
0x3d2: {  	_ = 	snop  }
0x3d3: {  	[hbm4b:s12+s18] =	stream.indirect.scatter [tilespmem:s17], [sflag:$0x5], $0x1, s14, s18, $0xb8;
	[tilespmem:$0x12A00] =	vst v63  }
0x3d4: {  	v3 =	vld [tilespmem:$0x12800];
	_ =	sdelay $0x4  }
0x3d5: {  	v56 =	vshll.u32 v3, $0x3  }
0x3d6: {  	v3 =	vand.u32 $0x7, v3;
	v4 =	vand.u32 $0xFFFFFFC0, v56  }
0x3d7: {  	v3 =	vor.u32 v3, v4  }
0x3d8: {  	v4 =	vperm.xlane v3, v0;
	_ =	sdelay $0x1  }
0x3d9: {  	v4 =	vadd.s32 v1, v4;
	_ =	sdelay $0x4  }
0x3da: {  	[hbm4b:s1+s21] =	stream.indirect_vreg.scatter [tilespmem:s0], [sflag:$0x5], $0x80, v4, vm0, $0xb8;
	[tilespmem:$0x12A00] =	vst v63  }
0x3db: {  	v3 =	vperm.xlane v3, v2  }
0x3dc: {  	[hbm4b:s26+s21] =	stream.indirect_vreg.scatter [tilespmem:s4], [sflag:$0x5], $0x80, v4, vm0, $0xb8;
	[tilespmem:$0x12A00] =	vst v63  }
0x3dd: {  	v3 =	vadd.s32 v1, v3  }
0x3de: {  	[hbm4b:s28+s21] =	stream.indirect_vreg.scatter [tilespmem:s5], [sflag:$0x5], $0x80, v4, vm0, $0xb8;
	[tilespmem:$0x12A00] =	vst v63  }
0x3df: {  	_ = 	snop  }
0x3e0: {  	[hbm4b:s29+s21] =	stream.indirect_vreg.scatter [tilespmem:s6], [sflag:$0x5], $0x80, v4, vm0, $0xb8;
	[tilespmem:$0x12A00] =	vst v63  }
0x3e1: {  	_ = 	snop  }
0x3e2: {  	[hbm4b:s1+s21] =	stream.indirect_vreg.scatter [tilespmem:s7], [sflag:$0x5], $0x80, v3, vm0, $0xb8;
	[tilespmem:$0x12A00] =	vst v63  }
0x3e3: {  	_ = 	snop  }
0x3e4: {  	[hbm4b:s26+s21] =	stream.indirect_vreg.scatter [tilespmem:s8], [sflag:$0x5], $0x80, v3, vm0, $0xb8;
	[tilespmem:$0x12A00] =	vst v63  }
0x3e5: {  	_ = 	snop  }
0x3e6: {  	[hbm4b:s28+s21] =	stream.indirect_vreg.scatter [tilespmem:s9], [sflag:$0x5], $0x80, v3, vm0, $0xb8;
	[tilespmem:$0x12A00] =	vst v63  }
0x3e7: {  	_ = 	snop  }
0x3e8: {  	[hbm4b:s29+s21] =	stream.indirect_vreg.scatter [tilespmem:s10], [sflag:$0x5], $0x80, v3, vm0, $0xb8;
	[tilespmem:$0x12A00] =	vst v63  }
0x3e9: {  	v3 =	vld [tilespmem:$0x12810];
	_ =	sdelay $0x4  }
0x3ea: {  	v57 =	vshll.u32 v3, $0x3  }
0x3eb: {  	v3 =	vand.u32 $0x7, v3;
	v4 =	vand.u32 $0xFFFFFFC0, v57  }
0x3ec: {  	v3 =	vor.u32 v3, v4  }
0x3ed: {  	v4 =	vperm.xlane v3, v0;
	_ =	sdelay $0x1  }
0x3ee: {  	v4 =	vadd.s32 v1, v4;
	_ =	sdelay $0x4  }
0x3ef: {  	[hbm4b:s1+s21] =	stream.indirect_vreg.scatter [tilespmem:s13], [sflag:$0x5], $0x80, v4, vm0, $0xb8;
	[tilespmem:$0x12A00] =	vst v63  }
0x3f0: {  	v3 =	vperm.xlane v3, v2  }
0x3f1: {  	[hbm4b:s26+s21] =	stream.indirect_vreg.scatter [tilespmem:s15], [sflag:$0x5], $0x80, v4, vm0, $0xb8;
	[tilespmem:$0x12A00] =	vst v63  }
0x3f2: {  	v3 =	vadd.s32 v1, v3  }
0x3f3: {  	[hbm4b:s28+s21] =	stream.indirect_vreg.scatter [tilespmem:s19], [sflag:$0x5], $0x80, v4, vm0, $0xb8;
	[tilespmem:$0x12A00] =	vst v63  }
0x3f4: {  	_ = 	snop  }
0x3f5: {  	[hbm4b:s29+s21] =	stream.indirect_vreg.scatter [tilespmem:s20], [sflag:$0x5], $0x80, v4, vm0, $0xb8;
	[tilespmem:$0x12A00] =	vst v63  }
0x3f6: {  	_ = 	snop  }
0x3f7: {  	[hbm4b:s1+s21] =	stream.indirect_vreg.scatter [tilespmem:s22], [sflag:$0x5], $0x80, v3, vm0, $0xb8;
	[tilespmem:$0x12A00] =	vst v63  }
0x3f8: {  	_ = 	snop  }
0x3f9: {  	[hbm4b:s26+s21] =	stream.indirect_vreg.scatter [tilespmem:s25], [sflag:$0x5], $0x80, v3, vm0, $0xb8;
	[tilespmem:$0x12A00] =	vst v63  }
0x3fa: {  	_ = 	snop  }
0x3fb: {  	[hbm4b:s28+s21] =	stream.indirect_vreg.scatter [tilespmem:s30], [sflag:$0x5], $0x80, v3, vm0, $0xb8;
	[tilespmem:$0x12A00] =	vst v63  }
0x3fc: {  	_ = 	snop  }
0x3fd: {  	[hbm4b:s29+s21] =	stream.indirect_vreg.scatter [tilespmem:s31], [sflag:$0x5], $0x80, v3, vm0, $0xb8;
	[tilespmem:$0x12A00] =	vst v63  }
0x3fe: {  	s24 =	sadd.s32 $0x11820, s16;
	s14 =	simm.s32 $0x12800  }
0x3ff: {  	[hbm4b:s3+s18] =	stream.indirect.scatter [tilespmem:s24], [sflag:$0x5], $0x1, s14, s18, $0xb8;
	[tilespmem:$0x12A00] =	vst v63  }
0x400: {  	_ = 	snop  }
0x401: {  	[hbm4b:s12+s18] =	stream.indirect.scatter [tilespmem:s17], [sflag:$0x5], $0x1, s14, s18, $0xb8;
	[tilespmem:$0x12A00] =	vst v63  }
0x402: {  	v3 =	vld [tilespmem:$0x12880];
	_ =	sdelay $0x4  }
0x403: {  	v58 =	vshll.u32 v3, $0x3  }
0x404: {  	v3 =	vand.u32 $0x7, v3;
	v4 =	vand.u32 $0xFFFFFFC0, v58  }
0x405: {  	v3 =	vor.u32 v3, v4  }
0x406: {  	v4 =	vperm.xlane v3, v0;
	_ =	sdelay $0x1  }
0x407: {  	v4 =	vadd.s32 v1, v4;
	_ =	sdelay $0x4  }
0x408: {  	[hbm4b:s1+s21] =	stream.indirect_vreg.scatter [tilespmem:s0], [sflag:$0x5], $0x80, v4, vm0, $0xb8;
	[tilespmem:$0x12A00] =	vst v63  }
0x409: {  	v3 =	vperm.xlane v3, v2  }
0x40a: {  	[hbm4b:s26+s21] =	stream.indirect_vreg.scatter [tilespmem:s4], [sflag:$0x5], $0x80, v4, vm0, $0xb8;
	[tilespmem:$0x12A00] =	vst v63  }
0x40b: {  	v3 =	vadd.s32 v1, v3  }
0x40c: {  	[hbm4b:s28+s21] =	stream.indirect_vreg.scatter [tilespmem:s5], [sflag:$0x5], $0x80, v4, vm0, $0xb8;
	[tilespmem:$0x12A00] =	vst v63  }
0x40d: {  	_ = 	snop  }
0x40e: {  	[hbm4b:s29+s21] =	stream.indirect_vreg.scatter [tilespmem:s6], [sflag:$0x5], $0x80, v4, vm0, $0xb8;
	[tilespmem:$0x12A00] =	vst v63  }
0x40f: {  	_ = 	snop  }
0x410: {  	[hbm4b:s1+s21] =	stream.indirect_vreg.scatter [tilespmem:s7], [sflag:$0x5], $0x80, v3, vm0, $0xb8;
	[tilespmem:$0x12A00] =	vst v63  }
0x411: {  	_ = 	snop  }
0x412: {  	[hbm4b:s26+s21] =	stream.indirect_vreg.scatter [tilespmem:s8], [sflag:$0x5], $0x80, v3, vm0, $0xb8;
	[tilespmem:$0x12A00] =	vst v63  }
0x413: {  	_ = 	snop  }
0x414: {  	[hbm4b:s28+s21] =	stream.indirect_vreg.scatter [tilespmem:s9], [sflag:$0x5], $0x80, v3, vm0, $0xb8;
	[tilespmem:$0x12A00] =	vst v63  }
0x415: {  	_ = 	snop  }
0x416: {  	[hbm4b:s29+s21] =	stream.indirect_vreg.scatter [tilespmem:s10], [sflag:$0x5], $0x80, v3, vm0, $0xb8;
	[tilespmem:$0x12A00] =	vst v63  }
0x417: {  	v3 =	vld [tilespmem:$0x12890];
	_ =	sdelay $0x4  }
0x418: {  	v59 =	vshll.u32 v3, $0x3  }
0x419: {  	v3 =	vand.u32 $0x7, v3;
	v4 =	vand.u32 $0xFFFFFFC0, v59  }
0x41a: {  	v3 =	vor.u32 v3, v4  }
0x41b: {  	v4 =	vperm.xlane v3, v0;
	_ =	sdelay $0x1  }
0x41c: {  	v4 =	vadd.s32 v1, v4;
	_ =	sdelay $0x4  }
0x41d: {  	[hbm4b:s1+s21] =	stream.indirect_vreg.scatter [tilespmem:s13], [sflag:$0x5], $0x80, v4, vm0, $0xb8;
	[tilespmem:$0x12A00] =	vst v63  }
0x41e: {  	v3 =	vperm.xlane v3, v2  }
0x41f: {  	[hbm4b:s26+s21] =	stream.indirect_vreg.scatter [tilespmem:s15], [sflag:$0x5], $0x80, v4, vm0, $0xb8;
	[tilespmem:$0x12A00] =	vst v63  }
0x420: {  	v3 =	vadd.s32 v1, v3  }
0x421: {  	[hbm4b:s28+s21] =	stream.indirect_vreg.scatter [tilespmem:s19], [sflag:$0x5], $0x80, v4, vm0, $0xb8;
	[tilespmem:$0x12A00] =	vst v63  }
0x422: {  	_ = 	snop  }
0x423: {  	[hbm4b:s29+s21] =	stream.indirect_vreg.scatter [tilespmem:s20], [sflag:$0x5], $0x80, v4, vm0, $0xb8;
	[tilespmem:$0x12A00] =	vst v63  }
0x424: {  	_ = 	snop  }
0x425: {  	[hbm4b:s1+s21] =	stream.indirect_vreg.scatter [tilespmem:s22], [sflag:$0x5], $0x80, v3, vm0, $0xb8;
	[tilespmem:$0x12A00] =	vst v63  }
0x426: {  	_ = 	snop  }
0x427: {  	[hbm4b:s26+s21] =	stream.indirect_vreg.scatter [tilespmem:s25], [sflag:$0x5], $0x80, v3, vm0, $0xb8;
	[tilespmem:$0x12A00] =	vst v63  }
0x428: {  	_ = 	snop  }
0x429: {  	[hbm4b:s28+s21] =	stream.indirect_vreg.scatter [tilespmem:s30], [sflag:$0x5], $0x80, v3, vm0, $0xb8;
	[tilespmem:$0x12A00] =	vst v63  }
0x42a: {  	_ = 	snop  }
0x42b: {  	[hbm4b:s29+s21] =	stream.indirect_vreg.scatter [tilespmem:s31], [sflag:$0x5], $0x80, v3, vm0, $0xb8;
	[tilespmem:$0x12A00] =	vst v63  }
0x42c: {  	s24 =	sadd.s32 $0x11A20, s16;
	s14 =	simm.s32 $0x12880  }
0x42d: {  	[hbm4b:s3+s18] =	stream.indirect.scatter [tilespmem:s24], [sflag:$0x5], $0x1, s14, s18, $0xb8;
	[tilespmem:$0x12A00] =	vst v63  }
0x42e: {  	_ = 	snop  }
0x42f: {  	[hbm4b:s12+s18] =	stream.indirect.scatter [tilespmem:s17], [sflag:$0x5], $0x1, s14, s18, $0xb8;
	[tilespmem:$0x12A00] =	vst v63  }
0x430: {  	v3 =	vld [tilespmem:$0x12900];
	_ =	sdelay $0x4  }
0x431: {  	v60 =	vshll.u32 v3, $0x3  }
0x432: {  	v3 =	vand.u32 $0x7, v3;
	v4 =	vand.u32 $0xFFFFFFC0, v60  }
0x433: {  	v3 =	vor.u32 v3, v4  }
0x434: {  	v4 =	vperm.xlane v3, v0;
	_ =	sdelay $0x1  }
0x435: {  	v4 =	vadd.s32 v1, v4;
	_ =	sdelay $0x4  }
0x436: {  	[hbm4b:s1+s21] =	stream.indirect_vreg.scatter [tilespmem:s0], [sflag:$0x5], $0x80, v4, vm0, $0xb8;
	[tilespmem:$0x12A00] =	vst v63  }
0x437: {  	v3 =	vperm.xlane v3, v2  }
0x438: {  	[hbm4b:s26+s21] =	stream.indirect_vreg.scatter [tilespmem:s4], [sflag:$0x5], $0x80, v4, vm0, $0xb8;
	[tilespmem:$0x12A00] =	vst v63  }
0x439: {  	v3 =	vadd.s32 v1, v3  }
0x43a: {  	[hbm4b:s28+s21] =	stream.indirect_vreg.scatter [tilespmem:s5], [sflag:$0x5], $0x80, v4, vm0, $0xb8;
	[tilespmem:$0x12A00] =	vst v63  }
0x43b: {  	_ = 	snop  }
0x43c: {  	[hbm4b:s29+s21] =	stream.indirect_vreg.scatter [tilespmem:s6], [sflag:$0x5], $0x80, v4, vm0, $0xb8;
	[tilespmem:$0x12A00] =	vst v63  }
0x43d: {  	_ = 	snop  }
0x43e: {  	[hbm4b:s1+s21] =	stream.indirect_vreg.scatter [tilespmem:s7], [sflag:$0x5], $0x80, v3, vm0, $0xb8;
	[tilespmem:$0x12A00] =	vst v63  }
0x43f: {  	_ = 	snop  }
0x440: {  	[hbm4b:s26+s21] =	stream.indirect_vreg.scatter [tilespmem:s8], [sflag:$0x5], $0x80, v3, vm0, $0xb8;
	[tilespmem:$0x12A00] =	vst v63  }
0x441: {  	_ = 	snop  }
0x442: {  	[hbm4b:s28+s21] =	stream.indirect_vreg.scatter [tilespmem:s9], [sflag:$0x5], $0x80, v3, vm0, $0xb8;
	[tilespmem:$0x12A00] =	vst v63  }
0x443: {  	_ = 	snop  }
0x444: {  	[hbm4b:s29+s21] =	stream.indirect_vreg.scatter [tilespmem:s10], [sflag:$0x5], $0x80, v3, vm0, $0xb8;
	[tilespmem:$0x12A00] =	vst v63  }
0x445: {  	v3 =	vld [tilespmem:$0x12910];
	_ =	sdelay $0x4  }
0x446: {  	v61 =	vshll.u32 v3, $0x3  }
0x447: {  	v3 =	vand.u32 $0x7, v3;
	v4 =	vand.u32 $0xFFFFFFC0, v61  }
0x448: {  	v3 =	vor.u32 v3, v4  }
0x449: {  	v4 =	vperm.xlane v3, v0;
	_ =	sdelay $0x1  }
0x44a: {  	v4 =	vadd.s32 v1, v4;
	_ =	sdelay $0x4  }
0x44b: {  	[hbm4b:s1+s21] =	stream.indirect_vreg.scatter [tilespmem:s13], [sflag:$0x5], $0x80, v4, vm0, $0xb8;
	[tilespmem:$0x12A00] =	vst v63  }
0x44c: {  	v3 =	vperm.xlane v3, v2  }
0x44d: {  	[hbm4b:s26+s21] =	stream.indirect_vreg.scatter [tilespmem:s15], [sflag:$0x5], $0x80, v4, vm0, $0xb8;
	[tilespmem:$0x12A00] =	vst v63  }
0x44e: {  	v3 =	vadd.s32 v1, v3  }
0x44f: {  	[hbm4b:s28+s21] =	stream.indirect_vreg.scatter [tilespmem:s19], [sflag:$0x5], $0x80, v4, vm0, $0xb8;
	[tilespmem:$0x12A00] =	vst v63  }
0x450: {  	_ = 	snop  }
0x451: {  	[hbm4b:s29+s21] =	stream.indirect_vreg.scatter [tilespmem:s20], [sflag:$0x5], $0x80, v4, vm0, $0xb8;
	[tilespmem:$0x12A00] =	vst v63  }
0x452: {  	_ = 	snop  }
0x453: {  	[hbm4b:s1+s21] =	stream.indirect_vreg.scatter [tilespmem:s22], [sflag:$0x5], $0x80, v3, vm0, $0xb8;
	[tilespmem:$0x12A00] =	vst v63  }
0x454: {  	_ = 	snop  }
0x455: {  	[hbm4b:s26+s21] =	stream.indirect_vreg.scatter [tilespmem:s25], [sflag:$0x5], $0x80, v3, vm0, $0xb8;
	[tilespmem:$0x12A00] =	vst v63  }
0x456: {  	_ = 	snop  }
0x457: {  	[hbm4b:s28+s21] =	stream.indirect_vreg.scatter [tilespmem:s30], [sflag:$0x5], $0x80, v3, vm0, $0xb8;
	[tilespmem:$0x12A00] =	vst v63  }
0x458: {  	_ = 	snop  }
0x459: {  	[hbm4b:s29+s21] =	stream.indirect_vreg.scatter [tilespmem:s31], [sflag:$0x5], $0x80, v3, vm0, $0xb8;
	[tilespmem:$0x12A00] =	vst v63  }
0x45a: {  	s24 =	sadd.s32 $0x11C20, s16;
	s14 =	simm.s32 $0x12900  }
0x45b: {  	[hbm4b:s3+s18] =	stream.indirect.scatter [tilespmem:s24], [sflag:$0x5], $0x1, s14, s18, $0xb8;
	[tilespmem:$0x12A00] =	vst v63  }
0x45c: {  	_ = 	snop  }
0x45d: {  	[hbm4b:s12+s18] =	stream.indirect.scatter [tilespmem:s17], [sflag:$0x5], $0x1, s14, s18, $0xb8;
	[tilespmem:$0x12A00] =	vst v63  }
0x45e: {  	v3 =	vld [tilespmem:$0x12980];
	_ =	sdelay $0x4  }
0x45f: {  	v62 =	vshll.u32 v3, $0x3  }
0x460: {  	v3 =	vand.u32 $0x7, v3;
	v4 =	vand.u32 $0xFFFFFFC0, v62  }
0x461: {  	v3 =	vor.u32 v3, v4  }
0x462: {  	v4 =	vperm.xlane v3, v0;
	_ =	sdelay $0x1  }
0x463: {  	v4 =	vadd.s32 v1, v4;
	_ =	sdelay $0x4  }
0x464: {  	[hbm4b:s1+s21] =	stream.indirect_vreg.scatter [tilespmem:s0], [sflag:$0x5], $0x80, v4, vm0, $0xb8;
	[tilespmem:$0x12A00] =	vst v63  }
0x465: {  	v3 =	vperm.xlane v3, v2  }
0x466: {  	[hbm4b:s26+s21] =	stream.indirect_vreg.scatter [tilespmem:s4], [sflag:$0x5], $0x80, v4, vm0, $0xb8;
	[tilespmem:$0x12A00] =	vst v63  }
0x467: {  	v3 =	vadd.s32 v1, v3  }
0x468: {  	[hbm4b:s28+s21] =	stream.indirect_vreg.scatter [tilespmem:s5], [sflag:$0x5], $0x80, v4, vm0, $0xb8;
	[tilespmem:$0x12A00] =	vst v63  }
0x469: {  	_ = 	snop  }
0x46a: {  	[hbm4b:s29+s21] =	stream.indirect_vreg.scatter [tilespmem:s6], [sflag:$0x5], $0x80, v4, vm0, $0xb8;
	[tilespmem:$0x12A00] =	vst v63  }
0x46b: {  	_ = 	snop  }
0x46c: {  	[hbm4b:s1+s21] =	stream.indirect_vreg.scatter [tilespmem:s7], [sflag:$0x5], $0x80, v3, vm0, $0xb8;
	[tilespmem:$0x12A00] =	vst v63  }
0x46d: {  	_ = 	snop  }
0x46e: {  	[hbm4b:s26+s21] =	stream.indirect_vreg.scatter [tilespmem:s8], [sflag:$0x5], $0x80, v3, vm0, $0xb8;
	[tilespmem:$0x12A00] =	vst v63  }
0x46f: {  	_ = 	snop  }
0x470: {  	[hbm4b:s28+s21] =	stream.indirect_vreg.scatter [tilespmem:s9], [sflag:$0x5], $0x80, v3, vm0, $0xb8;
	[tilespmem:$0x12A00] =	vst v63  }
0x471: {  	_ = 	snop  }
0x472: {  	[hbm4b:s29+s21] =	stream.indirect_vreg.scatter [tilespmem:s10], [sflag:$0x5], $0x80, v3, vm0, $0xb8;
	[tilespmem:$0x12A00] =	vst v63  }
0x473: {  	v3 =	vld [tilespmem:$0x12990];
	_ =	sdelay $0x4  }
0x474: {  	v63 =	vshll.u32 v3, $0x3  }
0x475: {  	v3 =	vand.u32 $0x7, v3;
	v4 =	vand.u32 $0xFFFFFFC0, v63  }
0x476: {  	v3 =	vor.u32 v3, v4  }
0x477: {  	v4 =	vperm.xlane v3, v0;
	_ =	sdelay $0x1  }
0x478: {  	v4 =	vadd.s32 v1, v4;
	_ =	sdelay $0x4  }
0x479: {  	[hbm4b:s1+s21] =	stream.indirect_vreg.scatter [tilespmem:s13], [sflag:$0x5], $0x80, v4, vm0, $0xb8;
	[tilespmem:$0x12A00] =	vst v63  }
0x47a: {  	v3 =	vperm.xlane v3, v2  }
0x47b: {  	[hbm4b:s26+s21] =	stream.indirect_vreg.scatter [tilespmem:s15], [sflag:$0x5], $0x80, v4, vm0, $0xb8;
	[tilespmem:$0x12A00] =	vst v63  }
0x47c: {  	v3 =	vadd.s32 v1, v3  }
0x47d: {  	[hbm4b:s28+s21] =	stream.indirect_vreg.scatter [tilespmem:s19], [sflag:$0x5], $0x80, v4, vm0, $0xb8;
	[tilespmem:$0x12A00] =	vst v63  }
0x47e: {  	_ = 	snop  }
0x47f: {  	[hbm4b:s29+s21] =	stream.indirect_vreg.scatter [tilespmem:s20], [sflag:$0x5], $0x80, v4, vm0, $0xb8;
	[tilespmem:$0x12A00] =	vst v63  }
0x480: {  	_ = 	snop  }
0x481: {  	[hbm4b:s1+s21] =	stream.indirect_vreg.scatter [tilespmem:s22], [sflag:$0x5], $0x80, v3, vm0, $0xb8;
	[tilespmem:$0x12A00] =	vst v63  }
0x482: {  	_ = 	snop  }
0x483: {  	[hbm4b:s26+s21] =	stream.indirect_vreg.scatter [tilespmem:s25], [sflag:$0x5], $0x80, v3, vm0, $0xb8;
	[tilespmem:$0x12A00] =	vst v63  }
0x484: {  	_ = 	snop  }
0x485: {  	[hbm4b:s28+s21] =	stream.indirect_vreg.scatter [tilespmem:s30], [sflag:$0x5], $0x80, v3, vm0, $0xb8;
	[tilespmem:$0x12A00] =	vst v63  }
0x486: {  	_ = 	snop  }
0x487: {  	[hbm4b:s29+s21] =	stream.indirect_vreg.scatter [tilespmem:s31], [sflag:$0x5], $0x80, v3, vm0, $0xb8;
	[tilespmem:$0x12A00] =	vst v63  }
0x488: {  	s30 =	sadd.s32 $0x11E20, s16;
	s31 =	simm.s32 $0x12980  }
0x489: {  	[hbm4b:s3+s18] =	stream.indirect.scatter [tilespmem:s30], [sflag:$0x5], $0x1, s31, s18, $0xb8;
	[tilespmem:$0x12A00] =	vst v63  }
0x48a: {  	s3 =	rddreg [dreg:$0x1c]  }
0x48b: {  	p0 =	seq.s32 s3, $0x700  }
.Ltmp3:
0x48c: {  	_ = 	snop;
	(pc) =	sbr.rel @p0 .LBB2_6-.Ltmp3, $2  }
0x48d: {  	_ =	sdelay $0x2  }
0x48e: {  	[hbm4b:s12+s18] =	stream.indirect.scatter [tilespmem:s17], [sflag:$0x5], $0x1, s31, s18, $0xb8;
	[tilespmem:$0x12A00] =	vst v63  }
.Ltmp4:
0x48f: {  	(pc) =	sbr.rel .LBB2_2-.Ltmp4, $4  }
0x490: {  	_ = 	snop  }
0x491: {  	[tilespmem:s21], [sflag:$0x2] =	stream.linear.gather [hbm4b:s2+s21], $0x8000, $0x38;
	[tilespmem:$0x12A00] =	vst v63  }
0x492: {  	s0 =	rddreg [dreg:$0x1b]  }
0x493: {  	s3 =	sadd.s32 $0x100, s3;
	s2 =	sadd.s32 $0x2000, s2;
	s0 =	sadd.s32 $0x40, s0  }
.LBB2_7:
0x494: {  	_ =	sfence.sel $0x180000  }
0x495: {  	[bflag:$0x0] =	sbarrier.arrive $0xFFFF  }
0x496: {  	_ =	strace $0x90000047  }
0x497: {  	s0 =	stileid.u32;
	[bflag:$0x2] =	sbarrier.arrive $0xFFFF  }
0x498: {  	p0 =	sne.s32 s0, $0x0;
	s0 =	rddreg [dreg:$0x5]  }
0x499: {  	s0 =	sadd.s32 @!p0 $0x100000, s0  }
0x49a: {  	[sflag:s0] =	ssyncadd.tile.s32 @!p0 $0x1;
	_ =	shalt  }
.Lfunc_end2:
_tile_overlayer_lowered:
.L_overlay_start_2:
0x49b: {  	(tag) =	ssettag $0x2  }
0x49c: {  	s0 =	rddreg [dreg:$0x0];
	s2 =	stileid.u32  }
0x49d: {  	s1 =	rddreg [dreg:$0x1];
	p0 =	sne.s32 s2, $0x0  }
0x49e: {  	s3 =	rddreg [dreg:$0x2];
	[bflag:$0x3] =	sbarrier.arrive $0xFFFF;
	s2 =	simm.s32 @!p0 $0x1C06  }
0x49f: {  	[timem:s3], [sflag:s2] =	dma.local @!p0 [hbm:s0], s1  }
0x4a0: {  	s0 =	simm.s32 @!p0 $0x6  }
0x4a1: {  	_ =	swait.ge @!p0 [sflag:s0], s1  }
0x4a2: {  	s1 =	ssub.s32 @!p0 $0x0, s1;
	[sflag:s0] =	ssyncset.done @!p0 $0x0  }
0x4a3: {  	[sflag:s0] =	ssyncadd.s32 @!p0 s1  }
0x4a4: {  	[bflag:$0x3] =	sbarrier.arrive $0xFFFF  }
0x4a5: {  	_ =	shalt  }

</sc_bundles>
